<compile_context>
chip_gen: v7x
topology: tpu7x:2x2x1
jax: 0.10.2.dev20260603
libtpu: 0.0.44.dev20260713+nightly
codegen_flags: <defaults>
</compile_context>

<pallas_src>
import functools

import jax
import jax.numpy as jnp
from jax import lax
from jax.experimental import pallas as pl
from jax.experimental.pallas import tpu as pltpu
from jax.experimental.pallas import tpu_sc as plsc

N = 10000
E = 40000
D = 256
H = 128
NS = 16
NC = 2
EPT = 2560
EPAD = NS * EPT
CH = 64
NCHUNK = EPT // CH
ACC_ROWS = 10112
STRIPE = ACC_ROWS // NS
TRASH = 10100
EPT_CNT = EPAD // (NC * NS)
CNT_CH = 128

_MESH = plsc.VectorSubcoreMesh(core_axis_name="c", subcore_axis_name="s")


@functools.partial(
    pl.kernel,
    out_type=tuple([jax.ShapeDtypeStruct((NC, ACC_ROWS, H), jnp.float32)] * 4),
    mesh=_MESH,
    scratch_types=[
        pltpu.VMEM_SHARED((ACC_ROWS, H), jnp.float32),
        pltpu.VMEM((NCHUNK, CH), jnp.int32),
        pltpu.VMEM((NCHUNK, CH), jnp.int32),
        pltpu.VMEM((CH, H), jnp.float32),
        pltpu.VMEM((CH, H), jnp.float32),
        pltpu.SemaphoreType.DMA,
        pltpu.SemaphoreType.DMA,
        pltpu.SemaphoreType.DMA,
    ])
def _sc_agg(tab_c, tab_d,
            src_cause, dst_cause, src_relate, dst_relate,
            src_child, dst_child, src_rev, dst_rev,
            zrow_hbm,
            out_cause, out_relate, out_child, out_rev,
            acc_sh, sidx_st, didx_st, rows_a, rows_b, sem, sem_a, sem_b):
    tile = lax.axis_index("s")
    cid = lax.axis_index("c")

    rels = (
        (src_cause, dst_cause, tab_c, out_cause),
        (src_relate, dst_relate, tab_c, out_relate),
        (src_child, dst_child, tab_d, out_child),
        (src_rev, dst_rev, tab_d, out_rev),
    )
    for (src3, dst3, tab, agg_out) in rels:
        d1 = pltpu.async_copy(
            zrow_hbm, acc_sh.at[pl.ds(tile * STRIPE, STRIPE)], sem)
        d2 = pltpu.async_copy(src3.at[cid, tile], sidx_st, sem)
        d3 = pltpu.async_copy(dst3.at[tile], didx_st, sem)
        d1.wait()
        d2.wait()
        d3.wait()
        plsc.subcore_barrier()

        pltpu.async_copy(tab.at[sidx_st.at[0]], rows_a, sem_a)

        def pair(t, carry):
            j0 = 2 * t
            pltpu.make_async_copy(tab.at[sidx_st.at[j0]], rows_a,
                                  sem_a).wait()
            pltpu.async_copy(tab.at[sidx_st.at[j0 + 1]], rows_b, sem_b)
            pltpu.sync_copy(rows_a, acc_sh.at[didx_st.at[j0]], add=True)
            pltpu.make_async_copy(tab.at[sidx_st.at[j0 + 1]], rows_b,
                                  sem_b).wait()
            pltpu.async_copy(tab.at[sidx_st.at[j0 + 2]], rows_a, sem_a)
            pltpu.sync_copy(rows_b, acc_sh.at[didx_st.at[j0 + 1]], add=True)
            return carry

        lax.fori_loop(0, NCHUNK // 2 - 1, pair, 0)
        pltpu.make_async_copy(tab.at[sidx_st.at[NCHUNK - 2]], rows_a,
                              sem_a).wait()
        pltpu.async_copy(tab.at[sidx_st.at[NCHUNK - 1]], rows_b, sem_b)
        pltpu.sync_copy(rows_a, acc_sh.at[didx_st.at[NCHUNK - 2]], add=True)
        pltpu.make_async_copy(tab.at[sidx_st.at[NCHUNK - 1]], rows_b,
                              sem_b).wait()
        pltpu.sync_copy(rows_b, acc_sh.at[didx_st.at[NCHUNK - 1]], add=True)
        plsc.subcore_barrier()
        pltpu.sync_copy(acc_sh.at[pl.ds(tile * STRIPE, STRIPE)],
                        agg_out.at[cid, pl.ds(tile * STRIPE, STRIPE)])


@functools.partial(
    pl.kernel,
    out_type=tuple([jax.ShapeDtypeStruct((NC, ACC_ROWS, H), jnp.float32)] * 4),
    mesh=_MESH,
    scratch_types=[
        pltpu.VMEM_SHARED((ACC_ROWS, H), jnp.float32),
        pltpu.VMEM((EPT_CNT // CNT_CH, CNT_CH), jnp.int32),
        pltpu.VMEM((CNT_CH, H), jnp.float32),
    ])
def _sc_counts(dst_cause, dst_relate, dst_child, dst_rev,
               zrow_hbm, ones_hbm,
               out_cause, out_relate, out_child, out_rev,
               cnt_sh, didx_st, ones_v):
    tile = lax.axis_index("s")
    cid = lax.axis_index("c")

    pltpu.sync_copy(ones_hbm, ones_v)
    for (dst4, cnt_out) in ((dst_cause, out_cause), (dst_relate, out_relate),
                            (dst_child, out_child), (dst_rev, out_rev)):
        pltpu.sync_copy(zrow_hbm, cnt_sh.at[pl.ds(tile * STRIPE, STRIPE)])
        pltpu.sync_copy(dst4.at[cid, tile], didx_st)
        plsc.subcore_barrier()

        def chunk(j, carry):
            pltpu.sync_copy(ones_v, cnt_sh.at[didx_st.at[j]], add=True)
            return carry

        lax.fori_loop(0, EPT_CNT // CNT_CH, chunk, 0)
        plsc.subcore_barrier()
        pltpu.sync_copy(cnt_sh.at[pl.ds(tile * STRIPE, STRIPE)],
                        cnt_out.at[cid, pl.ds(tile * STRIPE, STRIPE)])


def _dot_t(x, w):
    return lax.dot_general(x, w, (((1,), (1,)), ((), ())),
                           preferred_element_type=jnp.float32)


def _tc_layer_body(relu, halves,
                   aggc, cntc_a, cntc_b, wlc, blc,
                   aggr, cntr_a, cntr_b, wlr, blr,
                   aggch, cntch_a, cntch_b, wlch, blch,
                   wrc, wrr, wrch, xd2,
                   aggv, cntv_a, cntv_b, wlv, blv, wrv, xc2,
                   outc_ref, outd_ref):
    def sage(agg_ref, cnt_a, cnt_b, wl_ref):
        cnt = cnt_a[:, 0:1] + cnt_b[:, 0:1]
        inv = 1.0 / jnp.maximum(cnt, 1.0)
        lo = agg_ref[0] * inv
        hi = agg_ref[1] * inv
        return _dot_t(lo, wl_ref[:, 0:H]) + _dot_t(hi, wl_ref[:, H:D])

    def dense(x_ref, w):
        return _dot_t(x_ref[0], w[:, 0:H]) + _dot_t(x_ref[1], w[:, H:D])

    outd = (sage(aggc, cntc_a, cntc_b, wlc)
            + sage(aggr, cntr_a, cntr_b, wlr)
            + sage(aggch, cntch_a, cntch_b, wlch)
            + dense(xd2, wrc[...] + wrr[...] + wrch[...])
            + (blc[...] + blr[...] + blch[...]))
    outc = sage(aggv, cntv_a, cntv_b, wlv) + dense(xc2, wrv[...]) + blv[...]
    if relu:
        outd = jnp.maximum(outd, 0.0)
        outc = jnp.maximum(outc, 0.0)
    if halves:
        outc_ref[0] = outc[:, 0:H]
        outc_ref[1] = outc[:, H:D]
        outd_ref[0] = outd[:, 0:H]
        outd_ref[1] = outd[:, H:D]
    else:
        outc_ref[...] = outc
        outd_ref[...] = outd


def _tc_layer_call(relu, halves, args):
    MB = 400
    grid = (N // MB,)
    agg_spec = pl.BlockSpec((NC, MB, H), lambda i: (0, i, 0))
    cnt_spec = pl.BlockSpec((MB, 16), lambda i: (i, 0))
    w_spec = pl.BlockSpec((D, D), lambda i: (0, 0))
    b_spec = pl.BlockSpec((1, D), lambda i: (0, 0))
    x_spec = pl.BlockSpec((NC, MB, H), lambda i: (0, i, 0))
    rel_spec = [agg_spec, cnt_spec, cnt_spec, w_spec, b_spec]
    in_specs = (rel_spec * 3
                + [w_spec, w_spec, w_spec, x_spec]
                + rel_spec + [w_spec, x_spec])
    if halves:
        out_shape = [jax.ShapeDtypeStruct((NC, N, H), jnp.float32)] * 2
        out_specs = [pl.BlockSpec((NC, MB, H), lambda i: (0, i, 0))] * 2
    else:
        out_shape = [jax.ShapeDtypeStruct((N, D), jnp.float32)] * 2
        out_specs = [pl.BlockSpec((MB, D), lambda i: (i, 0))] * 2
    fn = pl.pallas_call(
        functools.partial(_tc_layer_body, relu, halves),
        grid=grid, in_specs=in_specs, out_specs=out_specs,
        out_shape=out_shape)
    return fn(*args)


def kernel(x_chemical, x_disease,
           edge_index_cause, edge_index_relate, edge_index_rev,
           edge_index_child,
           Wl_0_cause, bl_0_cause, Wr_0_cause,
           Wl_0_relate, bl_0_relate, Wr_0_relate,
           Wl_0_rev, bl_0_rev, Wr_0_rev,
           Wl_0_child, bl_0_child, Wr_0_child,
           Wl_1_cause, bl_1_cause, Wr_1_cause,
           Wl_1_relate, bl_1_relate, Wr_1_relate,
           Wl_1_rev, bl_1_rev, Wr_1_rev,
           Wl_1_child, bl_1_child, Wr_1_child):
    def stack_halves(x):
        return x.reshape(N, NC, H).transpose(1, 0, 2)

    xc2 = stack_halves(x_chemical)
    xd2 = stack_halves(x_disease)

    def prep_edges(ei):
        src = ei[0].astype(jnp.int32)
        dst = ei[1].astype(jnp.int32)
        pad = EPAD - E
        src = jnp.concatenate([src, jnp.zeros((pad,), jnp.int32)])
        dst = jnp.concatenate([dst, jnp.full((pad,), TRASH, jnp.int32)])
        src3 = src.reshape(NS, NCHUNK, CH)
        src3 = jnp.stack([src3, src3 + N])
        dst3 = dst.reshape(NS, NCHUNK, CH)
        dst4 = dst.reshape(NC, NS, EPT_CNT // CNT_CH, CNT_CH)
        return src3, dst3, dst4

    sc_c, dc3, dc = prep_edges(edge_index_cause)
    sc_r, dr3, dr = prep_edges(edge_index_relate)
    sc_ch, dch3, dch = prep_edges(edge_index_child)
    sc_v, dv3, dv = prep_edges(edge_index_rev)

    zrow = jnp.zeros((STRIPE, H), jnp.float32)
    ones = jnp.ones((CNT_CH, H), jnp.float32)

    biases0 = [b.reshape(1, D) for b in
               (bl_0_cause, bl_0_relate, bl_0_child, bl_0_rev)]
    biases1 = [b.reshape(1, D) for b in
               (bl_1_cause, bl_1_relate, bl_1_child, bl_1_rev)]

    cnt2 = _sc_counts(dc, dr, dch, dv, zrow, ones)
    cnts = [(c2[0, :, 0:16], c2[1, :, 0:16]) for c2 in cnt2]

    (ag_c, ag_r, ag_ch, ag_v) = _sc_agg(
        xc2.reshape(NC * N, H), xd2.reshape(NC * N, H),
        sc_c, dc3, sc_r, dr3, sc_ch, dch3, sc_v, dv3, zrow)

    hc2, hd2 = _tc_layer_call(True, True, (
        ag_c, cnts[0][0], cnts[0][1], Wl_0_cause, biases0[0],
        ag_r, cnts[1][0], cnts[1][1], Wl_0_relate, biases0[1],
        ag_ch, cnts[2][0], cnts[2][1], Wl_0_child, biases0[2],
        Wr_0_cause, Wr_0_relate, Wr_0_child, xd2,
        ag_v, cnts[3][0], cnts[3][1], Wl_0_rev, biases0[3], Wr_0_rev, xc2,
    ))

    (bg_c, bg_r, bg_ch, bg_v) = _sc_agg(
        hc2.reshape(NC * N, H), hd2.reshape(NC * N, H),
        sc_c, dc3, sc_r, dr3, sc_ch, dch3, sc_v, dv3, zrow)

    out_c, out_d = _tc_layer_call(False, False, (
        bg_c, cnts[0][0], cnts[0][1], Wl_1_cause, biases1[0],
        bg_r, cnts[1][0], cnts[1][1], Wl_1_relate, biases1[1],
        bg_ch, cnts[2][0], cnts[2][1], Wl_1_child, biases1[2],
        Wr_1_cause, Wr_1_relate, Wr_1_child, hd2,
        bg_v, cnts[3][0], cnts[3][1], Wl_1_rev, biases1[3], Wr_1_rev, hc2,
    ))
    return out_c, out_d

# --- scband reference (transcript-rebuilt; emitter-appended) ---
"""Pipeline reference for scband-hetero-gnn-8478265442841 (READ-ONLY COPY).

The authoritative reference and input builder live on the scoring server;
editing this copy changes nothing except your own understanding.
"""

import jax, jax.numpy as jnp
import numpy as np

N_CHEM = 10000
N_DIS = 10000
E = 40000
D = 256
L = 2
RELS = ["cause", "relate", "rev", "child"]


def setup_inputs(seed: int = 0):
    key = jax.random.key(seed)
    ks = jax.random.split(key, 40)
    inp = {}
    inp["x_chemical"] = jax.random.normal(ks[0], (N_CHEM, D), dtype=jnp.float32)
    inp["x_disease"] = jax.random.normal(ks[1], (N_DIS, D), dtype=jnp.float32)
    for i, name in enumerate(RELS):
        inp["edge_index_" + name] = jax.random.randint(ks[2 + i], (2, E), 0, 10000)
    k = 10
    for l in range(L):
        for r in RELS:
            inp["Wl_%d_%s" % (l, r)] = jax.random.normal(ks[k], (D, D), dtype=jnp.float32) * 0.05
            k += 1
            inp["bl_%d_%s" % (l, r)] = jnp.zeros((D,), dtype=jnp.float32)
            inp["Wr_%d_%s" % (l, r)] = jax.random.normal(ks[k], (D, D), dtype=jnp.float32) * 0.05
            k += 1
    return inp


def _sage(x_src, x_dst, ei, Wl, bl, Wr, num_dst):
    # PyG SAGEConv with mean aggregation: lin_l(mean_j x_j) + lin_r(x_dst)
    src = ei[0]
    dst = ei[1]
    msg = jnp.take(x_src, src, axis=0)
    agg = jax.ops.segment_sum(msg, dst, num_segments=num_dst)
    cnt = jax.ops.segment_sum(jnp.ones((ei.shape[1],), x_src.dtype), dst, num_segments=num_dst)
    mean = agg / jnp.clip(cnt, 1.0)[:, None]
    return mean @ Wl.T + bl + x_dst @ Wr.T


def reference(x_chemical, x_disease,
              edge_index_cause, edge_index_relate, edge_index_rev, edge_index_child,
              Wl_0_cause, bl_0_cause, Wr_0_cause,
              Wl_0_relate, bl_0_relate, Wr_0_relate,
              Wl_0_rev, bl_0_rev, Wr_0_rev,
              Wl_0_child, bl_0_child, Wr_0_child,
              Wl_1_cause, bl_1_cause, Wr_1_cause,
              Wl_1_relate, bl_1_relate, Wr_1_relate,
              Wl_1_rev, bl_1_rev, Wr_1_rev,
              Wl_1_child, bl_1_child, Wr_1_child):
    inp = dict(locals())
    xc = inp["x_chemical"]
    xd = inp["x_disease"]
    for l in range(L):
        # HeteroConv aggr='sum' over relations sharing the same dst node type
        out_d = (_sage(xc, xd, inp["edge_index_cause"], inp["Wl_%d_cause" % l], inp["bl_%d_cause" % l], inp["Wr_%d_cause" % l], N_DIS)
                 + _sage(xc, xd, inp["edge_index_relate"], inp["Wl_%d_relate" % l], inp["bl_%d_relate" % l], inp["Wr_%d_relate" % l], N_DIS)
                 + _sage(xd, xd, inp["edge_index_child"], inp["Wl_%d_child" % l], inp["bl_%d_child" % l], inp["Wr_%d_child" % l], N_DIS))
        out_c = _sage(xd, xc, inp["edge_index_rev"], inp["Wl_%d_rev" % l], inp["bl_%d_rev" % l], inp["Wr_%d_rev" % l], N_CHEM)
        if l < L - 1:
            out_c = jax.nn.relu(out_c)
            out_d = jax.nn.relu(out_d)
            # dropout p=0 -> identity
        xc, xd = out_c, out_d
    return xc, xd

if __name__ == "__main__":
    import jax
    _d = setup_inputs()
    print(jax.jit(kernel)(*tuple(_d.values())))

</pallas_src>

<mosaic_0001>
#map = affine_map<(d0, d1) -> (0, 0, 0, 0)>
#map1 = affine_map<(d0, d1) -> (0, 0)>
#map2 = affine_map<(d0, d1) -> (0, 0, 0)>
module attributes {stable_mosaic.version = 14 : i64} {
  func.func @_sc_counts(%arg0: i32, %arg1: i32, %arg2: memref<2x16x10x128xi32, #tpu.memory_space<hbm>>, %arg3: memref<2x16x10x128xi32, #tpu.memory_space<hbm>>, %arg4: memref<2x16x10x128xi32, #tpu.memory_space<hbm>>, %arg5: memref<2x16x10x128xi32, #tpu.memory_space<hbm>>, %arg6: memref<632x128xf32, #tpu.memory_space<hbm>>, %arg7: memref<128x128xf32, #tpu.memory_space<hbm>>, %arg8: memref<2x10112x128xf32, #tpu.memory_space<hbm>>, %arg9: memref<2x10112x128xf32, #tpu.memory_space<hbm>>, %arg10: memref<2x10112x128xf32, #tpu.memory_space<hbm>>, %arg11: memref<2x10112x128xf32, #tpu.memory_space<hbm>>, %arg12: memref<10112x128xf32, #tpu.memory_space<vmem_shared>>, %arg13: memref<10x128xi32, #tpu.memory_space<vmem>>, %arg14: memref<128x128xf32, #tpu.memory_space<vmem>>) attributes {dimension_semantics = [#tpu.dimension_semantics<core_parallel>, #tpu.dimension_semantics<subcore_parallel>], iteration_bounds = array<i64: 2, 16>, scalar_prefetch = 0 : i64, scratch_operands = 3 : i64, tpu.core_type = #tpu.core_type<sc_vector_subcore>, window_params = [{transform_indices = #map}, {transform_indices = #map}, {transform_indices = #map}, {transform_indices = #map}, {transform_indices = #map1}, {transform_indices = #map1}, {transform_indices = #map2}, {transform_indices = #map2}, {transform_indices = #map2}, {transform_indices = #map2}]} {
    "tpu.region"() ({
      %run_scoped3A = tpu.sem_alloc : memref<!tpu.dma_semaphore, #tpu.memory_space<semaphore_mem>>
      tpu.enqueue_dma source(%arg7 : memref<128x128xf32, #tpu.memory_space<hbm>>) target(%arg14 : memref<128x128xf32, #tpu.memory_space<vmem>>) target_semaphore(%run_scoped3A : memref<!tpu.dma_semaphore, #tpu.memory_space<semaphore_mem>>)
      tpu.wait_dma2 semaphore(%run_scoped3A : memref<!tpu.dma_semaphore, #tpu.memory_space<semaphore_mem>>) src(%arg7 : memref<128x128xf32, #tpu.memory_space<hbm>>) dst(%arg14 : memref<128x128xf32, #tpu.memory_space<vmem>>)
      tpu.yield
    }) : () -> ()
    %mul3A = arith.constant 632 : i32
    %mul3A_0 = arith.muli %arg1, %mul3A : i32
    "tpu.region"() ({
      %run_scoped3A = tpu.sem_alloc : memref<!tpu.dma_semaphore, #tpu.memory_space<semaphore_mem>>
      %dma_start3A = arith.constant 0 : i32
      %dma_start3A_53 = tpu.memref_slice %arg12[%mul3A_0, %dma_start3A] : memref<10112x128xf32, #tpu.memory_space<vmem_shared>> -> memref<632x128xf32, #tpu.memory_space<vmem_shared>>
      tpu.enqueue_dma source(%arg6 : memref<632x128xf32, #tpu.memory_space<hbm>>) target(%dma_start3A_53 : memref<632x128xf32, #tpu.memory_space<vmem_shared>>) target_semaphore(%run_scoped3A : memref<!tpu.dma_semaphore, #tpu.memory_space<semaphore_mem>>)
      %dma_wait3A = arith.constant 0 : i32
      %dma_wait3A_54 = tpu.memref_slice %arg12[%mul3A_0, %dma_wait3A] : memref<10112x128xf32, #tpu.memory_space<vmem_shared>> -> memref<632x128xf32, #tpu.memory_space<vmem_shared>>
      tpu.wait_dma2 semaphore(%run_scoped3A : memref<!tpu.dma_semaphore, #tpu.memory_space<semaphore_mem>>) src(%arg6 : memref<632x128xf32, #tpu.memory_space<hbm>>) dst(%dma_wait3A_54 : memref<632x128xf32, #tpu.memory_space<vmem_shared>>)
      tpu.yield
    }) : () -> ()
    "tpu.region"() ({
      %run_scoped3A = tpu.sem_alloc : memref<!tpu.dma_semaphore, #tpu.memory_space<semaphore_mem>>
      %dma_start3A = arith.constant 0 : i32
      %dma_start3A_53 = arith.constant 0 : i32
      %dma_start3A_54 = tpu.memref_slice %arg2[%arg0, %arg1, %dma_start3A, %dma_start3A_53] : memref<2x16x10x128xi32, #tpu.memory_space<hbm>> -> memref<1x1x10x128xi32, #tpu.memory_space<hbm>>
      %dma_start3A_55 = tpu.memref_squeeze %dma_start3A_54 : memref<1x1x10x128xi32, #tpu.memory_space<hbm>> -> memref<10x128xi32, #tpu.memory_space<hbm>>
      %dma_start3A_56 = arith.constant 0 : i32
      %dma_start3A_57 = arith.constant 0 : i32
      %dma_start3A_58 = tpu.memref_slice %arg2[%arg0, %arg1, %dma_start3A_56, %dma_start3A_57] : memref<2x16x10x128xi32, #tpu.memory_space<hbm>> -> memref<1x1x10x128xi32, #tpu.memory_space<hbm>>
      %dma_start3A_59 = tpu.memref_squeeze %dma_start3A_58 : memref<1x1x10x128xi32, #tpu.memory_space<hbm>> -> memref<10x128xi32, #tpu.memory_space<hbm>>
      tpu.enqueue_dma source(%dma_start3A_59 : memref<10x128xi32, #tpu.memory_space<hbm>>) target(%arg13 : memref<10x128xi32, #tpu.memory_space<vmem>>) target_semaphore(%run_scoped3A : memref<!tpu.dma_semaphore, #tpu.memory_space<semaphore_mem>>)
      %dma_wait3A = arith.constant 0 : i32
      %dma_wait3A_60 = arith.constant 0 : i32
      %dma_wait3A_61 = tpu.memref_slice %arg2[%arg0, %arg1, %dma_wait3A, %dma_wait3A_60] : memref<2x16x10x128xi32, #tpu.memory_space<hbm>> -> memref<1x1x10x128xi32, #tpu.memory_space<hbm>>
      %dma_wait3A_62 = tpu.memref_squeeze %dma_wait3A_61 : memref<1x1x10x128xi32, #tpu.memory_space<hbm>> -> memref<10x128xi32, #tpu.memory_space<hbm>>
      %dma_wait3A_63 = arith.constant 0 : i32
      %dma_wait3A_64 = arith.constant 0 : i32
      %dma_wait3A_65 = tpu.memref_slice %arg2[%arg0, %arg1, %dma_wait3A_63, %dma_wait3A_64] : memref<2x16x10x128xi32, #tpu.memory_space<hbm>> -> memref<1x1x10x128xi32, #tpu.memory_space<hbm>>
      %dma_wait3A_66 = tpu.memref_squeeze %dma_wait3A_65 : memref<1x1x10x128xi32, #tpu.memory_space<hbm>> -> memref<10x128xi32, #tpu.memory_space<hbm>>
      tpu.wait_dma2 semaphore(%run_scoped3A : memref<!tpu.dma_semaphore, #tpu.memory_space<semaphore_mem>>) src(%dma_wait3A_66 : memref<10x128xi32, #tpu.memory_space<hbm>>) dst(%arg13 : memref<10x128xi32, #tpu.memory_space<vmem>>)
      tpu.yield
    }) : () -> ()
    %barrier3A = arith.constant 0 : index
    tpu.barrier barrier_id(%barrier3A)
    %scan3A = arith.constant 0 : i32
    %scan3A_1 = arith.constant 0 : i32
    %scan3A_2 = arith.constant 10 : i32
    %scan3A_3 = arith.addi %scan3A_1, %scan3A_2 : i32
    %scan3A_4 = arith.constant 1 : i32
    scf.for %scan3A_53 = %scan3A_1 to %scan3A_3 step %scan3A_4  : i32 {
      "tpu.region"() ({
        %run_scoped3A = tpu.sem_alloc : memref<!tpu.dma_semaphore, #tpu.memory_space<semaphore_mem>>
        %dma_start3A = arith.constant 0 : i32
        %dma_start3A_54 = tpu.memref_slice %arg13[%scan3A_53, %dma_start3A] : memref<10x128xi32, #tpu.memory_space<vmem>> -> memref<1x128xi32, #tpu.memory_space<vmem>>
        %dma_start3A_55 = tpu.memref_squeeze %dma_start3A_54 : memref<1x128xi32, #tpu.memory_space<vmem>> -> memref<128xi32, #tpu.memory_space<vmem>>
        %dma_start3A_56 = arith.constant 0 : i32
        %dma_start3A_57 = arith.constant 0 : i32
        %dma_start3A_58 = tpu.memref_slice %arg12[%dma_start3A_56, %dma_start3A_57] : memref<10112x128xf32, #tpu.memory_space<vmem_shared>> -> memref<10112x128xf32, #tpu.memory_space<vmem_shared>>
        tpu.enqueue_indirect_dma source(%arg14 : memref<128x128xf32, #tpu.memory_space<vmem>>) target(%dma_start3A_58 : memref<10112x128xf32, #tpu.memory_space<vmem_shared>>) offsets(%dma_start3A_55 : memref<128xi32, #tpu.memory_space<vmem>>) semaphore(%run_scoped3A : memref<!tpu.dma_semaphore, #tpu.memory_space<semaphore_mem>>) {add = true}
        %dma_wait3A = arith.constant 0 : i32
        %dma_wait3A_59 = tpu.memref_slice %arg13[%scan3A_53, %dma_wait3A] : memref<10x128xi32, #tpu.memory_space<vmem>> -> memref<1x128xi32, #tpu.memory_space<vmem>>
        %dma_wait3A_60 = tpu.memref_squeeze %dma_wait3A_59 : memref<1x128xi32, #tpu.memory_space<vmem>> -> memref<128xi32, #tpu.memory_space<vmem>>
        %dma_wait3A_61 = arith.constant 0 : i32
        %dma_wait3A_62 = arith.constant 0 : i32
        %dma_wait3A_63 = tpu.memref_slice %arg12[%dma_wait3A_61, %dma_wait3A_62] : memref<10112x128xf32, #tpu.memory_space<vmem_shared>> -> memref<10112x128xf32, #tpu.memory_space<vmem_shared>>
        tpu.wait_indirect_dma semaphore(%run_scoped3A : memref<!tpu.dma_semaphore, #tpu.memory_space<semaphore_mem>>) src(%arg14 : memref<128x128xf32, #tpu.memory_space<vmem>>) dst(%dma_wait3A_63 : memref<10112x128xf32, #tpu.memory_space<vmem_shared>>)
        tpu.yield
      }) : () -> ()
    }
    %scan3A_5 = arith.constant 10 : i32
    %barrier3A_6 = arith.constant 0 : index
    tpu.barrier barrier_id(%barrier3A_6)
    %mul3A_7 = arith.constant 632 : i32
    %mul3A_8 = arith.muli %arg1, %mul3A_7 : i32
    %mul3A_9 = arith.constant 632 : i32
    %mul3A_10 = arith.muli %arg1, %mul3A_9 : i32
    "tpu.region"() ({
      %run_scoped3A = tpu.sem_alloc : memref<!tpu.dma_semaphore, #tpu.memory_space<semaphore_mem>>
      %dma_start3A = arith.constant 0 : i32
      %dma_start3A_53 = tpu.memref_slice %arg8[%arg0, %mul3A_10, %dma_start3A] : memref<2x10112x128xf32, #tpu.memory_space<hbm>> -> memref<1x632x128xf32, #tpu.memory_space<hbm>>
      %dma_start3A_54 = tpu.memref_squeeze %dma_start3A_53 : memref<1x632x128xf32, #tpu.memory_space<hbm>> -> memref<632x128xf32, #tpu.memory_space<hbm>>
      %dma_start3A_55 = arith.constant 0 : i32
      %dma_start3A_56 = tpu.memref_slice %arg12[%mul3A_8, %dma_start3A_55] : memref<10112x128xf32, #tpu.memory_space<vmem_shared>> -> memref<632x128xf32, #tpu.memory_space<vmem_shared>>
      tpu.enqueue_dma source(%dma_start3A_56 : memref<632x128xf32, #tpu.memory_space<vmem_shared>>) target(%dma_start3A_54 : memref<632x128xf32, #tpu.memory_space<hbm>>) target_semaphore(%run_scoped3A : memref<!tpu.dma_semaphore, #tpu.memory_space<semaphore_mem>>)
      %dma_wait3A = arith.constant 0 : i32
      %dma_wait3A_57 = tpu.memref_slice %arg8[%arg0, %mul3A_10, %dma_wait3A] : memref<2x10112x128xf32, #tpu.memory_space<hbm>> -> memref<1x632x128xf32, #tpu.memory_space<hbm>>
      %dma_wait3A_58 = tpu.memref_squeeze %dma_wait3A_57 : memref<1x632x128xf32, #tpu.memory_space<hbm>> -> memref<632x128xf32, #tpu.memory_space<hbm>>
      %dma_wait3A_59 = arith.constant 0 : i32
      %dma_wait3A_60 = tpu.memref_slice %arg12[%mul3A_8, %dma_wait3A_59] : memref<10112x128xf32, #tpu.memory_space<vmem_shared>> -> memref<632x128xf32, #tpu.memory_space<vmem_shared>>
      tpu.wait_dma2 semaphore(%run_scoped3A : memref<!tpu.dma_semaphore, #tpu.memory_space<semaphore_mem>>) src(%dma_wait3A_60 : memref<632x128xf32, #tpu.memory_space<vmem_shared>>) dst(%dma_wait3A_58 : memref<632x128xf32, #tpu.memory_space<hbm>>)
      tpu.yield
    }) : () -> ()
    %mul3A_11 = arith.constant 632 : i32
    %mul3A_12 = arith.muli %arg1, %mul3A_11 : i32
    "tpu.region"() ({
      %run_scoped3A = tpu.sem_alloc : memref<!tpu.dma_semaphore, #tpu.memory_space<semaphore_mem>>
      %dma_start3A = arith.constant 0 : i32
      %dma_start3A_53 = tpu.memref_slice %arg12[%mul3A_12, %dma_start3A] : memref<10112x128xf32, #tpu.memory_space<vmem_shared>> -> memref<632x128xf32, #tpu.memory_space<vmem_shared>>
      tpu.enqueue_dma source(%arg6 : memref<632x128xf32, #tpu.memory_space<hbm>>) target(%dma_start3A_53 : memref<632x128xf32, #tpu.memory_space<vmem_shared>>) target_semaphore(%run_scoped3A : memref<!tpu.dma_semaphore, #tpu.memory_space<semaphore_mem>>)
      %dma_wait3A = arith.constant 0 : i32
      %dma_wait3A_54 = tpu.memref_slice %arg12[%mul3A_12, %dma_wait3A] : memref<10112x128xf32, #tpu.memory_space<vmem_shared>> -> memref<632x128xf32, #tpu.memory_space<vmem_shared>>
      tpu.wait_dma2 semaphore(%run_scoped3A : memref<!tpu.dma_semaphore, #tpu.memory_space<semaphore_mem>>) src(%arg6 : memref<632x128xf32, #tpu.memory_space<hbm>>) dst(%dma_wait3A_54 : memref<632x128xf32, #tpu.memory_space<vmem_shared>>)
      tpu.yield
    }) : () -> ()
    "tpu.region"() ({
      %run_scoped3A = tpu.sem_alloc : memref<!tpu.dma_semaphore, #tpu.memory_space<semaphore_mem>>
      %dma_start3A = arith.constant 0 : i32
      %dma_start3A_53 = arith.constant 0 : i32
      %dma_start3A_54 = tpu.memref_slice %arg3[%arg0, %arg1, %dma_start3A, %dma_start3A_53] : memref<2x16x10x128xi32, #tpu.memory_space<hbm>> -> memref<1x1x10x128xi32, #tpu.memory_space<hbm>>
      %dma_start3A_55 = tpu.memref_squeeze %dma_start3A_54 : memref<1x1x10x128xi32, #tpu.memory_space<hbm>> -> memref<10x128xi32, #tpu.memory_space<hbm>>
      %dma_start3A_56 = arith.constant 0 : i32
      %dma_start3A_57 = arith.constant 0 : i32
      %dma_start3A_58 = tpu.memref_slice %arg3[%arg0, %arg1, %dma_start3A_56, %dma_start3A_57] : memref<2x16x10x128xi32, #tpu.memory_space<hbm>> -> memref<1x1x10x128xi32, #tpu.memory_space<hbm>>
      %dma_start3A_59 = tpu.memref_squeeze %dma_start3A_58 : memref<1x1x10x128xi32, #tpu.memory_space<hbm>> -> memref<10x128xi32, #tpu.memory_space<hbm>>
      tpu.enqueue_dma source(%dma_start3A_59 : memref<10x128xi32, #tpu.memory_space<hbm>>) target(%arg13 : memref<10x128xi32, #tpu.memory_space<vmem>>) target_semaphore(%run_scoped3A : memref<!tpu.dma_semaphore, #tpu.memory_space<semaphore_mem>>)
      %dma_wait3A = arith.constant 0 : i32
      %dma_wait3A_60 = arith.constant 0 : i32
      %dma_wait3A_61 = tpu.memref_slice %arg3[%arg0, %arg1, %dma_wait3A, %dma_wait3A_60] : memref<2x16x10x128xi32, #tpu.memory_space<hbm>> -> memref<1x1x10x128xi32, #tpu.memory_space<hbm>>
      %dma_wait3A_62 = tpu.memref_squeeze %dma_wait3A_61 : memref<1x1x10x128xi32, #tpu.memory_space<hbm>> -> memref<10x128xi32, #tpu.memory_space<hbm>>
      %dma_wait3A_63 = arith.constant 0 : i32
      %dma_wait3A_64 = arith.constant 0 : i32
      %dma_wait3A_65 = tpu.memref_slice %arg3[%arg0, %arg1, %dma_wait3A_63, %dma_wait3A_64] : memref<2x16x10x128xi32, #tpu.memory_space<hbm>> -> memref<1x1x10x128xi32, #tpu.memory_space<hbm>>
      %dma_wait3A_66 = tpu.memref_squeeze %dma_wait3A_65 : memref<1x1x10x128xi32, #tpu.memory_space<hbm>> -> memref<10x128xi32, #tpu.memory_space<hbm>>
      tpu.wait_dma2 semaphore(%run_scoped3A : memref<!tpu.dma_semaphore, #tpu.memory_space<semaphore_mem>>) src(%dma_wait3A_66 : memref<10x128xi32, #tpu.memory_space<hbm>>) dst(%arg13 : memref<10x128xi32, #tpu.memory_space<vmem>>)
      tpu.yield
    }) : () -> ()
    %barrier3A_13 = arith.constant 0 : index
    tpu.barrier barrier_id(%barrier3A_13)
    %scan3A_14 = arith.constant 0 : i32
    %scan3A_15 = arith.constant 0 : i32
    %scan3A_16 = arith.constant 10 : i32
    %scan3A_17 = arith.addi %scan3A_15, %scan3A_16 : i32
    %scan3A_18 = arith.constant 1 : i32
    scf.for %scan3A_53 = %scan3A_15 to %scan3A_17 step %scan3A_18  : i32 {
      "tpu.region"() ({
        %run_scoped3A = tpu.sem_alloc : memref<!tpu.dma_semaphore, #tpu.memory_space<semaphore_mem>>
        %dma_start3A = arith.constant 0 : i32
        %dma_start3A_54 = tpu.memref_slice %arg13[%scan3A_53, %dma_start3A] : memref<10x128xi32, #tpu.memory_space<vmem>> -> memref<1x128xi32, #tpu.memory_space<vmem>>
        %dma_start3A_55 = tpu.memref_squeeze %dma_start3A_54 : memref<1x128xi32, #tpu.memory_space<vmem>> -> memref<128xi32, #tpu.memory_space<vmem>>
        %dma_start3A_56 = arith.constant 0 : i32
        %dma_start3A_57 = arith.constant 0 : i32
        %dma_start3A_58 = tpu.memref_slice %arg12[%dma_start3A_56, %dma_start3A_57] : memref<10112x128xf32, #tpu.memory_space<vmem_shared>> -> memref<10112x128xf32, #tpu.memory_space<vmem_shared>>
        tpu.enqueue_indirect_dma source(%arg14 : memref<128x128xf32, #tpu.memory_space<vmem>>) target(%dma_start3A_58 : memref<10112x128xf32, #tpu.memory_space<vmem_shared>>) offsets(%dma_start3A_55 : memref<128xi32, #tpu.memory_space<vmem>>) semaphore(%run_scoped3A : memref<!tpu.dma_semaphore, #tpu.memory_space<semaphore_mem>>) {add = true}
        %dma_wait3A = arith.constant 0 : i32
        %dma_wait3A_59 = tpu.memref_slice %arg13[%scan3A_53, %dma_wait3A] : memref<10x128xi32, #tpu.memory_space<vmem>> -> memref<1x128xi32, #tpu.memory_space<vmem>>
        %dma_wait3A_60 = tpu.memref_squeeze %dma_wait3A_59 : memref<1x128xi32, #tpu.memory_space<vmem>> -> memref<128xi32, #tpu.memory_space<vmem>>
        %dma_wait3A_61 = arith.constant 0 : i32
        %dma_wait3A_62 = arith.constant 0 : i32
        %dma_wait3A_63 = tpu.memref_slice %arg12[%dma_wait3A_61, %dma_wait3A_62] : memref<10112x128xf32, #tpu.memory_space<vmem_shared>> -> memref<10112x128xf32, #tpu.memory_space<vmem_shared>>
        tpu.wait_indirect_dma semaphore(%run_scoped3A : memref<!tpu.dma_semaphore, #tpu.memory_space<semaphore_mem>>) src(%arg14 : memref<128x128xf32, #tpu.memory_space<vmem>>) dst(%dma_wait3A_63 : memref<10112x128xf32, #tpu.memory_space<vmem_shared>>)
        tpu.yield
      }) : () -> ()
    }
    %scan3A_19 = arith.constant 10 : i32
    %barrier3A_20 = arith.constant 0 : index
    tpu.barrier barrier_id(%barrier3A_20)
    %mul3A_21 = arith.constant 632 : i32
    %mul3A_22 = arith.muli %arg1, %mul3A_21 : i32
    %mul3A_23 = arith.constant 632 : i32
    %mul3A_24 = arith.muli %arg1, %mul3A_23 : i32
    "tpu.region"() ({
      %run_scoped3A = tpu.sem_alloc : memref<!tpu.dma_semaphore, #tpu.memory_space<semaphore_mem>>
      %dma_start3A = arith.constant 0 : i32
      %dma_start3A_53 = tpu.memref_slice %arg9[%arg0, %mul3A_24, %dma_start3A] : memref<2x10112x128xf32, #tpu.memory_space<hbm>> -> memref<1x632x128xf32, #tpu.memory_space<hbm>>
      %dma_start3A_54 = tpu.memref_squeeze %dma_start3A_53 : memref<1x632x128xf32, #tpu.memory_space<hbm>> -> memref<632x128xf32, #tpu.memory_space<hbm>>
      %dma_start3A_55 = arith.constant 0 : i32
      %dma_start3A_56 = tpu.memref_slice %arg12[%mul3A_22, %dma_start3A_55] : memref<10112x128xf32, #tpu.memory_space<vmem_shared>> -> memref<632x128xf32, #tpu.memory_space<vmem_shared>>
      tpu.enqueue_dma source(%dma_start3A_56 : memref<632x128xf32, #tpu.memory_space<vmem_shared>>) target(%dma_start3A_54 : memref<632x128xf32, #tpu.memory_space<hbm>>) target_semaphore(%run_scoped3A : memref<!tpu.dma_semaphore, #tpu.memory_space<semaphore_mem>>)
      %dma_wait3A = arith.constant 0 : i32
      %dma_wait3A_57 = tpu.memref_slice %arg9[%arg0, %mul3A_24, %dma_wait3A] : memref<2x10112x128xf32, #tpu.memory_space<hbm>> -> memref<1x632x128xf32, #tpu.memory_space<hbm>>
      %dma_wait3A_58 = tpu.memref_squeeze %dma_wait3A_57 : memref<1x632x128xf32, #tpu.memory_space<hbm>> -> memref<632x128xf32, #tpu.memory_space<hbm>>
      %dma_wait3A_59 = arith.constant 0 : i32
      %dma_wait3A_60 = tpu.memref_slice %arg12[%mul3A_22, %dma_wait3A_59] : memref<10112x128xf32, #tpu.memory_space<vmem_shared>> -> memref<632x128xf32, #tpu.memory_space<vmem_shared>>
      tpu.wait_dma2 semaphore(%run_scoped3A : memref<!tpu.dma_semaphore, #tpu.memory_space<semaphore_mem>>) src(%dma_wait3A_60 : memref<632x128xf32, #tpu.memory_space<vmem_shared>>) dst(%dma_wait3A_58 : memref<632x128xf32, #tpu.memory_space<hbm>>)
      tpu.yield
    }) : () -> ()
    %mul3A_25 = arith.constant 632 : i32
    %mul3A_26 = arith.muli %arg1, %mul3A_25 : i32
    "tpu.region"() ({
      %run_scoped3A = tpu.sem_alloc : memref<!tpu.dma_semaphore, #tpu.memory_space<semaphore_mem>>
      %dma_start3A = arith.constant 0 : i32
      %dma_start3A_53 = tpu.memref_slice %arg12[%mul3A_26, %dma_start3A] : memref<10112x128xf32, #tpu.memory_space<vmem_shared>> -> memref<632x128xf32, #tpu.memory_space<vmem_shared>>
      tpu.enqueue_dma source(%arg6 : memref<632x128xf32, #tpu.memory_space<hbm>>) target(%dma_start3A_53 : memref<632x128xf32, #tpu.memory_space<vmem_shared>>) target_semaphore(%run_scoped3A : memref<!tpu.dma_semaphore, #tpu.memory_space<semaphore_mem>>)
      %dma_wait3A = arith.constant 0 : i32
      %dma_wait3A_54 = tpu.memref_slice %arg12[%mul3A_26, %dma_wait3A] : memref<10112x128xf32, #tpu.memory_space<vmem_shared>> -> memref<632x128xf32, #tpu.memory_space<vmem_shared>>
      tpu.wait_dma2 semaphore(%run_scoped3A : memref<!tpu.dma_semaphore, #tpu.memory_space<semaphore_mem>>) src(%arg6 : memref<632x128xf32, #tpu.memory_space<hbm>>) dst(%dma_wait3A_54 : memref<632x128xf32, #tpu.memory_space<vmem_shared>>)
      tpu.yield
    }) : () -> ()
    "tpu.region"() ({
      %run_scoped3A = tpu.sem_alloc : memref<!tpu.dma_semaphore, #tpu.memory_space<semaphore_mem>>
      %dma_start3A = arith.constant 0 : i32
      %dma_start3A_53 = arith.constant 0 : i32
      %dma_start3A_54 = tpu.memref_slice %arg4[%arg0, %arg1, %dma_start3A, %dma_start3A_53] : memref<2x16x10x128xi32, #tpu.memory_space<hbm>> -> memref<1x1x10x128xi32, #tpu.memory_space<hbm>>
      %dma_start3A_55 = tpu.memref_squeeze %dma_start3A_54 : memref<1x1x10x128xi32, #tpu.memory_space<hbm>> -> memref<10x128xi32, #tpu.memory_space<hbm>>
      %dma_start3A_56 = arith.constant 0 : i32
      %dma_start3A_57 = arith.constant 0 : i32
      %dma_start3A_58 = tpu.memref_slice %arg4[%arg0, %arg1, %dma_start3A_56, %dma_start3A_57] : memref<2x16x10x128xi32, #tpu.memory_space<hbm>> -> memref<1x1x10x128xi32, #tpu.memory_space<hbm>>
      %dma_start3A_59 = tpu.memref_squeeze %dma_start3A_58 : memref<1x1x10x128xi32, #tpu.memory_space<hbm>> -> memref<10x128xi32, #tpu.memory_space<hbm>>
      tpu.enqueue_dma source(%dma_start3A_59 : memref<10x128xi32, #tpu.memory_space<hbm>>) target(%arg13 : memref<10x128xi32, #tpu.memory_space<vmem>>) target_semaphore(%run_scoped3A : memref<!tpu.dma_semaphore, #tpu.memory_space<semaphore_mem>>)
      %dma_wait3A = arith.constant 0 : i32
      %dma_wait3A_60 = arith.constant 0 : i32
      %dma_wait3A_61 = tpu.memref_slice %arg4[%arg0, %arg1, %dma_wait3A, %dma_wait3A_60] : memref<2x16x10x128xi32, #tpu.memory_space<hbm>> -> memref<1x1x10x128xi32, #tpu.memory_space<hbm>>
      %dma_wait3A_62 = tpu.memref_squeeze %dma_wait3A_61 : memref<1x1x10x128xi32, #tpu.memory_space<hbm>> -> memref<10x128xi32, #tpu.memory_space<hbm>>
      %dma_wait3A_63 = arith.constant 0 : i32
      %dma_wait3A_64 = arith.constant 0 : i32
      %dma_wait3A_65 = tpu.memref_slice %arg4[%arg0, %arg1, %dma_wait3A_63, %dma_wait3A_64] : memref<2x16x10x128xi32, #tpu.memory_space<hbm>> -> memref<1x1x10x128xi32, #tpu.memory_space<hbm>>
      %dma_wait3A_66 = tpu.memref_squeeze %dma_wait3A_65 : memref<1x1x10x128xi32, #tpu.memory_space<hbm>> -> memref<10x128xi32, #tpu.memory_space<hbm>>
      tpu.wait_dma2 semaphore(%run_scoped3A : memref<!tpu.dma_semaphore, #tpu.memory_space<semaphore_mem>>) src(%dma_wait3A_66 : memref<10x128xi32, #tpu.memory_space<hbm>>) dst(%arg13 : memref<10x128xi32, #tpu.memory_space<vmem>>)
      tpu.yield
    }) : () -> ()
    %barrier3A_27 = arith.constant 0 : index
    tpu.barrier barrier_id(%barrier3A_27)
    %scan3A_28 = arith.constant 0 : i32
    %scan3A_29 = arith.constant 0 : i32
    %scan3A_30 = arith.constant 10 : i32
    %scan3A_31 = arith.addi %scan3A_29, %scan3A_30 : i32
    %scan3A_32 = arith.constant 1 : i32
    scf.for %scan3A_53 = %scan3A_29 to %scan3A_31 step %scan3A_32  : i32 {
      "tpu.region"() ({
        %run_scoped3A = tpu.sem_alloc : memref<!tpu.dma_semaphore, #tpu.memory_space<semaphore_mem>>
        %dma_start3A = arith.constant 0 : i32
        %dma_start3A_54 = tpu.memref_slice %arg13[%scan3A_53, %dma_start3A] : memref<10x128xi32, #tpu.memory_space<vmem>> -> memref<1x128xi32, #tpu.memory_space<vmem>>
        %dma_start3A_55 = tpu.memref_squeeze %dma_start3A_54 : memref<1x128xi32, #tpu.memory_space<vmem>> -> memref<128xi32, #tpu.memory_space<vmem>>
        %dma_start3A_56 = arith.constant 0 : i32
        %dma_start3A_57 = arith.constant 0 : i32
        %dma_start3A_58 = tpu.memref_slice %arg12[%dma_start3A_56, %dma_start3A_57] : memref<10112x128xf32, #tpu.memory_space<vmem_shared>> -> memref<10112x128xf32, #tpu.memory_space<vmem_shared>>
        tpu.enqueue_indirect_dma source(%arg14 : memref<128x128xf32, #tpu.memory_space<vmem>>) target(%dma_start3A_58 : memref<10112x128xf32, #tpu.memory_space<vmem_shared>>) offsets(%dma_start3A_55 : memref<128xi32, #tpu.memory_space<vmem>>) semaphore(%run_scoped3A : memref<!tpu.dma_semaphore, #tpu.memory_space<semaphore_mem>>) {add = true}
        %dma_wait3A = arith.constant 0 : i32
        %dma_wait3A_59 = tpu.memref_slice %arg13[%scan3A_53, %dma_wait3A] : memref<10x128xi32, #tpu.memory_space<vmem>> -> memref<1x128xi32, #tpu.memory_space<vmem>>
        %dma_wait3A_60 = tpu.memref_squeeze %dma_wait3A_59 : memref<1x128xi32, #tpu.memory_space<vmem>> -> memref<128xi32, #tpu.memory_space<vmem>>
        %dma_wait3A_61 = arith.constant 0 : i32
        %dma_wait3A_62 = arith.constant 0 : i32
        %dma_wait3A_63 = tpu.memref_slice %arg12[%dma_wait3A_61, %dma_wait3A_62] : memref<10112x128xf32, #tpu.memory_space<vmem_shared>> -> memref<10112x128xf32, #tpu.memory_space<vmem_shared>>
        tpu.wait_indirect_dma semaphore(%run_scoped3A : memref<!tpu.dma_semaphore, #tpu.memory_space<semaphore_mem>>) src(%arg14 : memref<128x128xf32, #tpu.memory_space<vmem>>) dst(%dma_wait3A_63 : memref<10112x128xf32, #tpu.memory_space<vmem_shared>>)
        tpu.yield
      }) : () -> ()
    }
    %scan3A_33 = arith.constant 10 : i32
    %barrier3A_34 = arith.constant 0 : index
    tpu.barrier barrier_id(%barrier3A_34)
    %mul3A_35 = arith.constant 632 : i32
    %mul3A_36 = arith.muli %arg1, %mul3A_35 : i32
    %mul3A_37 = arith.constant 632 : i32
    %mul3A_38 = arith.muli %arg1, %mul3A_37 : i32
    "tpu.region"() ({
      %run_scoped3A = tpu.sem_alloc : memref<!tpu.dma_semaphore, #tpu.memory_space<semaphore_mem>>
      %dma_start3A = arith.constant 0 : i32
      %dma_start3A_53 = tpu.memref_slice %arg10[%arg0, %mul3A_38, %dma_start3A] : memref<2x10112x128xf32, #tpu.memory_space<hbm>> -> memref<1x632x128xf32, #tpu.memory_space<hbm>>
      %dma_start3A_54 = tpu.memref_squeeze %dma_start3A_53 : memref<1x632x128xf32, #tpu.memory_space<hbm>> -> memref<632x128xf32, #tpu.memory_space<hbm>>
      %dma_start3A_55 = arith.constant 0 : i32
      %dma_start3A_56 = tpu.memref_slice %arg12[%mul3A_36, %dma_start3A_55] : memref<10112x128xf32, #tpu.memory_space<vmem_shared>> -> memref<632x128xf32, #tpu.memory_space<vmem_shared>>
      tpu.enqueue_dma source(%dma_start3A_56 : memref<632x128xf32, #tpu.memory_space<vmem_shared>>) target(%dma_start3A_54 : memref<632x128xf32, #tpu.memory_space<hbm>>) target_semaphore(%run_scoped3A : memref<!tpu.dma_semaphore, #tpu.memory_space<semaphore_mem>>)
      %dma_wait3A = arith.constant 0 : i32
      %dma_wait3A_57 = tpu.memref_slice %arg10[%arg0, %mul3A_38, %dma_wait3A] : memref<2x10112x128xf32, #tpu.memory_space<hbm>> -> memref<1x632x128xf32, #tpu.memory_space<hbm>>
      %dma_wait3A_58 = tpu.memref_squeeze %dma_wait3A_57 : memref<1x632x128xf32, #tpu.memory_space<hbm>> -> memref<632x128xf32, #tpu.memory_space<hbm>>
      %dma_wait3A_59 = arith.constant 0 : i32
      %dma_wait3A_60 = tpu.memref_slice %arg12[%mul3A_36, %dma_wait3A_59] : memref<10112x128xf32, #tpu.memory_space<vmem_shared>> -> memref<632x128xf32, #tpu.memory_space<vmem_shared>>
      tpu.wait_dma2 semaphore(%run_scoped3A : memref<!tpu.dma_semaphore, #tpu.memory_space<semaphore_mem>>) src(%dma_wait3A_60 : memref<632x128xf32, #tpu.memory_space<vmem_shared>>) dst(%dma_wait3A_58 : memref<632x128xf32, #tpu.memory_space<hbm>>)
      tpu.yield
    }) : () -> ()
    %mul3A_39 = arith.constant 632 : i32
    %mul3A_40 = arith.muli %arg1, %mul3A_39 : i32
    "tpu.region"() ({
      %run_scoped3A = tpu.sem_alloc : memref<!tpu.dma_semaphore, #tpu.memory_space<semaphore_mem>>
      %dma_start3A = arith.constant 0 : i32
      %dma_start3A_53 = tpu.memref_slice %arg12[%mul3A_40, %dma_start3A] : memref<10112x128xf32, #tpu.memory_space<vmem_shared>> -> memref<632x128xf32, #tpu.memory_space<vmem_shared>>
      tpu.enqueue_dma source(%arg6 : memref<632x128xf32, #tpu.memory_space<hbm>>) target(%dma_start3A_53 : memref<632x128xf32, #tpu.memory_space<vmem_shared>>) target_semaphore(%run_scoped3A : memref<!tpu.dma_semaphore, #tpu.memory_space<semaphore_mem>>)
      %dma_wait3A = arith.constant 0 : i32
      %dma_wait3A_54 = tpu.memref_slice %arg12[%mul3A_40, %dma_wait3A] : memref<10112x128xf32, #tpu.memory_space<vmem_shared>> -> memref<632x128xf32, #tpu.memory_space<vmem_shared>>
      tpu.wait_dma2 semaphore(%run_scoped3A : memref<!tpu.dma_semaphore, #tpu.memory_space<semaphore_mem>>) src(%arg6 : memref<632x128xf32, #tpu.memory_space<hbm>>) dst(%dma_wait3A_54 : memref<632x128xf32, #tpu.memory_space<vmem_shared>>)
      tpu.yield
    }) : () -> ()
    "tpu.region"() ({
      %run_scoped3A = tpu.sem_alloc : memref<!tpu.dma_semaphore, #tpu.memory_space<semaphore_mem>>
      %dma_start3A = arith.constant 0 : i32
      %dma_start3A_53 = arith.constant 0 : i32
      %dma_start3A_54 = tpu.memref_slice %arg5[%arg0, %arg1, %dma_start3A, %dma_start3A_53] : memref<2x16x10x128xi32, #tpu.memory_space<hbm>> -> memref<1x1x10x128xi32, #tpu.memory_space<hbm>>
      %dma_start3A_55 = tpu.memref_squeeze %dma_start3A_54 : memref<1x1x10x128xi32, #tpu.memory_space<hbm>> -> memref<10x128xi32, #tpu.memory_space<hbm>>
      %dma_start3A_56 = arith.constant 0 : i32
      %dma_start3A_57 = arith.constant 0 : i32
      %dma_start3A_58 = tpu.memref_slice %arg5[%arg0, %arg1, %dma_start3A_56, %dma_start3A_57] : memref<2x16x10x128xi32, #tpu.memory_space<hbm>> -> memref<1x1x10x128xi32, #tpu.memory_space<hbm>>
      %dma_start3A_59 = tpu.memref_squeeze %dma_start3A_58 : memref<1x1x10x128xi32, #tpu.memory_space<hbm>> -> memref<10x128xi32, #tpu.memory_space<hbm>>
      tpu.enqueue_dma source(%dma_start3A_59 : memref<10x128xi32, #tpu.memory_space<hbm>>) target(%arg13 : memref<10x128xi32, #tpu.memory_space<vmem>>) target_semaphore(%run_scoped3A : memref<!tpu.dma_semaphore, #tpu.memory_space<semaphore_mem>>)
      %dma_wait3A = arith.constant 0 : i32
      %dma_wait3A_60 = arith.constant 0 : i32
      %dma_wait3A_61 = tpu.memref_slice %arg5[%arg0, %arg1, %dma_wait3A, %dma_wait3A_60] : memref<2x16x10x128xi32, #tpu.memory_space<hbm>> -> memref<1x1x10x128xi32, #tpu.memory_space<hbm>>
      %dma_wait3A_62 = tpu.memref_squeeze %dma_wait3A_61 : memref<1x1x10x128xi32, #tpu.memory_space<hbm>> -> memref<10x128xi32, #tpu.memory_space<hbm>>
      %dma_wait3A_63 = arith.constant 0 : i32
      %dma_wait3A_64 = arith.constant 0 : i32
      %dma_wait3A_65 = tpu.memref_slice %arg5[%arg0, %arg1, %dma_wait3A_63, %dma_wait3A_64] : memref<2x16x10x128xi32, #tpu.memory_space<hbm>> -> memref<1x1x10x128xi32, #tpu.memory_space<hbm>>
      %dma_wait3A_66 = tpu.memref_squeeze %dma_wait3A_65 : memref<1x1x10x128xi32, #tpu.memory_space<hbm>> -> memref<10x128xi32, #tpu.memory_space<hbm>>
      tpu.wait_dma2 semaphore(%run_scoped3A : memref<!tpu.dma_semaphore, #tpu.memory_space<semaphore_mem>>) src(%dma_wait3A_66 : memref<10x128xi32, #tpu.memory_space<hbm>>) dst(%arg13 : memref<10x128xi32, #tpu.memory_space<vmem>>)
      tpu.yield
    }) : () -> ()
    %barrier3A_41 = arith.constant 0 : index
    tpu.barrier barrier_id(%barrier3A_41)
    %scan3A_42 = arith.constant 0 : i32
    %scan3A_43 = arith.constant 0 : i32
    %scan3A_44 = arith.constant 10 : i32
    %scan3A_45 = arith.addi %scan3A_43, %scan3A_44 : i32
    %scan3A_46 = arith.constant 1 : i32
    scf.for %scan3A_53 = %scan3A_43 to %scan3A_45 step %scan3A_46  : i32 {
      "tpu.region"() ({
        %run_scoped3A = tpu.sem_alloc : memref<!tpu.dma_semaphore, #tpu.memory_space<semaphore_mem>>
        %dma_start3A = arith.constant 0 : i32
        %dma_start3A_54 = tpu.memref_slice %arg13[%scan3A_53, %dma_start3A] : memref<10x128xi32, #tpu.memory_space<vmem>> -> memref<1x128xi32, #tpu.memory_space<vmem>>
        %dma_start3A_55 = tpu.memref_squeeze %dma_start3A_54 : memref<1x128xi32, #tpu.memory_space<vmem>> -> memref<128xi32, #tpu.memory_space<vmem>>
        %dma_start3A_56 = arith.constant 0 : i32
        %dma_start3A_57 = arith.constant 0 : i32
        %dma_start3A_58 = tpu.memref_slice %arg12[%dma_start3A_56, %dma_start3A_57] : memref<10112x128xf32, #tpu.memory_space<vmem_shared>> -> memref<10112x128xf32, #tpu.memory_space<vmem_shared>>
        tpu.enqueue_indirect_dma source(%arg14 : memref<128x128xf32, #tpu.memory_space<vmem>>) target(%dma_start3A_58 : memref<10112x128xf32, #tpu.memory_space<vmem_shared>>) offsets(%dma_start3A_55 : memref<128xi32, #tpu.memory_space<vmem>>) semaphore(%run_scoped3A : memref<!tpu.dma_semaphore, #tpu.memory_space<semaphore_mem>>) {add = true}
        %dma_wait3A = arith.constant 0 : i32
        %dma_wait3A_59 = tpu.memref_slice %arg13[%scan3A_53, %dma_wait3A] : memref<10x128xi32, #tpu.memory_space<vmem>> -> memref<1x128xi32, #tpu.memory_space<vmem>>
        %dma_wait3A_60 = tpu.memref_squeeze %dma_wait3A_59 : memref<1x128xi32, #tpu.memory_space<vmem>> -> memref<128xi32, #tpu.memory_space<vmem>>
        %dma_wait3A_61 = arith.constant 0 : i32
        %dma_wait3A_62 = arith.constant 0 : i32
        %dma_wait3A_63 = tpu.memref_slice %arg12[%dma_wait3A_61, %dma_wait3A_62] : memref<10112x128xf32, #tpu.memory_space<vmem_shared>> -> memref<10112x128xf32, #tpu.memory_space<vmem_shared>>
        tpu.wait_indirect_dma semaphore(%run_scoped3A : memref<!tpu.dma_semaphore, #tpu.memory_space<semaphore_mem>>) src(%arg14 : memref<128x128xf32, #tpu.memory_space<vmem>>) dst(%dma_wait3A_63 : memref<10112x128xf32, #tpu.memory_space<vmem_shared>>)
        tpu.yield
      }) : () -> ()
    }
    %scan3A_47 = arith.constant 10 : i32
    %barrier3A_48 = arith.constant 0 : index
    tpu.barrier barrier_id(%barrier3A_48)
    %mul3A_49 = arith.constant 632 : i32
    %mul3A_50 = arith.muli %arg1, %mul3A_49 : i32
    %mul3A_51 = arith.constant 632 : i32
    %mul3A_52 = arith.muli %arg1, %mul3A_51 : i32
    "tpu.region"() ({
      %run_scoped3A = tpu.sem_alloc : memref<!tpu.dma_semaphore, #tpu.memory_space<semaphore_mem>>
      %dma_start3A = arith.constant 0 : i32
      %dma_start3A_53 = tpu.memref_slice %arg11[%arg0, %mul3A_52, %dma_start3A] : memref<2x10112x128xf32, #tpu.memory_space<hbm>> -> memref<1x632x128xf32, #tpu.memory_space<hbm>>
      %dma_start3A_54 = tpu.memref_squeeze %dma_start3A_53 : memref<1x632x128xf32, #tpu.memory_space<hbm>> -> memref<632x128xf32, #tpu.memory_space<hbm>>
      %dma_start3A_55 = arith.constant 0 : i32
      %dma_start3A_56 = tpu.memref_slice %arg12[%mul3A_50, %dma_start3A_55] : memref<10112x128xf32, #tpu.memory_space<vmem_shared>> -> memref<632x128xf32, #tpu.memory_space<vmem_shared>>
      tpu.enqueue_dma source(%dma_start3A_56 : memref<632x128xf32, #tpu.memory_space<vmem_shared>>) target(%dma_start3A_54 : memref<632x128xf32, #tpu.memory_space<hbm>>) target_semaphore(%run_scoped3A : memref<!tpu.dma_semaphore, #tpu.memory_space<semaphore_mem>>)
      %dma_wait3A = arith.constant 0 : i32
      %dma_wait3A_57 = tpu.memref_slice %arg11[%arg0, %mul3A_52, %dma_wait3A] : memref<2x10112x128xf32, #tpu.memory_space<hbm>> -> memref<1x632x128xf32, #tpu.memory_space<hbm>>
      %dma_wait3A_58 = tpu.memref_squeeze %dma_wait3A_57 : memref<1x632x128xf32, #tpu.memory_space<hbm>> -> memref<632x128xf32, #tpu.memory_space<hbm>>
      %dma_wait3A_59 = arith.constant 0 : i32
      %dma_wait3A_60 = tpu.memref_slice %arg12[%mul3A_50, %dma_wait3A_59] : memref<10112x128xf32, #tpu.memory_space<vmem_shared>> -> memref<632x128xf32, #tpu.memory_space<vmem_shared>>
      tpu.wait_dma2 semaphore(%run_scoped3A : memref<!tpu.dma_semaphore, #tpu.memory_space<semaphore_mem>>) src(%dma_wait3A_60 : memref<632x128xf32, #tpu.memory_space<vmem_shared>>) dst(%dma_wait3A_58 : memref<632x128xf32, #tpu.memory_space<hbm>>)
      tpu.yield
    }) : () -> ()
    return
  }
}

#map = affine_map<(d0, d1) -> (0, 0)>
#map1 = affine_map<(d0, d1) -> (0, 0, 0, 0)>
#map2 = affine_map<(d0, d1) -> (0, 0, 0)>
module attributes {stable_mosaic.version = 14 : i64} {
  func.func @_sc_agg(%arg0: i32, %arg1: i32, %arg2: memref<20000x128xf32, #tpu.memory_space<hbm>>, %arg3: memref<20000x128xf32, #tpu.memory_space<hbm>>, %arg4: memref<2x16x40x64xi32, #tpu.memory_space<hbm>>, %arg5: memref<16x40x64xi32, #tpu.memory_space<hbm>>, %arg6: memref<2x16x40x64xi32, #tpu.memory_space<hbm>>, %arg7: memref<16x40x64xi32, #tpu.memory_space<hbm>>, %arg8: memref<2x16x40x64xi32, #tpu.memory_space<hbm>>, %arg9: memref<16x40x64xi32, #tpu.memory_space<hbm>>, %arg10: memref<2x16x40x64xi32, #tpu.memory_space<hbm>>, %arg11: memref<16x40x64xi32, #tpu.memory_space<hbm>>, %arg12: memref<632x128xf32, #tpu.memory_space<hbm>>, %arg13: memref<2x10112x128xf32, #tpu.memory_space<hbm>>, %arg14: memref<2x10112x128xf32, #tpu.memory_space<hbm>>, %arg15: memref<2x10112x128xf32, #tpu.memory_space<hbm>>, %arg16: memref<2x10112x128xf32, #tpu.memory_space<hbm>>, %arg17: memref<10112x128xf32, #tpu.memory_space<vmem_shared>>, %arg18: memref<40x64xi32, #tpu.memory_space<vmem>>, %arg19: memref<40x64xi32, #tpu.memory_space<vmem>>, %arg20: memref<64x128xf32, #tpu.memory_space<vmem>>, %arg21: memref<64x128xf32, #tpu.memory_space<vmem>>, %arg22: memref<!tpu.dma_semaphore, #tpu.memory_space<semaphore_mem>>, %arg23: memref<!tpu.dma_semaphore, #tpu.memory_space<semaphore_mem>>, %arg24: memref<!tpu.dma_semaphore, #tpu.memory_space<semaphore_mem>>) attributes {dimension_semantics = [#tpu.dimension_semantics<core_parallel>, #tpu.dimension_semantics<subcore_parallel>], iteration_bounds = array<i64: 2, 16>, scalar_prefetch = 0 : i64, scratch_operands = 8 : i64, tpu.core_type = #tpu.core_type<sc_vector_subcore>, window_params = [{transform_indices = #map}, {transform_indices = #map}, {transform_indices = #map1}, {transform_indices = #map2}, {transform_indices = #map1}, {transform_indices = #map2}, {transform_indices = #map1}, {transform_indices = #map2}, {transform_indices = #map1}, {transform_indices = #map2}, {transform_indices = #map}, {transform_indices = #map2}, {transform_indices = #map2}, {transform_indices = #map2}, {transform_indices = #map2}]} {
    %mul3A = arith.constant 632 : i32
    %mul3A_0 = arith.muli %arg1, %mul3A : i32
    %dma_start3A = arith.constant 0 : i32
    %dma_start3A_1 = tpu.memref_slice %arg17[%mul3A_0, %dma_start3A] : memref<10112x128xf32, #tpu.memory_space<vmem_shared>> -> memref<632x128xf32, #tpu.memory_space<vmem_shared>>
    tpu.enqueue_dma source(%arg12 : memref<632x128xf32, #tpu.memory_space<hbm>>) target(%dma_start3A_1 : memref<632x128xf32, #tpu.memory_space<vmem_shared>>) target_semaphore(%arg22 : memref<!tpu.dma_semaphore, #tpu.memory_space<semaphore_mem>>)
    %dma_start3A_2 = arith.constant 0 : i32
    %dma_start3A_3 = arith.constant 0 : i32
    %dma_start3A_4 = tpu.memref_slice %arg4[%arg0, %arg1, %dma_start3A_2, %dma_start3A_3] : memref<2x16x40x64xi32, #tpu.memory_space<hbm>> -> memref<1x1x40x64xi32, #tpu.memory_space<hbm>>
    %dma_start3A_5 = tpu.memref_squeeze %dma_start3A_4 : memref<1x1x40x64xi32, #tpu.memory_space<hbm>> -> memref<40x64xi32, #tpu.memory_space<hbm>>
    %dma_start3A_6 = arith.constant 0 : i32
    %dma_start3A_7 = arith.constant 0 : i32
    %dma_start3A_8 = tpu.memref_slice %arg4[%arg0, %arg1, %dma_start3A_6, %dma_start3A_7] : memref<2x16x40x64xi32, #tpu.memory_space<hbm>> -> memref<1x1x40x64xi32, #tpu.memory_space<hbm>>
    %dma_start3A_9 = tpu.memref_squeeze %dma_start3A_8 : memref<1x1x40x64xi32, #tpu.memory_space<hbm>> -> memref<40x64xi32, #tpu.memory_space<hbm>>
    tpu.enqueue_dma source(%dma_start3A_9 : memref<40x64xi32, #tpu.memory_space<hbm>>) target(%arg18 : memref<40x64xi32, #tpu.memory_space<vmem>>) target_semaphore(%arg22 : memref<!tpu.dma_semaphore, #tpu.memory_space<semaphore_mem>>)
    %dma_start3A_10 = arith.constant 0 : i32
    %dma_start3A_11 = arith.constant 0 : i32
    %dma_start3A_12 = tpu.memref_slice %arg5[%arg1, %dma_start3A_10, %dma_start3A_11] : memref<16x40x64xi32, #tpu.memory_space<hbm>> -> memref<1x40x64xi32, #tpu.memory_space<hbm>>
    %dma_start3A_13 = tpu.memref_squeeze %dma_start3A_12 : memref<1x40x64xi32, #tpu.memory_space<hbm>> -> memref<40x64xi32, #tpu.memory_space<hbm>>
    %dma_start3A_14 = arith.constant 0 : i32
    %dma_start3A_15 = arith.constant 0 : i32
    %dma_start3A_16 = tpu.memref_slice %arg5[%arg1, %dma_start3A_14, %dma_start3A_15] : memref<16x40x64xi32, #tpu.memory_space<hbm>> -> memref<1x40x64xi32, #tpu.memory_space<hbm>>
    %dma_start3A_17 = tpu.memref_squeeze %dma_start3A_16 : memref<1x40x64xi32, #tpu.memory_space<hbm>> -> memref<40x64xi32, #tpu.memory_space<hbm>>
    tpu.enqueue_dma source(%dma_start3A_17 : memref<40x64xi32, #tpu.memory_space<hbm>>) target(%arg19 : memref<40x64xi32, #tpu.memory_space<vmem>>) target_semaphore(%arg22 : memref<!tpu.dma_semaphore, #tpu.memory_space<semaphore_mem>>)
    %dma_wait3A = arith.constant 0 : i32
    %dma_wait3A_18 = tpu.memref_slice %arg17[%mul3A_0, %dma_wait3A] : memref<10112x128xf32, #tpu.memory_space<vmem_shared>> -> memref<632x128xf32, #tpu.memory_space<vmem_shared>>
    tpu.wait_dma2 semaphore(%arg22 : memref<!tpu.dma_semaphore, #tpu.memory_space<semaphore_mem>>) src(%arg12 : memref<632x128xf32, #tpu.memory_space<hbm>>) dst(%dma_wait3A_18 : memref<632x128xf32, #tpu.memory_space<vmem_shared>>)
    %dma_wait3A_19 = arith.constant 0 : i32
    %dma_wait3A_20 = arith.constant 0 : i32
    %dma_wait3A_21 = tpu.memref_slice %arg4[%arg0, %arg1, %dma_wait3A_19, %dma_wait3A_20] : memref<2x16x40x64xi32, #tpu.memory_space<hbm>> -> memref<1x1x40x64xi32, #tpu.memory_space<hbm>>
    %dma_wait3A_22 = tpu.memref_squeeze %dma_wait3A_21 : memref<1x1x40x64xi32, #tpu.memory_space<hbm>> -> memref<40x64xi32, #tpu.memory_space<hbm>>
    %dma_wait3A_23 = arith.constant 0 : i32
    %dma_wait3A_24 = arith.constant 0 : i32
    %dma_wait3A_25 = tpu.memref_slice %arg4[%arg0, %arg1, %dma_wait3A_23, %dma_wait3A_24] : memref<2x16x40x64xi32, #tpu.memory_space<hbm>> -> memref<1x1x40x64xi32, #tpu.memory_space<hbm>>
    %dma_wait3A_26 = tpu.memref_squeeze %dma_wait3A_25 : memref<1x1x40x64xi32, #tpu.memory_space<hbm>> -> memref<40x64xi32, #tpu.memory_space<hbm>>
    tpu.wait_dma2 semaphore(%arg22 : memref<!tpu.dma_semaphore, #tpu.memory_space<semaphore_mem>>) src(%dma_wait3A_26 : memref<40x64xi32, #tpu.memory_space<hbm>>) dst(%arg18 : memref<40x64xi32, #tpu.memory_space<vmem>>)
    %dma_wait3A_27 = arith.constant 0 : i32
    %dma_wait3A_28 = arith.constant 0 : i32
    %dma_wait3A_29 = tpu.memref_slice %arg5[%arg1, %dma_wait3A_27, %dma_wait3A_28] : memref<16x40x64xi32, #tpu.memory_space<hbm>> -> memref<1x40x64xi32, #tpu.memory_space<hbm>>
    %dma_wait3A_30 = tpu.memref_squeeze %dma_wait3A_29 : memref<1x40x64xi32, #tpu.memory_space<hbm>> -> memref<40x64xi32, #tpu.memory_space<hbm>>
    %dma_wait3A_31 = arith.constant 0 : i32
    %dma_wait3A_32 = arith.constant 0 : i32
    %dma_wait3A_33 = tpu.memref_slice %arg5[%arg1, %dma_wait3A_31, %dma_wait3A_32] : memref<16x40x64xi32, #tpu.memory_space<hbm>> -> memref<1x40x64xi32, #tpu.memory_space<hbm>>
    %dma_wait3A_34 = tpu.memref_squeeze %dma_wait3A_33 : memref<1x40x64xi32, #tpu.memory_space<hbm>> -> memref<40x64xi32, #tpu.memory_space<hbm>>
    tpu.wait_dma2 semaphore(%arg22 : memref<!tpu.dma_semaphore, #tpu.memory_space<semaphore_mem>>) src(%dma_wait3A_34 : memref<40x64xi32, #tpu.memory_space<hbm>>) dst(%arg19 : memref<40x64xi32, #tpu.memory_space<vmem>>)
    %barrier3A = arith.constant 0 : index
    tpu.barrier barrier_id(%barrier3A)
    %dma_start3A_35 = arith.constant 0 : i32
    %dma_start3A_36 = arith.constant 0 : i32
    %dma_start3A_37 = tpu.memref_slice %arg18[%dma_start3A_35, %dma_start3A_36] : memref<40x64xi32, #tpu.memory_space<vmem>> -> memref<1x64xi32, #tpu.memory_space<vmem>>
    %dma_start3A_38 = tpu.memref_squeeze %dma_start3A_37 : memref<1x64xi32, #tpu.memory_space<vmem>> -> memref<64xi32, #tpu.memory_space<vmem>>
    %dma_start3A_39 = arith.constant 0 : i32
    %dma_start3A_40 = arith.constant 0 : i32
    %dma_start3A_41 = tpu.memref_slice %arg2[%dma_start3A_39, %dma_start3A_40] : memref<20000x128xf32, #tpu.memory_space<hbm>> -> memref<20000x128xf32, #tpu.memory_space<hbm>>
    tpu.enqueue_indirect_dma source(%dma_start3A_41 : memref<20000x128xf32, #tpu.memory_space<hbm>>) target(%arg20 : memref<64x128xf32, #tpu.memory_space<vmem>>) offsets(%dma_start3A_38 : memref<64xi32, #tpu.memory_space<vmem>>) semaphore(%arg23 : memref<!tpu.dma_semaphore, #tpu.memory_space<semaphore_mem>>)
    %scan3A = arith.constant 0 : i32
    %scan3A_42 = arith.constant 0 : i32
    %scan3A_43 = arith.constant 19 : i32
    %scan3A_44 = arith.addi %scan3A_42, %scan3A_43 : i32
    %scan3A_45 = arith.constant 1 : i32
    scf.for %scan3A_314 = %scan3A_42 to %scan3A_44 step %scan3A_45  : i32 {
      %mul3A_315 = arith.constant 2 : i32
      %mul3A_316 = arith.muli %mul3A_315, %scan3A_314 : i32
      %dma_wait3A_317 = arith.constant 0 : i32
      %dma_wait3A_318 = tpu.memref_slice %arg18[%mul3A_316, %dma_wait3A_317] : memref<40x64xi32, #tpu.memory_space<vmem>> -> memref<1x64xi32, #tpu.memory_space<vmem>>
      %dma_wait3A_319 = tpu.memref_squeeze %dma_wait3A_318 : memref<1x64xi32, #tpu.memory_space<vmem>> -> memref<64xi32, #tpu.memory_space<vmem>>
      %dma_wait3A_320 = arith.constant 0 : i32
      %dma_wait3A_321 = arith.constant 0 : i32
      %dma_wait3A_322 = tpu.memref_slice %arg2[%dma_wait3A_320, %dma_wait3A_321] : memref<20000x128xf32, #tpu.memory_space<hbm>> -> memref<20000x128xf32, #tpu.memory_space<hbm>>
      tpu.wait_indirect_dma semaphore(%arg23 : memref<!tpu.dma_semaphore, #tpu.memory_space<semaphore_mem>>) src(%dma_wait3A_322 : memref<20000x128xf32, #tpu.memory_space<hbm>>) dst(%arg20 : memref<64x128xf32, #tpu.memory_space<vmem>>)
      %add3A = arith.constant 1 : i32
      %add3A_323 = arith.addi %mul3A_316, %add3A : i32
      %dma_start3A_324 = arith.constant 0 : i32
      %dma_start3A_325 = tpu.memref_slice %arg18[%add3A_323, %dma_start3A_324] : memref<40x64xi32, #tpu.memory_space<vmem>> -> memref<1x64xi32, #tpu.memory_space<vmem>>
      %dma_start3A_326 = tpu.memref_squeeze %dma_start3A_325 : memref<1x64xi32, #tpu.memory_space<vmem>> -> memref<64xi32, #tpu.memory_space<vmem>>
      %dma_start3A_327 = arith.constant 0 : i32
      %dma_start3A_328 = arith.constant 0 : i32
      %dma_start3A_329 = tpu.memref_slice %arg2[%dma_start3A_327, %dma_start3A_328] : memref<20000x128xf32, #tpu.memory_space<hbm>> -> memref<20000x128xf32, #tpu.memory_space<hbm>>
      tpu.enqueue_indirect_dma source(%dma_start3A_329 : memref<20000x128xf32, #tpu.memory_space<hbm>>) target(%arg21 : memref<64x128xf32, #tpu.memory_space<vmem>>) offsets(%dma_start3A_326 : memref<64xi32, #tpu.memory_space<vmem>>) semaphore(%arg24 : memref<!tpu.dma_semaphore, #tpu.memory_space<semaphore_mem>>)
      "tpu.region"() ({
        %run_scoped3A_348 = tpu.sem_alloc : memref<!tpu.dma_semaphore, #tpu.memory_space<semaphore_mem>>
        %dma_start3A_349 = arith.constant 0 : i32
        %dma_start3A_350 = tpu.memref_slice %arg19[%mul3A_316, %dma_start3A_349] : memref<40x64xi32, #tpu.memory_space<vmem>> -> memref<1x64xi32, #tpu.memory_space<vmem>>
        %dma_start3A_351 = tpu.memref_squeeze %dma_start3A_350 : memref<1x64xi32, #tpu.memory_space<vmem>> -> memref<64xi32, #tpu.memory_space<vmem>>
        %dma_start3A_352 = arith.constant 0 : i32
        %dma_start3A_353 = arith.constant 0 : i32
        %dma_start3A_354 = tpu.memref_slice %arg17[%dma_start3A_352, %dma_start3A_353] : memref<10112x128xf32, #tpu.memory_space<vmem_shared>> -> memref<10112x128xf32, #tpu.memory_space<vmem_shared>>
        tpu.enqueue_indirect_dma source(%arg20 : memref<64x128xf32, #tpu.memory_space<vmem>>) target(%dma_start3A_354 : memref<10112x128xf32, #tpu.memory_space<vmem_shared>>) offsets(%dma_start3A_351 : memref<64xi32, #tpu.memory_space<vmem>>) semaphore(%run_scoped3A_348 : memref<!tpu.dma_semaphore, #tpu.memory_space<semaphore_mem>>) {add = true}
        %dma_wait3A_355 = arith.constant 0 : i32
        %dma_wait3A_356 = tpu.memref_slice %arg19[%mul3A_316, %dma_wait3A_355] : memref<40x64xi32, #tpu.memory_space<vmem>> -> memref<1x64xi32, #tpu.memory_space<vmem>>
        %dma_wait3A_357 = tpu.memref_squeeze %dma_wait3A_356 : memref<1x64xi32, #tpu.memory_space<vmem>> -> memref<64xi32, #tpu.memory_space<vmem>>
        %dma_wait3A_358 = arith.constant 0 : i32
        %dma_wait3A_359 = arith.constant 0 : i32
        %dma_wait3A_360 = tpu.memref_slice %arg17[%dma_wait3A_358, %dma_wait3A_359] : memref<10112x128xf32, #tpu.memory_space<vmem_shared>> -> memref<10112x128xf32, #tpu.memory_space<vmem_shared>>
        tpu.wait_indirect_dma semaphore(%run_scoped3A_348 : memref<!tpu.dma_semaphore, #tpu.memory_space<semaphore_mem>>) src(%arg20 : memref<64x128xf32, #tpu.memory_space<vmem>>) dst(%dma_wait3A_360 : memref<10112x128xf32, #tpu.memory_space<vmem_shared>>)
        tpu.yield
      }) : () -> ()
      %add3A_330 = arith.constant 1 : i32
      %add3A_331 = arith.addi %mul3A_316, %add3A_330 : i32
      %dma_wait3A_332 = arith.constant 0 : i32
      %dma_wait3A_333 = tpu.memref_slice %arg18[%add3A_331, %dma_wait3A_332] : memref<40x64xi32, #tpu.memory_space<vmem>> -> memref<1x64xi32, #tpu.memory_space<vmem>>
      %dma_wait3A_334 = tpu.memref_squeeze %dma_wait3A_333 : memref<1x64xi32, #tpu.memory_space<vmem>> -> memref<64xi32, #tpu.memory_space<vmem>>
      %dma_wait3A_335 = arith.constant 0 : i32
      %dma_wait3A_336 = arith.constant 0 : i32
      %dma_wait3A_337 = tpu.memref_slice %arg2[%dma_wait3A_335, %dma_wait3A_336] : memref<20000x128xf32, #tpu.memory_space<hbm>> -> memref<20000x128xf32, #tpu.memory_space<hbm>>
      tpu.wait_indirect_dma semaphore(%arg24 : memref<!tpu.dma_semaphore, #tpu.memory_space<semaphore_mem>>) src(%dma_wait3A_337 : memref<20000x128xf32, #tpu.memory_space<hbm>>) dst(%arg21 : memref<64x128xf32, #tpu.memory_space<vmem>>)
      %add3A_338 = arith.constant 2 : i32
      %add3A_339 = arith.addi %mul3A_316, %add3A_338 : i32
      %dma_start3A_340 = arith.constant 0 : i32
      %dma_start3A_341 = tpu.memref_slice %arg18[%add3A_339, %dma_start3A_340] : memref<40x64xi32, #tpu.memory_space<vmem>> -> memref<1x64xi32, #tpu.memory_space<vmem>>
      %dma_start3A_342 = tpu.memref_squeeze %dma_start3A_341 : memref<1x64xi32, #tpu.memory_space<vmem>> -> memref<64xi32, #tpu.memory_space<vmem>>
      %dma_start3A_343 = arith.constant 0 : i32
      %dma_start3A_344 = arith.constant 0 : i32
      %dma_start3A_345 = tpu.memref_slice %arg2[%dma_start3A_343, %dma_start3A_344] : memref<20000x128xf32, #tpu.memory_space<hbm>> -> memref<20000x128xf32, #tpu.memory_space<hbm>>
      tpu.enqueue_indirect_dma source(%dma_start3A_345 : memref<20000x128xf32, #tpu.memory_space<hbm>>) target(%arg20 : memref<64x128xf32, #tpu.memory_space<vmem>>) offsets(%dma_start3A_342 : memref<64xi32, #tpu.memory_space<vmem>>) semaphore(%arg23 : memref<!tpu.dma_semaphore, #tpu.memory_space<semaphore_mem>>)
      %add3A_346 = arith.constant 1 : i32
      %add3A_347 = arith.addi %mul3A_316, %add3A_346 : i32
      "tpu.region"() ({
        %run_scoped3A_348 = tpu.sem_alloc : memref<!tpu.dma_semaphore, #tpu.memory_space<semaphore_mem>>
        %dma_start3A_349 = arith.constant 0 : i32
        %dma_start3A_350 = tpu.memref_slice %arg19[%add3A_347, %dma_start3A_349] : memref<40x64xi32, #tpu.memory_space<vmem>> -> memref<1x64xi32, #tpu.memory_space<vmem>>
        %dma_start3A_351 = tpu.memref_squeeze %dma_start3A_350 : memref<1x64xi32, #tpu.memory_space<vmem>> -> memref<64xi32, #tpu.memory_space<vmem>>
        %dma_start3A_352 = arith.constant 0 : i32
        %dma_start3A_353 = arith.constant 0 : i32
        %dma_start3A_354 = tpu.memref_slice %arg17[%dma_start3A_352, %dma_start3A_353] : memref<10112x128xf32, #tpu.memory_space<vmem_shared>> -> memref<10112x128xf32, #tpu.memory_space<vmem_shared>>
        tpu.enqueue_indirect_dma source(%arg21 : memref<64x128xf32, #tpu.memory_space<vmem>>) target(%dma_start3A_354 : memref<10112x128xf32, #tpu.memory_space<vmem_shared>>) offsets(%dma_start3A_351 : memref<64xi32, #tpu.memory_space<vmem>>) semaphore(%run_scoped3A_348 : memref<!tpu.dma_semaphore, #tpu.memory_space<semaphore_mem>>) {add = true}
        %dma_wait3A_355 = arith.constant 0 : i32
        %dma_wait3A_356 = tpu.memref_slice %arg19[%add3A_347, %dma_wait3A_355] : memref<40x64xi32, #tpu.memory_space<vmem>> -> memref<1x64xi32, #tpu.memory_space<vmem>>
        %dma_wait3A_357 = tpu.memref_squeeze %dma_wait3A_356 : memref<1x64xi32, #tpu.memory_space<vmem>> -> memref<64xi32, #tpu.memory_space<vmem>>
        %dma_wait3A_358 = arith.constant 0 : i32
        %dma_wait3A_359 = arith.constant 0 : i32
        %dma_wait3A_360 = tpu.memref_slice %arg17[%dma_wait3A_358, %dma_wait3A_359] : memref<10112x128xf32, #tpu.memory_space<vmem_shared>> -> memref<10112x128xf32, #tpu.memory_space<vmem_shared>>
        tpu.wait_indirect_dma semaphore(%run_scoped3A_348 : memref<!tpu.dma_semaphore, #tpu.memory_space<semaphore_mem>>) src(%arg21 : memref<64x128xf32, #tpu.memory_space<vmem>>) dst(%dma_wait3A_360 : memref<10112x128xf32, #tpu.memory_space<vmem_shared>>)
        tpu.yield
      }) : () -> ()
    }
    %scan3A_46 = arith.constant 19 : i32
    %dma_wait3A_47 = arith.constant 38 : i32
    %dma_wait3A_48 = arith.constant 0 : i32
    %dma_wait3A_49 = tpu.memref_slice %arg18[%dma_wait3A_47, %dma_wait3A_48] : memref<40x64xi32, #tpu.memory_space<vmem>> -> memref<1x64xi32, #tpu.memory_space<vmem>>
    %dma_wait3A_50 = tpu.memref_squeeze %dma_wait3A_49 : memref<1x64xi32, #tpu.memory_space<vmem>> -> memref<64xi32, #tpu.memory_space<vmem>>
    %dma_wait3A_51 = arith.constant 0 : i32
    %dma_wait3A_52 = arith.constant 0 : i32
    %dma_wait3A_53 = tpu.memref_slice %arg2[%dma_wait3A_51, %dma_wait3A_52] : memref<20000x128xf32, #tpu.memory_space<hbm>> -> memref<20000x128xf32, #tpu.memory_space<hbm>>
    tpu.wait_indirect_dma semaphore(%arg23 : memref<!tpu.dma_semaphore, #tpu.memory_space<semaphore_mem>>) src(%dma_wait3A_53 : memref<20000x128xf32, #tpu.memory_space<hbm>>) dst(%arg20 : memref<64x128xf32, #tpu.memory_space<vmem>>)
    %dma_start3A_54 = arith.constant 39 : i32
    %dma_start3A_55 = arith.constant 0 : i32
    %dma_start3A_56 = tpu.memref_slice %arg18[%dma_start3A_54, %dma_start3A_55] : memref<40x64xi32, #tpu.memory_space<vmem>> -> memref<1x64xi32, #tpu.memory_space<vmem>>
    %dma_start3A_57 = tpu.memref_squeeze %dma_start3A_56 : memref<1x64xi32, #tpu.memory_space<vmem>> -> memref<64xi32, #tpu.memory_space<vmem>>
    %dma_start3A_58 = arith.constant 0 : i32
    %dma_start3A_59 = arith.constant 0 : i32
    %dma_start3A_60 = tpu.memref_slice %arg2[%dma_start3A_58, %dma_start3A_59] : memref<20000x128xf32, #tpu.memory_space<hbm>> -> memref<20000x128xf32, #tpu.memory_space<hbm>>
    tpu.enqueue_indirect_dma source(%dma_start3A_60 : memref<20000x128xf32, #tpu.memory_space<hbm>>) target(%arg21 : memref<64x128xf32, #tpu.memory_space<vmem>>) offsets(%dma_start3A_57 : memref<64xi32, #tpu.memory_space<vmem>>) semaphore(%arg24 : memref<!tpu.dma_semaphore, #tpu.memory_space<semaphore_mem>>)
    %run_scoped3A = arith.constant 38 : i32
    "tpu.region"() ({
      %run_scoped3A_314 = tpu.sem_alloc : memref<!tpu.dma_semaphore, #tpu.memory_space<semaphore_mem>>
      %dma_start3A_315 = arith.constant 0 : i32
      %dma_start3A_316 = tpu.memref_slice %arg19[%run_scoped3A, %dma_start3A_315] : memref<40x64xi32, #tpu.memory_space<vmem>> -> memref<1x64xi32, #tpu.memory_space<vmem>>
      %dma_start3A_317 = tpu.memref_squeeze %dma_start3A_316 : memref<1x64xi32, #tpu.memory_space<vmem>> -> memref<64xi32, #tpu.memory_space<vmem>>
      %dma_start3A_318 = arith.constant 0 : i32
      %dma_start3A_319 = arith.constant 0 : i32
      %dma_start3A_320 = tpu.memref_slice %arg17[%dma_start3A_318, %dma_start3A_319] : memref<10112x128xf32, #tpu.memory_space<vmem_shared>> -> memref<10112x128xf32, #tpu.memory_space<vmem_shared>>
      tpu.enqueue_indirect_dma source(%arg20 : memref<64x128xf32, #tpu.memory_space<vmem>>) target(%dma_start3A_320 : memref<10112x128xf32, #tpu.memory_space<vmem_shared>>) offsets(%dma_start3A_317 : memref<64xi32, #tpu.memory_space<vmem>>) semaphore(%run_scoped3A_314 : memref<!tpu.dma_semaphore, #tpu.memory_space<semaphore_mem>>) {add = true}
      %dma_wait3A_321 = arith.constant 0 : i32
      %dma_wait3A_322 = tpu.memref_slice %arg19[%run_scoped3A, %dma_wait3A_321] : memref<40x64xi32, #tpu.memory_space<vmem>> -> memref<1x64xi32, #tpu.memory_space<vmem>>
      %dma_wait3A_323 = tpu.memref_squeeze %dma_wait3A_322 : memref<1x64xi32, #tpu.memory_space<vmem>> -> memref<64xi32, #tpu.memory_space<vmem>>
      %dma_wait3A_324 = arith.constant 0 : i32
      %dma_wait3A_325 = arith.constant 0 : i32
      %dma_wait3A_326 = tpu.memref_slice %arg17[%dma_wait3A_324, %dma_wait3A_325] : memref<10112x128xf32, #tpu.memory_space<vmem_shared>> -> memref<10112x128xf32, #tpu.memory_space<vmem_shared>>
      tpu.wait_indirect_dma semaphore(%run_scoped3A_314 : memref<!tpu.dma_semaphore, #tpu.memory_space<semaphore_mem>>) src(%arg20 : memref<64x128xf32, #tpu.memory_space<vmem>>) dst(%dma_wait3A_326 : memref<10112x128xf32, #tpu.memory_space<vmem_shared>>)
      tpu.yield
    }) : () -> ()
    %dma_wait3A_61 = arith.constant 39 : i32
    %dma_wait3A_62 = arith.constant 0 : i32
    %dma_wait3A_63 = tpu.memref_slice %arg18[%dma_wait3A_61, %dma_wait3A_62] : memref<40x64xi32, #tpu.memory_space<vmem>> -> memref<1x64xi32, #tpu.memory_space<vmem>>
    %dma_wait3A_64 = tpu.memref_squeeze %dma_wait3A_63 : memref<1x64xi32, #tpu.memory_space<vmem>> -> memref<64xi32, #tpu.memory_space<vmem>>
    %dma_wait3A_65 = arith.constant 0 : i32
    %dma_wait3A_66 = arith.constant 0 : i32
    %dma_wait3A_67 = tpu.memref_slice %arg2[%dma_wait3A_65, %dma_wait3A_66] : memref<20000x128xf32, #tpu.memory_space<hbm>> -> memref<20000x128xf32, #tpu.memory_space<hbm>>
    tpu.wait_indirect_dma semaphore(%arg24 : memref<!tpu.dma_semaphore, #tpu.memory_space<semaphore_mem>>) src(%dma_wait3A_67 : memref<20000x128xf32, #tpu.memory_space<hbm>>) dst(%arg21 : memref<64x128xf32, #tpu.memory_space<vmem>>)
    %run_scoped3A_68 = arith.constant 39 : i32
    "tpu.region"() ({
      %run_scoped3A_314 = tpu.sem_alloc : memref<!tpu.dma_semaphore, #tpu.memory_space<semaphore_mem>>
      %dma_start3A_315 = arith.constant 0 : i32
      %dma_start3A_316 = tpu.memref_slice %arg19[%run_scoped3A_68, %dma_start3A_315] : memref<40x64xi32, #tpu.memory_space<vmem>> -> memref<1x64xi32, #tpu.memory_space<vmem>>
      %dma_start3A_317 = tpu.memref_squeeze %dma_start3A_316 : memref<1x64xi32, #tpu.memory_space<vmem>> -> memref<64xi32, #tpu.memory_space<vmem>>
      %dma_start3A_318 = arith.constant 0 : i32
      %dma_start3A_319 = arith.constant 0 : i32
      %dma_start3A_320 = tpu.memref_slice %arg17[%dma_start3A_318, %dma_start3A_319] : memref<10112x128xf32, #tpu.memory_space<vmem_shared>> -> memref<10112x128xf32, #tpu.memory_space<vmem_shared>>
      tpu.enqueue_indirect_dma source(%arg21 : memref<64x128xf32, #tpu.memory_space<vmem>>) target(%dma_start3A_320 : memref<10112x128xf32, #tpu.memory_space<vmem_shared>>) offsets(%dma_start3A_317 : memref<64xi32, #tpu.memory_space<vmem>>) semaphore(%run_scoped3A_314 : memref<!tpu.dma_semaphore, #tpu.memory_space<semaphore_mem>>) {add = true}
      %dma_wait3A_321 = arith.constant 0 : i32
      %dma_wait3A_322 = tpu.memref_slice %arg19[%run_scoped3A_68, %dma_wait3A_321] : memref<40x64xi32, #tpu.memory_space<vmem>> -> memref<1x64xi32, #tpu.memory_space<vmem>>
      %dma_wait3A_323 = tpu.memref_squeeze %dma_wait3A_322 : memref<1x64xi32, #tpu.memory_space<vmem>> -> memref<64xi32, #tpu.memory_space<vmem>>
      %dma_wait3A_324 = arith.constant 0 : i32
      %dma_wait3A_325 = arith.constant 0 : i32
      %dma_wait3A_326 = tpu.memref_slice %arg17[%dma_wait3A_324, %dma_wait3A_325] : memref<10112x128xf32, #tpu.memory_space<vmem_shared>> -> memref<10112x128xf32, #tpu.memory_space<vmem_shared>>
      tpu.wait_indirect_dma semaphore(%run_scoped3A_314 : memref<!tpu.dma_semaphore, #tpu.memory_space<semaphore_mem>>) src(%arg21 : memref<64x128xf32, #tpu.memory_space<vmem>>) dst(%dma_wait3A_326 : memref<10112x128xf32, #tpu.memory_space<vmem_shared>>)
      tpu.yield
    }) : () -> ()
    %barrier3A_69 = arith.constant 0 : index
    tpu.barrier barrier_id(%barrier3A_69)
    %mul3A_70 = arith.constant 632 : i32
    %mul3A_71 = arith.muli %arg1, %mul3A_70 : i32
    %mul3A_72 = arith.constant 632 : i32
    %mul3A_73 = arith.muli %arg1, %mul3A_72 : i32
    "tpu.region"() ({
      %run_scoped3A_314 = tpu.sem_alloc : memref<!tpu.dma_semaphore, #tpu.memory_space<semaphore_mem>>
      %dma_start3A_315 = arith.constant 0 : i32
      %dma_start3A_316 = tpu.memref_slice %arg13[%arg0, %mul3A_73, %dma_start3A_315] : memref<2x10112x128xf32, #tpu.memory_space<hbm>> -> memref<1x632x128xf32, #tpu.memory_space<hbm>>
      %dma_start3A_317 = tpu.memref_squeeze %dma_start3A_316 : memref<1x632x128xf32, #tpu.memory_space<hbm>> -> memref<632x128xf32, #tpu.memory_space<hbm>>
      %dma_start3A_318 = arith.constant 0 : i32
      %dma_start3A_319 = tpu.memref_slice %arg17[%mul3A_71, %dma_start3A_318] : memref<10112x128xf32, #tpu.memory_space<vmem_shared>> -> memref<632x128xf32, #tpu.memory_space<vmem_shared>>
      tpu.enqueue_dma source(%dma_start3A_319 : memref<632x128xf32, #tpu.memory_space<vmem_shared>>) target(%dma_start3A_317 : memref<632x128xf32, #tpu.memory_space<hbm>>) target_semaphore(%run_scoped3A_314 : memref<!tpu.dma_semaphore, #tpu.memory_space<semaphore_mem>>)
      %dma_wait3A_320 = arith.constant 0 : i32
      %dma_wait3A_321 = tpu.memref_slice %arg13[%arg0, %mul3A_73, %dma_wait3A_320] : memref<2x10112x128xf32, #tpu.memory_space<hbm>> -> memref<1x632x128xf32, #tpu.memory_space<hbm>>
      %dma_wait3A_322 = tpu.memref_squeeze %dma_wait3A_321 : memref<1x632x128xf32, #tpu.memory_space<hbm>> -> memref<632x128xf32, #tpu.memory_space<hbm>>
      %dma_wait3A_323 = arith.constant 0 : i32
      %dma_wait3A_324 = tpu.memref_slice %arg17[%mul3A_71, %dma_wait3A_323] : memref<10112x128xf32, #tpu.memory_space<vmem_shared>> -> memref<632x128xf32, #tpu.memory_space<vmem_shared>>
      tpu.wait_dma2 semaphore(%run_scoped3A_314 : memref<!tpu.dma_semaphore, #tpu.memory_space<semaphore_mem>>) src(%dma_wait3A_324 : memref<632x128xf32, #tpu.memory_space<vmem_shared>>) dst(%dma_wait3A_322 : memref<632x128xf32, #tpu.memory_space<hbm>>)
      tpu.yield
    }) : () -> ()
    %mul3A_74 = arith.constant 632 : i32
    %mul3A_75 = arith.muli %arg1, %mul3A_74 : i32
    %dma_start3A_76 = arith.constant 0 : i32
    %dma_start3A_77 = tpu.memref_slice %arg17[%mul3A_75, %dma_start3A_76] : memref<10112x128xf32, #tpu.memory_space<vmem_shared>> -> memref<632x128xf32, #tpu.memory_space<vmem_shared>>
    tpu.enqueue_dma source(%arg12 : memref<632x128xf32, #tpu.memory_space<hbm>>) target(%dma_start3A_77 : memref<632x128xf32, #tpu.memory_space<vmem_shared>>) target_semaphore(%arg22 : memref<!tpu.dma_semaphore, #tpu.memory_space<semaphore_mem>>)
    %dma_start3A_78 = arith.constant 0 : i32
    %dma_start3A_79 = arith.constant 0 : i32
    %dma_start3A_80 = tpu.memref_slice %arg6[%arg0, %arg1, %dma_start3A_78, %dma_start3A_79] : memref<2x16x40x64xi32, #tpu.memory_space<hbm>> -> memref<1x1x40x64xi32, #tpu.memory_space<hbm>>
    %dma_start3A_81 = tpu.memref_squeeze %dma_start3A_80 : memref<1x1x40x64xi32, #tpu.memory_space<hbm>> -> memref<40x64xi32, #tpu.memory_space<hbm>>
    %dma_start3A_82 = arith.constant 0 : i32
    %dma_start3A_83 = arith.constant 0 : i32
    %dma_start3A_84 = tpu.memref_slice %arg6[%arg0, %arg1, %dma_start3A_82, %dma_start3A_83] : memref<2x16x40x64xi32, #tpu.memory_space<hbm>> -> memref<1x1x40x64xi32, #tpu.memory_space<hbm>>
    %dma_start3A_85 = tpu.memref_squeeze %dma_start3A_84 : memref<1x1x40x64xi32, #tpu.memory_space<hbm>> -> memref<40x64xi32, #tpu.memory_space<hbm>>
    tpu.enqueue_dma source(%dma_start3A_85 : memref<40x64xi32, #tpu.memory_space<hbm>>) target(%arg18 : memref<40x64xi32, #tpu.memory_space<vmem>>) target_semaphore(%arg22 : memref<!tpu.dma_semaphore, #tpu.memory_space<semaphore_mem>>)
    %dma_start3A_86 = arith.constant 0 : i32
    %dma_start3A_87 = arith.constant 0 : i32
    %dma_start3A_88 = tpu.memref_slice %arg7[%arg1, %dma_start3A_86, %dma_start3A_87] : memref<16x40x64xi32, #tpu.memory_space<hbm>> -> memref<1x40x64xi32, #tpu.memory_space<hbm>>
    %dma_start3A_89 = tpu.memref_squeeze %dma_start3A_88 : memref<1x40x64xi32, #tpu.memory_space<hbm>> -> memref<40x64xi32, #tpu.memory_space<hbm>>
    %dma_start3A_90 = arith.constant 0 : i32
    %dma_start3A_91 = arith.constant 0 : i32
    %dma_start3A_92 = tpu.memref_slice %arg7[%arg1, %dma_start3A_90, %dma_start3A_91] : memref<16x40x64xi32, #tpu.memory_space<hbm>> -> memref<1x40x64xi32, #tpu.memory_space<hbm>>
    %dma_start3A_93 = tpu.memref_squeeze %dma_start3A_92 : memref<1x40x64xi32, #tpu.memory_space<hbm>> -> memref<40x64xi32, #tpu.memory_space<hbm>>
    tpu.enqueue_dma source(%dma_start3A_93 : memref<40x64xi32, #tpu.memory_space<hbm>>) target(%arg19 : memref<40x64xi32, #tpu.memory_space<vmem>>) target_semaphore(%arg22 : memref<!tpu.dma_semaphore, #tpu.memory_space<semaphore_mem>>)
    %dma_wait3A_94 = arith.constant 0 : i32
    %dma_wait3A_95 = tpu.memref_slice %arg17[%mul3A_75, %dma_wait3A_94] : memref<10112x128xf32, #tpu.memory_space<vmem_shared>> -> memref<632x128xf32, #tpu.memory_space<vmem_shared>>
    tpu.wait_dma2 semaphore(%arg22 : memref<!tpu.dma_semaphore, #tpu.memory_space<semaphore_mem>>) src(%arg12 : memref<632x128xf32, #tpu.memory_space<hbm>>) dst(%dma_wait3A_95 : memref<632x128xf32, #tpu.memory_space<vmem_shared>>)
    %dma_wait3A_96 = arith.constant 0 : i32
    %dma_wait3A_97 = arith.constant 0 : i32
    %dma_wait3A_98 = tpu.memref_slice %arg6[%arg0, %arg1, %dma_wait3A_96, %dma_wait3A_97] : memref<2x16x40x64xi32, #tpu.memory_space<hbm>> -> memref<1x1x40x64xi32, #tpu.memory_space<hbm>>
    %dma_wait3A_99 = tpu.memref_squeeze %dma_wait3A_98 : memref<1x1x40x64xi32, #tpu.memory_space<hbm>> -> memref<40x64xi32, #tpu.memory_space<hbm>>
    %dma_wait3A_100 = arith.constant 0 : i32
    %dma_wait3A_101 = arith.constant 0 : i32
    %dma_wait3A_102 = tpu.memref_slice %arg6[%arg0, %arg1, %dma_wait3A_100, %dma_wait3A_101] : memref<2x16x40x64xi32, #tpu.memory_space<hbm>> -> memref<1x1x40x64xi32, #tpu.memory_space<hbm>>
    %dma_wait3A_103 = tpu.memref_squeeze %dma_wait3A_102 : memref<1x1x40x64xi32, #tpu.memory_space<hbm>> -> memref<40x64xi32, #tpu.memory_space<hbm>>
    tpu.wait_dma2 semaphore(%arg22 : memref<!tpu.dma_semaphore, #tpu.memory_space<semaphore_mem>>) src(%dma_wait3A_103 : memref<40x64xi32, #tpu.memory_space<hbm>>) dst(%arg18 : memref<40x64xi32, #tpu.memory_space<vmem>>)
    %dma_wait3A_104 = arith.constant 0 : i32
    %dma_wait3A_105 = arith.constant 0 : i32
    %dma_wait3A_106 = tpu.memref_slice %arg7[%arg1, %dma_wait3A_104, %dma_wait3A_105] : memref<16x40x64xi32, #tpu.memory_space<hbm>> -> memref<1x40x64xi32, #tpu.memory_space<hbm>>
    %dma_wait3A_107 = tpu.memref_squeeze %dma_wait3A_106 : memref<1x40x64xi32, #tpu.memory_space<hbm>> -> memref<40x64xi32, #tpu.memory_space<hbm>>
    %dma_wait3A_108 = arith.constant 0 : i32
    %dma_wait3A_109 = arith.constant 0 : i32
    %dma_wait3A_110 = tpu.memref_slice %arg7[%arg1, %dma_wait3A_108, %dma_wait3A_109] : memref<16x40x64xi32, #tpu.memory_space<hbm>> -> memref<1x40x64xi32, #tpu.memory_space<hbm>>
    %dma_wait3A_111 = tpu.memref_squeeze %dma_wait3A_110 : memref<1x40x64xi32, #tpu.memory_space<hbm>> -> memref<40x64xi32, #tpu.memory_space<hbm>>
    tpu.wait_dma2 semaphore(%arg22 : memref<!tpu.dma_semaphore, #tpu.memory_space<semaphore_mem>>) src(%dma_wait3A_111 : memref<40x64xi32, #tpu.memory_space<hbm>>) dst(%arg19 : memref<40x64xi32, #tpu.memory_space<vmem>>)
    %barrier3A_112 = arith.constant 0 : index
    tpu.barrier barrier_id(%barrier3A_112)
    %dma_start3A_113 = arith.constant 0 : i32
    %dma_start3A_114 = arith.constant 0 : i32
    %dma_start3A_115 = tpu.memref_slice %arg18[%dma_start3A_113, %dma_start3A_114] : memref<40x64xi32, #tpu.memory_space<vmem>> -> memref<1x64xi32, #tpu.memory_space<vmem>>
    %dma_start3A_116 = tpu.memref_squeeze %dma_start3A_115 : memref<1x64xi32, #tpu.memory_space<vmem>> -> memref<64xi32, #tpu.memory_space<vmem>>
    %dma_start3A_117 = arith.constant 0 : i32
    %dma_start3A_118 = arith.constant 0 : i32
    %dma_start3A_119 = tpu.memref_slice %arg2[%dma_start3A_117, %dma_start3A_118] : memref<20000x128xf32, #tpu.memory_space<hbm>> -> memref<20000x128xf32, #tpu.memory_space<hbm>>
    tpu.enqueue_indirect_dma source(%dma_start3A_119 : memref<20000x128xf32, #tpu.memory_space<hbm>>) target(%arg20 : memref<64x128xf32, #tpu.memory_space<vmem>>) offsets(%dma_start3A_116 : memref<64xi32, #tpu.memory_space<vmem>>) semaphore(%arg23 : memref<!tpu.dma_semaphore, #tpu.memory_space<semaphore_mem>>)
    %scan3A_120 = arith.constant 0 : i32
    %scan3A_121 = arith.constant 0 : i32
    %scan3A_122 = arith.constant 19 : i32
    %scan3A_123 = arith.addi %scan3A_121, %scan3A_122 : i32
    %scan3A_124 = arith.constant 1 : i32
    scf.for %scan3A_314 = %scan3A_121 to %scan3A_123 step %scan3A_124  : i32 {
      %mul3A_315 = arith.constant 2 : i32
      %mul3A_316 = arith.muli %mul3A_315, %scan3A_314 : i32
      %dma_wait3A_317 = arith.constant 0 : i32
      %dma_wait3A_318 = tpu.memref_slice %arg18[%mul3A_316, %dma_wait3A_317] : memref<40x64xi32, #tpu.memory_space<vmem>> -> memref<1x64xi32, #tpu.memory_space<vmem>>
      %dma_wait3A_319 = tpu.memref_squeeze %dma_wait3A_318 : memref<1x64xi32, #tpu.memory_space<vmem>> -> memref<64xi32, #tpu.memory_space<vmem>>
      %dma_wait3A_320 = arith.constant 0 : i32
      %dma_wait3A_321 = arith.constant 0 : i32
      %dma_wait3A_322 = tpu.memref_slice %arg2[%dma_wait3A_320, %dma_wait3A_321] : memref<20000x128xf32, #tpu.memory_space<hbm>> -> memref<20000x128xf32, #tpu.memory_space<hbm>>
      tpu.wait_indirect_dma semaphore(%arg23 : memref<!tpu.dma_semaphore, #tpu.memory_space<semaphore_mem>>) src(%dma_wait3A_322 : memref<20000x128xf32, #tpu.memory_space<hbm>>) dst(%arg20 : memref<64x128xf32, #tpu.memory_space<vmem>>)
      %add3A = arith.constant 1 : i32
      %add3A_323 = arith.addi %mul3A_316, %add3A : i32
      %dma_start3A_324 = arith.constant 0 : i32
      %dma_start3A_325 = tpu.memref_slice %arg18[%add3A_323, %dma_start3A_324] : memref<40x64xi32, #tpu.memory_space<vmem>> -> memref<1x64xi32, #tpu.memory_space<vmem>>
      %dma_start3A_326 = tpu.memref_squeeze %dma_start3A_325 : memref<1x64xi32, #tpu.memory_space<vmem>> -> memref<64xi32, #tpu.memory_space<vmem>>
      %dma_start3A_327 = arith.constant 0 : i32
      %dma_start3A_328 = arith.constant 0 : i32
      %dma_start3A_329 = tpu.memref_slice %arg2[%dma_start3A_327, %dma_start3A_328] : memref<20000x128xf32, #tpu.memory_space<hbm>> -> memref<20000x128xf32, #tpu.memory_space<hbm>>
      tpu.enqueue_indirect_dma source(%dma_start3A_329 : memref<20000x128xf32, #tpu.memory_space<hbm>>) target(%arg21 : memref<64x128xf32, #tpu.memory_space<vmem>>) offsets(%dma_start3A_326 : memref<64xi32, #tpu.memory_space<vmem>>) semaphore(%arg24 : memref<!tpu.dma_semaphore, #tpu.memory_space<semaphore_mem>>)
      "tpu.region"() ({
        %run_scoped3A_348 = tpu.sem_alloc : memref<!tpu.dma_semaphore, #tpu.memory_space<semaphore_mem>>
        %dma_start3A_349 = arith.constant 0 : i32
        %dma_start3A_350 = tpu.memref_slice %arg19[%mul3A_316, %dma_start3A_349] : memref<40x64xi32, #tpu.memory_space<vmem>> -> memref<1x64xi32, #tpu.memory_space<vmem>>
        %dma_start3A_351 = tpu.memref_squeeze %dma_start3A_350 : memref<1x64xi32, #tpu.memory_space<vmem>> -> memref<64xi32, #tpu.memory_space<vmem>>
        %dma_start3A_352 = arith.constant 0 : i32
        %dma_start3A_353 = arith.constant 0 : i32
        %dma_start3A_354 = tpu.memref_slice %arg17[%dma_start3A_352, %dma_start3A_353] : memref<10112x128xf32, #tpu.memory_space<vmem_shared>> -> memref<10112x128xf32, #tpu.memory_space<vmem_shared>>
        tpu.enqueue_indirect_dma source(%arg20 : memref<64x128xf32, #tpu.memory_space<vmem>>) target(%dma_start3A_354 : memref<10112x128xf32, #tpu.memory_space<vmem_shared>>) offsets(%dma_start3A_351 : memref<64xi32, #tpu.memory_space<vmem>>) semaphore(%run_scoped3A_348 : memref<!tpu.dma_semaphore, #tpu.memory_space<semaphore_mem>>) {add = true}
        %dma_wait3A_355 = arith.constant 0 : i32
        %dma_wait3A_356 = tpu.memref_slice %arg19[%mul3A_316, %dma_wait3A_355] : memref<40x64xi32, #tpu.memory_space<vmem>> -> memref<1x64xi32, #tpu.memory_space<vmem>>
        %dma_wait3A_357 = tpu.memref_squeeze %dma_wait3A_356 : memref<1x64xi32, #tpu.memory_space<vmem>> -> memref<64xi32, #tpu.memory_space<vmem>>
        %dma_wait3A_358 = arith.constant 0 : i32
        %dma_wait3A_359 = arith.constant 0 : i32
        %dma_wait3A_360 = tpu.memref_slice %arg17[%dma_wait3A_358, %dma_wait3A_359] : memref<10112x128xf32, #tpu.memory_space<vmem_shared>> -> memref<10112x128xf32, #tpu.memory_space<vmem_shared>>
        tpu.wait_indirect_dma semaphore(%run_scoped3A_348 : memref<!tpu.dma_semaphore, #tpu.memory_space<semaphore_mem>>) src(%arg20 : memref<64x128xf32, #tpu.memory_space<vmem>>) dst(%dma_wait3A_360 : memref<10112x128xf32, #tpu.memory_space<vmem_shared>>)
        tpu.yield
      }) : () -> ()
      %add3A_330 = arith.constant 1 : i32
      %add3A_331 = arith.addi %mul3A_316, %add3A_330 : i32
      %dma_wait3A_332 = arith.constant 0 : i32
      %dma_wait3A_333 = tpu.memref_slice %arg18[%add3A_331, %dma_wait3A_332] : memref<40x64xi32, #tpu.memory_space<vmem>> -> memref<1x64xi32, #tpu.memory_space<vmem>>
      %dma_wait3A_334 = tpu.memref_squeeze %dma_wait3A_333 : memref<1x64xi32, #tpu.memory_space<vmem>> -> memref<64xi32, #tpu.memory_space<vmem>>
      %dma_wait3A_335 = arith.constant 0 : i32
      %dma_wait3A_336 = arith.constant 0 : i32
      %dma_wait3A_337 = tpu.memref_slice %arg2[%dma_wait3A_335, %dma_wait3A_336] : memref<20000x128xf32, #tpu.memory_space<hbm>> -> memref<20000x128xf32, #tpu.memory_space<hbm>>
      tpu.wait_indirect_dma semaphore(%arg24 : memref<!tpu.dma_semaphore, #tpu.memory_space<semaphore_mem>>) src(%dma_wait3A_337 : memref<20000x128xf32, #tpu.memory_space<hbm>>) dst(%arg21 : memref<64x128xf32, #tpu.memory_space<vmem>>)
      %add3A_338 = arith.constant 2 : i32
      %add3A_339 = arith.addi %mul3A_316, %add3A_338 : i32
      %dma_start3A_340 = arith.constant 0 : i32
      %dma_start3A_341 = tpu.memref_slice %arg18[%add3A_339, %dma_start3A_340] : memref<40x64xi32, #tpu.memory_space<vmem>> -> memref<1x64xi32, #tpu.memory_space<vmem>>
      %dma_start3A_342 = tpu.memref_squeeze %dma_start3A_341 : memref<1x64xi32, #tpu.memory_space<vmem>> -> memref<64xi32, #tpu.memory_space<vmem>>
      %dma_start3A_343 = arith.constant 0 : i32
      %dma_start3A_344 = arith.constant 0 : i32
      %dma_start3A_345 = tpu.memref_slice %arg2[%dma_start3A_343, %dma_start3A_344] : memref<20000x128xf32, #tpu.memory_space<hbm>> -> memref<20000x128xf32, #tpu.memory_space<hbm>>
      tpu.enqueue_indirect_dma source(%dma_start3A_345 : memref<20000x128xf32, #tpu.memory_space<hbm>>) target(%arg20 : memref<64x128xf32, #tpu.memory_space<vmem>>) offsets(%dma_start3A_342 : memref<64xi32, #tpu.memory_space<vmem>>) semaphore(%arg23 : memref<!tpu.dma_semaphore, #tpu.memory_space<semaphore_mem>>)
      %add3A_346 = arith.constant 1 : i32
      %add3A_347 = arith.addi %mul3A_316, %add3A_346 : i32
      "tpu.region"() ({
        %run_scoped3A_348 = tpu.sem_alloc : memref<!tpu.dma_semaphore, #tpu.memory_space<semaphore_mem>>
        %dma_start3A_349 = arith.constant 0 : i32
        %dma_start3A_350 = tpu.memref_slice %arg19[%add3A_347, %dma_start3A_349] : memref<40x64xi32, #tpu.memory_space<vmem>> -> memref<1x64xi32, #tpu.memory_space<vmem>>
        %dma_start3A_351 = tpu.memref_squeeze %dma_start3A_350 : memref<1x64xi32, #tpu.memory_space<vmem>> -> memref<64xi32, #tpu.memory_space<vmem>>
        %dma_start3A_352 = arith.constant 0 : i32
        %dma_start3A_353 = arith.constant 0 : i32
        %dma_start3A_354 = tpu.memref_slice %arg17[%dma_start3A_352, %dma_start3A_353] : memref<10112x128xf32, #tpu.memory_space<vmem_shared>> -> memref<10112x128xf32, #tpu.memory_space<vmem_shared>>
        tpu.enqueue_indirect_dma source(%arg21 : memref<64x128xf32, #tpu.memory_space<vmem>>) target(%dma_start3A_354 : memref<10112x128xf32, #tpu.memory_space<vmem_shared>>) offsets(%dma_start3A_351 : memref<64xi32, #tpu.memory_space<vmem>>) semaphore(%run_scoped3A_348 : memref<!tpu.dma_semaphore, #tpu.memory_space<semaphore_mem>>) {add = true}
        %dma_wait3A_355 = arith.constant 0 : i32
        %dma_wait3A_356 = tpu.memref_slice %arg19[%add3A_347, %dma_wait3A_355] : memref<40x64xi32, #tpu.memory_space<vmem>> -> memref<1x64xi32, #tpu.memory_space<vmem>>
        %dma_wait3A_357 = tpu.memref_squeeze %dma_wait3A_356 : memref<1x64xi32, #tpu.memory_space<vmem>> -> memref<64xi32, #tpu.memory_space<vmem>>
        %dma_wait3A_358 = arith.constant 0 : i32
        %dma_wait3A_359 = arith.constant 0 : i32
        %dma_wait3A_360 = tpu.memref_slice %arg17[%dma_wait3A_358, %dma_wait3A_359] : memref<10112x128xf32, #tpu.memory_space<vmem_shared>> -> memref<10112x128xf32, #tpu.memory_space<vmem_shared>>
        tpu.wait_indirect_dma semaphore(%run_scoped3A_348 : memref<!tpu.dma_semaphore, #tpu.memory_space<semaphore_mem>>) src(%arg21 : memref<64x128xf32, #tpu.memory_space<vmem>>) dst(%dma_wait3A_360 : memref<10112x128xf32, #tpu.memory_space<vmem_shared>>)
        tpu.yield
      }) : () -> ()
    }
    %scan3A_125 = arith.constant 19 : i32
    %dma_wait3A_126 = arith.constant 38 : i32
    %dma_wait3A_127 = arith.constant 0 : i32
    %dma_wait3A_128 = tpu.memref_slice %arg18[%dma_wait3A_126, %dma_wait3A_127] : memref<40x64xi32, #tpu.memory_space<vmem>> -> memref<1x64xi32, #tpu.memory_space<vmem>>
    %dma_wait3A_129 = tpu.memref_squeeze %dma_wait3A_128 : memref<1x64xi32, #tpu.memory_space<vmem>> -> memref<64xi32, #tpu.memory_space<vmem>>
    %dma_wait3A_130 = arith.constant 0 : i32
    %dma_wait3A_131 = arith.constant 0 : i32
    %dma_wait3A_132 = tpu.memref_slice %arg2[%dma_wait3A_130, %dma_wait3A_131] : memref<20000x128xf32, #tpu.memory_space<hbm>> -> memref<20000x128xf32, #tpu.memory_space<hbm>>
    tpu.wait_indirect_dma semaphore(%arg23 : memref<!tpu.dma_semaphore, #tpu.memory_space<semaphore_mem>>) src(%dma_wait3A_132 : memref<20000x128xf32, #tpu.memory_space<hbm>>) dst(%arg20 : memref<64x128xf32, #tpu.memory_space<vmem>>)
    %dma_start3A_133 = arith.constant 39 : i32
    %dma_start3A_134 = arith.constant 0 : i32
    %dma_start3A_135 = tpu.memref_slice %arg18[%dma_start3A_133, %dma_start3A_134] : memref<40x64xi32, #tpu.memory_space<vmem>> -> memref<1x64xi32, #tpu.memory_space<vmem>>
    %dma_start3A_136 = tpu.memref_squeeze %dma_start3A_135 : memref<1x64xi32, #tpu.memory_space<vmem>> -> memref<64xi32, #tpu.memory_space<vmem>>
    %dma_start3A_137 = arith.constant 0 : i32
    %dma_start3A_138 = arith.constant 0 : i32
    %dma_start3A_139 = tpu.memref_slice %arg2[%dma_start3A_137, %dma_start3A_138] : memref<20000x128xf32, #tpu.memory_space<hbm>> -> memref<20000x128xf32, #tpu.memory_space<hbm>>
    tpu.enqueue_indirect_dma source(%dma_start3A_139 : memref<20000x128xf32, #tpu.memory_space<hbm>>) target(%arg21 : memref<64x128xf32, #tpu.memory_space<vmem>>) offsets(%dma_start3A_136 : memref<64xi32, #tpu.memory_space<vmem>>) semaphore(%arg24 : memref<!tpu.dma_semaphore, #tpu.memory_space<semaphore_mem>>)
    %run_scoped3A_140 = arith.constant 38 : i32
    "tpu.region"() ({
      %run_scoped3A_314 = tpu.sem_alloc : memref<!tpu.dma_semaphore, #tpu.memory_space<semaphore_mem>>
      %dma_start3A_315 = arith.constant 0 : i32
      %dma_start3A_316 = tpu.memref_slice %arg19[%run_scoped3A_140, %dma_start3A_315] : memref<40x64xi32, #tpu.memory_space<vmem>> -> memref<1x64xi32, #tpu.memory_space<vmem>>
      %dma_start3A_317 = tpu.memref_squeeze %dma_start3A_316 : memref<1x64xi32, #tpu.memory_space<vmem>> -> memref<64xi32, #tpu.memory_space<vmem>>
      %dma_start3A_318 = arith.constant 0 : i32
      %dma_start3A_319 = arith.constant 0 : i32
      %dma_start3A_320 = tpu.memref_slice %arg17[%dma_start3A_318, %dma_start3A_319] : memref<10112x128xf32, #tpu.memory_space<vmem_shared>> -> memref<10112x128xf32, #tpu.memory_space<vmem_shared>>
      tpu.enqueue_indirect_dma source(%arg20 : memref<64x128xf32, #tpu.memory_space<vmem>>) target(%dma_start3A_320 : memref<10112x128xf32, #tpu.memory_space<vmem_shared>>) offsets(%dma_start3A_317 : memref<64xi32, #tpu.memory_space<vmem>>) semaphore(%run_scoped3A_314 : memref<!tpu.dma_semaphore, #tpu.memory_space<semaphore_mem>>) {add = true}
      %dma_wait3A_321 = arith.constant 0 : i32
      %dma_wait3A_322 = tpu.memref_slice %arg19[%run_scoped3A_140, %dma_wait3A_321] : memref<40x64xi32, #tpu.memory_space<vmem>> -> memref<1x64xi32, #tpu.memory_space<vmem>>
      %dma_wait3A_323 = tpu.memref_squeeze %dma_wait3A_322 : memref<1x64xi32, #tpu.memory_space<vmem>> -> memref<64xi32, #tpu.memory_space<vmem>>
      %dma_wait3A_324 = arith.constant 0 : i32
      %dma_wait3A_325 = arith.constant 0 : i32
      %dma_wait3A_326 = tpu.memref_slice %arg17[%dma_wait3A_324, %dma_wait3A_325] : memref<10112x128xf32, #tpu.memory_space<vmem_shared>> -> memref<10112x128xf32, #tpu.memory_space<vmem_shared>>
      tpu.wait_indirect_dma semaphore(%run_scoped3A_314 : memref<!tpu.dma_semaphore, #tpu.memory_space<semaphore_mem>>) src(%arg20 : memref<64x128xf32, #tpu.memory_space<vmem>>) dst(%dma_wait3A_326 : memref<10112x128xf32, #tpu.memory_space<vmem_shared>>)
      tpu.yield
    }) : () -> ()
    %dma_wait3A_141 = arith.constant 39 : i32
    %dma_wait3A_142 = arith.constant 0 : i32
    %dma_wait3A_143 = tpu.memref_slice %arg18[%dma_wait3A_141, %dma_wait3A_142] : memref<40x64xi32, #tpu.memory_space<vmem>> -> memref<1x64xi32, #tpu.memory_space<vmem>>
    %dma_wait3A_144 = tpu.memref_squeeze %dma_wait3A_143 : memref<1x64xi32, #tpu.memory_space<vmem>> -> memref<64xi32, #tpu.memory_space<vmem>>
    %dma_wait3A_145 = arith.constant 0 : i32
    %dma_wait3A_146 = arith.constant 0 : i32
    %dma_wait3A_147 = tpu.memref_slice %arg2[%dma_wait3A_145, %dma_wait3A_146] : memref<20000x128xf32, #tpu.memory_space<hbm>> -> memref<20000x128xf32, #tpu.memory_space<hbm>>
    tpu.wait_indirect_dma semaphore(%arg24 : memref<!tpu.dma_semaphore, #tpu.memory_space<semaphore_mem>>) src(%dma_wait3A_147 : memref<20000x128xf32, #tpu.memory_space<hbm>>) dst(%arg21 : memref<64x128xf32, #tpu.memory_space<vmem>>)
    %run_scoped3A_148 = arith.constant 39 : i32
    "tpu.region"() ({
      %run_scoped3A_314 = tpu.sem_alloc : memref<!tpu.dma_semaphore, #tpu.memory_space<semaphore_mem>>
      %dma_start3A_315 = arith.constant 0 : i32
      %dma_start3A_316 = tpu.memref_slice %arg19[%run_scoped3A_148, %dma_start3A_315] : memref<40x64xi32, #tpu.memory_space<vmem>> -> memref<1x64xi32, #tpu.memory_space<vmem>>
      %dma_start3A_317 = tpu.memref_squeeze %dma_start3A_316 : memref<1x64xi32, #tpu.memory_space<vmem>> -> memref<64xi32, #tpu.memory_space<vmem>>
      %dma_start3A_318 = arith.constant 0 : i32
      %dma_start3A_319 = arith.constant 0 : i32
      %dma_start3A_320 = tpu.memref_slice %arg17[%dma_start3A_318, %dma_start3A_319] : memref<10112x128xf32, #tpu.memory_space<vmem_shared>> -> memref<10112x128xf32, #tpu.memory_space<vmem_shared>>
      tpu.enqueue_indirect_dma source(%arg21 : memref<64x128xf32, #tpu.memory_space<vmem>>) target(%dma_start3A_320 : memref<10112x128xf32, #tpu.memory_space<vmem_shared>>) offsets(%dma_start3A_317 : memref<64xi32, #tpu.memory_space<vmem>>) semaphore(%run_scoped3A_314 : memref<!tpu.dma_semaphore, #tpu.memory_space<semaphore_mem>>) {add = true}
      %dma_wait3A_321 = arith.constant 0 : i32
      %dma_wait3A_322 = tpu.memref_slice %arg19[%run_scoped3A_148, %dma_wait3A_321] : memref<40x64xi32, #tpu.memory_space<vmem>> -> memref<1x64xi32, #tpu.memory_space<vmem>>
      %dma_wait3A_323 = tpu.memref_squeeze %dma_wait3A_322 : memref<1x64xi32, #tpu.memory_space<vmem>> -> memref<64xi32, #tpu.memory_space<vmem>>
      %dma_wait3A_324 = arith.constant 0 : i32
      %dma_wait3A_325 = arith.constant 0 : i32
      %dma_wait3A_326 = tpu.memref_slice %arg17[%dma_wait3A_324, %dma_wait3A_325] : memref<10112x128xf32, #tpu.memory_space<vmem_shared>> -> memref<10112x128xf32, #tpu.memory_space<vmem_shared>>
      tpu.wait_indirect_dma semaphore(%run_scoped3A_314 : memref<!tpu.dma_semaphore, #tpu.memory_space<semaphore_mem>>) src(%arg21 : memref<64x128xf32, #tpu.memory_space<vmem>>) dst(%dma_wait3A_326 : memref<10112x128xf32, #tpu.memory_space<vmem_shared>>)
      tpu.yield
    }) : () -> ()
    %barrier3A_149 = arith.constant 0 : index
    tpu.barrier barrier_id(%barrier3A_149)
    %mul3A_150 = arith.constant 632 : i32
    %mul3A_151 = arith.muli %arg1, %mul3A_150 : i32
    %mul3A_152 = arith.constant 632 : i32
    %mul3A_153 = arith.muli %arg1, %mul3A_152 : i32
    "tpu.region"() ({
      %run_scoped3A_314 = tpu.sem_alloc : memref<!tpu.dma_semaphore, #tpu.memory_space<semaphore_mem>>
      %dma_start3A_315 = arith.constant 0 : i32
      %dma_start3A_316 = tpu.memref_slice %arg14[%arg0, %mul3A_153, %dma_start3A_315] : memref<2x10112x128xf32, #tpu.memory_space<hbm>> -> memref<1x632x128xf32, #tpu.memory_space<hbm>>
      %dma_start3A_317 = tpu.memref_squeeze %dma_start3A_316 : memref<1x632x128xf32, #tpu.memory_space<hbm>> -> memref<632x128xf32, #tpu.memory_space<hbm>>
      %dma_start3A_318 = arith.constant 0 : i32
      %dma_start3A_319 = tpu.memref_slice %arg17[%mul3A_151, %dma_start3A_318] : memref<10112x128xf32, #tpu.memory_space<vmem_shared>> -> memref<632x128xf32, #tpu.memory_space<vmem_shared>>
      tpu.enqueue_dma source(%dma_start3A_319 : memref<632x128xf32, #tpu.memory_space<vmem_shared>>) target(%dma_start3A_317 : memref<632x128xf32, #tpu.memory_space<hbm>>) target_semaphore(%run_scoped3A_314 : memref<!tpu.dma_semaphore, #tpu.memory_space<semaphore_mem>>)
      %dma_wait3A_320 = arith.constant 0 : i32
      %dma_wait3A_321 = tpu.memref_slice %arg14[%arg0, %mul3A_153, %dma_wait3A_320] : memref<2x10112x128xf32, #tpu.memory_space<hbm>> -> memref<1x632x128xf32, #tpu.memory_space<hbm>>
      %dma_wait3A_322 = tpu.memref_squeeze %dma_wait3A_321 : memref<1x632x128xf32, #tpu.memory_space<hbm>> -> memref<632x128xf32, #tpu.memory_space<hbm>>
      %dma_wait3A_323 = arith.constant 0 : i32
      %dma_wait3A_324 = tpu.memref_slice %arg17[%mul3A_151, %dma_wait3A_323] : memref<10112x128xf32, #tpu.memory_space<vmem_shared>> -> memref<632x128xf32, #tpu.memory_space<vmem_shared>>
      tpu.wait_dma2 semaphore(%run_scoped3A_314 : memref<!tpu.dma_semaphore, #tpu.memory_space<semaphore_mem>>) src(%dma_wait3A_324 : memref<632x128xf32, #tpu.memory_space<vmem_shared>>) dst(%dma_wait3A_322 : memref<632x128xf32, #tpu.memory_space<hbm>>)
      tpu.yield
    }) : () -> ()
    %mul3A_154 = arith.constant 632 : i32
    %mul3A_155 = arith.muli %arg1, %mul3A_154 : i32
    %dma_start3A_156 = arith.constant 0 : i32
    %dma_start3A_157 = tpu.memref_slice %arg17[%mul3A_155, %dma_start3A_156] : memref<10112x128xf32, #tpu.memory_space<vmem_shared>> -> memref<632x128xf32, #tpu.memory_space<vmem_shared>>
    tpu.enqueue_dma source(%arg12 : memref<632x128xf32, #tpu.memory_space<hbm>>) target(%dma_start3A_157 : memref<632x128xf32, #tpu.memory_space<vmem_shared>>) target_semaphore(%arg22 : memref<!tpu.dma_semaphore, #tpu.memory_space<semaphore_mem>>)
    %dma_start3A_158 = arith.constant 0 : i32
    %dma_start3A_159 = arith.constant 0 : i32
    %dma_start3A_160 = tpu.memref_slice %arg8[%arg0, %arg1, %dma_start3A_158, %dma_start3A_159] : memref<2x16x40x64xi32, #tpu.memory_space<hbm>> -> memref<1x1x40x64xi32, #tpu.memory_space<hbm>>
    %dma_start3A_161 = tpu.memref_squeeze %dma_start3A_160 : memref<1x1x40x64xi32, #tpu.memory_space<hbm>> -> memref<40x64xi32, #tpu.memory_space<hbm>>
    %dma_start3A_162 = arith.constant 0 : i32
    %dma_start3A_163 = arith.constant 0 : i32
    %dma_start3A_164 = tpu.memref_slice %arg8[%arg0, %arg1, %dma_start3A_162, %dma_start3A_163] : memref<2x16x40x64xi32, #tpu.memory_space<hbm>> -> memref<1x1x40x64xi32, #tpu.memory_space<hbm>>
    %dma_start3A_165 = tpu.memref_squeeze %dma_start3A_164 : memref<1x1x40x64xi32, #tpu.memory_space<hbm>> -> memref<40x64xi32, #tpu.memory_space<hbm>>
    tpu.enqueue_dma source(%dma_start3A_165 : memref<40x64xi32, #tpu.memory_space<hbm>>) target(%arg18 : memref<40x64xi32, #tpu.memory_space<vmem>>) target_semaphore(%arg22 : memref<!tpu.dma_semaphore, #tpu.memory_space<semaphore_mem>>)
    %dma_start3A_166 = arith.constant 0 : i32
    %dma_start3A_167 = arith.constant 0 : i32
    %dma_start3A_168 = tpu.memref_slice %arg9[%arg1, %dma_start3A_166, %dma_start3A_167] : memref<16x40x64xi32, #tpu.memory_space<hbm>> -> memref<1x40x64xi32, #tpu.memory_space<hbm>>
    %dma_start3A_169 = tpu.memref_squeeze %dma_start3A_168 : memref<1x40x64xi32, #tpu.memory_space<hbm>> -> memref<40x64xi32, #tpu.memory_space<hbm>>
    %dma_start3A_170 = arith.constant 0 : i32
    %dma_start3A_171 = arith.constant 0 : i32
    %dma_start3A_172 = tpu.memref_slice %arg9[%arg1, %dma_start3A_170, %dma_start3A_171] : memref<16x40x64xi32, #tpu.memory_space<hbm>> -> memref<1x40x64xi32, #tpu.memory_space<hbm>>
    %dma_start3A_173 = tpu.memref_squeeze %dma_start3A_172 : memref<1x40x64xi32, #tpu.memory_space<hbm>> -> memref<40x64xi32, #tpu.memory_space<hbm>>
    tpu.enqueue_dma source(%dma_start3A_173 : memref<40x64xi32, #tpu.memory_space<hbm>>) target(%arg19 : memref<40x64xi32, #tpu.memory_space<vmem>>) target_semaphore(%arg22 : memref<!tpu.dma_semaphore, #tpu.memory_space<semaphore_mem>>)
    %dma_wait3A_174 = arith.constant 0 : i32
    %dma_wait3A_175 = tpu.memref_slice %arg17[%mul3A_155, %dma_wait3A_174] : memref<10112x128xf32, #tpu.memory_space<vmem_shared>> -> memref<632x128xf32, #tpu.memory_space<vmem_shared>>
    tpu.wait_dma2 semaphore(%arg22 : memref<!tpu.dma_semaphore, #tpu.memory_space<semaphore_mem>>) src(%arg12 : memref<632x128xf32, #tpu.memory_space<hbm>>) dst(%dma_wait3A_175 : memref<632x128xf32, #tpu.memory_space<vmem_shared>>)
    %dma_wait3A_176 = arith.constant 0 : i32
    %dma_wait3A_177 = arith.constant 0 : i32
    %dma_wait3A_178 = tpu.memref_slice %arg8[%arg0, %arg1, %dma_wait3A_176, %dma_wait3A_177] : memref<2x16x40x64xi32, #tpu.memory_space<hbm>> -> memref<1x1x40x64xi32, #tpu.memory_space<hbm>>
    %dma_wait3A_179 = tpu.memref_squeeze %dma_wait3A_178 : memref<1x1x40x64xi32, #tpu.memory_space<hbm>> -> memref<40x64xi32, #tpu.memory_space<hbm>>
    %dma_wait3A_180 = arith.constant 0 : i32
    %dma_wait3A_181 = arith.constant 0 : i32
    %dma_wait3A_182 = tpu.memref_slice %arg8[%arg0, %arg1, %dma_wait3A_180, %dma_wait3A_181] : memref<2x16x40x64xi32, #tpu.memory_space<hbm>> -> memref<1x1x40x64xi32, #tpu.memory_space<hbm>>
    %dma_wait3A_183 = tpu.memref_squeeze %dma_wait3A_182 : memref<1x1x40x64xi32, #tpu.memory_space<hbm>> -> memref<40x64xi32, #tpu.memory_space<hbm>>
    tpu.wait_dma2 semaphore(%arg22 : memref<!tpu.dma_semaphore, #tpu.memory_space<semaphore_mem>>) src(%dma_wait3A_183 : memref<40x64xi32, #tpu.memory_space<hbm>>) dst(%arg18 : memref<40x64xi32, #tpu.memory_space<vmem>>)
    %dma_wait3A_184 = arith.constant 0 : i32
    %dma_wait3A_185 = arith.constant 0 : i32
    %dma_wait3A_186 = tpu.memref_slice %arg9[%arg1, %dma_wait3A_184, %dma_wait3A_185] : memref<16x40x64xi32, #tpu.memory_space<hbm>> -> memref<1x40x64xi32, #tpu.memory_space<hbm>>
    %dma_wait3A_187 = tpu.memref_squeeze %dma_wait3A_186 : memref<1x40x64xi32, #tpu.memory_space<hbm>> -> memref<40x64xi32, #tpu.memory_space<hbm>>
    %dma_wait3A_188 = arith.constant 0 : i32
    %dma_wait3A_189 = arith.constant 0 : i32
    %dma_wait3A_190 = tpu.memref_slice %arg9[%arg1, %dma_wait3A_188, %dma_wait3A_189] : memref<16x40x64xi32, #tpu.memory_space<hbm>> -> memref<1x40x64xi32, #tpu.memory_space<hbm>>
    %dma_wait3A_191 = tpu.memref_squeeze %dma_wait3A_190 : memref<1x40x64xi32, #tpu.memory_space<hbm>> -> memref<40x64xi32, #tpu.memory_space<hbm>>
    tpu.wait_dma2 semaphore(%arg22 : memref<!tpu.dma_semaphore, #tpu.memory_space<semaphore_mem>>) src(%dma_wait3A_191 : memref<40x64xi32, #tpu.memory_space<hbm>>) dst(%arg19 : memref<40x64xi32, #tpu.memory_space<vmem>>)
    %barrier3A_192 = arith.constant 0 : index
    tpu.barrier barrier_id(%barrier3A_192)
    %dma_start3A_193 = arith.constant 0 : i32
    %dma_start3A_194 = arith.constant 0 : i32
    %dma_start3A_195 = tpu.memref_slice %arg18[%dma_start3A_193, %dma_start3A_194] : memref<40x64xi32, #tpu.memory_space<vmem>> -> memref<1x64xi32, #tpu.memory_space<vmem>>
    %dma_start3A_196 = tpu.memref_squeeze %dma_start3A_195 : memref<1x64xi32, #tpu.memory_space<vmem>> -> memref<64xi32, #tpu.memory_space<vmem>>
    %dma_start3A_197 = arith.constant 0 : i32
    %dma_start3A_198 = arith.constant 0 : i32
    %dma_start3A_199 = tpu.memref_slice %arg3[%dma_start3A_197, %dma_start3A_198] : memref<20000x128xf32, #tpu.memory_space<hbm>> -> memref<20000x128xf32, #tpu.memory_space<hbm>>
    tpu.enqueue_indirect_dma source(%dma_start3A_199 : memref<20000x128xf32, #tpu.memory_space<hbm>>) target(%arg20 : memref<64x128xf32, #tpu.memory_space<vmem>>) offsets(%dma_start3A_196 : memref<64xi32, #tpu.memory_space<vmem>>) semaphore(%arg23 : memref<!tpu.dma_semaphore, #tpu.memory_space<semaphore_mem>>)
    %scan3A_200 = arith.constant 0 : i32
    %scan3A_201 = arith.constant 0 : i32
    %scan3A_202 = arith.constant 19 : i32
    %scan3A_203 = arith.addi %scan3A_201, %scan3A_202 : i32
    %scan3A_204 = arith.constant 1 : i32
    scf.for %scan3A_314 = %scan3A_201 to %scan3A_203 step %scan3A_204  : i32 {
      %mul3A_315 = arith.constant 2 : i32
      %mul3A_316 = arith.muli %mul3A_315, %scan3A_314 : i32
      %dma_wait3A_317 = arith.constant 0 : i32
      %dma_wait3A_318 = tpu.memref_slice %arg18[%mul3A_316, %dma_wait3A_317] : memref<40x64xi32, #tpu.memory_space<vmem>> -> memref<1x64xi32, #tpu.memory_space<vmem>>
      %dma_wait3A_319 = tpu.memref_squeeze %dma_wait3A_318 : memref<1x64xi32, #tpu.memory_space<vmem>> -> memref<64xi32, #tpu.memory_space<vmem>>
      %dma_wait3A_320 = arith.constant 0 : i32
      %dma_wait3A_321 = arith.constant 0 : i32
      %dma_wait3A_322 = tpu.memref_slice %arg3[%dma_wait3A_320, %dma_wait3A_321] : memref<20000x128xf32, #tpu.memory_space<hbm>> -> memref<20000x128xf32, #tpu.memory_space<hbm>>
      tpu.wait_indirect_dma semaphore(%arg23 : memref<!tpu.dma_semaphore, #tpu.memory_space<semaphore_mem>>) src(%dma_wait3A_322 : memref<20000x128xf32, #tpu.memory_space<hbm>>) dst(%arg20 : memref<64x128xf32, #tpu.memory_space<vmem>>)
      %add3A = arith.constant 1 : i32
      %add3A_323 = arith.addi %mul3A_316, %add3A : i32
      %dma_start3A_324 = arith.constant 0 : i32
      %dma_start3A_325 = tpu.memref_slice %arg18[%add3A_323, %dma_start3A_324] : memref<40x64xi32, #tpu.memory_space<vmem>> -> memref<1x64xi32, #tpu.memory_space<vmem>>
      %dma_start3A_326 = tpu.memref_squeeze %dma_start3A_325 : memref<1x64xi32, #tpu.memory_space<vmem>> -> memref<64xi32, #tpu.memory_space<vmem>>
      %dma_start3A_327 = arith.constant 0 : i32
      %dma_start3A_328 = arith.constant 0 : i32
      %dma_start3A_329 = tpu.memref_slice %arg3[%dma_start3A_327, %dma_start3A_328] : memref<20000x128xf32, #tpu.memory_space<hbm>> -> memref<20000x128xf32, #tpu.memory_space<hbm>>
      tpu.enqueue_indirect_dma source(%dma_start3A_329 : memref<20000x128xf32, #tpu.memory_space<hbm>>) target(%arg21 : memref<64x128xf32, #tpu.memory_space<vmem>>) offsets(%dma_start3A_326 : memref<64xi32, #tpu.memory_space<vmem>>) semaphore(%arg24 : memref<!tpu.dma_semaphore, #tpu.memory_space<semaphore_mem>>)
      "tpu.region"() ({
        %run_scoped3A_348 = tpu.sem_alloc : memref<!tpu.dma_semaphore, #tpu.memory_space<semaphore_mem>>
        %dma_start3A_349 = arith.constant 0 : i32
        %dma_start3A_350 = tpu.memref_slice %arg19[%mul3A_316, %dma_start3A_349] : memref<40x64xi32, #tpu.memory_space<vmem>> -> memref<1x64xi32, #tpu.memory_space<vmem>>
        %dma_start3A_351 = tpu.memref_squeeze %dma_start3A_350 : memref<1x64xi32, #tpu.memory_space<vmem>> -> memref<64xi32, #tpu.memory_space<vmem>>
        %dma_start3A_352 = arith.constant 0 : i32
        %dma_start3A_353 = arith.constant 0 : i32
        %dma_start3A_354 = tpu.memref_slice %arg17[%dma_start3A_352, %dma_start3A_353] : memref<10112x128xf32, #tpu.memory_space<vmem_shared>> -> memref<10112x128xf32, #tpu.memory_space<vmem_shared>>
        tpu.enqueue_indirect_dma source(%arg20 : memref<64x128xf32, #tpu.memory_space<vmem>>) target(%dma_start3A_354 : memref<10112x128xf32, #tpu.memory_space<vmem_shared>>) offsets(%dma_start3A_351 : memref<64xi32, #tpu.memory_space<vmem>>) semaphore(%run_scoped3A_348 : memref<!tpu.dma_semaphore, #tpu.memory_space<semaphore_mem>>) {add = true}
        %dma_wait3A_355 = arith.constant 0 : i32
        %dma_wait3A_356 = tpu.memref_slice %arg19[%mul3A_316, %dma_wait3A_355] : memref<40x64xi32, #tpu.memory_space<vmem>> -> memref<1x64xi32, #tpu.memory_space<vmem>>
        %dma_wait3A_357 = tpu.memref_squeeze %dma_wait3A_356 : memref<1x64xi32, #tpu.memory_space<vmem>> -> memref<64xi32, #tpu.memory_space<vmem>>
        %dma_wait3A_358 = arith.constant 0 : i32
        %dma_wait3A_359 = arith.constant 0 : i32
        %dma_wait3A_360 = tpu.memref_slice %arg17[%dma_wait3A_358, %dma_wait3A_359] : memref<10112x128xf32, #tpu.memory_space<vmem_shared>> -> memref<10112x128xf32, #tpu.memory_space<vmem_shared>>
        tpu.wait_indirect_dma semaphore(%run_scoped3A_348 : memref<!tpu.dma_semaphore, #tpu.memory_space<semaphore_mem>>) src(%arg20 : memref<64x128xf32, #tpu.memory_space<vmem>>) dst(%dma_wait3A_360 : memref<10112x128xf32, #tpu.memory_space<vmem_shared>>)
        tpu.yield
      }) : () -> ()
      %add3A_330 = arith.constant 1 : i32
      %add3A_331 = arith.addi %mul3A_316, %add3A_330 : i32
      %dma_wait3A_332 = arith.constant 0 : i32
      %dma_wait3A_333 = tpu.memref_slice %arg18[%add3A_331, %dma_wait3A_332] : memref<40x64xi32, #tpu.memory_space<vmem>> -> memref<1x64xi32, #tpu.memory_space<vmem>>
      %dma_wait3A_334 = tpu.memref_squeeze %dma_wait3A_333 : memref<1x64xi32, #tpu.memory_space<vmem>> -> memref<64xi32, #tpu.memory_space<vmem>>
      %dma_wait3A_335 = arith.constant 0 : i32
      %dma_wait3A_336 = arith.constant 0 : i32
      %dma_wait3A_337 = tpu.memref_slice %arg3[%dma_wait3A_335, %dma_wait3A_336] : memref<20000x128xf32, #tpu.memory_space<hbm>> -> memref<20000x128xf32, #tpu.memory_space<hbm>>
      tpu.wait_indirect_dma semaphore(%arg24 : memref<!tpu.dma_semaphore, #tpu.memory_space<semaphore_mem>>) src(%dma_wait3A_337 : memref<20000x128xf32, #tpu.memory_space<hbm>>) dst(%arg21 : memref<64x128xf32, #tpu.memory_space<vmem>>)
      %add3A_338 = arith.constant 2 : i32
      %add3A_339 = arith.addi %mul3A_316, %add3A_338 : i32
      %dma_start3A_340 = arith.constant 0 : i32
      %dma_start3A_341 = tpu.memref_slice %arg18[%add3A_339, %dma_start3A_340] : memref<40x64xi32, #tpu.memory_space<vmem>> -> memref<1x64xi32, #tpu.memory_space<vmem>>
      %dma_start3A_342 = tpu.memref_squeeze %dma_start3A_341 : memref<1x64xi32, #tpu.memory_space<vmem>> -> memref<64xi32, #tpu.memory_space<vmem>>
      %dma_start3A_343 = arith.constant 0 : i32
      %dma_start3A_344 = arith.constant 0 : i32
      %dma_start3A_345 = tpu.memref_slice %arg3[%dma_start3A_343, %dma_start3A_344] : memref<20000x128xf32, #tpu.memory_space<hbm>> -> memref<20000x128xf32, #tpu.memory_space<hbm>>
      tpu.enqueue_indirect_dma source(%dma_start3A_345 : memref<20000x128xf32, #tpu.memory_space<hbm>>) target(%arg20 : memref<64x128xf32, #tpu.memory_space<vmem>>) offsets(%dma_start3A_342 : memref<64xi32, #tpu.memory_space<vmem>>) semaphore(%arg23 : memref<!tpu.dma_semaphore, #tpu.memory_space<semaphore_mem>>)
      %add3A_346 = arith.constant 1 : i32
      %add3A_347 = arith.addi %mul3A_316, %add3A_346 : i32
      "tpu.region"() ({
        %run_scoped3A_348 = tpu.sem_alloc : memref<!tpu.dma_semaphore, #tpu.memory_space<semaphore_mem>>
        %dma_start3A_349 = arith.constant 0 : i32
        %dma_start3A_350 = tpu.memref_slice %arg19[%add3A_347, %dma_start3A_349] : memref<40x64xi32, #tpu.memory_space<vmem>> -> memref<1x64xi32, #tpu.memory_space<vmem>>
        %dma_start3A_351 = tpu.memref_squeeze %dma_start3A_350 : memref<1x64xi32, #tpu.memory_space<vmem>> -> memref<64xi32, #tpu.memory_space<vmem>>
        %dma_start3A_352 = arith.constant 0 : i32
        %dma_start3A_353 = arith.constant 0 : i32
        %dma_start3A_354 = tpu.memref_slice %arg17[%dma_start3A_352, %dma_start3A_353] : memref<10112x128xf32, #tpu.memory_space<vmem_shared>> -> memref<10112x128xf32, #tpu.memory_space<vmem_shared>>
        tpu.enqueue_indirect_dma source(%arg21 : memref<64x128xf32, #tpu.memory_space<vmem>>) target(%dma_start3A_354 : memref<10112x128xf32, #tpu.memory_space<vmem_shared>>) offsets(%dma_start3A_351 : memref<64xi32, #tpu.memory_space<vmem>>) semaphore(%run_scoped3A_348 : memref<!tpu.dma_semaphore, #tpu.memory_space<semaphore_mem>>) {add = true}
        %dma_wait3A_355 = arith.constant 0 : i32
        %dma_wait3A_356 = tpu.memref_slice %arg19[%add3A_347, %dma_wait3A_355] : memref<40x64xi32, #tpu.memory_space<vmem>> -> memref<1x64xi32, #tpu.memory_space<vmem>>
        %dma_wait3A_357 = tpu.memref_squeeze %dma_wait3A_356 : memref<1x64xi32, #tpu.memory_space<vmem>> -> memref<64xi32, #tpu.memory_space<vmem>>
        %dma_wait3A_358 = arith.constant 0 : i32
        %dma_wait3A_359 = arith.constant 0 : i32
        %dma_wait3A_360 = tpu.memref_slice %arg17[%dma_wait3A_358, %dma_wait3A_359] : memref<10112x128xf32, #tpu.memory_space<vmem_shared>> -> memref<10112x128xf32, #tpu.memory_space<vmem_shared>>
        tpu.wait_indirect_dma semaphore(%run_scoped3A_348 : memref<!tpu.dma_semaphore, #tpu.memory_space<semaphore_mem>>) src(%arg21 : memref<64x128xf32, #tpu.memory_space<vmem>>) dst(%dma_wait3A_360 : memref<10112x128xf32, #tpu.memory_space<vmem_shared>>)
        tpu.yield
      }) : () -> ()
    }
    %scan3A_205 = arith.constant 19 : i32
    %dma_wait3A_206 = arith.constant 38 : i32
    %dma_wait3A_207 = arith.constant 0 : i32
    %dma_wait3A_208 = tpu.memref_slice %arg18[%dma_wait3A_206, %dma_wait3A_207] : memref<40x64xi32, #tpu.memory_space<vmem>> -> memref<1x64xi32, #tpu.memory_space<vmem>>
    %dma_wait3A_209 = tpu.memref_squeeze %dma_wait3A_208 : memref<1x64xi32, #tpu.memory_space<vmem>> -> memref<64xi32, #tpu.memory_space<vmem>>
    %dma_wait3A_210 = arith.constant 0 : i32
    %dma_wait3A_211 = arith.constant 0 : i32
    %dma_wait3A_212 = tpu.memref_slice %arg3[%dma_wait3A_210, %dma_wait3A_211] : memref<20000x128xf32, #tpu.memory_space<hbm>> -> memref<20000x128xf32, #tpu.memory_space<hbm>>
    tpu.wait_indirect_dma semaphore(%arg23 : memref<!tpu.dma_semaphore, #tpu.memory_space<semaphore_mem>>) src(%dma_wait3A_212 : memref<20000x128xf32, #tpu.memory_space<hbm>>) dst(%arg20 : memref<64x128xf32, #tpu.memory_space<vmem>>)
    %dma_start3A_213 = arith.constant 39 : i32
    %dma_start3A_214 = arith.constant 0 : i32
    %dma_start3A_215 = tpu.memref_slice %arg18[%dma_start3A_213, %dma_start3A_214] : memref<40x64xi32, #tpu.memory_space<vmem>> -> memref<1x64xi32, #tpu.memory_space<vmem>>
    %dma_start3A_216 = tpu.memref_squeeze %dma_start3A_215 : memref<1x64xi32, #tpu.memory_space<vmem>> -> memref<64xi32, #tpu.memory_space<vmem>>
    %dma_start3A_217 = arith.constant 0 : i32
    %dma_start3A_218 = arith.constant 0 : i32
    %dma_start3A_219 = tpu.memref_slice %arg3[%dma_start3A_217, %dma_start3A_218] : memref<20000x128xf32, #tpu.memory_space<hbm>> -> memref<20000x128xf32, #tpu.memory_space<hbm>>
    tpu.enqueue_indirect_dma source(%dma_start3A_219 : memref<20000x128xf32, #tpu.memory_space<hbm>>) target(%arg21 : memref<64x128xf32, #tpu.memory_space<vmem>>) offsets(%dma_start3A_216 : memref<64xi32, #tpu.memory_space<vmem>>) semaphore(%arg24 : memref<!tpu.dma_semaphore, #tpu.memory_space<semaphore_mem>>)
    %run_scoped3A_220 = arith.constant 38 : i32
    "tpu.region"() ({
      %run_scoped3A_314 = tpu.sem_alloc : memref<!tpu.dma_semaphore, #tpu.memory_space<semaphore_mem>>
      %dma_start3A_315 = arith.constant 0 : i32
      %dma_start3A_316 = tpu.memref_slice %arg19[%run_scoped3A_220, %dma_start3A_315] : memref<40x64xi32, #tpu.memory_space<vmem>> -> memref<1x64xi32, #tpu.memory_space<vmem>>
      %dma_start3A_317 = tpu.memref_squeeze %dma_start3A_316 : memref<1x64xi32, #tpu.memory_space<vmem>> -> memref<64xi32, #tpu.memory_space<vmem>>
      %dma_start3A_318 = arith.constant 0 : i32
      %dma_start3A_319 = arith.constant 0 : i32
      %dma_start3A_320 = tpu.memref_slice %arg17[%dma_start3A_318, %dma_start3A_319] : memref<10112x128xf32, #tpu.memory_space<vmem_shared>> -> memref<10112x128xf32, #tpu.memory_space<vmem_shared>>
      tpu.enqueue_indirect_dma source(%arg20 : memref<64x128xf32, #tpu.memory_space<vmem>>) target(%dma_start3A_320 : memref<10112x128xf32, #tpu.memory_space<vmem_shared>>) offsets(%dma_start3A_317 : memref<64xi32, #tpu.memory_space<vmem>>) semaphore(%run_scoped3A_314 : memref<!tpu.dma_semaphore, #tpu.memory_space<semaphore_mem>>) {add = true}
      %dma_wait3A_321 = arith.constant 0 : i32
      %dma_wait3A_322 = tpu.memref_slice %arg19[%run_scoped3A_220, %dma_wait3A_321] : memref<40x64xi32, #tpu.memory_space<vmem>> -> memref<1x64xi32, #tpu.memory_space<vmem>>
      %dma_wait3A_323 = tpu.memref_squeeze %dma_wait3A_322 : memref<1x64xi32, #tpu.memory_space<vmem>> -> memref<64xi32, #tpu.memory_space<vmem>>
      %dma_wait3A_324 = arith.constant 0 : i32
      %dma_wait3A_325 = arith.constant 0 : i32
      %dma_wait3A_326 = tpu.memref_slice %arg17[%dma_wait3A_324, %dma_wait3A_325] : memref<10112x128xf32, #tpu.memory_space<vmem_shared>> -> memref<10112x128xf32, #tpu.memory_space<vmem_shared>>
      tpu.wait_indirect_dma semaphore(%run_scoped3A_314 : memref<!tpu.dma_semaphore, #tpu.memory_space<semaphore_mem>>) src(%arg20 : memref<64x128xf32, #tpu.memory_space<vmem>>) dst(%dma_wait3A_326 : memref<10112x128xf32, #tpu.memory_space<vmem_shared>>)
      tpu.yield
    }) : () -> ()
    %dma_wait3A_221 = arith.constant 39 : i32
    %dma_wait3A_222 = arith.constant 0 : i32
    %dma_wait3A_223 = tpu.memref_slice %arg18[%dma_wait3A_221, %dma_wait3A_222] : memref<40x64xi32, #tpu.memory_space<vmem>> -> memref<1x64xi32, #tpu.memory_space<vmem>>
    %dma_wait3A_224 = tpu.memref_squeeze %dma_wait3A_223 : memref<1x64xi32, #tpu.memory_space<vmem>> -> memref<64xi32, #tpu.memory_space<vmem>>
    %dma_wait3A_225 = arith.constant 0 : i32
    %dma_wait3A_226 = arith.constant 0 : i32
    %dma_wait3A_227 = tpu.memref_slice %arg3[%dma_wait3A_225, %dma_wait3A_226] : memref<20000x128xf32, #tpu.memory_space<hbm>> -> memref<20000x128xf32, #tpu.memory_space<hbm>>
    tpu.wait_indirect_dma semaphore(%arg24 : memref<!tpu.dma_semaphore, #tpu.memory_space<semaphore_mem>>) src(%dma_wait3A_227 : memref<20000x128xf32, #tpu.memory_space<hbm>>) dst(%arg21 : memref<64x128xf32, #tpu.memory_space<vmem>>)
    %run_scoped3A_228 = arith.constant 39 : i32
    "tpu.region"() ({
      %run_scoped3A_314 = tpu.sem_alloc : memref<!tpu.dma_semaphore, #tpu.memory_space<semaphore_mem>>
      %dma_start3A_315 = arith.constant 0 : i32
      %dma_start3A_316 = tpu.memref_slice %arg19[%run_scoped3A_228, %dma_start3A_315] : memref<40x64xi32, #tpu.memory_space<vmem>> -> memref<1x64xi32, #tpu.memory_space<vmem>>
      %dma_start3A_317 = tpu.memref_squeeze %dma_start3A_316 : memref<1x64xi32, #tpu.memory_space<vmem>> -> memref<64xi32, #tpu.memory_space<vmem>>
      %dma_start3A_318 = arith.constant 0 : i32
      %dma_start3A_319 = arith.constant 0 : i32
      %dma_start3A_320 = tpu.memref_slice %arg17[%dma_start3A_318, %dma_start3A_319] : memref<10112x128xf32, #tpu.memory_space<vmem_shared>> -> memref<10112x128xf32, #tpu.memory_space<vmem_shared>>
      tpu.enqueue_indirect_dma source(%arg21 : memref<64x128xf32, #tpu.memory_space<vmem>>) target(%dma_start3A_320 : memref<10112x128xf32, #tpu.memory_space<vmem_shared>>) offsets(%dma_start3A_317 : memref<64xi32, #tpu.memory_space<vmem>>) semaphore(%run_scoped3A_314 : memref<!tpu.dma_semaphore, #tpu.memory_space<semaphore_mem>>) {add = true}
      %dma_wait3A_321 = arith.constant 0 : i32
      %dma_wait3A_322 = tpu.memref_slice %arg19[%run_scoped3A_228, %dma_wait3A_321] : memref<40x64xi32, #tpu.memory_space<vmem>> -> memref<1x64xi32, #tpu.memory_space<vmem>>
      %dma_wait3A_323 = tpu.memref_squeeze %dma_wait3A_322 : memref<1x64xi32, #tpu.memory_space<vmem>> -> memref<64xi32, #tpu.memory_space<vmem>>
      %dma_wait3A_324 = arith.constant 0 : i32
      %dma_wait3A_325 = arith.constant 0 : i32
      %dma_wait3A_326 = tpu.memref_slice %arg17[%dma_wait3A_324, %dma_wait3A_325] : memref<10112x128xf32, #tpu.memory_space<vmem_shared>> -> memref<10112x128xf32, #tpu.memory_space<vmem_shared>>
      tpu.wait_indirect_dma semaphore(%run_scoped3A_314 : memref<!tpu.dma_semaphore, #tpu.memory_space<semaphore_mem>>) src(%arg21 : memref<64x128xf32, #tpu.memory_space<vmem>>) dst(%dma_wait3A_326 : memref<10112x128xf32, #tpu.memory_space<vmem_shared>>)
      tpu.yield
    }) : () -> ()
    %barrier3A_229 = arith.constant 0 : index
    tpu.barrier barrier_id(%barrier3A_229)
    %mul3A_230 = arith.constant 632 : i32
    %mul3A_231 = arith.muli %arg1, %mul3A_230 : i32
    %mul3A_232 = arith.constant 632 : i32
    %mul3A_233 = arith.muli %arg1, %mul3A_232 : i32
    "tpu.region"() ({
      %run_scoped3A_314 = tpu.sem_alloc : memref<!tpu.dma_semaphore, #tpu.memory_space<semaphore_mem>>
      %dma_start3A_315 = arith.constant 0 : i32
      %dma_start3A_316 = tpu.memref_slice %arg15[%arg0, %mul3A_233, %dma_start3A_315] : memref<2x10112x128xf32, #tpu.memory_space<hbm>> -> memref<1x632x128xf32, #tpu.memory_space<hbm>>
      %dma_start3A_317 = tpu.memref_squeeze %dma_start3A_316 : memref<1x632x128xf32, #tpu.memory_space<hbm>> -> memref<632x128xf32, #tpu.memory_space<hbm>>
      %dma_start3A_318 = arith.constant 0 : i32
      %dma_start3A_319 = tpu.memref_slice %arg17[%mul3A_231, %dma_start3A_318] : memref<10112x128xf32, #tpu.memory_space<vmem_shared>> -> memref<632x128xf32, #tpu.memory_space<vmem_shared>>
      tpu.enqueue_dma source(%dma_start3A_319 : memref<632x128xf32, #tpu.memory_space<vmem_shared>>) target(%dma_start3A_317 : memref<632x128xf32, #tpu.memory_space<hbm>>) target_semaphore(%run_scoped3A_314 : memref<!tpu.dma_semaphore, #tpu.memory_space<semaphore_mem>>)
      %dma_wait3A_320 = arith.constant 0 : i32
      %dma_wait3A_321 = tpu.memref_slice %arg15[%arg0, %mul3A_233, %dma_wait3A_320] : memref<2x10112x128xf32, #tpu.memory_space<hbm>> -> memref<1x632x128xf32, #tpu.memory_space<hbm>>
      %dma_wait3A_322 = tpu.memref_squeeze %dma_wait3A_321 : memref<1x632x128xf32, #tpu.memory_space<hbm>> -> memref<632x128xf32, #tpu.memory_space<hbm>>
      %dma_wait3A_323 = arith.constant 0 : i32
      %dma_wait3A_324 = tpu.memref_slice %arg17[%mul3A_231, %dma_wait3A_323] : memref<10112x128xf32, #tpu.memory_space<vmem_shared>> -> memref<632x128xf32, #tpu.memory_space<vmem_shared>>
      tpu.wait_dma2 semaphore(%run_scoped3A_314 : memref<!tpu.dma_semaphore, #tpu.memory_space<semaphore_mem>>) src(%dma_wait3A_324 : memref<632x128xf32, #tpu.memory_space<vmem_shared>>) dst(%dma_wait3A_322 : memref<632x128xf32, #tpu.memory_space<hbm>>)
      tpu.yield
    }) : () -> ()
    %mul3A_234 = arith.constant 632 : i32
    %mul3A_235 = arith.muli %arg1, %mul3A_234 : i32
    %dma_start3A_236 = arith.constant 0 : i32
    %dma_start3A_237 = tpu.memref_slice %arg17[%mul3A_235, %dma_start3A_236] : memref<10112x128xf32, #tpu.memory_space<vmem_shared>> -> memref<632x128xf32, #tpu.memory_space<vmem_shared>>
    tpu.enqueue_dma source(%arg12 : memref<632x128xf32, #tpu.memory_space<hbm>>) target(%dma_start3A_237 : memref<632x128xf32, #tpu.memory_space<vmem_shared>>) target_semaphore(%arg22 : memref<!tpu.dma_semaphore, #tpu.memory_space<semaphore_mem>>)
    %dma_start3A_238 = arith.constant 0 : i32
    %dma_start3A_239 = arith.constant 0 : i32
    %dma_start3A_240 = tpu.memref_slice %arg10[%arg0, %arg1, %dma_start3A_238, %dma_start3A_239] : memref<2x16x40x64xi32, #tpu.memory_space<hbm>> -> memref<1x1x40x64xi32, #tpu.memory_space<hbm>>
    %dma_start3A_241 = tpu.memref_squeeze %dma_start3A_240 : memref<1x1x40x64xi32, #tpu.memory_space<hbm>> -> memref<40x64xi32, #tpu.memory_space<hbm>>
    %dma_start3A_242 = arith.constant 0 : i32
    %dma_start3A_243 = arith.constant 0 : i32
    %dma_start3A_244 = tpu.memref_slice %arg10[%arg0, %arg1, %dma_start3A_242, %dma_start3A_243] : memref<2x16x40x64xi32, #tpu.memory_space<hbm>> -> memref<1x1x40x64xi32, #tpu.memory_space<hbm>>
    %dma_start3A_245 = tpu.memref_squeeze %dma_start3A_244 : memref<1x1x40x64xi32, #tpu.memory_space<hbm>> -> memref<40x64xi32, #tpu.memory_space<hbm>>
    tpu.enqueue_dma source(%dma_start3A_245 : memref<40x64xi32, #tpu.memory_space<hbm>>) target(%arg18 : memref<40x64xi32, #tpu.memory_space<vmem>>) target_semaphore(%arg22 : memref<!tpu.dma_semaphore, #tpu.memory_space<semaphore_mem>>)
    %dma_start3A_246 = arith.constant 0 : i32
    %dma_start3A_247 = arith.constant 0 : i32
    %dma_start3A_248 = tpu.memref_slice %arg11[%arg1, %dma_start3A_246, %dma_start3A_247] : memref<16x40x64xi32, #tpu.memory_space<hbm>> -> memref<1x40x64xi32, #tpu.memory_space<hbm>>
    %dma_start3A_249 = tpu.memref_squeeze %dma_start3A_248 : memref<1x40x64xi32, #tpu.memory_space<hbm>> -> memref<40x64xi32, #tpu.memory_space<hbm>>
    %dma_start3A_250 = arith.constant 0 : i32
    %dma_start3A_251 = arith.constant 0 : i32
    %dma_start3A_252 = tpu.memref_slice %arg11[%arg1, %dma_start3A_250, %dma_start3A_251] : memref<16x40x64xi32, #tpu.memory_space<hbm>> -> memref<1x40x64xi32, #tpu.memory_space<hbm>>
    %dma_start3A_253 = tpu.memref_squeeze %dma_start3A_252 : memref<1x40x64xi32, #tpu.memory_space<hbm>> -> memref<40x64xi32, #tpu.memory_space<hbm>>
    tpu.enqueue_dma source(%dma_start3A_253 : memref<40x64xi32, #tpu.memory_space<hbm>>) target(%arg19 : memref<40x64xi32, #tpu.memory_space<vmem>>) target_semaphore(%arg22 : memref<!tpu.dma_semaphore, #tpu.memory_space<semaphore_mem>>)
    %dma_wait3A_254 = arith.constant 0 : i32
    %dma_wait3A_255 = tpu.memref_slice %arg17[%mul3A_235, %dma_wait3A_254] : memref<10112x128xf32, #tpu.memory_space<vmem_shared>> -> memref<632x128xf32, #tpu.memory_space<vmem_shared>>
    tpu.wait_dma2 semaphore(%arg22 : memref<!tpu.dma_semaphore, #tpu.memory_space<semaphore_mem>>) src(%arg12 : memref<632x128xf32, #tpu.memory_space<hbm>>) dst(%dma_wait3A_255 : memref<632x128xf32, #tpu.memory_space<vmem_shared>>)
    %dma_wait3A_256 = arith.constant 0 : i32
    %dma_wait3A_257 = arith.constant 0 : i32
    %dma_wait3A_258 = tpu.memref_slice %arg10[%arg0, %arg1, %dma_wait3A_256, %dma_wait3A_257] : memref<2x16x40x64xi32, #tpu.memory_space<hbm>> -> memref<1x1x40x64xi32, #tpu.memory_space<hbm>>
    %dma_wait3A_259 = tpu.memref_squeeze %dma_wait3A_258 : memref<1x1x40x64xi32, #tpu.memory_space<hbm>> -> memref<40x64xi32, #tpu.memory_space<hbm>>
    %dma_wait3A_260 = arith.constant 0 : i32
    %dma_wait3A_261 = arith.constant 0 : i32
    %dma_wait3A_262 = tpu.memref_slice %arg10[%arg0, %arg1, %dma_wait3A_260, %dma_wait3A_261] : memref<2x16x40x64xi32, #tpu.memory_space<hbm>> -> memref<1x1x40x64xi32, #tpu.memory_space<hbm>>
    %dma_wait3A_263 = tpu.memref_squeeze %dma_wait3A_262 : memref<1x1x40x64xi32, #tpu.memory_space<hbm>> -> memref<40x64xi32, #tpu.memory_space<hbm>>
    tpu.wait_dma2 semaphore(%arg22 : memref<!tpu.dma_semaphore, #tpu.memory_space<semaphore_mem>>) src(%dma_wait3A_263 : memref<40x64xi32, #tpu.memory_space<hbm>>) dst(%arg18 : memref<40x64xi32, #tpu.memory_space<vmem>>)
    %dma_wait3A_264 = arith.constant 0 : i32
    %dma_wait3A_265 = arith.constant 0 : i32
    %dma_wait3A_266 = tpu.memref_slice %arg11[%arg1, %dma_wait3A_264, %dma_wait3A_265] : memref<16x40x64xi32, #tpu.memory_space<hbm>> -> memref<1x40x64xi32, #tpu.memory_space<hbm>>
    %dma_wait3A_267 = tpu.memref_squeeze %dma_wait3A_266 : memref<1x40x64xi32, #tpu.memory_space<hbm>> -> memref<40x64xi32, #tpu.memory_space<hbm>>
    %dma_wait3A_268 = arith.constant 0 : i32
    %dma_wait3A_269 = arith.constant 0 : i32
    %dma_wait3A_270 = tpu.memref_slice %arg11[%arg1, %dma_wait3A_268, %dma_wait3A_269] : memref<16x40x64xi32, #tpu.memory_space<hbm>> -> memref<1x40x64xi32, #tpu.memory_space<hbm>>
    %dma_wait3A_271 = tpu.memref_squeeze %dma_wait3A_270 : memref<1x40x64xi32, #tpu.memory_space<hbm>> -> memref<40x64xi32, #tpu.memory_space<hbm>>
    tpu.wait_dma2 semaphore(%arg22 : memref<!tpu.dma_semaphore, #tpu.memory_space<semaphore_mem>>) src(%dma_wait3A_271 : memref<40x64xi32, #tpu.memory_space<hbm>>) dst(%arg19 : memref<40x64xi32, #tpu.memory_space<vmem>>)
    %barrier3A_272 = arith.constant 0 : index
    tpu.barrier barrier_id(%barrier3A_272)
    %dma_start3A_273 = arith.constant 0 : i32
    %dma_start3A_274 = arith.constant 0 : i32
    %dma_start3A_275 = tpu.memref_slice %arg18[%dma_start3A_273, %dma_start3A_274] : memref<40x64xi32, #tpu.memory_space<vmem>> -> memref<1x64xi32, #tpu.memory_space<vmem>>
    %dma_start3A_276 = tpu.memref_squeeze %dma_start3A_275 : memref<1x64xi32, #tpu.memory_space<vmem>> -> memref<64xi32, #tpu.memory_space<vmem>>
    %dma_start3A_277 = arith.constant 0 : i32
    %dma_start3A_278 = arith.constant 0 : i32
    %dma_start3A_279 = tpu.memref_slice %arg3[%dma_start3A_277, %dma_start3A_278] : memref<20000x128xf32, #tpu.memory_space<hbm>> -> memref<20000x128xf32, #tpu.memory_space<hbm>>
    tpu.enqueue_indirect_dma source(%dma_start3A_279 : memref<20000x128xf32, #tpu.memory_space<hbm>>) target(%arg20 : memref<64x128xf32, #tpu.memory_space<vmem>>) offsets(%dma_start3A_276 : memref<64xi32, #tpu.memory_space<vmem>>) semaphore(%arg23 : memref<!tpu.dma_semaphore, #tpu.memory_space<semaphore_mem>>)
    %scan3A_280 = arith.constant 0 : i32
    %scan3A_281 = arith.constant 0 : i32
    %scan3A_282 = arith.constant 19 : i32
    %scan3A_283 = arith.addi %scan3A_281, %scan3A_282 : i32
    %scan3A_284 = arith.constant 1 : i32
    scf.for %scan3A_314 = %scan3A_281 to %scan3A_283 step %scan3A_284  : i32 {
      %mul3A_315 = arith.constant 2 : i32
      %mul3A_316 = arith.muli %mul3A_315, %scan3A_314 : i32
      %dma_wait3A_317 = arith.constant 0 : i32
      %dma_wait3A_318 = tpu.memref_slice %arg18[%mul3A_316, %dma_wait3A_317] : memref<40x64xi32, #tpu.memory_space<vmem>> -> memref<1x64xi32, #tpu.memory_space<vmem>>
      %dma_wait3A_319 = tpu.memref_squeeze %dma_wait3A_318 : memref<1x64xi32, #tpu.memory_space<vmem>> -> memref<64xi32, #tpu.memory_space<vmem>>
      %dma_wait3A_320 = arith.constant 0 : i32
      %dma_wait3A_321 = arith.constant 0 : i32
      %dma_wait3A_322 = tpu.memref_slice %arg3[%dma_wait3A_320, %dma_wait3A_321] : memref<20000x128xf32, #tpu.memory_space<hbm>> -> memref<20000x128xf32, #tpu.memory_space<hbm>>
      tpu.wait_indirect_dma semaphore(%arg23 : memref<!tpu.dma_semaphore, #tpu.memory_space<semaphore_mem>>) src(%dma_wait3A_322 : memref<20000x128xf32, #tpu.memory_space<hbm>>) dst(%arg20 : memref<64x128xf32, #tpu.memory_space<vmem>>)
      %add3A = arith.constant 1 : i32
      %add3A_323 = arith.addi %mul3A_316, %add3A : i32
      %dma_start3A_324 = arith.constant 0 : i32
      %dma_start3A_325 = tpu.memref_slice %arg18[%add3A_323, %dma_start3A_324] : memref<40x64xi32, #tpu.memory_space<vmem>> -> memref<1x64xi32, #tpu.memory_space<vmem>>
      %dma_start3A_326 = tpu.memref_squeeze %dma_start3A_325 : memref<1x64xi32, #tpu.memory_space<vmem>> -> memref<64xi32, #tpu.memory_space<vmem>>
      %dma_start3A_327 = arith.constant 0 : i32
      %dma_start3A_328 = arith.constant 0 : i32
      %dma_start3A_329 = tpu.memref_slice %arg3[%dma_start3A_327, %dma_start3A_328] : memref<20000x128xf32, #tpu.memory_space<hbm>> -> memref<20000x128xf32, #tpu.memory_space<hbm>>
      tpu.enqueue_indirect_dma source(%dma_start3A_329 : memref<20000x128xf32, #tpu.memory_space<hbm>>) target(%arg21 : memref<64x128xf32, #tpu.memory_space<vmem>>) offsets(%dma_start3A_326 : memref<64xi32, #tpu.memory_space<vmem>>) semaphore(%arg24 : memref<!tpu.dma_semaphore, #tpu.memory_space<semaphore_mem>>)
      "tpu.region"() ({
        %run_scoped3A_348 = tpu.sem_alloc : memref<!tpu.dma_semaphore, #tpu.memory_space<semaphore_mem>>
        %dma_start3A_349 = arith.constant 0 : i32
        %dma_start3A_350 = tpu.memref_slice %arg19[%mul3A_316, %dma_start3A_349] : memref<40x64xi32, #tpu.memory_space<vmem>> -> memref<1x64xi32, #tpu.memory_space<vmem>>
        %dma_start3A_351 = tpu.memref_squeeze %dma_start3A_350 : memref<1x64xi32, #tpu.memory_space<vmem>> -> memref<64xi32, #tpu.memory_space<vmem>>
        %dma_start3A_352 = arith.constant 0 : i32
        %dma_start3A_353 = arith.constant 0 : i32
        %dma_start3A_354 = tpu.memref_slice %arg17[%dma_start3A_352, %dma_start3A_353] : memref<10112x128xf32, #tpu.memory_space<vmem_shared>> -> memref<10112x128xf32, #tpu.memory_space<vmem_shared>>
        tpu.enqueue_indirect_dma source(%arg20 : memref<64x128xf32, #tpu.memory_space<vmem>>) target(%dma_start3A_354 : memref<10112x128xf32, #tpu.memory_space<vmem_shared>>) offsets(%dma_start3A_351 : memref<64xi32, #tpu.memory_space<vmem>>) semaphore(%run_scoped3A_348 : memref<!tpu.dma_semaphore, #tpu.memory_space<semaphore_mem>>) {add = true}
        %dma_wait3A_355 = arith.constant 0 : i32
        %dma_wait3A_356 = tpu.memref_slice %arg19[%mul3A_316, %dma_wait3A_355] : memref<40x64xi32, #tpu.memory_space<vmem>> -> memref<1x64xi32, #tpu.memory_space<vmem>>
        %dma_wait3A_357 = tpu.memref_squeeze %dma_wait3A_356 : memref<1x64xi32, #tpu.memory_space<vmem>> -> memref<64xi32, #tpu.memory_space<vmem>>
        %dma_wait3A_358 = arith.constant 0 : i32
        %dma_wait3A_359 = arith.constant 0 : i32
        %dma_wait3A_360 = tpu.memref_slice %arg17[%dma_wait3A_358, %dma_wait3A_359] : memref<10112x128xf32, #tpu.memory_space<vmem_shared>> -> memref<10112x128xf32, #tpu.memory_space<vmem_shared>>
        tpu.wait_indirect_dma semaphore(%run_scoped3A_348 : memref<!tpu.dma_semaphore, #tpu.memory_space<semaphore_mem>>) src(%arg20 : memref<64x128xf32, #tpu.memory_space<vmem>>) dst(%dma_wait3A_360 : memref<10112x128xf32, #tpu.memory_space<vmem_shared>>)
        tpu.yield
      }) : () -> ()
      %add3A_330 = arith.constant 1 : i32
      %add3A_331 = arith.addi %mul3A_316, %add3A_330 : i32
      %dma_wait3A_332 = arith.constant 0 : i32
      %dma_wait3A_333 = tpu.memref_slice %arg18[%add3A_331, %dma_wait3A_332] : memref<40x64xi32, #tpu.memory_space<vmem>> -> memref<1x64xi32, #tpu.memory_space<vmem>>
      %dma_wait3A_334 = tpu.memref_squeeze %dma_wait3A_333 : memref<1x64xi32, #tpu.memory_space<vmem>> -> memref<64xi32, #tpu.memory_space<vmem>>
      %dma_wait3A_335 = arith.constant 0 : i32
      %dma_wait3A_336 = arith.constant 0 : i32
      %dma_wait3A_337 = tpu.memref_slice %arg3[%dma_wait3A_335, %dma_wait3A_336] : memref<20000x128xf32, #tpu.memory_space<hbm>> -> memref<20000x128xf32, #tpu.memory_space<hbm>>
      tpu.wait_indirect_dma semaphore(%arg24 : memref<!tpu.dma_semaphore, #tpu.memory_space<semaphore_mem>>) src(%dma_wait3A_337 : memref<20000x128xf32, #tpu.memory_space<hbm>>) dst(%arg21 : memref<64x128xf32, #tpu.memory_space<vmem>>)
      %add3A_338 = arith.constant 2 : i32
      %add3A_339 = arith.addi %mul3A_316, %add3A_338 : i32
      %dma_start3A_340 = arith.constant 0 : i32
      %dma_start3A_341 = tpu.memref_slice %arg18[%add3A_339, %dma_start3A_340] : memref<40x64xi32, #tpu.memory_space<vmem>> -> memref<1x64xi32, #tpu.memory_space<vmem>>
      %dma_start3A_342 = tpu.memref_squeeze %dma_start3A_341 : memref<1x64xi32, #tpu.memory_space<vmem>> -> memref<64xi32, #tpu.memory_space<vmem>>
      %dma_start3A_343 = arith.constant 0 : i32
      %dma_start3A_344 = arith.constant 0 : i32
      %dma_start3A_345 = tpu.memref_slice %arg3[%dma_start3A_343, %dma_start3A_344] : memref<20000x128xf32, #tpu.memory_space<hbm>> -> memref<20000x128xf32, #tpu.memory_space<hbm>>
      tpu.enqueue_indirect_dma source(%dma_start3A_345 : memref<20000x128xf32, #tpu.memory_space<hbm>>) target(%arg20 : memref<64x128xf32, #tpu.memory_space<vmem>>) offsets(%dma_start3A_342 : memref<64xi32, #tpu.memory_space<vmem>>) semaphore(%arg23 : memref<!tpu.dma_semaphore, #tpu.memory_space<semaphore_mem>>)
      %add3A_346 = arith.constant 1 : i32
      %add3A_347 = arith.addi %mul3A_316, %add3A_346 : i32
      "tpu.region"() ({
        %run_scoped3A_348 = tpu.sem_alloc : memref<!tpu.dma_semaphore, #tpu.memory_space<semaphore_mem>>
        %dma_start3A_349 = arith.constant 0 : i32
        %dma_start3A_350 = tpu.memref_slice %arg19[%add3A_347, %dma_start3A_349] : memref<40x64xi32, #tpu.memory_space<vmem>> -> memref<1x64xi32, #tpu.memory_space<vmem>>
        %dma_start3A_351 = tpu.memref_squeeze %dma_start3A_350 : memref<1x64xi32, #tpu.memory_space<vmem>> -> memref<64xi32, #tpu.memory_space<vmem>>
        %dma_start3A_352 = arith.constant 0 : i32
        %dma_start3A_353 = arith.constant 0 : i32
        %dma_start3A_354 = tpu.memref_slice %arg17[%dma_start3A_352, %dma_start3A_353] : memref<10112x128xf32, #tpu.memory_space<vmem_shared>> -> memref<10112x128xf32, #tpu.memory_space<vmem_shared>>
        tpu.enqueue_indirect_dma source(%arg21 : memref<64x128xf32, #tpu.memory_space<vmem>>) target(%dma_start3A_354 : memref<10112x128xf32, #tpu.memory_space<vmem_shared>>) offsets(%dma_start3A_351 : memref<64xi32, #tpu.memory_space<vmem>>) semaphore(%run_scoped3A_348 : memref<!tpu.dma_semaphore, #tpu.memory_space<semaphore_mem>>) {add = true}
        %dma_wait3A_355 = arith.constant 0 : i32
        %dma_wait3A_356 = tpu.memref_slice %arg19[%add3A_347, %dma_wait3A_355] : memref<40x64xi32, #tpu.memory_space<vmem>> -> memref<1x64xi32, #tpu.memory_space<vmem>>
        %dma_wait3A_357 = tpu.memref_squeeze %dma_wait3A_356 : memref<1x64xi32, #tpu.memory_space<vmem>> -> memref<64xi32, #tpu.memory_space<vmem>>
        %dma_wait3A_358 = arith.constant 0 : i32
        %dma_wait3A_359 = arith.constant 0 : i32
        %dma_wait3A_360 = tpu.memref_slice %arg17[%dma_wait3A_358, %dma_wait3A_359] : memref<10112x128xf32, #tpu.memory_space<vmem_shared>> -> memref<10112x128xf32, #tpu.memory_space<vmem_shared>>
        tpu.wait_indirect_dma semaphore(%run_scoped3A_348 : memref<!tpu.dma_semaphore, #tpu.memory_space<semaphore_mem>>) src(%arg21 : memref<64x128xf32, #tpu.memory_space<vmem>>) dst(%dma_wait3A_360 : memref<10112x128xf32, #tpu.memory_space<vmem_shared>>)
        tpu.yield
      }) : () -> ()
    }
    %scan3A_285 = arith.constant 19 : i32
    %dma_wait3A_286 = arith.constant 38 : i32
    %dma_wait3A_287 = arith.constant 0 : i32
    %dma_wait3A_288 = tpu.memref_slice %arg18[%dma_wait3A_286, %dma_wait3A_287] : memref<40x64xi32, #tpu.memory_space<vmem>> -> memref<1x64xi32, #tpu.memory_space<vmem>>
    %dma_wait3A_289 = tpu.memref_squeeze %dma_wait3A_288 : memref<1x64xi32, #tpu.memory_space<vmem>> -> memref<64xi32, #tpu.memory_space<vmem>>
    %dma_wait3A_290 = arith.constant 0 : i32
    %dma_wait3A_291 = arith.constant 0 : i32
    %dma_wait3A_292 = tpu.memref_slice %arg3[%dma_wait3A_290, %dma_wait3A_291] : memref<20000x128xf32, #tpu.memory_space<hbm>> -> memref<20000x128xf32, #tpu.memory_space<hbm>>
    tpu.wait_indirect_dma semaphore(%arg23 : memref<!tpu.dma_semaphore, #tpu.memory_space<semaphore_mem>>) src(%dma_wait3A_292 : memref<20000x128xf32, #tpu.memory_space<hbm>>) dst(%arg20 : memref<64x128xf32, #tpu.memory_space<vmem>>)
    %dma_start3A_293 = arith.constant 39 : i32
    %dma_start3A_294 = arith.constant 0 : i32
    %dma_start3A_295 = tpu.memref_slice %arg18[%dma_start3A_293, %dma_start3A_294] : memref<40x64xi32, #tpu.memory_space<vmem>> -> memref<1x64xi32, #tpu.memory_space<vmem>>
    %dma_start3A_296 = tpu.memref_squeeze %dma_start3A_295 : memref<1x64xi32, #tpu.memory_space<vmem>> -> memref<64xi32, #tpu.memory_space<vmem>>
    %dma_start3A_297 = arith.constant 0 : i32
    %dma_start3A_298 = arith.constant 0 : i32
    %dma_start3A_299 = tpu.memref_slice %arg3[%dma_start3A_297, %dma_start3A_298] : memref<20000x128xf32, #tpu.memory_space<hbm>> -> memref<20000x128xf32, #tpu.memory_space<hbm>>
    tpu.enqueue_indirect_dma source(%dma_start3A_299 : memref<20000x128xf32, #tpu.memory_space<hbm>>) target(%arg21 : memref<64x128xf32, #tpu.memory_space<vmem>>) offsets(%dma_start3A_296 : memref<64xi32, #tpu.memory_space<vmem>>) semaphore(%arg24 : memref<!tpu.dma_semaphore, #tpu.memory_space<semaphore_mem>>)
    %run_scoped3A_300 = arith.constant 38 : i32
    "tpu.region"() ({
      %run_scoped3A_314 = tpu.sem_alloc : memref<!tpu.dma_semaphore, #tpu.memory_space<semaphore_mem>>
      %dma_start3A_315 = arith.constant 0 : i32
      %dma_start3A_316 = tpu.memref_slice %arg19[%run_scoped3A_300, %dma_start3A_315] : memref<40x64xi32, #tpu.memory_space<vmem>> -> memref<1x64xi32, #tpu.memory_space<vmem>>
      %dma_start3A_317 = tpu.memref_squeeze %dma_start3A_316 : memref<1x64xi32, #tpu.memory_space<vmem>> -> memref<64xi32, #tpu.memory_space<vmem>>
      %dma_start3A_318 = arith.constant 0 : i32
      %dma_start3A_319 = arith.constant 0 : i32
      %dma_start3A_320 = tpu.memref_slice %arg17[%dma_start3A_318, %dma_start3A_319] : memref<10112x128xf32, #tpu.memory_space<vmem_shared>> -> memref<10112x128xf32, #tpu.memory_space<vmem_shared>>
      tpu.enqueue_indirect_dma source(%arg20 : memref<64x128xf32, #tpu.memory_space<vmem>>) target(%dma_start3A_320 : memref<10112x128xf32, #tpu.memory_space<vmem_shared>>) offsets(%dma_start3A_317 : memref<64xi32, #tpu.memory_space<vmem>>) semaphore(%run_scoped3A_314 : memref<!tpu.dma_semaphore, #tpu.memory_space<semaphore_mem>>) {add = true}
      %dma_wait3A_321 = arith.constant 0 : i32
      %dma_wait3A_322 = tpu.memref_slice %arg19[%run_scoped3A_300, %dma_wait3A_321] : memref<40x64xi32, #tpu.memory_space<vmem>> -> memref<1x64xi32, #tpu.memory_space<vmem>>
      %dma_wait3A_323 = tpu.memref_squeeze %dma_wait3A_322 : memref<1x64xi32, #tpu.memory_space<vmem>> -> memref<64xi32, #tpu.memory_space<vmem>>
      %dma_wait3A_324 = arith.constant 0 : i32
      %dma_wait3A_325 = arith.constant 0 : i32
      %dma_wait3A_326 = tpu.memref_slice %arg17[%dma_wait3A_324, %dma_wait3A_325] : memref<10112x128xf32, #tpu.memory_space<vmem_shared>> -> memref<10112x128xf32, #tpu.memory_space<vmem_shared>>
      tpu.wait_indirect_dma semaphore(%run_scoped3A_314 : memref<!tpu.dma_semaphore, #tpu.memory_space<semaphore_mem>>) src(%arg20 : memref<64x128xf32, #tpu.memory_space<vmem>>) dst(%dma_wait3A_326 : memref<10112x128xf32, #tpu.memory_space<vmem_shared>>)
      tpu.yield
    }) : () -> ()
    %dma_wait3A_301 = arith.constant 39 : i32
    %dma_wait3A_302 = arith.constant 0 : i32
    %dma_wait3A_303 = tpu.memref_slice %arg18[%dma_wait3A_301, %dma_wait3A_302] : memref<40x64xi32, #tpu.memory_space<vmem>> -> memref<1x64xi32, #tpu.memory_space<vmem>>
    %dma_wait3A_304 = tpu.memref_squeeze %dma_wait3A_303 : memref<1x64xi32, #tpu.memory_space<vmem>> -> memref<64xi32, #tpu.memory_space<vmem>>
    %dma_wait3A_305 = arith.constant 0 : i32
    %dma_wait3A_306 = arith.constant 0 : i32
    %dma_wait3A_307 = tpu.memref_slice %arg3[%dma_wait3A_305, %dma_wait3A_306] : memref<20000x128xf32, #tpu.memory_space<hbm>> -> memref<20000x128xf32, #tpu.memory_space<hbm>>
    tpu.wait_indirect_dma semaphore(%arg24 : memref<!tpu.dma_semaphore, #tpu.memory_space<semaphore_mem>>) src(%dma_wait3A_307 : memref<20000x128xf32, #tpu.memory_space<hbm>>) dst(%arg21 : memref<64x128xf32, #tpu.memory_space<vmem>>)
    %run_scoped3A_308 = arith.constant 39 : i32
    "tpu.region"() ({
      %run_scoped3A_314 = tpu.sem_alloc : memref<!tpu.dma_semaphore, #tpu.memory_space<semaphore_mem>>
      %dma_start3A_315 = arith.constant 0 : i32
      %dma_start3A_316 = tpu.memref_slice %arg19[%run_scoped3A_308, %dma_start3A_315] : memref<40x64xi32, #tpu.memory_space<vmem>> -> memref<1x64xi32, #tpu.memory_space<vmem>>
      %dma_start3A_317 = tpu.memref_squeeze %dma_start3A_316 : memref<1x64xi32, #tpu.memory_space<vmem>> -> memref<64xi32, #tpu.memory_space<vmem>>
      %dma_start3A_318 = arith.constant 0 : i32
      %dma_start3A_319 = arith.constant 0 : i32
      %dma_start3A_320 = tpu.memref_slice %arg17[%dma_start3A_318, %dma_start3A_319] : memref<10112x128xf32, #tpu.memory_space<vmem_shared>> -> memref<10112x128xf32, #tpu.memory_space<vmem_shared>>
      tpu.enqueue_indirect_dma source(%arg21 : memref<64x128xf32, #tpu.memory_space<vmem>>) target(%dma_start3A_320 : memref<10112x128xf32, #tpu.memory_space<vmem_shared>>) offsets(%dma_start3A_317 : memref<64xi32, #tpu.memory_space<vmem>>) semaphore(%run_scoped3A_314 : memref<!tpu.dma_semaphore, #tpu.memory_space<semaphore_mem>>) {add = true}
      %dma_wait3A_321 = arith.constant 0 : i32
      %dma_wait3A_322 = tpu.memref_slice %arg19[%run_scoped3A_308, %dma_wait3A_321] : memref<40x64xi32, #tpu.memory_space<vmem>> -> memref<1x64xi32, #tpu.memory_space<vmem>>
      %dma_wait3A_323 = tpu.memref_squeeze %dma_wait3A_322 : memref<1x64xi32, #tpu.memory_space<vmem>> -> memref<64xi32, #tpu.memory_space<vmem>>
      %dma_wait3A_324 = arith.constant 0 : i32
      %dma_wait3A_325 = arith.constant 0 : i32
      %dma_wait3A_326 = tpu.memref_slice %arg17[%dma_wait3A_324, %dma_wait3A_325] : memref<10112x128xf32, #tpu.memory_space<vmem_shared>> -> memref<10112x128xf32, #tpu.memory_space<vmem_shared>>
      tpu.wait_indirect_dma semaphore(%run_scoped3A_314 : memref<!tpu.dma_semaphore, #tpu.memory_space<semaphore_mem>>) src(%arg21 : memref<64x128xf32, #tpu.memory_space<vmem>>) dst(%dma_wait3A_326 : memref<10112x128xf32, #tpu.memory_space<vmem_shared>>)
      tpu.yield
    }) : () -> ()
    %barrier3A_309 = arith.constant 0 : index
    tpu.barrier barrier_id(%barrier3A_309)
    %mul3A_310 = arith.constant 632 : i32
    %mul3A_311 = arith.muli %arg1, %mul3A_310 : i32
    %mul3A_312 = arith.constant 632 : i32
    %mul3A_313 = arith.muli %arg1, %mul3A_312 : i32
    "tpu.region"() ({
      %run_scoped3A_314 = tpu.sem_alloc : memref<!tpu.dma_semaphore, #tpu.memory_space<semaphore_mem>>
      %dma_start3A_315 = arith.constant 0 : i32
      %dma_start3A_316 = tpu.memref_slice %arg16[%arg0, %mul3A_313, %dma_start3A_315] : memref<2x10112x128xf32, #tpu.memory_space<hbm>> -> memref<1x632x128xf32, #tpu.memory_space<hbm>>
      %dma_start3A_317 = tpu.memref_squeeze %dma_start3A_316 : memref<1x632x128xf32, #tpu.memory_space<hbm>> -> memref<632x128xf32, #tpu.memory_space<hbm>>
      %dma_start3A_318 = arith.constant 0 : i32
      %dma_start3A_319 = tpu.memref_slice %arg17[%mul3A_311, %dma_start3A_318] : memref<10112x128xf32, #tpu.memory_space<vmem_shared>> -> memref<632x128xf32, #tpu.memory_space<vmem_shared>>
      tpu.enqueue_dma source(%dma_start3A_319 : memref<632x128xf32, #tpu.memory_space<vmem_shared>>) target(%dma_start3A_317 : memref<632x128xf32, #tpu.memory_space<hbm>>) target_semaphore(%run_scoped3A_314 : memref<!tpu.dma_semaphore, #tpu.memory_space<semaphore_mem>>)
      %dma_wait3A_320 = arith.constant 0 : i32
      %dma_wait3A_321 = tpu.memref_slice %arg16[%arg0, %mul3A_313, %dma_wait3A_320] : memref<2x10112x128xf32, #tpu.memory_space<hbm>> -> memref<1x632x128xf32, #tpu.memory_space<hbm>>
      %dma_wait3A_322 = tpu.memref_squeeze %dma_wait3A_321 : memref<1x632x128xf32, #tpu.memory_space<hbm>> -> memref<632x128xf32, #tpu.memory_space<hbm>>
      %dma_wait3A_323 = arith.constant 0 : i32
      %dma_wait3A_324 = tpu.memref_slice %arg17[%mul3A_311, %dma_wait3A_323] : memref<10112x128xf32, #tpu.memory_space<vmem_shared>> -> memref<632x128xf32, #tpu.memory_space<vmem_shared>>
      tpu.wait_dma2 semaphore(%run_scoped3A_314 : memref<!tpu.dma_semaphore, #tpu.memory_space<semaphore_mem>>) src(%dma_wait3A_324 : memref<632x128xf32, #tpu.memory_space<vmem_shared>>) dst(%dma_wait3A_322 : memref<632x128xf32, #tpu.memory_space<hbm>>)
      tpu.yield
    }) : () -> ()
    return
  }
}

#map = affine_map<(d0, d1) -> (0, 0)>
#map1 = affine_map<(d0, d1) -> (0, 0, 0, 0)>
#map2 = affine_map<(d0, d1) -> (0, 0, 0)>
module attributes {stable_mosaic.version = 14 : i64} {
  func.func @_sc_agg(%arg0: i32, %arg1: i32, %arg2: memref<20000x128xf32, #tpu.memory_space<hbm>>, %arg3: memref<20000x128xf32, #tpu.memory_space<hbm>>, %arg4: memref<2x16x40x64xi32, #tpu.memory_space<hbm>>, %arg5: memref<16x40x64xi32, #tpu.memory_space<hbm>>, %arg6: memref<2x16x40x64xi32, #tpu.memory_space<hbm>>, %arg7: memref<16x40x64xi32, #tpu.memory_space<hbm>>, %arg8: memref<2x16x40x64xi32, #tpu.memory_space<hbm>>, %arg9: memref<16x40x64xi32, #tpu.memory_space<hbm>>, %arg10: memref<2x16x40x64xi32, #tpu.memory_space<hbm>>, %arg11: memref<16x40x64xi32, #tpu.memory_space<hbm>>, %arg12: memref<632x128xf32, #tpu.memory_space<hbm>>, %arg13: memref<2x10112x128xf32, #tpu.memory_space<hbm>>, %arg14: memref<2x10112x128xf32, #tpu.memory_space<hbm>>, %arg15: memref<2x10112x128xf32, #tpu.memory_space<hbm>>, %arg16: memref<2x10112x128xf32, #tpu.memory_space<hbm>>, %arg17: memref<10112x128xf32, #tpu.memory_space<vmem_shared>>, %arg18: memref<40x64xi32, #tpu.memory_space<vmem>>, %arg19: memref<40x64xi32, #tpu.memory_space<vmem>>, %arg20: memref<64x128xf32, #tpu.memory_space<vmem>>, %arg21: memref<64x128xf32, #tpu.memory_space<vmem>>, %arg22: memref<!tpu.dma_semaphore, #tpu.memory_space<semaphore_mem>>, %arg23: memref<!tpu.dma_semaphore, #tpu.memory_space<semaphore_mem>>, %arg24: memref<!tpu.dma_semaphore, #tpu.memory_space<semaphore_mem>>) attributes {dimension_semantics = [#tpu.dimension_semantics<core_parallel>, #tpu.dimension_semantics<subcore_parallel>], iteration_bounds = array<i64: 2, 16>, scalar_prefetch = 0 : i64, scratch_operands = 8 : i64, tpu.core_type = #tpu.core_type<sc_vector_subcore>, window_params = [{transform_indices = #map}, {transform_indices = #map}, {transform_indices = #map1}, {transform_indices = #map2}, {transform_indices = #map1}, {transform_indices = #map2}, {transform_indices = #map1}, {transform_indices = #map2}, {transform_indices = #map1}, {transform_indices = #map2}, {transform_indices = #map}, {transform_indices = #map2}, {transform_indices = #map2}, {transform_indices = #map2}, {transform_indices = #map2}]} {
    %mul3A = arith.constant 632 : i32
    %mul3A_0 = arith.muli %arg1, %mul3A : i32
    %dma_start3A = arith.constant 0 : i32
    %dma_start3A_1 = tpu.memref_slice %arg17[%mul3A_0, %dma_start3A] : memref<10112x128xf32, #tpu.memory_space<vmem_shared>> -> memref<632x128xf32, #tpu.memory_space<vmem_shared>>
    tpu.enqueue_dma source(%arg12 : memref<632x128xf32, #tpu.memory_space<hbm>>) target(%dma_start3A_1 : memref<632x128xf32, #tpu.memory_space<vmem_shared>>) target_semaphore(%arg22 : memref<!tpu.dma_semaphore, #tpu.memory_space<semaphore_mem>>)
    %dma_start3A_2 = arith.constant 0 : i32
    %dma_start3A_3 = arith.constant 0 : i32
    %dma_start3A_4 = tpu.memref_slice %arg4[%arg0, %arg1, %dma_start3A_2, %dma_start3A_3] : memref<2x16x40x64xi32, #tpu.memory_space<hbm>> -> memref<1x1x40x64xi32, #tpu.memory_space<hbm>>
    %dma_start3A_5 = tpu.memref_squeeze %dma_start3A_4 : memref<1x1x40x64xi32, #tpu.memory_space<hbm>> -> memref<40x64xi32, #tpu.memory_space<hbm>>
    %dma_start3A_6 = arith.constant 0 : i32
    %dma_start3A_7 = arith.constant 0 : i32
    %dma_start3A_8 = tpu.memref_slice %arg4[%arg0, %arg1, %dma_start3A_6, %dma_start3A_7] : memref<2x16x40x64xi32, #tpu.memory_space<hbm>> -> memref<1x1x40x64xi32, #tpu.memory_space<hbm>>
    %dma_start3A_9 = tpu.memref_squeeze %dma_start3A_8 : memref<1x1x40x64xi32, #tpu.memory_space<hbm>> -> memref<40x64xi32, #tpu.memory_space<hbm>>
    tpu.enqueue_dma source(%dma_start3A_9 : memref<40x64xi32, #tpu.memory_space<hbm>>) target(%arg18 : memref<40x64xi32, #tpu.memory_space<vmem>>) target_semaphore(%arg22 : memref<!tpu.dma_semaphore, #tpu.memory_space<semaphore_mem>>)
    %dma_start3A_10 = arith.constant 0 : i32
    %dma_start3A_11 = arith.constant 0 : i32
    %dma_start3A_12 = tpu.memref_slice %arg5[%arg1, %dma_start3A_10, %dma_start3A_11] : memref<16x40x64xi32, #tpu.memory_space<hbm>> -> memref<1x40x64xi32, #tpu.memory_space<hbm>>
    %dma_start3A_13 = tpu.memref_squeeze %dma_start3A_12 : memref<1x40x64xi32, #tpu.memory_space<hbm>> -> memref<40x64xi32, #tpu.memory_space<hbm>>
    %dma_start3A_14 = arith.constant 0 : i32
    %dma_start3A_15 = arith.constant 0 : i32
    %dma_start3A_16 = tpu.memref_slice %arg5[%arg1, %dma_start3A_14, %dma_start3A_15] : memref<16x40x64xi32, #tpu.memory_space<hbm>> -> memref<1x40x64xi32, #tpu.memory_space<hbm>>
    %dma_start3A_17 = tpu.memref_squeeze %dma_start3A_16 : memref<1x40x64xi32, #tpu.memory_space<hbm>> -> memref<40x64xi32, #tpu.memory_space<hbm>>
    tpu.enqueue_dma source(%dma_start3A_17 : memref<40x64xi32, #tpu.memory_space<hbm>>) target(%arg19 : memref<40x64xi32, #tpu.memory_space<vmem>>) target_semaphore(%arg22 : memref<!tpu.dma_semaphore, #tpu.memory_space<semaphore_mem>>)
    %dma_wait3A = arith.constant 0 : i32
    %dma_wait3A_18 = tpu.memref_slice %arg17[%mul3A_0, %dma_wait3A] : memref<10112x128xf32, #tpu.memory_space<vmem_shared>> -> memref<632x128xf32, #tpu.memory_space<vmem_shared>>
    tpu.wait_dma2 semaphore(%arg22 : memref<!tpu.dma_semaphore, #tpu.memory_space<semaphore_mem>>) src(%arg12 : memref<632x128xf32, #tpu.memory_space<hbm>>) dst(%dma_wait3A_18 : memref<632x128xf32, #tpu.memory_space<vmem_shared>>)
    %dma_wait3A_19 = arith.constant 0 : i32
    %dma_wait3A_20 = arith.constant 0 : i32
    %dma_wait3A_21 = tpu.memref_slice %arg4[%arg0, %arg1, %dma_wait3A_19, %dma_wait3A_20] : memref<2x16x40x64xi32, #tpu.memory_space<hbm>> -> memref<1x1x40x64xi32, #tpu.memory_space<hbm>>
    %dma_wait3A_22 = tpu.memref_squeeze %dma_wait3A_21 : memref<1x1x40x64xi32, #tpu.memory_space<hbm>> -> memref<40x64xi32, #tpu.memory_space<hbm>>
    %dma_wait3A_23 = arith.constant 0 : i32
    %dma_wait3A_24 = arith.constant 0 : i32
    %dma_wait3A_25 = tpu.memref_slice %arg4[%arg0, %arg1, %dma_wait3A_23, %dma_wait3A_24] : memref<2x16x40x64xi32, #tpu.memory_space<hbm>> -> memref<1x1x40x64xi32, #tpu.memory_space<hbm>>
    %dma_wait3A_26 = tpu.memref_squeeze %dma_wait3A_25 : memref<1x1x40x64xi32, #tpu.memory_space<hbm>> -> memref<40x64xi32, #tpu.memory_space<hbm>>
    tpu.wait_dma2 semaphore(%arg22 : memref<!tpu.dma_semaphore, #tpu.memory_space<semaphore_mem>>) src(%dma_wait3A_26 : memref<40x64xi32, #tpu.memory_space<hbm>>) dst(%arg18 : memref<40x64xi32, #tpu.memory_space<vmem>>)
    %dma_wait3A_27 = arith.constant 0 : i32
    %dma_wait3A_28 = arith.constant 0 : i32
    %dma_wait3A_29 = tpu.memref_slice %arg5[%arg1, %dma_wait3A_27, %dma_wait3A_28] : memref<16x40x64xi32, #tpu.memory_space<hbm>> -> memref<1x40x64xi32, #tpu.memory_space<hbm>>
    %dma_wait3A_30 = tpu.memref_squeeze %dma_wait3A_29 : memref<1x40x64xi32, #tpu.memory_space<hbm>> -> memref<40x64xi32, #tpu.memory_space<hbm>>
    %dma_wait3A_31 = arith.constant 0 : i32
    %dma_wait3A_32 = arith.constant 0 : i32
    %dma_wait3A_33 = tpu.memref_slice %arg5[%arg1, %dma_wait3A_31, %dma_wait3A_32] : memref<16x40x64xi32, #tpu.memory_space<hbm>> -> memref<1x40x64xi32, #tpu.memory_space<hbm>>
    %dma_wait3A_34 = tpu.memref_squeeze %dma_wait3A_33 : memref<1x40x64xi32, #tpu.memory_space<hbm>> -> memref<40x64xi32, #tpu.memory_space<hbm>>
    tpu.wait_dma2 semaphore(%arg22 : memref<!tpu.dma_semaphore, #tpu.memory_space<semaphore_mem>>) src(%dma_wait3A_34 : memref<40x64xi32, #tpu.memory_space<hbm>>) dst(%arg19 : memref<40x64xi32, #tpu.memory_space<vmem>>)
    %barrier3A = arith.constant 0 : index
    tpu.barrier barrier_id(%barrier3A)
    %dma_start3A_35 = arith.constant 0 : i32
    %dma_start3A_36 = arith.constant 0 : i32
    %dma_start3A_37 = tpu.memref_slice %arg18[%dma_start3A_35, %dma_start3A_36] : memref<40x64xi32, #tpu.memory_space<vmem>> -> memref<1x64xi32, #tpu.memory_space<vmem>>
    %dma_start3A_38 = tpu.memref_squeeze %dma_start3A_37 : memref<1x64xi32, #tpu.memory_space<vmem>> -> memref<64xi32, #tpu.memory_space<vmem>>
    %dma_start3A_39 = arith.constant 0 : i32
    %dma_start3A_40 = arith.constant 0 : i32
    %dma_start3A_41 = tpu.memref_slice %arg2[%dma_start3A_39, %dma_start3A_40] : memref<20000x128xf32, #tpu.memory_space<hbm>> -> memref<20000x128xf32, #tpu.memory_space<hbm>>
    tpu.enqueue_indirect_dma source(%dma_start3A_41 : memref<20000x128xf32, #tpu.memory_space<hbm>>) target(%arg20 : memref<64x128xf32, #tpu.memory_space<vmem>>) offsets(%dma_start3A_38 : memref<64xi32, #tpu.memory_space<vmem>>) semaphore(%arg23 : memref<!tpu.dma_semaphore, #tpu.memory_space<semaphore_mem>>)
    %scan3A = arith.constant 0 : i32
    %scan3A_42 = arith.constant 0 : i32
    %scan3A_43 = arith.constant 19 : i32
    %scan3A_44 = arith.addi %scan3A_42, %scan3A_43 : i32
    %scan3A_45 = arith.constant 1 : i32
    scf.for %scan3A_314 = %scan3A_42 to %scan3A_44 step %scan3A_45  : i32 {
      %mul3A_315 = arith.constant 2 : i32
      %mul3A_316 = arith.muli %mul3A_315, %scan3A_314 : i32
      %dma_wait3A_317 = arith.constant 0 : i32
      %dma_wait3A_318 = tpu.memref_slice %arg18[%mul3A_316, %dma_wait3A_317] : memref<40x64xi32, #tpu.memory_space<vmem>> -> memref<1x64xi32, #tpu.memory_space<vmem>>
      %dma_wait3A_319 = tpu.memref_squeeze %dma_wait3A_318 : memref<1x64xi32, #tpu.memory_space<vmem>> -> memref<64xi32, #tpu.memory_space<vmem>>
      %dma_wait3A_320 = arith.constant 0 : i32
      %dma_wait3A_321 = arith.constant 0 : i32
      %dma_wait3A_322 = tpu.memref_slice %arg2[%dma_wait3A_320, %dma_wait3A_321] : memref<20000x128xf32, #tpu.memory_space<hbm>> -> memref<20000x128xf32, #tpu.memory_space<hbm>>
      tpu.wait_indirect_dma semaphore(%arg23 : memref<!tpu.dma_semaphore, #tpu.memory_space<semaphore_mem>>) src(%dma_wait3A_322 : memref<20000x128xf32, #tpu.memory_space<hbm>>) dst(%arg20 : memref<64x128xf32, #tpu.memory_space<vmem>>)
      %add3A = arith.constant 1 : i32
      %add3A_323 = arith.addi %mul3A_316, %add3A : i32
      %dma_start3A_324 = arith.constant 0 : i32
      %dma_start3A_325 = tpu.memref_slice %arg18[%add3A_323, %dma_start3A_324] : memref<40x64xi32, #tpu.memory_space<vmem>> -> memref<1x64xi32, #tpu.memory_space<vmem>>
      %dma_start3A_326 = tpu.memref_squeeze %dma_start3A_325 : memref<1x64xi32, #tpu.memory_space<vmem>> -> memref<64xi32, #tpu.memory_space<vmem>>
      %dma_start3A_327 = arith.constant 0 : i32
      %dma_start3A_328 = arith.constant 0 : i32
      %dma_start3A_329 = tpu.memref_slice %arg2[%dma_start3A_327, %dma_start3A_328] : memref<20000x128xf32, #tpu.memory_space<hbm>> -> memref<20000x128xf32, #tpu.memory_space<hbm>>
      tpu.enqueue_indirect_dma source(%dma_start3A_329 : memref<20000x128xf32, #tpu.memory_space<hbm>>) target(%arg21 : memref<64x128xf32, #tpu.memory_space<vmem>>) offsets(%dma_start3A_326 : memref<64xi32, #tpu.memory_space<vmem>>) semaphore(%arg24 : memref<!tpu.dma_semaphore, #tpu.memory_space<semaphore_mem>>)
      "tpu.region"() ({
        %run_scoped3A_348 = tpu.sem_alloc : memref<!tpu.dma_semaphore, #tpu.memory_space<semaphore_mem>>
        %dma_start3A_349 = arith.constant 0 : i32
        %dma_start3A_350 = tpu.memref_slice %arg19[%mul3A_316, %dma_start3A_349] : memref<40x64xi32, #tpu.memory_space<vmem>> -> memref<1x64xi32, #tpu.memory_space<vmem>>
        %dma_start3A_351 = tpu.memref_squeeze %dma_start3A_350 : memref<1x64xi32, #tpu.memory_space<vmem>> -> memref<64xi32, #tpu.memory_space<vmem>>
        %dma_start3A_352 = arith.constant 0 : i32
        %dma_start3A_353 = arith.constant 0 : i32
        %dma_start3A_354 = tpu.memref_slice %arg17[%dma_start3A_352, %dma_start3A_353] : memref<10112x128xf32, #tpu.memory_space<vmem_shared>> -> memref<10112x128xf32, #tpu.memory_space<vmem_shared>>
        tpu.enqueue_indirect_dma source(%arg20 : memref<64x128xf32, #tpu.memory_space<vmem>>) target(%dma_start3A_354 : memref<10112x128xf32, #tpu.memory_space<vmem_shared>>) offsets(%dma_start3A_351 : memref<64xi32, #tpu.memory_space<vmem>>) semaphore(%run_scoped3A_348 : memref<!tpu.dma_semaphore, #tpu.memory_space<semaphore_mem>>) {add = true}
        %dma_wait3A_355 = arith.constant 0 : i32
        %dma_wait3A_356 = tpu.memref_slice %arg19[%mul3A_316, %dma_wait3A_355] : memref<40x64xi32, #tpu.memory_space<vmem>> -> memref<1x64xi32, #tpu.memory_space<vmem>>
        %dma_wait3A_357 = tpu.memref_squeeze %dma_wait3A_356 : memref<1x64xi32, #tpu.memory_space<vmem>> -> memref<64xi32, #tpu.memory_space<vmem>>
        %dma_wait3A_358 = arith.constant 0 : i32
        %dma_wait3A_359 = arith.constant 0 : i32
        %dma_wait3A_360 = tpu.memref_slice %arg17[%dma_wait3A_358, %dma_wait3A_359] : memref<10112x128xf32, #tpu.memory_space<vmem_shared>> -> memref<10112x128xf32, #tpu.memory_space<vmem_shared>>
        tpu.wait_indirect_dma semaphore(%run_scoped3A_348 : memref<!tpu.dma_semaphore, #tpu.memory_space<semaphore_mem>>) src(%arg20 : memref<64x128xf32, #tpu.memory_space<vmem>>) dst(%dma_wait3A_360 : memref<10112x128xf32, #tpu.memory_space<vmem_shared>>)
        tpu.yield
      }) : () -> ()
      %add3A_330 = arith.constant 1 : i32
      %add3A_331 = arith.addi %mul3A_316, %add3A_330 : i32
      %dma_wait3A_332 = arith.constant 0 : i32
      %dma_wait3A_333 = tpu.memref_slice %arg18[%add3A_331, %dma_wait3A_332] : memref<40x64xi32, #tpu.memory_space<vmem>> -> memref<1x64xi32, #tpu.memory_space<vmem>>
      %dma_wait3A_334 = tpu.memref_squeeze %dma_wait3A_333 : memref<1x64xi32, #tpu.memory_space<vmem>> -> memref<64xi32, #tpu.memory_space<vmem>>
      %dma_wait3A_335 = arith.constant 0 : i32
      %dma_wait3A_336 = arith.constant 0 : i32
      %dma_wait3A_337 = tpu.memref_slice %arg2[%dma_wait3A_335, %dma_wait3A_336] : memref<20000x128xf32, #tpu.memory_space<hbm>> -> memref<20000x128xf32, #tpu.memory_space<hbm>>
      tpu.wait_indirect_dma semaphore(%arg24 : memref<!tpu.dma_semaphore, #tpu.memory_space<semaphore_mem>>) src(%dma_wait3A_337 : memref<20000x128xf32, #tpu.memory_space<hbm>>) dst(%arg21 : memref<64x128xf32, #tpu.memory_space<vmem>>)
      %add3A_338 = arith.constant 2 : i32
      %add3A_339 = arith.addi %mul3A_316, %add3A_338 : i32
      %dma_start3A_340 = arith.constant 0 : i32
      %dma_start3A_341 = tpu.memref_slice %arg18[%add3A_339, %dma_start3A_340] : memref<40x64xi32, #tpu.memory_space<vmem>> -> memref<1x64xi32, #tpu.memory_space<vmem>>
      %dma_start3A_342 = tpu.memref_squeeze %dma_start3A_341 : memref<1x64xi32, #tpu.memory_space<vmem>> -> memref<64xi32, #tpu.memory_space<vmem>>
      %dma_start3A_343 = arith.constant 0 : i32
      %dma_start3A_344 = arith.constant 0 : i32
      %dma_start3A_345 = tpu.memref_slice %arg2[%dma_start3A_343, %dma_start3A_344] : memref<20000x128xf32, #tpu.memory_space<hbm>> -> memref<20000x128xf32, #tpu.memory_space<hbm>>
      tpu.enqueue_indirect_dma source(%dma_start3A_345 : memref<20000x128xf32, #tpu.memory_space<hbm>>) target(%arg20 : memref<64x128xf32, #tpu.memory_space<vmem>>) offsets(%dma_start3A_342 : memref<64xi32, #tpu.memory_space<vmem>>) semaphore(%arg23 : memref<!tpu.dma_semaphore, #tpu.memory_space<semaphore_mem>>)
      %add3A_346 = arith.constant 1 : i32
      %add3A_347 = arith.addi %mul3A_316, %add3A_346 : i32
      "tpu.region"() ({
        %run_scoped3A_348 = tpu.sem_alloc : memref<!tpu.dma_semaphore, #tpu.memory_space<semaphore_mem>>
        %dma_start3A_349 = arith.constant 0 : i32
        %dma_start3A_350 = tpu.memref_slice %arg19[%add3A_347, %dma_start3A_349] : memref<40x64xi32, #tpu.memory_space<vmem>> -> memref<1x64xi32, #tpu.memory_space<vmem>>
        %dma_start3A_351 = tpu.memref_squeeze %dma_start3A_350 : memref<1x64xi32, #tpu.memory_space<vmem>> -> memref<64xi32, #tpu.memory_space<vmem>>
        %dma_start3A_352 = arith.constant 0 : i32
        %dma_start3A_353 = arith.constant 0 : i32
        %dma_start3A_354 = tpu.memref_slice %arg17[%dma_start3A_352, %dma_start3A_353] : memref<10112x128xf32, #tpu.memory_space<vmem_shared>> -> memref<10112x128xf32, #tpu.memory_space<vmem_shared>>
        tpu.enqueue_indirect_dma source(%arg21 : memref<64x128xf32, #tpu.memory_space<vmem>>) target(%dma_start3A_354 : memref<10112x128xf32, #tpu.memory_space<vmem_shared>>) offsets(%dma_start3A_351 : memref<64xi32, #tpu.memory_space<vmem>>) semaphore(%run_scoped3A_348 : memref<!tpu.dma_semaphore, #tpu.memory_space<semaphore_mem>>) {add = true}
        %dma_wait3A_355 = arith.constant 0 : i32
        %dma_wait3A_356 = tpu.memref_slice %arg19[%add3A_347, %dma_wait3A_355] : memref<40x64xi32, #tpu.memory_space<vmem>> -> memref<1x64xi32, #tpu.memory_space<vmem>>
        %dma_wait3A_357 = tpu.memref_squeeze %dma_wait3A_356 : memref<1x64xi32, #tpu.memory_space<vmem>> -> memref<64xi32, #tpu.memory_space<vmem>>
        %dma_wait3A_358 = arith.constant 0 : i32
        %dma_wait3A_359 = arith.constant 0 : i32
        %dma_wait3A_360 = tpu.memref_slice %arg17[%dma_wait3A_358, %dma_wait3A_359] : memref<10112x128xf32, #tpu.memory_space<vmem_shared>> -> memref<10112x128xf32, #tpu.memory_space<vmem_shared>>
        tpu.wait_indirect_dma semaphore(%run_scoped3A_348 : memref<!tpu.dma_semaphore, #tpu.memory_space<semaphore_mem>>) src(%arg21 : memref<64x128xf32, #tpu.memory_space<vmem>>) dst(%dma_wait3A_360 : memref<10112x128xf32, #tpu.memory_space<vmem_shared>>)
        tpu.yield
      }) : () -> ()
    }
    %scan3A_46 = arith.constant 19 : i32
    %dma_wait3A_47 = arith.constant 38 : i32
    %dma_wait3A_48 = arith.constant 0 : i32
    %dma_wait3A_49 = tpu.memref_slice %arg18[%dma_wait3A_47, %dma_wait3A_48] : memref<40x64xi32, #tpu.memory_space<vmem>> -> memref<1x64xi32, #tpu.memory_space<vmem>>
    %dma_wait3A_50 = tpu.memref_squeeze %dma_wait3A_49 : memref<1x64xi32, #tpu.memory_space<vmem>> -> memref<64xi32, #tpu.memory_space<vmem>>
    %dma_wait3A_51 = arith.constant 0 : i32
    %dma_wait3A_52 = arith.constant 0 : i32
    %dma_wait3A_53 = tpu.memref_slice %arg2[%dma_wait3A_51, %dma_wait3A_52] : memref<20000x128xf32, #tpu.memory_space<hbm>> -> memref<20000x128xf32, #tpu.memory_space<hbm>>
    tpu.wait_indirect_dma semaphore(%arg23 : memref<!tpu.dma_semaphore, #tpu.memory_space<semaphore_mem>>) src(%dma_wait3A_53 : memref<20000x128xf32, #tpu.memory_space<hbm>>) dst(%arg20 : memref<64x128xf32, #tpu.memory_space<vmem>>)
    %dma_start3A_54 = arith.constant 39 : i32
    %dma_start3A_55 = arith.constant 0 : i32
    %dma_start3A_56 = tpu.memref_slice %arg18[%dma_start3A_54, %dma_start3A_55] : memref<40x64xi32, #tpu.memory_space<vmem>> -> memref<1x64xi32, #tpu.memory_space<vmem>>
    %dma_start3A_57 = tpu.memref_squeeze %dma_start3A_56 : memref<1x64xi32, #tpu.memory_space<vmem>> -> memref<64xi32, #tpu.memory_space<vmem>>
    %dma_start3A_58 = arith.constant 0 : i32
    %dma_start3A_59 = arith.constant 0 : i32
    %dma_start3A_60 = tpu.memref_slice %arg2[%dma_start3A_58, %dma_start3A_59] : memref<20000x128xf32, #tpu.memory_space<hbm>> -> memref<20000x128xf32, #tpu.memory_space<hbm>>
    tpu.enqueue_indirect_dma source(%dma_start3A_60 : memref<20000x128xf32, #tpu.memory_space<hbm>>) target(%arg21 : memref<64x128xf32, #tpu.memory_space<vmem>>) offsets(%dma_start3A_57 : memref<64xi32, #tpu.memory_space<vmem>>) semaphore(%arg24 : memref<!tpu.dma_semaphore, #tpu.memory_space<semaphore_mem>>)
    %run_scoped3A = arith.constant 38 : i32
    "tpu.region"() ({
      %run_scoped3A_314 = tpu.sem_alloc : memref<!tpu.dma_semaphore, #tpu.memory_space<semaphore_mem>>
      %dma_start3A_315 = arith.constant 0 : i32
      %dma_start3A_316 = tpu.memref_slice %arg19[%run_scoped3A, %dma_start3A_315] : memref<40x64xi32, #tpu.memory_space<vmem>> -> memref<1x64xi32, #tpu.memory_space<vmem>>
      %dma_start3A_317 = tpu.memref_squeeze %dma_start3A_316 : memref<1x64xi32, #tpu.memory_space<vmem>> -> memref<64xi32, #tpu.memory_space<vmem>>
      %dma_start3A_318 = arith.constant 0 : i32
      %dma_start3A_319 = arith.constant 0 : i32
      %dma_start3A_320 = tpu.memref_slice %arg17[%dma_start3A_318, %dma_start3A_319] : memref<10112x128xf32, #tpu.memory_space<vmem_shared>> -> memref<10112x128xf32, #tpu.memory_space<vmem_shared>>
      tpu.enqueue_indirect_dma source(%arg20 : memref<64x128xf32, #tpu.memory_space<vmem>>) target(%dma_start3A_320 : memref<10112x128xf32, #tpu.memory_space<vmem_shared>>) offsets(%dma_start3A_317 : memref<64xi32, #tpu.memory_space<vmem>>) semaphore(%run_scoped3A_314 : memref<!tpu.dma_semaphore, #tpu.memory_space<semaphore_mem>>) {add = true}
      %dma_wait3A_321 = arith.constant 0 : i32
      %dma_wait3A_322 = tpu.memref_slice %arg19[%run_scoped3A, %dma_wait3A_321] : memref<40x64xi32, #tpu.memory_space<vmem>> -> memref<1x64xi32, #tpu.memory_space<vmem>>
      %dma_wait3A_323 = tpu.memref_squeeze %dma_wait3A_322 : memref<1x64xi32, #tpu.memory_space<vmem>> -> memref<64xi32, #tpu.memory_space<vmem>>
      %dma_wait3A_324 = arith.constant 0 : i32
      %dma_wait3A_325 = arith.constant 0 : i32
      %dma_wait3A_326 = tpu.memref_slice %arg17[%dma_wait3A_324, %dma_wait3A_325] : memref<10112x128xf32, #tpu.memory_space<vmem_shared>> -> memref<10112x128xf32, #tpu.memory_space<vmem_shared>>
      tpu.wait_indirect_dma semaphore(%run_scoped3A_314 : memref<!tpu.dma_semaphore, #tpu.memory_space<semaphore_mem>>) src(%arg20 : memref<64x128xf32, #tpu.memory_space<vmem>>) dst(%dma_wait3A_326 : memref<10112x128xf32, #tpu.memory_space<vmem_shared>>)
      tpu.yield
    }) : () -> ()
    %dma_wait3A_61 = arith.constant 39 : i32
    %dma_wait3A_62 = arith.constant 0 : i32
    %dma_wait3A_63 = tpu.memref_slice %arg18[%dma_wait3A_61, %dma_wait3A_62] : memref<40x64xi32, #tpu.memory_space<vmem>> -> memref<1x64xi32, #tpu.memory_space<vmem>>
    %dma_wait3A_64 = tpu.memref_squeeze %dma_wait3A_63 : memref<1x64xi32, #tpu.memory_space<vmem>> -> memref<64xi32, #tpu.memory_space<vmem>>
    %dma_wait3A_65 = arith.constant 0 : i32
    %dma_wait3A_66 = arith.constant 0 : i32
    %dma_wait3A_67 = tpu.memref_slice %arg2[%dma_wait3A_65, %dma_wait3A_66] : memref<20000x128xf32, #tpu.memory_space<hbm>> -> memref<20000x128xf32, #tpu.memory_space<hbm>>
    tpu.wait_indirect_dma semaphore(%arg24 : memref<!tpu.dma_semaphore, #tpu.memory_space<semaphore_mem>>) src(%dma_wait3A_67 : memref<20000x128xf32, #tpu.memory_space<hbm>>) dst(%arg21 : memref<64x128xf32, #tpu.memory_space<vmem>>)
    %run_scoped3A_68 = arith.constant 39 : i32
    "tpu.region"() ({
      %run_scoped3A_314 = tpu.sem_alloc : memref<!tpu.dma_semaphore, #tpu.memory_space<semaphore_mem>>
      %dma_start3A_315 = arith.constant 0 : i32
      %dma_start3A_316 = tpu.memref_slice %arg19[%run_scoped3A_68, %dma_start3A_315] : memref<40x64xi32, #tpu.memory_space<vmem>> -> memref<1x64xi32, #tpu.memory_space<vmem>>
      %dma_start3A_317 = tpu.memref_squeeze %dma_start3A_316 : memref<1x64xi32, #tpu.memory_space<vmem>> -> memref<64xi32, #tpu.memory_space<vmem>>
      %dma_start3A_318 = arith.constant 0 : i32
      %dma_start3A_319 = arith.constant 0 : i32
      %dma_start3A_320 = tpu.memref_slice %arg17[%dma_start3A_318, %dma_start3A_319] : memref<10112x128xf32, #tpu.memory_space<vmem_shared>> -> memref<10112x128xf32, #tpu.memory_space<vmem_shared>>
      tpu.enqueue_indirect_dma source(%arg21 : memref<64x128xf32, #tpu.memory_space<vmem>>) target(%dma_start3A_320 : memref<10112x128xf32, #tpu.memory_space<vmem_shared>>) offsets(%dma_start3A_317 : memref<64xi32, #tpu.memory_space<vmem>>) semaphore(%run_scoped3A_314 : memref<!tpu.dma_semaphore, #tpu.memory_space<semaphore_mem>>) {add = true}
      %dma_wait3A_321 = arith.constant 0 : i32
      %dma_wait3A_322 = tpu.memref_slice %arg19[%run_scoped3A_68, %dma_wait3A_321] : memref<40x64xi32, #tpu.memory_space<vmem>> -> memref<1x64xi32, #tpu.memory_space<vmem>>
      %dma_wait3A_323 = tpu.memref_squeeze %dma_wait3A_322 : memref<1x64xi32, #tpu.memory_space<vmem>> -> memref<64xi32, #tpu.memory_space<vmem>>
      %dma_wait3A_324 = arith.constant 0 : i32
      %dma_wait3A_325 = arith.constant 0 : i32
      %dma_wait3A_326 = tpu.memref_slice %arg17[%dma_wait3A_324, %dma_wait3A_325] : memref<10112x128xf32, #tpu.memory_space<vmem_shared>> -> memref<10112x128xf32, #tpu.memory_space<vmem_shared>>
      tpu.wait_indirect_dma semaphore(%run_scoped3A_314 : memref<!tpu.dma_semaphore, #tpu.memory_space<semaphore_mem>>) src(%arg21 : memref<64x128xf32, #tpu.memory_space<vmem>>) dst(%dma_wait3A_326 : memref<10112x128xf32, #tpu.memory_space<vmem_shared>>)
      tpu.yield
    }) : () -> ()
    %barrier3A_69 = arith.constant 0 : index
    tpu.barrier barrier_id(%barrier3A_69)
    %mul3A_70 = arith.constant 632 : i32
    %mul3A_71 = arith.muli %arg1, %mul3A_70 : i32
    %mul3A_72 = arith.constant 632 : i32
    %mul3A_73 = arith.muli %arg1, %mul3A_72 : i32
    "tpu.region"() ({
      %run_scoped3A_314 = tpu.sem_alloc : memref<!tpu.dma_semaphore, #tpu.memory_space<semaphore_mem>>
      %dma_start3A_315 = arith.constant 0 : i32
      %dma_start3A_316 = tpu.memref_slice %arg13[%arg0, %mul3A_73, %dma_start3A_315] : memref<2x10112x128xf32, #tpu.memory_space<hbm>> -> memref<1x632x128xf32, #tpu.memory_space<hbm>>
      %dma_start3A_317 = tpu.memref_squeeze %dma_start3A_316 : memref<1x632x128xf32, #tpu.memory_space<hbm>> -> memref<632x128xf32, #tpu.memory_space<hbm>>
      %dma_start3A_318 = arith.constant 0 : i32
      %dma_start3A_319 = tpu.memref_slice %arg17[%mul3A_71, %dma_start3A_318] : memref<10112x128xf32, #tpu.memory_space<vmem_shared>> -> memref<632x128xf32, #tpu.memory_space<vmem_shared>>
      tpu.enqueue_dma source(%dma_start3A_319 : memref<632x128xf32, #tpu.memory_space<vmem_shared>>) target(%dma_start3A_317 : memref<632x128xf32, #tpu.memory_space<hbm>>) target_semaphore(%run_scoped3A_314 : memref<!tpu.dma_semaphore, #tpu.memory_space<semaphore_mem>>)
      %dma_wait3A_320 = arith.constant 0 : i32
      %dma_wait3A_321 = tpu.memref_slice %arg13[%arg0, %mul3A_73, %dma_wait3A_320] : memref<2x10112x128xf32, #tpu.memory_space<hbm>> -> memref<1x632x128xf32, #tpu.memory_space<hbm>>
      %dma_wait3A_322 = tpu.memref_squeeze %dma_wait3A_321 : memref<1x632x128xf32, #tpu.memory_space<hbm>> -> memref<632x128xf32, #tpu.memory_space<hbm>>
      %dma_wait3A_323 = arith.constant 0 : i32
      %dma_wait3A_324 = tpu.memref_slice %arg17[%mul3A_71, %dma_wait3A_323] : memref<10112x128xf32, #tpu.memory_space<vmem_shared>> -> memref<632x128xf32, #tpu.memory_space<vmem_shared>>
      tpu.wait_dma2 semaphore(%run_scoped3A_314 : memref<!tpu.dma_semaphore, #tpu.memory_space<semaphore_mem>>) src(%dma_wait3A_324 : memref<632x128xf32, #tpu.memory_space<vmem_shared>>) dst(%dma_wait3A_322 : memref<632x128xf32, #tpu.memory_space<hbm>>)
      tpu.yield
    }) : () -> ()
    %mul3A_74 = arith.constant 632 : i32
    %mul3A_75 = arith.muli %arg1, %mul3A_74 : i32
    %dma_start3A_76 = arith.constant 0 : i32
    %dma_start3A_77 = tpu.memref_slice %arg17[%mul3A_75, %dma_start3A_76] : memref<10112x128xf32, #tpu.memory_space<vmem_shared>> -> memref<632x128xf32, #tpu.memory_space<vmem_shared>>
    tpu.enqueue_dma source(%arg12 : memref<632x128xf32, #tpu.memory_space<hbm>>) target(%dma_start3A_77 : memref<632x128xf32, #tpu.memory_space<vmem_shared>>) target_semaphore(%arg22 : memref<!tpu.dma_semaphore, #tpu.memory_space<semaphore_mem>>)
    %dma_start3A_78 = arith.constant 0 : i32
    %dma_start3A_79 = arith.constant 0 : i32
    %dma_start3A_80 = tpu.memref_slice %arg6[%arg0, %arg1, %dma_start3A_78, %dma_start3A_79] : memref<2x16x40x64xi32, #tpu.memory_space<hbm>> -> memref<1x1x40x64xi32, #tpu.memory_space<hbm>>
    %dma_start3A_81 = tpu.memref_squeeze %dma_start3A_80 : memref<1x1x40x64xi32, #tpu.memory_space<hbm>> -> memref<40x64xi32, #tpu.memory_space<hbm>>
    %dma_start3A_82 = arith.constant 0 : i32
    %dma_start3A_83 = arith.constant 0 : i32
    %dma_start3A_84 = tpu.memref_slice %arg6[%arg0, %arg1, %dma_start3A_82, %dma_start3A_83] : memref<2x16x40x64xi32, #tpu.memory_space<hbm>> -> memref<1x1x40x64xi32, #tpu.memory_space<hbm>>
    %dma_start3A_85 = tpu.memref_squeeze %dma_start3A_84 : memref<1x1x40x64xi32, #tpu.memory_space<hbm>> -> memref<40x64xi32, #tpu.memory_space<hbm>>
    tpu.enqueue_dma source(%dma_start3A_85 : memref<40x64xi32, #tpu.memory_space<hbm>>) target(%arg18 : memref<40x64xi32, #tpu.memory_space<vmem>>) target_semaphore(%arg22 : memref<!tpu.dma_semaphore, #tpu.memory_space<semaphore_mem>>)
    %dma_start3A_86 = arith.constant 0 : i32
    %dma_start3A_87 = arith.constant 0 : i32
    %dma_start3A_88 = tpu.memref_slice %arg7[%arg1, %dma_start3A_86, %dma_start3A_87] : memref<16x40x64xi32, #tpu.memory_space<hbm>> -> memref<1x40x64xi32, #tpu.memory_space<hbm>>
    %dma_start3A_89 = tpu.memref_squeeze %dma_start3A_88 : memref<1x40x64xi32, #tpu.memory_space<hbm>> -> memref<40x64xi32, #tpu.memory_space<hbm>>
    %dma_start3A_90 = arith.constant 0 : i32
    %dma_start3A_91 = arith.constant 0 : i32
    %dma_start3A_92 = tpu.memref_slice %arg7[%arg1, %dma_start3A_90, %dma_start3A_91] : memref<16x40x64xi32, #tpu.memory_space<hbm>> -> memref<1x40x64xi32, #tpu.memory_space<hbm>>
    %dma_start3A_93 = tpu.memref_squeeze %dma_start3A_92 : memref<1x40x64xi32, #tpu.memory_space<hbm>> -> memref<40x64xi32, #tpu.memory_space<hbm>>
    tpu.enqueue_dma source(%dma_start3A_93 : memref<40x64xi32, #tpu.memory_space<hbm>>) target(%arg19 : memref<40x64xi32, #tpu.memory_space<vmem>>) target_semaphore(%arg22 : memref<!tpu.dma_semaphore, #tpu.memory_space<semaphore_mem>>)
    %dma_wait3A_94 = arith.constant 0 : i32
    %dma_wait3A_95 = tpu.memref_slice %arg17[%mul3A_75, %dma_wait3A_94] : memref<10112x128xf32, #tpu.memory_space<vmem_shared>> -> memref<632x128xf32, #tpu.memory_space<vmem_shared>>
    tpu.wait_dma2 semaphore(%arg22 : memref<!tpu.dma_semaphore, #tpu.memory_space<semaphore_mem>>) src(%arg12 : memref<632x128xf32, #tpu.memory_space<hbm>>) dst(%dma_wait3A_95 : memref<632x128xf32, #tpu.memory_space<vmem_shared>>)
    %dma_wait3A_96 = arith.constant 0 : i32
    %dma_wait3A_97 = arith.constant 0 : i32
    %dma_wait3A_98 = tpu.memref_slice %arg6[%arg0, %arg1, %dma_wait3A_96, %dma_wait3A_97] : memref<2x16x40x64xi32, #tpu.memory_space<hbm>> -> memref<1x1x40x64xi32, #tpu.memory_space<hbm>>
    %dma_wait3A_99 = tpu.memref_squeeze %dma_wait3A_98 : memref<1x1x40x64xi32, #tpu.memory_space<hbm>> -> memref<40x64xi32, #tpu.memory_space<hbm>>
    %dma_wait3A_100 = arith.constant 0 : i32
    %dma_wait3A_101 = arith.constant 0 : i32
    %dma_wait3A_102 = tpu.memref_slice %arg6[%arg0, %arg1, %dma_wait3A_100, %dma_wait3A_101] : memref<2x16x40x64xi32, #tpu.memory_space<hbm>> -> memref<1x1x40x64xi32, #tpu.memory_space<hbm>>
    %dma_wait3A_103 = tpu.memref_squeeze %dma_wait3A_102 : memref<1x1x40x64xi32, #tpu.memory_space<hbm>> -> memref<40x64xi32, #tpu.memory_space<hbm>>
    tpu.wait_dma2 semaphore(%arg22 : memref<!tpu.dma_semaphore, #tpu.memory_space<semaphore_mem>>) src(%dma_wait3A_103 : memref<40x64xi32, #tpu.memory_space<hbm>>) dst(%arg18 : memref<40x64xi32, #tpu.memory_space<vmem>>)
    %dma_wait3A_104 = arith.constant 0 : i32
    %dma_wait3A_105 = arith.constant 0 : i32
    %dma_wait3A_106 = tpu.memref_slice %arg7[%arg1, %dma_wait3A_104, %dma_wait3A_105] : memref<16x40x64xi32, #tpu.memory_space<hbm>> -> memref<1x40x64xi32, #tpu.memory_space<hbm>>
    %dma_wait3A_107 = tpu.memref_squeeze %dma_wait3A_106 : memref<1x40x64xi32, #tpu.memory_space<hbm>> -> memref<40x64xi32, #tpu.memory_space<hbm>>
    %dma_wait3A_108 = arith.constant 0 : i32
    %dma_wait3A_109 = arith.constant 0 : i32
    %dma_wait3A_110 = tpu.memref_slice %arg7[%arg1, %dma_wait3A_108, %dma_wait3A_109] : memref<16x40x64xi32, #tpu.memory_space<hbm>> -> memref<1x40x64xi32, #tpu.memory_space<hbm>>
    %dma_wait3A_111 = tpu.memref_squeeze %dma_wait3A_110 : memref<1x40x64xi32, #tpu.memory_space<hbm>> -> memref<40x64xi32, #tpu.memory_space<hbm>>
    tpu.wait_dma2 semaphore(%arg22 : memref<!tpu.dma_semaphore, #tpu.memory_space<semaphore_mem>>) src(%dma_wait3A_111 : memref<40x64xi32, #tpu.memory_space<hbm>>) dst(%arg19 : memref<40x64xi32, #tpu.memory_space<vmem>>)
    %barrier3A_112 = arith.constant 0 : index
    tpu.barrier barrier_id(%barrier3A_112)
    %dma_start3A_113 = arith.constant 0 : i32
    %dma_start3A_114 = arith.constant 0 : i32
    %dma_start3A_115 = tpu.memref_slice %arg18[%dma_start3A_113, %dma_start3A_114] : memref<40x64xi32, #tpu.memory_space<vmem>> -> memref<1x64xi32, #tpu.memory_space<vmem>>
    %dma_start3A_116 = tpu.memref_squeeze %dma_start3A_115 : memref<1x64xi32, #tpu.memory_space<vmem>> -> memref<64xi32, #tpu.memory_space<vmem>>
    %dma_start3A_117 = arith.constant 0 : i32
    %dma_start3A_118 = arith.constant 0 : i32
    %dma_start3A_119 = tpu.memref_slice %arg2[%dma_start3A_117, %dma_start3A_118] : memref<20000x128xf32, #tpu.memory_space<hbm>> -> memref<20000x128xf32, #tpu.memory_space<hbm>>
    tpu.enqueue_indirect_dma source(%dma_start3A_119 : memref<20000x128xf32, #tpu.memory_space<hbm>>) target(%arg20 : memref<64x128xf32, #tpu.memory_space<vmem>>) offsets(%dma_start3A_116 : memref<64xi32, #tpu.memory_space<vmem>>) semaphore(%arg23 : memref<!tpu.dma_semaphore, #tpu.memory_space<semaphore_mem>>)
    %scan3A_120 = arith.constant 0 : i32
    %scan3A_121 = arith.constant 0 : i32
    %scan3A_122 = arith.constant 19 : i32
    %scan3A_123 = arith.addi %scan3A_121, %scan3A_122 : i32
    %scan3A_124 = arith.constant 1 : i32
    scf.for %scan3A_314 = %scan3A_121 to %scan3A_123 step %scan3A_124  : i32 {
      %mul3A_315 = arith.constant 2 : i32
      %mul3A_316 = arith.muli %mul3A_315, %scan3A_314 : i32
      %dma_wait3A_317 = arith.constant 0 : i32
      %dma_wait3A_318 = tpu.memref_slice %arg18[%mul3A_316, %dma_wait3A_317] : memref<40x64xi32, #tpu.memory_space<vmem>> -> memref<1x64xi32, #tpu.memory_space<vmem>>
      %dma_wait3A_319 = tpu.memref_squeeze %dma_wait3A_318 : memref<1x64xi32, #tpu.memory_space<vmem>> -> memref<64xi32, #tpu.memory_space<vmem>>
      %dma_wait3A_320 = arith.constant 0 : i32
      %dma_wait3A_321 = arith.constant 0 : i32
      %dma_wait3A_322 = tpu.memref_slice %arg2[%dma_wait3A_320, %dma_wait3A_321] : memref<20000x128xf32, #tpu.memory_space<hbm>> -> memref<20000x128xf32, #tpu.memory_space<hbm>>
      tpu.wait_indirect_dma semaphore(%arg23 : memref<!tpu.dma_semaphore, #tpu.memory_space<semaphore_mem>>) src(%dma_wait3A_322 : memref<20000x128xf32, #tpu.memory_space<hbm>>) dst(%arg20 : memref<64x128xf32, #tpu.memory_space<vmem>>)
      %add3A = arith.constant 1 : i32
      %add3A_323 = arith.addi %mul3A_316, %add3A : i32
      %dma_start3A_324 = arith.constant 0 : i32
      %dma_start3A_325 = tpu.memref_slice %arg18[%add3A_323, %dma_start3A_324] : memref<40x64xi32, #tpu.memory_space<vmem>> -> memref<1x64xi32, #tpu.memory_space<vmem>>
      %dma_start3A_326 = tpu.memref_squeeze %dma_start3A_325 : memref<1x64xi32, #tpu.memory_space<vmem>> -> memref<64xi32, #tpu.memory_space<vmem>>
      %dma_start3A_327 = arith.constant 0 : i32
      %dma_start3A_328 = arith.constant 0 : i32
      %dma_start3A_329 = tpu.memref_slice %arg2[%dma_start3A_327, %dma_start3A_328] : memref<20000x128xf32, #tpu.memory_space<hbm>> -> memref<20000x128xf32, #tpu.memory_space<hbm>>
      tpu.enqueue_indirect_dma source(%dma_start3A_329 : memref<20000x128xf32, #tpu.memory_space<hbm>>) target(%arg21 : memref<64x128xf32, #tpu.memory_space<vmem>>) offsets(%dma_start3A_326 : memref<64xi32, #tpu.memory_space<vmem>>) semaphore(%arg24 : memref<!tpu.dma_semaphore, #tpu.memory_space<semaphore_mem>>)
      "tpu.region"() ({
        %run_scoped3A_348 = tpu.sem_alloc : memref<!tpu.dma_semaphore, #tpu.memory_space<semaphore_mem>>
        %dma_start3A_349 = arith.constant 0 : i32
        %dma_start3A_350 = tpu.memref_slice %arg19[%mul3A_316, %dma_start3A_349] : memref<40x64xi32, #tpu.memory_space<vmem>> -> memref<1x64xi32, #tpu.memory_space<vmem>>
        %dma_start3A_351 = tpu.memref_squeeze %dma_start3A_350 : memref<1x64xi32, #tpu.memory_space<vmem>> -> memref<64xi32, #tpu.memory_space<vmem>>
        %dma_start3A_352 = arith.constant 0 : i32
        %dma_start3A_353 = arith.constant 0 : i32
        %dma_start3A_354 = tpu.memref_slice %arg17[%dma_start3A_352, %dma_start3A_353] : memref<10112x128xf32, #tpu.memory_space<vmem_shared>> -> memref<10112x128xf32, #tpu.memory_space<vmem_shared>>
        tpu.enqueue_indirect_dma source(%arg20 : memref<64x128xf32, #tpu.memory_space<vmem>>) target(%dma_start3A_354 : memref<10112x128xf32, #tpu.memory_space<vmem_shared>>) offsets(%dma_start3A_351 : memref<64xi32, #tpu.memory_space<vmem>>) semaphore(%run_scoped3A_348 : memref<!tpu.dma_semaphore, #tpu.memory_space<semaphore_mem>>) {add = true}
        %dma_wait3A_355 = arith.constant 0 : i32
        %dma_wait3A_356 = tpu.memref_slice %arg19[%mul3A_316, %dma_wait3A_355] : memref<40x64xi32, #tpu.memory_space<vmem>> -> memref<1x64xi32, #tpu.memory_space<vmem>>
        %dma_wait3A_357 = tpu.memref_squeeze %dma_wait3A_356 : memref<1x64xi32, #tpu.memory_space<vmem>> -> memref<64xi32, #tpu.memory_space<vmem>>
        %dma_wait3A_358 = arith.constant 0 : i32
        %dma_wait3A_359 = arith.constant 0 : i32
        %dma_wait3A_360 = tpu.memref_slice %arg17[%dma_wait3A_358, %dma_wait3A_359] : memref<10112x128xf32, #tpu.memory_space<vmem_shared>> -> memref<10112x128xf32, #tpu.memory_space<vmem_shared>>
        tpu.wait_indirect_dma semaphore(%run_scoped3A_348 : memref<!tpu.dma_semaphore, #tpu.memory_space<semaphore_mem>>) src(%arg20 : memref<64x128xf32, #tpu.memory_space<vmem>>) dst(%dma_wait3A_360 : memref<10112x128xf32, #tpu.memory_space<vmem_shared>>)
        tpu.yield
      }) : () -> ()
      %add3A_330 = arith.constant 1 : i32
      %add3A_331 = arith.addi %mul3A_316, %add3A_330 : i32
      %dma_wait3A_332 = arith.constant 0 : i32
      %dma_wait3A_333 = tpu.memref_slice %arg18[%add3A_331, %dma_wait3A_332] : memref<40x64xi32, #tpu.memory_space<vmem>> -> memref<1x64xi32, #tpu.memory_space<vmem>>
      %dma_wait3A_334 = tpu.memref_squeeze %dma_wait3A_333 : memref<1x64xi32, #tpu.memory_space<vmem>> -> memref<64xi32, #tpu.memory_space<vmem>>
      %dma_wait3A_335 = arith.constant 0 : i32
      %dma_wait3A_336 = arith.constant 0 : i32
      %dma_wait3A_337 = tpu.memref_slice %arg2[%dma_wait3A_335, %dma_wait3A_336] : memref<20000x128xf32, #tpu.memory_space<hbm>> -> memref<20000x128xf32, #tpu.memory_space<hbm>>
      tpu.wait_indirect_dma semaphore(%arg24 : memref<!tpu.dma_semaphore, #tpu.memory_space<semaphore_mem>>) src(%dma_wait3A_337 : memref<20000x128xf32, #tpu.memory_space<hbm>>) dst(%arg21 : memref<64x128xf32, #tpu.memory_space<vmem>>)
      %add3A_338 = arith.constant 2 : i32
      %add3A_339 = arith.addi %mul3A_316, %add3A_338 : i32
      %dma_start3A_340 = arith.constant 0 : i32
      %dma_start3A_341 = tpu.memref_slice %arg18[%add3A_339, %dma_start3A_340] : memref<40x64xi32, #tpu.memory_space<vmem>> -> memref<1x64xi32, #tpu.memory_space<vmem>>
      %dma_start3A_342 = tpu.memref_squeeze %dma_start3A_341 : memref<1x64xi32, #tpu.memory_space<vmem>> -> memref<64xi32, #tpu.memory_space<vmem>>
      %dma_start3A_343 = arith.constant 0 : i32
      %dma_start3A_344 = arith.constant 0 : i32
      %dma_start3A_345 = tpu.memref_slice %arg2[%dma_start3A_343, %dma_start3A_344] : memref<20000x128xf32, #tpu.memory_space<hbm>> -> memref<20000x128xf32, #tpu.memory_space<hbm>>
      tpu.enqueue_indirect_dma source(%dma_start3A_345 : memref<20000x128xf32, #tpu.memory_space<hbm>>) target(%arg20 : memref<64x128xf32, #tpu.memory_space<vmem>>) offsets(%dma_start3A_342 : memref<64xi32, #tpu.memory_space<vmem>>) semaphore(%arg23 : memref<!tpu.dma_semaphore, #tpu.memory_space<semaphore_mem>>)
      %add3A_346 = arith.constant 1 : i32
      %add3A_347 = arith.addi %mul3A_316, %add3A_346 : i32
      "tpu.region"() ({
        %run_scoped3A_348 = tpu.sem_alloc : memref<!tpu.dma_semaphore, #tpu.memory_space<semaphore_mem>>
        %dma_start3A_349 = arith.constant 0 : i32
        %dma_start3A_350 = tpu.memref_slice %arg19[%add3A_347, %dma_start3A_349] : memref<40x64xi32, #tpu.memory_space<vmem>> -> memref<1x64xi32, #tpu.memory_space<vmem>>
        %dma_start3A_351 = tpu.memref_squeeze %dma_start3A_350 : memref<1x64xi32, #tpu.memory_space<vmem>> -> memref<64xi32, #tpu.memory_space<vmem>>
        %dma_start3A_352 = arith.constant 0 : i32
        %dma_start3A_353 = arith.constant 0 : i32
        %dma_start3A_354 = tpu.memref_slice %arg17[%dma_start3A_352, %dma_start3A_353] : memref<10112x128xf32, #tpu.memory_space<vmem_shared>> -> memref<10112x128xf32, #tpu.memory_space<vmem_shared>>
        tpu.enqueue_indirect_dma source(%arg21 : memref<64x128xf32, #tpu.memory_space<vmem>>) target(%dma_start3A_354 : memref<10112x128xf32, #tpu.memory_space<vmem_shared>>) offsets(%dma_start3A_351 : memref<64xi32, #tpu.memory_space<vmem>>) semaphore(%run_scoped3A_348 : memref<!tpu.dma_semaphore, #tpu.memory_space<semaphore_mem>>) {add = true}
        %dma_wait3A_355 = arith.constant 0 : i32
        %dma_wait3A_356 = tpu.memref_slice %arg19[%add3A_347, %dma_wait3A_355] : memref<40x64xi32, #tpu.memory_space<vmem>> -> memref<1x64xi32, #tpu.memory_space<vmem>>
        %dma_wait3A_357 = tpu.memref_squeeze %dma_wait3A_356 : memref<1x64xi32, #tpu.memory_space<vmem>> -> memref<64xi32, #tpu.memory_space<vmem>>
        %dma_wait3A_358 = arith.constant 0 : i32
        %dma_wait3A_359 = arith.constant 0 : i32
        %dma_wait3A_360 = tpu.memref_slice %arg17[%dma_wait3A_358, %dma_wait3A_359] : memref<10112x128xf32, #tpu.memory_space<vmem_shared>> -> memref<10112x128xf32, #tpu.memory_space<vmem_shared>>
        tpu.wait_indirect_dma semaphore(%run_scoped3A_348 : memref<!tpu.dma_semaphore, #tpu.memory_space<semaphore_mem>>) src(%arg21 : memref<64x128xf32, #tpu.memory_space<vmem>>) dst(%dma_wait3A_360 : memref<10112x128xf32, #tpu.memory_space<vmem_shared>>)
        tpu.yield
      }) : () -> ()
    }
    %scan3A_125 = arith.constant 19 : i32
    %dma_wait3A_126 = arith.constant 38 : i32
    %dma_wait3A_127 = arith.constant 0 : i32
    %dma_wait3A_128 = tpu.memref_slice %arg18[%dma_wait3A_126, %dma_wait3A_127] : memref<40x64xi32, #tpu.memory_space<vmem>> -> memref<1x64xi32, #tpu.memory_space<vmem>>
    %dma_wait3A_129 = tpu.memref_squeeze %dma_wait3A_128 : memref<1x64xi32, #tpu.memory_space<vmem>> -> memref<64xi32, #tpu.memory_space<vmem>>
    %dma_wait3A_130 = arith.constant 0 : i32
    %dma_wait3A_131 = arith.constant 0 : i32
    %dma_wait3A_132 = tpu.memref_slice %arg2[%dma_wait3A_130, %dma_wait3A_131] : memref<20000x128xf32, #tpu.memory_space<hbm>> -> memref<20000x128xf32, #tpu.memory_space<hbm>>
    tpu.wait_indirect_dma semaphore(%arg23 : memref<!tpu.dma_semaphore, #tpu.memory_space<semaphore_mem>>) src(%dma_wait3A_132 : memref<20000x128xf32, #tpu.memory_space<hbm>>) dst(%arg20 : memref<64x128xf32, #tpu.memory_space<vmem>>)
    %dma_start3A_133 = arith.constant 39 : i32
    %dma_start3A_134 = arith.constant 0 : i32
    %dma_start3A_135 = tpu.memref_slice %arg18[%dma_start3A_133, %dma_start3A_134] : memref<40x64xi32, #tpu.memory_space<vmem>> -> memref<1x64xi32, #tpu.memory_space<vmem>>
    %dma_start3A_136 = tpu.memref_squeeze %dma_start3A_135 : memref<1x64xi32, #tpu.memory_space<vmem>> -> memref<64xi32, #tpu.memory_space<vmem>>
    %dma_start3A_137 = arith.constant 0 : i32
    %dma_start3A_138 = arith.constant 0 : i32
    %dma_start3A_139 = tpu.memref_slice %arg2[%dma_start3A_137, %dma_start3A_138] : memref<20000x128xf32, #tpu.memory_space<hbm>> -> memref<20000x128xf32, #tpu.memory_space<hbm>>
    tpu.enqueue_indirect_dma source(%dma_start3A_139 : memref<20000x128xf32, #tpu.memory_space<hbm>>) target(%arg21 : memref<64x128xf32, #tpu.memory_space<vmem>>) offsets(%dma_start3A_136 : memref<64xi32, #tpu.memory_space<vmem>>) semaphore(%arg24 : memref<!tpu.dma_semaphore, #tpu.memory_space<semaphore_mem>>)
    %run_scoped3A_140 = arith.constant 38 : i32
    "tpu.region"() ({
      %run_scoped3A_314 = tpu.sem_alloc : memref<!tpu.dma_semaphore, #tpu.memory_space<semaphore_mem>>
      %dma_start3A_315 = arith.constant 0 : i32
      %dma_start3A_316 = tpu.memref_slice %arg19[%run_scoped3A_140, %dma_start3A_315] : memref<40x64xi32, #tpu.memory_space<vmem>> -> memref<1x64xi32, #tpu.memory_space<vmem>>
      %dma_start3A_317 = tpu.memref_squeeze %dma_start3A_316 : memref<1x64xi32, #tpu.memory_space<vmem>> -> memref<64xi32, #tpu.memory_space<vmem>>
      %dma_start3A_318 = arith.constant 0 : i32
      %dma_start3A_319 = arith.constant 0 : i32
      %dma_start3A_320 = tpu.memref_slice %arg17[%dma_start3A_318, %dma_start3A_319] : memref<10112x128xf32, #tpu.memory_space<vmem_shared>> -> memref<10112x128xf32, #tpu.memory_space<vmem_shared>>
      tpu.enqueue_indirect_dma source(%arg20 : memref<64x128xf32, #tpu.memory_space<vmem>>) target(%dma_start3A_320 : memref<10112x128xf32, #tpu.memory_space<vmem_shared>>) offsets(%dma_start3A_317 : memref<64xi32, #tpu.memory_space<vmem>>) semaphore(%run_scoped3A_314 : memref<!tpu.dma_semaphore, #tpu.memory_space<semaphore_mem>>) {add = true}
      %dma_wait3A_321 = arith.constant 0 : i32
      %dma_wait3A_322 = tpu.memref_slice %arg19[%run_scoped3A_140, %dma_wait3A_321] : memref<40x64xi32, #tpu.memory_space<vmem>> -> memref<1x64xi32, #tpu.memory_space<vmem>>
      %dma_wait3A_323 = tpu.memref_squeeze %dma_wait3A_322 : memref<1x64xi32, #tpu.memory_space<vmem>> -> memref<64xi32, #tpu.memory_space<vmem>>
      %dma_wait3A_324 = arith.constant 0 : i32
      %dma_wait3A_325 = arith.constant 0 : i32
      %dma_wait3A_326 = tpu.memref_slice %arg17[%dma_wait3A_324, %dma_wait3A_325] : memref<10112x128xf32, #tpu.memory_space<vmem_shared>> -> memref<10112x128xf32, #tpu.memory_space<vmem_shared>>
      tpu.wait_indirect_dma semaphore(%run_scoped3A_314 : memref<!tpu.dma_semaphore, #tpu.memory_space<semaphore_mem>>) src(%arg20 : memref<64x128xf32, #tpu.memory_space<vmem>>) dst(%dma_wait3A_326 : memref<10112x128xf32, #tpu.memory_space<vmem_shared>>)
      tpu.yield
    }) : () -> ()
    %dma_wait3A_141 = arith.constant 39 : i32
    %dma_wait3A_142 = arith.constant 0 : i32
    %dma_wait3A_143 = tpu.memref_slice %arg18[%dma_wait3A_141, %dma_wait3A_142] : memref<40x64xi32, #tpu.memory_space<vmem>> -> memref<1x64xi32, #tpu.memory_space<vmem>>
    %dma_wait3A_144 = tpu.memref_squeeze %dma_wait3A_143 : memref<1x64xi32, #tpu.memory_space<vmem>> -> memref<64xi32, #tpu.memory_space<vmem>>
    %dma_wait3A_145 = arith.constant 0 : i32
    %dma_wait3A_146 = arith.constant 0 : i32
    %dma_wait3A_147 = tpu.memref_slice %arg2[%dma_wait3A_145, %dma_wait3A_146] : memref<20000x128xf32, #tpu.memory_space<hbm>> -> memref<20000x128xf32, #tpu.memory_space<hbm>>
    tpu.wait_indirect_dma semaphore(%arg24 : memref<!tpu.dma_semaphore, #tpu.memory_space<semaphore_mem>>) src(%dma_wait3A_147 : memref<20000x128xf32, #tpu.memory_space<hbm>>) dst(%arg21 : memref<64x128xf32, #tpu.memory_space<vmem>>)
    %run_scoped3A_148 = arith.constant 39 : i32
    "tpu.region"() ({
      %run_scoped3A_314 = tpu.sem_alloc : memref<!tpu.dma_semaphore, #tpu.memory_space<semaphore_mem>>
      %dma_start3A_315 = arith.constant 0 : i32
      %dma_start3A_316 = tpu.memref_slice %arg19[%run_scoped3A_148, %dma_start3A_315] : memref<40x64xi32, #tpu.memory_space<vmem>> -> memref<1x64xi32, #tpu.memory_space<vmem>>
      %dma_start3A_317 = tpu.memref_squeeze %dma_start3A_316 : memref<1x64xi32, #tpu.memory_space<vmem>> -> memref<64xi32, #tpu.memory_space<vmem>>
      %dma_start3A_318 = arith.constant 0 : i32
      %dma_start3A_319 = arith.constant 0 : i32
      %dma_start3A_320 = tpu.memref_slice %arg17[%dma_start3A_318, %dma_start3A_319] : memref<10112x128xf32, #tpu.memory_space<vmem_shared>> -> memref<10112x128xf32, #tpu.memory_space<vmem_shared>>
      tpu.enqueue_indirect_dma source(%arg21 : memref<64x128xf32, #tpu.memory_space<vmem>>) target(%dma_start3A_320 : memref<10112x128xf32, #tpu.memory_space<vmem_shared>>) offsets(%dma_start3A_317 : memref<64xi32, #tpu.memory_space<vmem>>) semaphore(%run_scoped3A_314 : memref<!tpu.dma_semaphore, #tpu.memory_space<semaphore_mem>>) {add = true}
      %dma_wait3A_321 = arith.constant 0 : i32
      %dma_wait3A_322 = tpu.memref_slice %arg19[%run_scoped3A_148, %dma_wait3A_321] : memref<40x64xi32, #tpu.memory_space<vmem>> -> memref<1x64xi32, #tpu.memory_space<vmem>>
      %dma_wait3A_323 = tpu.memref_squeeze %dma_wait3A_322 : memref<1x64xi32, #tpu.memory_space<vmem>> -> memref<64xi32, #tpu.memory_space<vmem>>
      %dma_wait3A_324 = arith.constant 0 : i32
      %dma_wait3A_325 = arith.constant 0 : i32
      %dma_wait3A_326 = tpu.memref_slice %arg17[%dma_wait3A_324, %dma_wait3A_325] : memref<10112x128xf32, #tpu.memory_space<vmem_shared>> -> memref<10112x128xf32, #tpu.memory_space<vmem_shared>>
      tpu.wait_indirect_dma semaphore(%run_scoped3A_314 : memref<!tpu.dma_semaphore, #tpu.memory_space<semaphore_mem>>) src(%arg21 : memref<64x128xf32, #tpu.memory_space<vmem>>) dst(%dma_wait3A_326 : memref<10112x128xf32, #tpu.memory_space<vmem_shared>>)
      tpu.yield
    }) : () -> ()
    %barrier3A_149 = arith.constant 0 : index
    tpu.barrier barrier_id(%barrier3A_149)
    %mul3A_150 = arith.constant 632 : i32
    %mul3A_151 = arith.muli %arg1, %mul3A_150 : i32
    %mul3A_152 = arith.constant 632 : i32
    %mul3A_153 = arith.muli %arg1, %mul3A_152 : i32
    "tpu.region"() ({
      %run_scoped3A_314 = tpu.sem_alloc : memref<!tpu.dma_semaphore, #tpu.memory_space<semaphore_mem>>
      %dma_start3A_315 = arith.constant 0 : i32
      %dma_start3A_316 = tpu.memref_slice %arg14[%arg0, %mul3A_153, %dma_start3A_315] : memref<2x10112x128xf32, #tpu.memory_space<hbm>> -> memref<1x632x128xf32, #tpu.memory_space<hbm>>
      %dma_start3A_317 = tpu.memref_squeeze %dma_start3A_316 : memref<1x632x128xf32, #tpu.memory_space<hbm>> -> memref<632x128xf32, #tpu.memory_space<hbm>>
      %dma_start3A_318 = arith.constant 0 : i32
      %dma_start3A_319 = tpu.memref_slice %arg17[%mul3A_151, %dma_start3A_318] : memref<10112x128xf32, #tpu.memory_space<vmem_shared>> -> memref<632x128xf32, #tpu.memory_space<vmem_shared>>
      tpu.enqueue_dma source(%dma_start3A_319 : memref<632x128xf32, #tpu.memory_space<vmem_shared>>) target(%dma_start3A_317 : memref<632x128xf32, #tpu.memory_space<hbm>>) target_semaphore(%run_scoped3A_314 : memref<!tpu.dma_semaphore, #tpu.memory_space<semaphore_mem>>)
      %dma_wait3A_320 = arith.constant 0 : i32
      %dma_wait3A_321 = tpu.memref_slice %arg14[%arg0, %mul3A_153, %dma_wait3A_320] : memref<2x10112x128xf32, #tpu.memory_space<hbm>> -> memref<1x632x128xf32, #tpu.memory_space<hbm>>
      %dma_wait3A_322 = tpu.memref_squeeze %dma_wait3A_321 : memref<1x632x128xf32, #tpu.memory_space<hbm>> -> memref<632x128xf32, #tpu.memory_space<hbm>>
      %dma_wait3A_323 = arith.constant 0 : i32
      %dma_wait3A_324 = tpu.memref_slice %arg17[%mul3A_151, %dma_wait3A_323] : memref<10112x128xf32, #tpu.memory_space<vmem_shared>> -> memref<632x128xf32, #tpu.memory_space<vmem_shared>>
      tpu.wait_dma2 semaphore(%run_scoped3A_314 : memref<!tpu.dma_semaphore, #tpu.memory_space<semaphore_mem>>) src(%dma_wait3A_324 : memref<632x128xf32, #tpu.memory_space<vmem_shared>>) dst(%dma_wait3A_322 : memref<632x128xf32, #tpu.memory_space<hbm>>)
      tpu.yield
    }) : () -> ()
    %mul3A_154 = arith.constant 632 : i32
    %mul3A_155 = arith.muli %arg1, %mul3A_154 : i32
    %dma_start3A_156 = arith.constant 0 : i32
    %dma_start3A_157 = tpu.memref_slice %arg17[%mul3A_155, %dma_start3A_156] : memref<10112x128xf32, #tpu.memory_space<vmem_shared>> -> memref<632x128xf32, #tpu.memory_space<vmem_shared>>
    tpu.enqueue_dma source(%arg12 : memref<632x128xf32, #tpu.memory_space<hbm>>) target(%dma_start3A_157 : memref<632x128xf32, #tpu.memory_space<vmem_shared>>) target_semaphore(%arg22 : memref<!tpu.dma_semaphore, #tpu.memory_space<semaphore_mem>>)
    %dma_start3A_158 = arith.constant 0 : i32
    %dma_start3A_159 = arith.constant 0 : i32
    %dma_start3A_160 = tpu.memref_slice %arg8[%arg0, %arg1, %dma_start3A_158, %dma_start3A_159] : memref<2x16x40x64xi32, #tpu.memory_space<hbm>> -> memref<1x1x40x64xi32, #tpu.memory_space<hbm>>
    %dma_start3A_161 = tpu.memref_squeeze %dma_start3A_160 : memref<1x1x40x64xi32, #tpu.memory_space<hbm>> -> memref<40x64xi32, #tpu.memory_space<hbm>>
    %dma_start3A_162 = arith.constant 0 : i32
    %dma_start3A_163 = arith.constant 0 : i32
    %dma_start3A_164 = tpu.memref_slice %arg8[%arg0, %arg1, %dma_start3A_162, %dma_start3A_163] : memref<2x16x40x64xi32, #tpu.memory_space<hbm>> -> memref<1x1x40x64xi32, #tpu.memory_space<hbm>>
    %dma_start3A_165 = tpu.memref_squeeze %dma_start3A_164 : memref<1x1x40x64xi32, #tpu.memory_space<hbm>> -> memref<40x64xi32, #tpu.memory_space<hbm>>
    tpu.enqueue_dma source(%dma_start3A_165 : memref<40x64xi32, #tpu.memory_space<hbm>>) target(%arg18 : memref<40x64xi32, #tpu.memory_space<vmem>>) target_semaphore(%arg22 : memref<!tpu.dma_semaphore, #tpu.memory_space<semaphore_mem>>)
    %dma_start3A_166 = arith.constant 0 : i32
    %dma_start3A_167 = arith.constant 0 : i32
    %dma_start3A_168 = tpu.memref_slice %arg9[%arg1, %dma_start3A_166, %dma_start3A_167] : memref<16x40x64xi32, #tpu.memory_space<hbm>> -> memref<1x40x64xi32, #tpu.memory_space<hbm>>
    %dma_start3A_169 = tpu.memref_squeeze %dma_start3A_168 : memref<1x40x64xi32, #tpu.memory_space<hbm>> -> memref<40x64xi32, #tpu.memory_space<hbm>>
    %dma_start3A_170 = arith.constant 0 : i32
    %dma_start3A_171 = arith.constant 0 : i32
    %dma_start3A_172 = tpu.memref_slice %arg9[%arg1, %dma_start3A_170, %dma_start3A_171] : memref<16x40x64xi32, #tpu.memory_space<hbm>> -> memref<1x40x64xi32, #tpu.memory_space<hbm>>
    %dma_start3A_173 = tpu.memref_squeeze %dma_start3A_172 : memref<1x40x64xi32, #tpu.memory_space<hbm>> -> memref<40x64xi32, #tpu.memory_space<hbm>>
    tpu.enqueue_dma source(%dma_start3A_173 : memref<40x64xi32, #tpu.memory_space<hbm>>) target(%arg19 : memref<40x64xi32, #tpu.memory_space<vmem>>) target_semaphore(%arg22 : memref<!tpu.dma_semaphore, #tpu.memory_space<semaphore_mem>>)
    %dma_wait3A_174 = arith.constant 0 : i32
    %dma_wait3A_175 = tpu.memref_slice %arg17[%mul3A_155, %dma_wait3A_174] : memref<10112x128xf32, #tpu.memory_space<vmem_shared>> -> memref<632x128xf32, #tpu.memory_space<vmem_shared>>
    tpu.wait_dma2 semaphore(%arg22 : memref<!tpu.dma_semaphore, #tpu.memory_space<semaphore_mem>>) src(%arg12 : memref<632x128xf32, #tpu.memory_space<hbm>>) dst(%dma_wait3A_175 : memref<632x128xf32, #tpu.memory_space<vmem_shared>>)
    %dma_wait3A_176 = arith.constant 0 : i32
    %dma_wait3A_177 = arith.constant 0 : i32
    %dma_wait3A_178 = tpu.memref_slice %arg8[%arg0, %arg1, %dma_wait3A_176, %dma_wait3A_177] : memref<2x16x40x64xi32, #tpu.memory_space<hbm>> -> memref<1x1x40x64xi32, #tpu.memory_space<hbm>>
    %dma_wait3A_179 = tpu.memref_squeeze %dma_wait3A_178 : memref<1x1x40x64xi32, #tpu.memory_space<hbm>> -> memref<40x64xi32, #tpu.memory_space<hbm>>
    %dma_wait3A_180 = arith.constant 0 : i32
    %dma_wait3A_181 = arith.constant 0 : i32
    %dma_wait3A_182 = tpu.memref_slice %arg8[%arg0, %arg1, %dma_wait3A_180, %dma_wait3A_181] : memref<2x16x40x64xi32, #tpu.memory_space<hbm>> -> memref<1x1x40x64xi32, #tpu.memory_space<hbm>>
    %dma_wait3A_183 = tpu.memref_squeeze %dma_wait3A_182 : memref<1x1x40x64xi32, #tpu.memory_space<hbm>> -> memref<40x64xi32, #tpu.memory_space<hbm>>
    tpu.wait_dma2 semaphore(%arg22 : memref<!tpu.dma_semaphore, #tpu.memory_space<semaphore_mem>>) src(%dma_wait3A_183 : memref<40x64xi32, #tpu.memory_space<hbm>>) dst(%arg18 : memref<40x64xi32, #tpu.memory_space<vmem>>)
    %dma_wait3A_184 = arith.constant 0 : i32
    %dma_wait3A_185 = arith.constant 0 : i32
    %dma_wait3A_186 = tpu.memref_slice %arg9[%arg1, %dma_wait3A_184, %dma_wait3A_185] : memref<16x40x64xi32, #tpu.memory_space<hbm>> -> memref<1x40x64xi32, #tpu.memory_space<hbm>>
    %dma_wait3A_187 = tpu.memref_squeeze %dma_wait3A_186 : memref<1x40x64xi32, #tpu.memory_space<hbm>> -> memref<40x64xi32, #tpu.memory_space<hbm>>
    %dma_wait3A_188 = arith.constant 0 : i32
    %dma_wait3A_189 = arith.constant 0 : i32
    %dma_wait3A_190 = tpu.memref_slice %arg9[%arg1, %dma_wait3A_188, %dma_wait3A_189] : memref<16x40x64xi32, #tpu.memory_space<hbm>> -> memref<1x40x64xi32, #tpu.memory_space<hbm>>
    %dma_wait3A_191 = tpu.memref_squeeze %dma_wait3A_190 : memref<1x40x64xi32, #tpu.memory_space<hbm>> -> memref<40x64xi32, #tpu.memory_space<hbm>>
    tpu.wait_dma2 semaphore(%arg22 : memref<!tpu.dma_semaphore, #tpu.memory_space<semaphore_mem>>) src(%dma_wait3A_191 : memref<40x64xi32, #tpu.memory_space<hbm>>) dst(%arg19 : memref<40x64xi32, #tpu.memory_space<vmem>>)
    %barrier3A_192 = arith.constant 0 : index
    tpu.barrier barrier_id(%barrier3A_192)
    %dma_start3A_193 = arith.constant 0 : i32
    %dma_start3A_194 = arith.constant 0 : i32
    %dma_start3A_195 = tpu.memref_slice %arg18[%dma_start3A_193, %dma_start3A_194] : memref<40x64xi32, #tpu.memory_space<vmem>> -> memref<1x64xi32, #tpu.memory_space<vmem>>
    %dma_start3A_196 = tpu.memref_squeeze %dma_start3A_195 : memref<1x64xi32, #tpu.memory_space<vmem>> -> memref<64xi32, #tpu.memory_space<vmem>>
    %dma_start3A_197 = arith.constant 0 : i32
    %dma_start3A_198 = arith.constant 0 : i32
    %dma_start3A_199 = tpu.memref_slice %arg3[%dma_start3A_197, %dma_start3A_198] : memref<20000x128xf32, #tpu.memory_space<hbm>> -> memref<20000x128xf32, #tpu.memory_space<hbm>>
    tpu.enqueue_indirect_dma source(%dma_start3A_199 : memref<20000x128xf32, #tpu.memory_space<hbm>>) target(%arg20 : memref<64x128xf32, #tpu.memory_space<vmem>>) offsets(%dma_start3A_196 : memref<64xi32, #tpu.memory_space<vmem>>) semaphore(%arg23 : memref<!tpu.dma_semaphore, #tpu.memory_space<semaphore_mem>>)
    %scan3A_200 = arith.constant 0 : i32
    %scan3A_201 = arith.constant 0 : i32
    %scan3A_202 = arith.constant 19 : i32
    %scan3A_203 = arith.addi %scan3A_201, %scan3A_202 : i32
    %scan3A_204 = arith.constant 1 : i32
    scf.for %scan3A_314 = %scan3A_201 to %scan3A_203 step %scan3A_204  : i32 {
      %mul3A_315 = arith.constant 2 : i32
      %mul3A_316 = arith.muli %mul3A_315, %scan3A_314 : i32
      %dma_wait3A_317 = arith.constant 0 : i32
      %dma_wait3A_318 = tpu.memref_slice %arg18[%mul3A_316, %dma_wait3A_317] : memref<40x64xi32, #tpu.memory_space<vmem>> -> memref<1x64xi32, #tpu.memory_space<vmem>>
      %dma_wait3A_319 = tpu.memref_squeeze %dma_wait3A_318 : memref<1x64xi32, #tpu.memory_space<vmem>> -> memref<64xi32, #tpu.memory_space<vmem>>
      %dma_wait3A_320 = arith.constant 0 : i32
      %dma_wait3A_321 = arith.constant 0 : i32
      %dma_wait3A_322 = tpu.memref_slice %arg3[%dma_wait3A_320, %dma_wait3A_321] : memref<20000x128xf32, #tpu.memory_space<hbm>> -> memref<20000x128xf32, #tpu.memory_space<hbm>>
      tpu.wait_indirect_dma semaphore(%arg23 : memref<!tpu.dma_semaphore, #tpu.memory_space<semaphore_mem>>) src(%dma_wait3A_322 : memref<20000x128xf32, #tpu.memory_space<hbm>>) dst(%arg20 : memref<64x128xf32, #tpu.memory_space<vmem>>)
      %add3A = arith.constant 1 : i32
      %add3A_323 = arith.addi %mul3A_316, %add3A : i32
      %dma_start3A_324 = arith.constant 0 : i32
      %dma_start3A_325 = tpu.memref_slice %arg18[%add3A_323, %dma_start3A_324] : memref<40x64xi32, #tpu.memory_space<vmem>> -> memref<1x64xi32, #tpu.memory_space<vmem>>
      %dma_start3A_326 = tpu.memref_squeeze %dma_start3A_325 : memref<1x64xi32, #tpu.memory_space<vmem>> -> memref<64xi32, #tpu.memory_space<vmem>>
      %dma_start3A_327 = arith.constant 0 : i32
      %dma_start3A_328 = arith.constant 0 : i32
      %dma_start3A_329 = tpu.memref_slice %arg3[%dma_start3A_327, %dma_start3A_328] : memref<20000x128xf32, #tpu.memory_space<hbm>> -> memref<20000x128xf32, #tpu.memory_space<hbm>>
      tpu.enqueue_indirect_dma source(%dma_start3A_329 : memref<20000x128xf32, #tpu.memory_space<hbm>>) target(%arg21 : memref<64x128xf32, #tpu.memory_space<vmem>>) offsets(%dma_start3A_326 : memref<64xi32, #tpu.memory_space<vmem>>) semaphore(%arg24 : memref<!tpu.dma_semaphore, #tpu.memory_space<semaphore_mem>>)
      "tpu.region"() ({
        %run_scoped3A_348 = tpu.sem_alloc : memref<!tpu.dma_semaphore, #tpu.memory_space<semaphore_mem>>
        %dma_start3A_349 = arith.constant 0 : i32
        %dma_start3A_350 = tpu.memref_slice %arg19[%mul3A_316, %dma_start3A_349] : memref<40x64xi32, #tpu.memory_space<vmem>> -> memref<1x64xi32, #tpu.memory_space<vmem>>
        %dma_start3A_351 = tpu.memref_squeeze %dma_start3A_350 : memref<1x64xi32, #tpu.memory_space<vmem>> -> memref<64xi32, #tpu.memory_space<vmem>>
        %dma_start3A_352 = arith.constant 0 : i32
        %dma_start3A_353 = arith.constant 0 : i32
        %dma_start3A_354 = tpu.memref_slice %arg17[%dma_start3A_352, %dma_start3A_353] : memref<10112x128xf32, #tpu.memory_space<vmem_shared>> -> memref<10112x128xf32, #tpu.memory_space<vmem_shared>>
        tpu.enqueue_indirect_dma source(%arg20 : memref<64x128xf32, #tpu.memory_space<vmem>>) target(%dma_start3A_354 : memref<10112x128xf32, #tpu.memory_space<vmem_shared>>) offsets(%dma_start3A_351 : memref<64xi32, #tpu.memory_space<vmem>>) semaphore(%run_scoped3A_348 : memref<!tpu.dma_semaphore, #tpu.memory_space<semaphore_mem>>) {add = true}
        %dma_wait3A_355 = arith.constant 0 : i32
        %dma_wait3A_356 = tpu.memref_slice %arg19[%mul3A_316, %dma_wait3A_355] : memref<40x64xi32, #tpu.memory_space<vmem>> -> memref<1x64xi32, #tpu.memory_space<vmem>>
        %dma_wait3A_357 = tpu.memref_squeeze %dma_wait3A_356 : memref<1x64xi32, #tpu.memory_space<vmem>> -> memref<64xi32, #tpu.memory_space<vmem>>
        %dma_wait3A_358 = arith.constant 0 : i32
        %dma_wait3A_359 = arith.constant 0 : i32
        %dma_wait3A_360 = tpu.memref_slice %arg17[%dma_wait3A_358, %dma_wait3A_359] : memref<10112x128xf32, #tpu.memory_space<vmem_shared>> -> memref<10112x128xf32, #tpu.memory_space<vmem_shared>>
        tpu.wait_indirect_dma semaphore(%run_scoped3A_348 : memref<!tpu.dma_semaphore, #tpu.memory_space<semaphore_mem>>) src(%arg20 : memref<64x128xf32, #tpu.memory_space<vmem>>) dst(%dma_wait3A_360 : memref<10112x128xf32, #tpu.memory_space<vmem_shared>>)
        tpu.yield
      }) : () -> ()
      %add3A_330 = arith.constant 1 : i32
      %add3A_331 = arith.addi %mul3A_316, %add3A_330 : i32
      %dma_wait3A_332 = arith.constant 0 : i32
      %dma_wait3A_333 = tpu.memref_slice %arg18[%add3A_331, %dma_wait3A_332] : memref<40x64xi32, #tpu.memory_space<vmem>> -> memref<1x64xi32, #tpu.memory_space<vmem>>
      %dma_wait3A_334 = tpu.memref_squeeze %dma_wait3A_333 : memref<1x64xi32, #tpu.memory_space<vmem>> -> memref<64xi32, #tpu.memory_space<vmem>>
      %dma_wait3A_335 = arith.constant 0 : i32
      %dma_wait3A_336 = arith.constant 0 : i32
      %dma_wait3A_337 = tpu.memref_slice %arg3[%dma_wait3A_335, %dma_wait3A_336] : memref<20000x128xf32, #tpu.memory_space<hbm>> -> memref<20000x128xf32, #tpu.memory_space<hbm>>
      tpu.wait_indirect_dma semaphore(%arg24 : memref<!tpu.dma_semaphore, #tpu.memory_space<semaphore_mem>>) src(%dma_wait3A_337 : memref<20000x128xf32, #tpu.memory_space<hbm>>) dst(%arg21 : memref<64x128xf32, #tpu.memory_space<vmem>>)
      %add3A_338 = arith.constant 2 : i32
      %add3A_339 = arith.addi %mul3A_316, %add3A_338 : i32
      %dma_start3A_340 = arith.constant 0 : i32
      %dma_start3A_341 = tpu.memref_slice %arg18[%add3A_339, %dma_start3A_340] : memref<40x64xi32, #tpu.memory_space<vmem>> -> memref<1x64xi32, #tpu.memory_space<vmem>>
      %dma_start3A_342 = tpu.memref_squeeze %dma_start3A_341 : memref<1x64xi32, #tpu.memory_space<vmem>> -> memref<64xi32, #tpu.memory_space<vmem>>
      %dma_start3A_343 = arith.constant 0 : i32
      %dma_start3A_344 = arith.constant 0 : i32
      %dma_start3A_345 = tpu.memref_slice %arg3[%dma_start3A_343, %dma_start3A_344] : memref<20000x128xf32, #tpu.memory_space<hbm>> -> memref<20000x128xf32, #tpu.memory_space<hbm>>
      tpu.enqueue_indirect_dma source(%dma_start3A_345 : memref<20000x128xf32, #tpu.memory_space<hbm>>) target(%arg20 : memref<64x128xf32, #tpu.memory_space<vmem>>) offsets(%dma_start3A_342 : memref<64xi32, #tpu.memory_space<vmem>>) semaphore(%arg23 : memref<!tpu.dma_semaphore, #tpu.memory_space<semaphore_mem>>)
      %add3A_346 = arith.constant 1 : i32
      %add3A_347 = arith.addi %mul3A_316, %add3A_346 : i32
      "tpu.region"() ({
        %run_scoped3A_348 = tpu.sem_alloc : memref<!tpu.dma_semaphore, #tpu.memory_space<semaphore_mem>>
        %dma_start3A_349 = arith.constant 0 : i32
        %dma_start3A_350 = tpu.memref_slice %arg19[%add3A_347, %dma_start3A_349] : memref<40x64xi32, #tpu.memory_space<vmem>> -> memref<1x64xi32, #tpu.memory_space<vmem>>
        %dma_start3A_351 = tpu.memref_squeeze %dma_start3A_350 : memref<1x64xi32, #tpu.memory_space<vmem>> -> memref<64xi32, #tpu.memory_space<vmem>>
        %dma_start3A_352 = arith.constant 0 : i32
        %dma_start3A_353 = arith.constant 0 : i32
        %dma_start3A_354 = tpu.memref_slice %arg17[%dma_start3A_352, %dma_start3A_353] : memref<10112x128xf32, #tpu.memory_space<vmem_shared>> -> memref<10112x128xf32, #tpu.memory_space<vmem_shared>>
        tpu.enqueue_indirect_dma source(%arg21 : memref<64x128xf32, #tpu.memory_space<vmem>>) target(%dma_start3A_354 : memref<10112x128xf32, #tpu.memory_space<vmem_shared>>) offsets(%dma_start3A_351 : memref<64xi32, #tpu.memory_space<vmem>>) semaphore(%run_scoped3A_348 : memref<!tpu.dma_semaphore, #tpu.memory_space<semaphore_mem>>) {add = true}
        %dma_wait3A_355 = arith.constant 0 : i32
        %dma_wait3A_356 = tpu.memref_slice %arg19[%add3A_347, %dma_wait3A_355] : memref<40x64xi32, #tpu.memory_space<vmem>> -> memref<1x64xi32, #tpu.memory_space<vmem>>
        %dma_wait3A_357 = tpu.memref_squeeze %dma_wait3A_356 : memref<1x64xi32, #tpu.memory_space<vmem>> -> memref<64xi32, #tpu.memory_space<vmem>>
        %dma_wait3A_358 = arith.constant 0 : i32
        %dma_wait3A_359 = arith.constant 0 : i32
        %dma_wait3A_360 = tpu.memref_slice %arg17[%dma_wait3A_358, %dma_wait3A_359] : memref<10112x128xf32, #tpu.memory_space<vmem_shared>> -> memref<10112x128xf32, #tpu.memory_space<vmem_shared>>
        tpu.wait_indirect_dma semaphore(%run_scoped3A_348 : memref<!tpu.dma_semaphore, #tpu.memory_space<semaphore_mem>>) src(%arg21 : memref<64x128xf32, #tpu.memory_space<vmem>>) dst(%dma_wait3A_360 : memref<10112x128xf32, #tpu.memory_space<vmem_shared>>)
        tpu.yield
      }) : () -> ()
    }
    %scan3A_205 = arith.constant 19 : i32
    %dma_wait3A_206 = arith.constant 38 : i32
    %dma_wait3A_207 = arith.constant 0 : i32
    %dma_wait3A_208 = tpu.memref_slice %arg18[%dma_wait3A_206, %dma_wait3A_207] : memref<40x64xi32, #tpu.memory_space<vmem>> -> memref<1x64xi32, #tpu.memory_space<vmem>>
    %dma_wait3A_209 = tpu.memref_squeeze %dma_wait3A_208 : memref<1x64xi32, #tpu.memory_space<vmem>> -> memref<64xi32, #tpu.memory_space<vmem>>
    %dma_wait3A_210 = arith.constant 0 : i32
    %dma_wait3A_211 = arith.constant 0 : i32
    %dma_wait3A_212 = tpu.memref_slice %arg3[%dma_wait3A_210, %dma_wait3A_211] : memref<20000x128xf32, #tpu.memory_space<hbm>> -> memref<20000x128xf32, #tpu.memory_space<hbm>>
    tpu.wait_indirect_dma semaphore(%arg23 : memref<!tpu.dma_semaphore, #tpu.memory_space<semaphore_mem>>) src(%dma_wait3A_212 : memref<20000x128xf32, #tpu.memory_space<hbm>>) dst(%arg20 : memref<64x128xf32, #tpu.memory_space<vmem>>)
    %dma_start3A_213 = arith.constant 39 : i32
    %dma_start3A_214 = arith.constant 0 : i32
    %dma_start3A_215 = tpu.memref_slice %arg18[%dma_start3A_213, %dma_start3A_214] : memref<40x64xi32, #tpu.memory_space<vmem>> -> memref<1x64xi32, #tpu.memory_space<vmem>>
    %dma_start3A_216 = tpu.memref_squeeze %dma_start3A_215 : memref<1x64xi32, #tpu.memory_space<vmem>> -> memref<64xi32, #tpu.memory_space<vmem>>
    %dma_start3A_217 = arith.constant 0 : i32
    %dma_start3A_218 = arith.constant 0 : i32
    %dma_start3A_219 = tpu.memref_slice %arg3[%dma_start3A_217, %dma_start3A_218] : memref<20000x128xf32, #tpu.memory_space<hbm>> -> memref<20000x128xf32, #tpu.memory_space<hbm>>
    tpu.enqueue_indirect_dma source(%dma_start3A_219 : memref<20000x128xf32, #tpu.memory_space<hbm>>) target(%arg21 : memref<64x128xf32, #tpu.memory_space<vmem>>) offsets(%dma_start3A_216 : memref<64xi32, #tpu.memory_space<vmem>>) semaphore(%arg24 : memref<!tpu.dma_semaphore, #tpu.memory_space<semaphore_mem>>)
    %run_scoped3A_220 = arith.constant 38 : i32
    "tpu.region"() ({
      %run_scoped3A_314 = tpu.sem_alloc : memref<!tpu.dma_semaphore, #tpu.memory_space<semaphore_mem>>
      %dma_start3A_315 = arith.constant 0 : i32
      %dma_start3A_316 = tpu.memref_slice %arg19[%run_scoped3A_220, %dma_start3A_315] : memref<40x64xi32, #tpu.memory_space<vmem>> -> memref<1x64xi32, #tpu.memory_space<vmem>>
      %dma_start3A_317 = tpu.memref_squeeze %dma_start3A_316 : memref<1x64xi32, #tpu.memory_space<vmem>> -> memref<64xi32, #tpu.memory_space<vmem>>
      %dma_start3A_318 = arith.constant 0 : i32
      %dma_start3A_319 = arith.constant 0 : i32
      %dma_start3A_320 = tpu.memref_slice %arg17[%dma_start3A_318, %dma_start3A_319] : memref<10112x128xf32, #tpu.memory_space<vmem_shared>> -> memref<10112x128xf32, #tpu.memory_space<vmem_shared>>
      tpu.enqueue_indirect_dma source(%arg20 : memref<64x128xf32, #tpu.memory_space<vmem>>) target(%dma_start3A_320 : memref<10112x128xf32, #tpu.memory_space<vmem_shared>>) offsets(%dma_start3A_317 : memref<64xi32, #tpu.memory_space<vmem>>) semaphore(%run_scoped3A_314 : memref<!tpu.dma_semaphore, #tpu.memory_space<semaphore_mem>>) {add = true}
      %dma_wait3A_321 = arith.constant 0 : i32
      %dma_wait3A_322 = tpu.memref_slice %arg19[%run_scoped3A_220, %dma_wait3A_321] : memref<40x64xi32, #tpu.memory_space<vmem>> -> memref<1x64xi32, #tpu.memory_space<vmem>>
      %dma_wait3A_323 = tpu.memref_squeeze %dma_wait3A_322 : memref<1x64xi32, #tpu.memory_space<vmem>> -> memref<64xi32, #tpu.memory_space<vmem>>
      %dma_wait3A_324 = arith.constant 0 : i32
      %dma_wait3A_325 = arith.constant 0 : i32
      %dma_wait3A_326 = tpu.memref_slice %arg17[%dma_wait3A_324, %dma_wait3A_325] : memref<10112x128xf32, #tpu.memory_space<vmem_shared>> -> memref<10112x128xf32, #tpu.memory_space<vmem_shared>>
      tpu.wait_indirect_dma semaphore(%run_scoped3A_314 : memref<!tpu.dma_semaphore, #tpu.memory_space<semaphore_mem>>) src(%arg20 : memref<64x128xf32, #tpu.memory_space<vmem>>) dst(%dma_wait3A_326 : memref<10112x128xf32, #tpu.memory_space<vmem_shared>>)
      tpu.yield
    }) : () -> ()
    %dma_wait3A_221 = arith.constant 39 : i32
    %dma_wait3A_222 = arith.constant 0 : i32
    %dma_wait3A_223 = tpu.memref_slice %arg18[%dma_wait3A_221, %dma_wait3A_222] : memref<40x64xi32, #tpu.memory_space<vmem>> -> memref<1x64xi32, #tpu.memory_space<vmem>>
    %dma_wait3A_224 = tpu.memref_squeeze %dma_wait3A_223 : memref<1x64xi32, #tpu.memory_space<vmem>> -> memref<64xi32, #tpu.memory_space<vmem>>
    %dma_wait3A_225 = arith.constant 0 : i32
    %dma_wait3A_226 = arith.constant 0 : i32
    %dma_wait3A_227 = tpu.memref_slice %arg3[%dma_wait3A_225, %dma_wait3A_226] : memref<20000x128xf32, #tpu.memory_space<hbm>> -> memref<20000x128xf32, #tpu.memory_space<hbm>>
    tpu.wait_indirect_dma semaphore(%arg24 : memref<!tpu.dma_semaphore, #tpu.memory_space<semaphore_mem>>) src(%dma_wait3A_227 : memref<20000x128xf32, #tpu.memory_space<hbm>>) dst(%arg21 : memref<64x128xf32, #tpu.memory_space<vmem>>)
    %run_scoped3A_228 = arith.constant 39 : i32
    "tpu.region"() ({
      %run_scoped3A_314 = tpu.sem_alloc : memref<!tpu.dma_semaphore, #tpu.memory_space<semaphore_mem>>
      %dma_start3A_315 = arith.constant 0 : i32
      %dma_start3A_316 = tpu.memref_slice %arg19[%run_scoped3A_228, %dma_start3A_315] : memref<40x64xi32, #tpu.memory_space<vmem>> -> memref<1x64xi32, #tpu.memory_space<vmem>>
      %dma_start3A_317 = tpu.memref_squeeze %dma_start3A_316 : memref<1x64xi32, #tpu.memory_space<vmem>> -> memref<64xi32, #tpu.memory_space<vmem>>
      %dma_start3A_318 = arith.constant 0 : i32
      %dma_start3A_319 = arith.constant 0 : i32
      %dma_start3A_320 = tpu.memref_slice %arg17[%dma_start3A_318, %dma_start3A_319] : memref<10112x128xf32, #tpu.memory_space<vmem_shared>> -> memref<10112x128xf32, #tpu.memory_space<vmem_shared>>
      tpu.enqueue_indirect_dma source(%arg21 : memref<64x128xf32, #tpu.memory_space<vmem>>) target(%dma_start3A_320 : memref<10112x128xf32, #tpu.memory_space<vmem_shared>>) offsets(%dma_start3A_317 : memref<64xi32, #tpu.memory_space<vmem>>) semaphore(%run_scoped3A_314 : memref<!tpu.dma_semaphore, #tpu.memory_space<semaphore_mem>>) {add = true}
      %dma_wait3A_321 = arith.constant 0 : i32
      %dma_wait3A_322 = tpu.memref_slice %arg19[%run_scoped3A_228, %dma_wait3A_321] : memref<40x64xi32, #tpu.memory_space<vmem>> -> memref<1x64xi32, #tpu.memory_space<vmem>>
      %dma_wait3A_323 = tpu.memref_squeeze %dma_wait3A_322 : memref<1x64xi32, #tpu.memory_space<vmem>> -> memref<64xi32, #tpu.memory_space<vmem>>
      %dma_wait3A_324 = arith.constant 0 : i32
      %dma_wait3A_325 = arith.constant 0 : i32
      %dma_wait3A_326 = tpu.memref_slice %arg17[%dma_wait3A_324, %dma_wait3A_325] : memref<10112x128xf32, #tpu.memory_space<vmem_shared>> -> memref<10112x128xf32, #tpu.memory_space<vmem_shared>>
      tpu.wait_indirect_dma semaphore(%run_scoped3A_314 : memref<!tpu.dma_semaphore, #tpu.memory_space<semaphore_mem>>) src(%arg21 : memref<64x128xf32, #tpu.memory_space<vmem>>) dst(%dma_wait3A_326 : memref<10112x128xf32, #tpu.memory_space<vmem_shared>>)
      tpu.yield
    }) : () -> ()
    %barrier3A_229 = arith.constant 0 : index
    tpu.barrier barrier_id(%barrier3A_229)
    %mul3A_230 = arith.constant 632 : i32
    %mul3A_231 = arith.muli %arg1, %mul3A_230 : i32
    %mul3A_232 = arith.constant 632 : i32
    %mul3A_233 = arith.muli %arg1, %mul3A_232 : i32
    "tpu.region"() ({
      %run_scoped3A_314 = tpu.sem_alloc : memref<!tpu.dma_semaphore, #tpu.memory_space<semaphore_mem>>
      %dma_start3A_315 = arith.constant 0 : i32
      %dma_start3A_316 = tpu.memref_slice %arg15[%arg0, %mul3A_233, %dma_start3A_315] : memref<2x10112x128xf32, #tpu.memory_space<hbm>> -> memref<1x632x128xf32, #tpu.memory_space<hbm>>
      %dma_start3A_317 = tpu.memref_squeeze %dma_start3A_316 : memref<1x632x128xf32, #tpu.memory_space<hbm>> -> memref<632x128xf32, #tpu.memory_space<hbm>>
      %dma_start3A_318 = arith.constant 0 : i32
      %dma_start3A_319 = tpu.memref_slice %arg17[%mul3A_231, %dma_start3A_318] : memref<10112x128xf32, #tpu.memory_space<vmem_shared>> -> memref<632x128xf32, #tpu.memory_space<vmem_shared>>
      tpu.enqueue_dma source(%dma_start3A_319 : memref<632x128xf32, #tpu.memory_space<vmem_shared>>) target(%dma_start3A_317 : memref<632x128xf32, #tpu.memory_space<hbm>>) target_semaphore(%run_scoped3A_314 : memref<!tpu.dma_semaphore, #tpu.memory_space<semaphore_mem>>)
      %dma_wait3A_320 = arith.constant 0 : i32
      %dma_wait3A_321 = tpu.memref_slice %arg15[%arg0, %mul3A_233, %dma_wait3A_320] : memref<2x10112x128xf32, #tpu.memory_space<hbm>> -> memref<1x632x128xf32, #tpu.memory_space<hbm>>
      %dma_wait3A_322 = tpu.memref_squeeze %dma_wait3A_321 : memref<1x632x128xf32, #tpu.memory_space<hbm>> -> memref<632x128xf32, #tpu.memory_space<hbm>>
      %dma_wait3A_323 = arith.constant 0 : i32
      %dma_wait3A_324 = tpu.memref_slice %arg17[%mul3A_231, %dma_wait3A_323] : memref<10112x128xf32, #tpu.memory_space<vmem_shared>> -> memref<632x128xf32, #tpu.memory_space<vmem_shared>>
      tpu.wait_dma2 semaphore(%run_scoped3A_314 : memref<!tpu.dma_semaphore, #tpu.memory_space<semaphore_mem>>) src(%dma_wait3A_324 : memref<632x128xf32, #tpu.memory_space<vmem_shared>>) dst(%dma_wait3A_322 : memref<632x128xf32, #tpu.memory_space<hbm>>)
      tpu.yield
    }) : () -> ()
    %mul3A_234 = arith.constant 632 : i32
    %mul3A_235 = arith.muli %arg1, %mul3A_234 : i32
    %dma_start3A_236 = arith.constant 0 : i32
    %dma_start3A_237 = tpu.memref_slice %arg17[%mul3A_235, %dma_start3A_236] : memref<10112x128xf32, #tpu.memory_space<vmem_shared>> -> memref<632x128xf32, #tpu.memory_space<vmem_shared>>
    tpu.enqueue_dma source(%arg12 : memref<632x128xf32, #tpu.memory_space<hbm>>) target(%dma_start3A_237 : memref<632x128xf32, #tpu.memory_space<vmem_shared>>) target_semaphore(%arg22 : memref<!tpu.dma_semaphore, #tpu.memory_space<semaphore_mem>>)
    %dma_start3A_238 = arith.constant 0 : i32
    %dma_start3A_239 = arith.constant 0 : i32
    %dma_start3A_240 = tpu.memref_slice %arg10[%arg0, %arg1, %dma_start3A_238, %dma_start3A_239] : memref<2x16x40x64xi32, #tpu.memory_space<hbm>> -> memref<1x1x40x64xi32, #tpu.memory_space<hbm>>
    %dma_start3A_241 = tpu.memref_squeeze %dma_start3A_240 : memref<1x1x40x64xi32, #tpu.memory_space<hbm>> -> memref<40x64xi32, #tpu.memory_space<hbm>>
    %dma_start3A_242 = arith.constant 0 : i32
    %dma_start3A_243 = arith.constant 0 : i32
    %dma_start3A_244 = tpu.memref_slice %arg10[%arg0, %arg1, %dma_start3A_242, %dma_start3A_243] : memref<2x16x40x64xi32, #tpu.memory_space<hbm>> -> memref<1x1x40x64xi32, #tpu.memory_space<hbm>>
    %dma_start3A_245 = tpu.memref_squeeze %dma_start3A_244 : memref<1x1x40x64xi32, #tpu.memory_space<hbm>> -> memref<40x64xi32, #tpu.memory_space<hbm>>
    tpu.enqueue_dma source(%dma_start3A_245 : memref<40x64xi32, #tpu.memory_space<hbm>>) target(%arg18 : memref<40x64xi32, #tpu.memory_space<vmem>>) target_semaphore(%arg22 : memref<!tpu.dma_semaphore, #tpu.memory_space<semaphore_mem>>)
    %dma_start3A_246 = arith.constant 0 : i32
    %dma_start3A_247 = arith.constant 0 : i32
    %dma_start3A_248 = tpu.memref_slice %arg11[%arg1, %dma_start3A_246, %dma_start3A_247] : memref<16x40x64xi32, #tpu.memory_space<hbm>> -> memref<1x40x64xi32, #tpu.memory_space<hbm>>
    %dma_start3A_249 = tpu.memref_squeeze %dma_start3A_248 : memref<1x40x64xi32, #tpu.memory_space<hbm>> -> memref<40x64xi32, #tpu.memory_space<hbm>>
    %dma_start3A_250 = arith.constant 0 : i32
    %dma_start3A_251 = arith.constant 0 : i32
    %dma_start3A_252 = tpu.memref_slice %arg11[%arg1, %dma_start3A_250, %dma_start3A_251] : memref<16x40x64xi32, #tpu.memory_space<hbm>> -> memref<1x40x64xi32, #tpu.memory_space<hbm>>
    %dma_start3A_253 = tpu.memref_squeeze %dma_start3A_252 : memref<1x40x64xi32, #tpu.memory_space<hbm>> -> memref<40x64xi32, #tpu.memory_space<hbm>>
    tpu.enqueue_dma source(%dma_start3A_253 : memref<40x64xi32, #tpu.memory_space<hbm>>) target(%arg19 : memref<40x64xi32, #tpu.memory_space<vmem>>) target_semaphore(%arg22 : memref<!tpu.dma_semaphore, #tpu.memory_space<semaphore_mem>>)
    %dma_wait3A_254 = arith.constant 0 : i32
    %dma_wait3A_255 = tpu.memref_slice %arg17[%mul3A_235, %dma_wait3A_254] : memref<10112x128xf32, #tpu.memory_space<vmem_shared>> -> memref<632x128xf32, #tpu.memory_space<vmem_shared>>
    tpu.wait_dma2 semaphore(%arg22 : memref<!tpu.dma_semaphore, #tpu.memory_space<semaphore_mem>>) src(%arg12 : memref<632x128xf32, #tpu.memory_space<hbm>>) dst(%dma_wait3A_255 : memref<632x128xf32, #tpu.memory_space<vmem_shared>>)
    %dma_wait3A_256 = arith.constant 0 : i32
    %dma_wait3A_257 = arith.constant 0 : i32
    %dma_wait3A_258 = tpu.memref_slice %arg10[%arg0, %arg1, %dma_wait3A_256, %dma_wait3A_257] : memref<2x16x40x64xi32, #tpu.memory_space<hbm>> -> memref<1x1x40x64xi32, #tpu.memory_space<hbm>>
    %dma_wait3A_259 = tpu.memref_squeeze %dma_wait3A_258 : memref<1x1x40x64xi32, #tpu.memory_space<hbm>> -> memref<40x64xi32, #tpu.memory_space<hbm>>
    %dma_wait3A_260 = arith.constant 0 : i32
    %dma_wait3A_261 = arith.constant 0 : i32
    %dma_wait3A_262 = tpu.memref_slice %arg10[%arg0, %arg1, %dma_wait3A_260, %dma_wait3A_261] : memref<2x16x40x64xi32, #tpu.memory_space<hbm>> -> memref<1x1x40x64xi32, #tpu.memory_space<hbm>>
    %dma_wait3A_263 = tpu.memref_squeeze %dma_wait3A_262 : memref<1x1x40x64xi32, #tpu.memory_space<hbm>> -> memref<40x64xi32, #tpu.memory_space<hbm>>
    tpu.wait_dma2 semaphore(%arg22 : memref<!tpu.dma_semaphore, #tpu.memory_space<semaphore_mem>>) src(%dma_wait3A_263 : memref<40x64xi32, #tpu.memory_space<hbm>>) dst(%arg18 : memref<40x64xi32, #tpu.memory_space<vmem>>)
    %dma_wait3A_264 = arith.constant 0 : i32
    %dma_wait3A_265 = arith.constant 0 : i32
    %dma_wait3A_266 = tpu.memref_slice %arg11[%arg1, %dma_wait3A_264, %dma_wait3A_265] : memref<16x40x64xi32, #tpu.memory_space<hbm>> -> memref<1x40x64xi32, #tpu.memory_space<hbm>>
    %dma_wait3A_267 = tpu.memref_squeeze %dma_wait3A_266 : memref<1x40x64xi32, #tpu.memory_space<hbm>> -> memref<40x64xi32, #tpu.memory_space<hbm>>
    %dma_wait3A_268 = arith.constant 0 : i32
    %dma_wait3A_269 = arith.constant 0 : i32
    %dma_wait3A_270 = tpu.memref_slice %arg11[%arg1, %dma_wait3A_268, %dma_wait3A_269] : memref<16x40x64xi32, #tpu.memory_space<hbm>> -> memref<1x40x64xi32, #tpu.memory_space<hbm>>
    %dma_wait3A_271 = tpu.memref_squeeze %dma_wait3A_270 : memref<1x40x64xi32, #tpu.memory_space<hbm>> -> memref<40x64xi32, #tpu.memory_space<hbm>>
    tpu.wait_dma2 semaphore(%arg22 : memref<!tpu.dma_semaphore, #tpu.memory_space<semaphore_mem>>) src(%dma_wait3A_271 : memref<40x64xi32, #tpu.memory_space<hbm>>) dst(%arg19 : memref<40x64xi32, #tpu.memory_space<vmem>>)
    %barrier3A_272 = arith.constant 0 : index
    tpu.barrier barrier_id(%barrier3A_272)
    %dma_start3A_273 = arith.constant 0 : i32
    %dma_start3A_274 = arith.constant 0 : i32
    %dma_start3A_275 = tpu.memref_slice %arg18[%dma_start3A_273, %dma_start3A_274] : memref<40x64xi32, #tpu.memory_space<vmem>> -> memref<1x64xi32, #tpu.memory_space<vmem>>
    %dma_start3A_276 = tpu.memref_squeeze %dma_start3A_275 : memref<1x64xi32, #tpu.memory_space<vmem>> -> memref<64xi32, #tpu.memory_space<vmem>>
    %dma_start3A_277 = arith.constant 0 : i32
    %dma_start3A_278 = arith.constant 0 : i32
    %dma_start3A_279 = tpu.memref_slice %arg3[%dma_start3A_277, %dma_start3A_278] : memref<20000x128xf32, #tpu.memory_space<hbm>> -> memref<20000x128xf32, #tpu.memory_space<hbm>>
    tpu.enqueue_indirect_dma source(%dma_start3A_279 : memref<20000x128xf32, #tpu.memory_space<hbm>>) target(%arg20 : memref<64x128xf32, #tpu.memory_space<vmem>>) offsets(%dma_start3A_276 : memref<64xi32, #tpu.memory_space<vmem>>) semaphore(%arg23 : memref<!tpu.dma_semaphore, #tpu.memory_space<semaphore_mem>>)
    %scan3A_280 = arith.constant 0 : i32
    %scan3A_281 = arith.constant 0 : i32
    %scan3A_282 = arith.constant 19 : i32
    %scan3A_283 = arith.addi %scan3A_281, %scan3A_282 : i32
    %scan3A_284 = arith.constant 1 : i32
    scf.for %scan3A_314 = %scan3A_281 to %scan3A_283 step %scan3A_284  : i32 {
      %mul3A_315 = arith.constant 2 : i32
      %mul3A_316 = arith.muli %mul3A_315, %scan3A_314 : i32
      %dma_wait3A_317 = arith.constant 0 : i32
      %dma_wait3A_318 = tpu.memref_slice %arg18[%mul3A_316, %dma_wait3A_317] : memref<40x64xi32, #tpu.memory_space<vmem>> -> memref<1x64xi32, #tpu.memory_space<vmem>>
      %dma_wait3A_319 = tpu.memref_squeeze %dma_wait3A_318 : memref<1x64xi32, #tpu.memory_space<vmem>> -> memref<64xi32, #tpu.memory_space<vmem>>
      %dma_wait3A_320 = arith.constant 0 : i32
      %dma_wait3A_321 = arith.constant 0 : i32
      %dma_wait3A_322 = tpu.memref_slice %arg3[%dma_wait3A_320, %dma_wait3A_321] : memref<20000x128xf32, #tpu.memory_space<hbm>> -> memref<20000x128xf32, #tpu.memory_space<hbm>>
      tpu.wait_indirect_dma semaphore(%arg23 : memref<!tpu.dma_semaphore, #tpu.memory_space<semaphore_mem>>) src(%dma_wait3A_322 : memref<20000x128xf32, #tpu.memory_space<hbm>>) dst(%arg20 : memref<64x128xf32, #tpu.memory_space<vmem>>)
      %add3A = arith.constant 1 : i32
      %add3A_323 = arith.addi %mul3A_316, %add3A : i32
      %dma_start3A_324 = arith.constant 0 : i32
      %dma_start3A_325 = tpu.memref_slice %arg18[%add3A_323, %dma_start3A_324] : memref<40x64xi32, #tpu.memory_space<vmem>> -> memref<1x64xi32, #tpu.memory_space<vmem>>
      %dma_start3A_326 = tpu.memref_squeeze %dma_start3A_325 : memref<1x64xi32, #tpu.memory_space<vmem>> -> memref<64xi32, #tpu.memory_space<vmem>>
      %dma_start3A_327 = arith.constant 0 : i32
      %dma_start3A_328 = arith.constant 0 : i32
      %dma_start3A_329 = tpu.memref_slice %arg3[%dma_start3A_327, %dma_start3A_328] : memref<20000x128xf32, #tpu.memory_space<hbm>> -> memref<20000x128xf32, #tpu.memory_space<hbm>>
      tpu.enqueue_indirect_dma source(%dma_start3A_329 : memref<20000x128xf32, #tpu.memory_space<hbm>>) target(%arg21 : memref<64x128xf32, #tpu.memory_space<vmem>>) offsets(%dma_start3A_326 : memref<64xi32, #tpu.memory_space<vmem>>) semaphore(%arg24 : memref<!tpu.dma_semaphore, #tpu.memory_space<semaphore_mem>>)
      "tpu.region"() ({
        %run_scoped3A_348 = tpu.sem_alloc : memref<!tpu.dma_semaphore, #tpu.memory_space<semaphore_mem>>
        %dma_start3A_349 = arith.constant 0 : i32
        %dma_start3A_350 = tpu.memref_slice %arg19[%mul3A_316, %dma_start3A_349] : memref<40x64xi32, #tpu.memory_space<vmem>> -> memref<1x64xi32, #tpu.memory_space<vmem>>
        %dma_start3A_351 = tpu.memref_squeeze %dma_start3A_350 : memref<1x64xi32, #tpu.memory_space<vmem>> -> memref<64xi32, #tpu.memory_space<vmem>>
        %dma_start3A_352 = arith.constant 0 : i32
        %dma_start3A_353 = arith.constant 0 : i32
        %dma_start3A_354 = tpu.memref_slice %arg17[%dma_start3A_352, %dma_start3A_353] : memref<10112x128xf32, #tpu.memory_space<vmem_shared>> -> memref<10112x128xf32, #tpu.memory_space<vmem_shared>>
        tpu.enqueue_indirect_dma source(%arg20 : memref<64x128xf32, #tpu.memory_space<vmem>>) target(%dma_start3A_354 : memref<10112x128xf32, #tpu.memory_space<vmem_shared>>) offsets(%dma_start3A_351 : memref<64xi32, #tpu.memory_space<vmem>>) semaphore(%run_scoped3A_348 : memref<!tpu.dma_semaphore, #tpu.memory_space<semaphore_mem>>) {add = true}
        %dma_wait3A_355 = arith.constant 0 : i32
        %dma_wait3A_356 = tpu.memref_slice %arg19[%mul3A_316, %dma_wait3A_355] : memref<40x64xi32, #tpu.memory_space<vmem>> -> memref<1x64xi32, #tpu.memory_space<vmem>>
        %dma_wait3A_357 = tpu.memref_squeeze %dma_wait3A_356 : memref<1x64xi32, #tpu.memory_space<vmem>> -> memref<64xi32, #tpu.memory_space<vmem>>
        %dma_wait3A_358 = arith.constant 0 : i32
        %dma_wait3A_359 = arith.constant 0 : i32
        %dma_wait3A_360 = tpu.memref_slice %arg17[%dma_wait3A_358, %dma_wait3A_359] : memref<10112x128xf32, #tpu.memory_space<vmem_shared>> -> memref<10112x128xf32, #tpu.memory_space<vmem_shared>>
        tpu.wait_indirect_dma semaphore(%run_scoped3A_348 : memref<!tpu.dma_semaphore, #tpu.memory_space<semaphore_mem>>) src(%arg20 : memref<64x128xf32, #tpu.memory_space<vmem>>) dst(%dma_wait3A_360 : memref<10112x128xf32, #tpu.memory_space<vmem_shared>>)
        tpu.yield
      }) : () -> ()
      %add3A_330 = arith.constant 1 : i32
      %add3A_331 = arith.addi %mul3A_316, %add3A_330 : i32
      %dma_wait3A_332 = arith.constant 0 : i32
      %dma_wait3A_333 = tpu.memref_slice %arg18[%add3A_331, %dma_wait3A_332] : memref<40x64xi32, #tpu.memory_space<vmem>> -> memref<1x64xi32, #tpu.memory_space<vmem>>
      %dma_wait3A_334 = tpu.memref_squeeze %dma_wait3A_333 : memref<1x64xi32, #tpu.memory_space<vmem>> -> memref<64xi32, #tpu.memory_space<vmem>>
      %dma_wait3A_335 = arith.constant 0 : i32
      %dma_wait3A_336 = arith.constant 0 : i32
      %dma_wait3A_337 = tpu.memref_slice %arg3[%dma_wait3A_335, %dma_wait3A_336] : memref<20000x128xf32, #tpu.memory_space<hbm>> -> memref<20000x128xf32, #tpu.memory_space<hbm>>
      tpu.wait_indirect_dma semaphore(%arg24 : memref<!tpu.dma_semaphore, #tpu.memory_space<semaphore_mem>>) src(%dma_wait3A_337 : memref<20000x128xf32, #tpu.memory_space<hbm>>) dst(%arg21 : memref<64x128xf32, #tpu.memory_space<vmem>>)
      %add3A_338 = arith.constant 2 : i32
      %add3A_339 = arith.addi %mul3A_316, %add3A_338 : i32
      %dma_start3A_340 = arith.constant 0 : i32
      %dma_start3A_341 = tpu.memref_slice %arg18[%add3A_339, %dma_start3A_340] : memref<40x64xi32, #tpu.memory_space<vmem>> -> memref<1x64xi32, #tpu.memory_space<vmem>>
      %dma_start3A_342 = tpu.memref_squeeze %dma_start3A_341 : memref<1x64xi32, #tpu.memory_space<vmem>> -> memref<64xi32, #tpu.memory_space<vmem>>
      %dma_start3A_343 = arith.constant 0 : i32
      %dma_start3A_344 = arith.constant 0 : i32
      %dma_start3A_345 = tpu.memref_slice %arg3[%dma_start3A_343, %dma_start3A_344] : memref<20000x128xf32, #tpu.memory_space<hbm>> -> memref<20000x128xf32, #tpu.memory_space<hbm>>
      tpu.enqueue_indirect_dma source(%dma_start3A_345 : memref<20000x128xf32, #tpu.memory_space<hbm>>) target(%arg20 : memref<64x128xf32, #tpu.memory_space<vmem>>) offsets(%dma_start3A_342 : memref<64xi32, #tpu.memory_space<vmem>>) semaphore(%arg23 : memref<!tpu.dma_semaphore, #tpu.memory_space<semaphore_mem>>)
      %add3A_346 = arith.constant 1 : i32
      %add3A_347 = arith.addi %mul3A_316, %add3A_346 : i32
      "tpu.region"() ({
        %run_scoped3A_348 = tpu.sem_alloc : memref<!tpu.dma_semaphore, #tpu.memory_space<semaphore_mem>>
        %dma_start3A_349 = arith.constant 0 : i32
        %dma_start3A_350 = tpu.memref_slice %arg19[%add3A_347, %dma_start3A_349] : memref<40x64xi32, #tpu.memory_space<vmem>> -> memref<1x64xi32, #tpu.memory_space<vmem>>
        %dma_start3A_351 = tpu.memref_squeeze %dma_start3A_350 : memref<1x64xi32, #tpu.memory_space<vmem>> -> memref<64xi32, #tpu.memory_space<vmem>>
        %dma_start3A_352 = arith.constant 0 : i32
        %dma_start3A_353 = arith.constant 0 : i32
        %dma_start3A_354 = tpu.memref_slice %arg17[%dma_start3A_352, %dma_start3A_353] : memref<10112x128xf32, #tpu.memory_space<vmem_shared>> -> memref<10112x128xf32, #tpu.memory_space<vmem_shared>>
        tpu.enqueue_indirect_dma source(%arg21 : memref<64x128xf32, #tpu.memory_space<vmem>>) target(%dma_start3A_354 : memref<10112x128xf32, #tpu.memory_space<vmem_shared>>) offsets(%dma_start3A_351 : memref<64xi32, #tpu.memory_space<vmem>>) semaphore(%run_scoped3A_348 : memref<!tpu.dma_semaphore, #tpu.memory_space<semaphore_mem>>) {add = true}
        %dma_wait3A_355 = arith.constant 0 : i32
        %dma_wait3A_356 = tpu.memref_slice %arg19[%add3A_347, %dma_wait3A_355] : memref<40x64xi32, #tpu.memory_space<vmem>> -> memref<1x64xi32, #tpu.memory_space<vmem>>
        %dma_wait3A_357 = tpu.memref_squeeze %dma_wait3A_356 : memref<1x64xi32, #tpu.memory_space<vmem>> -> memref<64xi32, #tpu.memory_space<vmem>>
        %dma_wait3A_358 = arith.constant 0 : i32
        %dma_wait3A_359 = arith.constant 0 : i32
        %dma_wait3A_360 = tpu.memref_slice %arg17[%dma_wait3A_358, %dma_wait3A_359] : memref<10112x128xf32, #tpu.memory_space<vmem_shared>> -> memref<10112x128xf32, #tpu.memory_space<vmem_shared>>
        tpu.wait_indirect_dma semaphore(%run_scoped3A_348 : memref<!tpu.dma_semaphore, #tpu.memory_space<semaphore_mem>>) src(%arg21 : memref<64x128xf32, #tpu.memory_space<vmem>>) dst(%dma_wait3A_360 : memref<10112x128xf32, #tpu.memory_space<vmem_shared>>)
        tpu.yield
      }) : () -> ()
    }
    %scan3A_285 = arith.constant 19 : i32
    %dma_wait3A_286 = arith.constant 38 : i32
    %dma_wait3A_287 = arith.constant 0 : i32
    %dma_wait3A_288 = tpu.memref_slice %arg18[%dma_wait3A_286, %dma_wait3A_287] : memref<40x64xi32, #tpu.memory_space<vmem>> -> memref<1x64xi32, #tpu.memory_space<vmem>>
    %dma_wait3A_289 = tpu.memref_squeeze %dma_wait3A_288 : memref<1x64xi32, #tpu.memory_space<vmem>> -> memref<64xi32, #tpu.memory_space<vmem>>
    %dma_wait3A_290 = arith.constant 0 : i32
    %dma_wait3A_291 = arith.constant 0 : i32
    %dma_wait3A_292 = tpu.memref_slice %arg3[%dma_wait3A_290, %dma_wait3A_291] : memref<20000x128xf32, #tpu.memory_space<hbm>> -> memref<20000x128xf32, #tpu.memory_space<hbm>>
    tpu.wait_indirect_dma semaphore(%arg23 : memref<!tpu.dma_semaphore, #tpu.memory_space<semaphore_mem>>) src(%dma_wait3A_292 : memref<20000x128xf32, #tpu.memory_space<hbm>>) dst(%arg20 : memref<64x128xf32, #tpu.memory_space<vmem>>)
    %dma_start3A_293 = arith.constant 39 : i32
    %dma_start3A_294 = arith.constant 0 : i32
    %dma_start3A_295 = tpu.memref_slice %arg18[%dma_start3A_293, %dma_start3A_294] : memref<40x64xi32, #tpu.memory_space<vmem>> -> memref<1x64xi32, #tpu.memory_space<vmem>>
    %dma_start3A_296 = tpu.memref_squeeze %dma_start3A_295 : memref<1x64xi32, #tpu.memory_space<vmem>> -> memref<64xi32, #tpu.memory_space<vmem>>
    %dma_start3A_297 = arith.constant 0 : i32
    %dma_start3A_298 = arith.constant 0 : i32
    %dma_start3A_299 = tpu.memref_slice %arg3[%dma_start3A_297, %dma_start3A_298] : memref<20000x128xf32, #tpu.memory_space<hbm>> -> memref<20000x128xf32, #tpu.memory_space<hbm>>
    tpu.enqueue_indirect_dma source(%dma_start3A_299 : memref<20000x128xf32, #tpu.memory_space<hbm>>) target(%arg21 : memref<64x128xf32, #tpu.memory_space<vmem>>) offsets(%dma_start3A_296 : memref<64xi32, #tpu.memory_space<vmem>>) semaphore(%arg24 : memref<!tpu.dma_semaphore, #tpu.memory_space<semaphore_mem>>)
    %run_scoped3A_300 = arith.constant 38 : i32
    "tpu.region"() ({
      %run_scoped3A_314 = tpu.sem_alloc : memref<!tpu.dma_semaphore, #tpu.memory_space<semaphore_mem>>
      %dma_start3A_315 = arith.constant 0 : i32
      %dma_start3A_316 = tpu.memref_slice %arg19[%run_scoped3A_300, %dma_start3A_315] : memref<40x64xi32, #tpu.memory_space<vmem>> -> memref<1x64xi32, #tpu.memory_space<vmem>>
      %dma_start3A_317 = tpu.memref_squeeze %dma_start3A_316 : memref<1x64xi32, #tpu.memory_space<vmem>> -> memref<64xi32, #tpu.memory_space<vmem>>
      %dma_start3A_318 = arith.constant 0 : i32
      %dma_start3A_319 = arith.constant 0 : i32
      %dma_start3A_320 = tpu.memref_slice %arg17[%dma_start3A_318, %dma_start3A_319] : memref<10112x128xf32, #tpu.memory_space<vmem_shared>> -> memref<10112x128xf32, #tpu.memory_space<vmem_shared>>
      tpu.enqueue_indirect_dma source(%arg20 : memref<64x128xf32, #tpu.memory_space<vmem>>) target(%dma_start3A_320 : memref<10112x128xf32, #tpu.memory_space<vmem_shared>>) offsets(%dma_start3A_317 : memref<64xi32, #tpu.memory_space<vmem>>) semaphore(%run_scoped3A_314 : memref<!tpu.dma_semaphore, #tpu.memory_space<semaphore_mem>>) {add = true}
      %dma_wait3A_321 = arith.constant 0 : i32
      %dma_wait3A_322 = tpu.memref_slice %arg19[%run_scoped3A_300, %dma_wait3A_321] : memref<40x64xi32, #tpu.memory_space<vmem>> -> memref<1x64xi32, #tpu.memory_space<vmem>>
      %dma_wait3A_323 = tpu.memref_squeeze %dma_wait3A_322 : memref<1x64xi32, #tpu.memory_space<vmem>> -> memref<64xi32, #tpu.memory_space<vmem>>
      %dma_wait3A_324 = arith.constant 0 : i32
      %dma_wait3A_325 = arith.constant 0 : i32
      %dma_wait3A_326 = tpu.memref_slice %arg17[%dma_wait3A_324, %dma_wait3A_325] : memref<10112x128xf32, #tpu.memory_space<vmem_shared>> -> memref<10112x128xf32, #tpu.memory_space<vmem_shared>>
      tpu.wait_indirect_dma semaphore(%run_scoped3A_314 : memref<!tpu.dma_semaphore, #tpu.memory_space<semaphore_mem>>) src(%arg20 : memref<64x128xf32, #tpu.memory_space<vmem>>) dst(%dma_wait3A_326 : memref<10112x128xf32, #tpu.memory_space<vmem_shared>>)
      tpu.yield
    }) : () -> ()
    %dma_wait3A_301 = arith.constant 39 : i32
    %dma_wait3A_302 = arith.constant 0 : i32
    %dma_wait3A_303 = tpu.memref_slice %arg18[%dma_wait3A_301, %dma_wait3A_302] : memref<40x64xi32, #tpu.memory_space<vmem>> -> memref<1x64xi32, #tpu.memory_space<vmem>>
    %dma_wait3A_304 = tpu.memref_squeeze %dma_wait3A_303 : memref<1x64xi32, #tpu.memory_space<vmem>> -> memref<64xi32, #tpu.memory_space<vmem>>
    %dma_wait3A_305 = arith.constant 0 : i32
    %dma_wait3A_306 = arith.constant 0 : i32
    %dma_wait3A_307 = tpu.memref_slice %arg3[%dma_wait3A_305, %dma_wait3A_306] : memref<20000x128xf32, #tpu.memory_space<hbm>> -> memref<20000x128xf32, #tpu.memory_space<hbm>>
    tpu.wait_indirect_dma semaphore(%arg24 : memref<!tpu.dma_semaphore, #tpu.memory_space<semaphore_mem>>) src(%dma_wait3A_307 : memref<20000x128xf32, #tpu.memory_space<hbm>>) dst(%arg21 : memref<64x128xf32, #tpu.memory_space<vmem>>)
    %run_scoped3A_308 = arith.constant 39 : i32
    "tpu.region"() ({
      %run_scoped3A_314 = tpu.sem_alloc : memref<!tpu.dma_semaphore, #tpu.memory_space<semaphore_mem>>
      %dma_start3A_315 = arith.constant 0 : i32
      %dma_start3A_316 = tpu.memref_slice %arg19[%run_scoped3A_308, %dma_start3A_315] : memref<40x64xi32, #tpu.memory_space<vmem>> -> memref<1x64xi32, #tpu.memory_space<vmem>>
      %dma_start3A_317 = tpu.memref_squeeze %dma_start3A_316 : memref<1x64xi32, #tpu.memory_space<vmem>> -> memref<64xi32, #tpu.memory_space<vmem>>
      %dma_start3A_318 = arith.constant 0 : i32
      %dma_start3A_319 = arith.constant 0 : i32
      %dma_start3A_320 = tpu.memref_slice %arg17[%dma_start3A_318, %dma_start3A_319] : memref<10112x128xf32, #tpu.memory_space<vmem_shared>> -> memref<10112x128xf32, #tpu.memory_space<vmem_shared>>
      tpu.enqueue_indirect_dma source(%arg21 : memref<64x128xf32, #tpu.memory_space<vmem>>) target(%dma_start3A_320 : memref<10112x128xf32, #tpu.memory_space<vmem_shared>>) offsets(%dma_start3A_317 : memref<64xi32, #tpu.memory_space<vmem>>) semaphore(%run_scoped3A_314 : memref<!tpu.dma_semaphore, #tpu.memory_space<semaphore_mem>>) {add = true}
      %dma_wait3A_321 = arith.constant 0 : i32
      %dma_wait3A_322 = tpu.memref_slice %arg19[%run_scoped3A_308, %dma_wait3A_321] : memref<40x64xi32, #tpu.memory_space<vmem>> -> memref<1x64xi32, #tpu.memory_space<vmem>>
      %dma_wait3A_323 = tpu.memref_squeeze %dma_wait3A_322 : memref<1x64xi32, #tpu.memory_space<vmem>> -> memref<64xi32, #tpu.memory_space<vmem>>
      %dma_wait3A_324 = arith.constant 0 : i32
      %dma_wait3A_325 = arith.constant 0 : i32
      %dma_wait3A_326 = tpu.memref_slice %arg17[%dma_wait3A_324, %dma_wait3A_325] : memref<10112x128xf32, #tpu.memory_space<vmem_shared>> -> memref<10112x128xf32, #tpu.memory_space<vmem_shared>>
      tpu.wait_indirect_dma semaphore(%run_scoped3A_314 : memref<!tpu.dma_semaphore, #tpu.memory_space<semaphore_mem>>) src(%arg21 : memref<64x128xf32, #tpu.memory_space<vmem>>) dst(%dma_wait3A_326 : memref<10112x128xf32, #tpu.memory_space<vmem_shared>>)
      tpu.yield
    }) : () -> ()
    %barrier3A_309 = arith.constant 0 : index
    tpu.barrier barrier_id(%barrier3A_309)
    %mul3A_310 = arith.constant 632 : i32
    %mul3A_311 = arith.muli %arg1, %mul3A_310 : i32
    %mul3A_312 = arith.constant 632 : i32
    %mul3A_313 = arith.muli %arg1, %mul3A_312 : i32
    "tpu.region"() ({
      %run_scoped3A_314 = tpu.sem_alloc : memref<!tpu.dma_semaphore, #tpu.memory_space<semaphore_mem>>
      %dma_start3A_315 = arith.constant 0 : i32
      %dma_start3A_316 = tpu.memref_slice %arg16[%arg0, %mul3A_313, %dma_start3A_315] : memref<2x10112x128xf32, #tpu.memory_space<hbm>> -> memref<1x632x128xf32, #tpu.memory_space<hbm>>
      %dma_start3A_317 = tpu.memref_squeeze %dma_start3A_316 : memref<1x632x128xf32, #tpu.memory_space<hbm>> -> memref<632x128xf32, #tpu.memory_space<hbm>>
      %dma_start3A_318 = arith.constant 0 : i32
      %dma_start3A_319 = tpu.memref_slice %arg17[%mul3A_311, %dma_start3A_318] : memref<10112x128xf32, #tpu.memory_space<vmem_shared>> -> memref<632x128xf32, #tpu.memory_space<vmem_shared>>
      tpu.enqueue_dma source(%dma_start3A_319 : memref<632x128xf32, #tpu.memory_space<vmem_shared>>) target(%dma_start3A_317 : memref<632x128xf32, #tpu.memory_space<hbm>>) target_semaphore(%run_scoped3A_314 : memref<!tpu.dma_semaphore, #tpu.memory_space<semaphore_mem>>)
      %dma_wait3A_320 = arith.constant 0 : i32
      %dma_wait3A_321 = tpu.memref_slice %arg16[%arg0, %mul3A_313, %dma_wait3A_320] : memref<2x10112x128xf32, #tpu.memory_space<hbm>> -> memref<1x632x128xf32, #tpu.memory_space<hbm>>
      %dma_wait3A_322 = tpu.memref_squeeze %dma_wait3A_321 : memref<1x632x128xf32, #tpu.memory_space<hbm>> -> memref<632x128xf32, #tpu.memory_space<hbm>>
      %dma_wait3A_323 = arith.constant 0 : i32
      %dma_wait3A_324 = tpu.memref_slice %arg17[%mul3A_311, %dma_wait3A_323] : memref<10112x128xf32, #tpu.memory_space<vmem_shared>> -> memref<632x128xf32, #tpu.memory_space<vmem_shared>>
      tpu.wait_dma2 semaphore(%run_scoped3A_314 : memref<!tpu.dma_semaphore, #tpu.memory_space<semaphore_mem>>) src(%dma_wait3A_324 : memref<632x128xf32, #tpu.memory_space<vmem_shared>>) dst(%dma_wait3A_322 : memref<632x128xf32, #tpu.memory_space<hbm>>)
      tpu.yield
    }) : () -> ()
    return
  }
}

module attributes {stable_mosaic.version = 14 : i64} {
  func.func @_tc_layer_body(%arg0: i32, %arg1: memref<2x400x128xf32, #tpu.memory_space<vmem>>, %arg2: memref<400x16xf32, #tpu.memory_space<vmem>>, %arg3: memref<400x16xf32, #tpu.memory_space<vmem>>, %arg4: memref<256x256xf32, #tpu.memory_space<vmem>>, %arg5: memref<1x256xf32, #tpu.memory_space<vmem>>, %arg6: memref<2x400x128xf32, #tpu.memory_space<vmem>>, %arg7: memref<400x16xf32, #tpu.memory_space<vmem>>, %arg8: memref<400x16xf32, #tpu.memory_space<vmem>>, %arg9: memref<256x256xf32, #tpu.memory_space<vmem>>, %arg10: memref<1x256xf32, #tpu.memory_space<vmem>>, %arg11: memref<2x400x128xf32, #tpu.memory_space<vmem>>, %arg12: memref<400x16xf32, #tpu.memory_space<vmem>>, %arg13: memref<400x16xf32, #tpu.memory_space<vmem>>, %arg14: memref<256x256xf32, #tpu.memory_space<vmem>>, %arg15: memref<1x256xf32, #tpu.memory_space<vmem>>, %arg16: memref<256x256xf32, #tpu.memory_space<vmem>>, %arg17: memref<256x256xf32, #tpu.memory_space<vmem>>, %arg18: memref<256x256xf32, #tpu.memory_space<vmem>>, %arg19: memref<2x400x128xf32, #tpu.memory_space<vmem>>, %arg20: memref<2x400x128xf32, #tpu.memory_space<vmem>>, %arg21: memref<400x16xf32, #tpu.memory_space<vmem>>, %arg22: memref<400x16xf32, #tpu.memory_space<vmem>>, %arg23: memref<256x256xf32, #tpu.memory_space<vmem>>, %arg24: memref<1x256xf32, #tpu.memory_space<vmem>>, %arg25: memref<256x256xf32, #tpu.memory_space<vmem>>, %arg26: memref<2x400x128xf32, #tpu.memory_space<vmem>>, %arg27: memref<2x400x128xf32, #tpu.memory_space<vmem>>, %arg28: memref<2x400x128xf32, #tpu.memory_space<vmem>>) attributes {dimension_semantics = [#tpu.dimension_semantics<arbitrary>], iteration_bounds = array<i64: 25>, scalar_prefetch = 0 : i64, scratch_operands = 0 : i64, tpu.core_type = #tpu.core_type<tc>, window_params = [{transform_indices = @transform_0, window_bounds = array<i64: 2, 400, 128>}, {transform_indices = @transform_1, window_bounds = array<i64: 400, 16>}, {transform_indices = @transform_2, window_bounds = array<i64: 400, 16>}, {pipeline_mode = #tpu.pipeline_mode<synchronous>, transform_indices = @transform_3, window_bounds = array<i64: 256, 256>}, {pipeline_mode = #tpu.pipeline_mode<synchronous>, transform_indices = @transform_4, window_bounds = array<i64: 1, 256>}, {transform_indices = @transform_5, window_bounds = array<i64: 2, 400, 128>}, {transform_indices = @transform_6, window_bounds = array<i64: 400, 16>}, {transform_indices = @transform_7, window_bounds = array<i64: 400, 16>}, {pipeline_mode = #tpu.pipeline_mode<synchronous>, transform_indices = @transform_8, window_bounds = array<i64: 256, 256>}, {pipeline_mode = #tpu.pipeline_mode<synchronous>, transform_indices = @transform_9, window_bounds = array<i64: 1, 256>}, {transform_indices = @transform_10, window_bounds = array<i64: 2, 400, 128>}, {transform_indices = @transform_11, window_bounds = array<i64: 400, 16>}, {transform_indices = @transform_12, window_bounds = array<i64: 400, 16>}, {pipeline_mode = #tpu.pipeline_mode<synchronous>, transform_indices = @transform_13, window_bounds = array<i64: 256, 256>}, {pipeline_mode = #tpu.pipeline_mode<synchronous>, transform_indices = @transform_14, window_bounds = array<i64: 1, 256>}, {pipeline_mode = #tpu.pipeline_mode<synchronous>, transform_indices = @transform_15, window_bounds = array<i64: 256, 256>}, {pipeline_mode = #tpu.pipeline_mode<synchronous>, transform_indices = @transform_16, window_bounds = array<i64: 256, 256>}, {pipeline_mode = #tpu.pipeline_mode<synchronous>, transform_indices = @transform_17, window_bounds = array<i64: 256, 256>}, {transform_indices = @transform_18, window_bounds = array<i64: 2, 400, 128>}, {transform_indices = @transform_19, window_bounds = array<i64: 2, 400, 128>}, {transform_indices = @transform_20, window_bounds = array<i64: 400, 16>}, {transform_indices = @transform_21, window_bounds = array<i64: 400, 16>}, {pipeline_mode = #tpu.pipeline_mode<synchronous>, transform_indices = @transform_22, window_bounds = array<i64: 256, 256>}, {pipeline_mode = #tpu.pipeline_mode<synchronous>, transform_indices = @transform_23, window_bounds = array<i64: 1, 256>}, {pipeline_mode = #tpu.pipeline_mode<synchronous>, transform_indices = @transform_24, window_bounds = array<i64: 256, 256>}, {transform_indices = @transform_25, window_bounds = array<i64: 2, 400, 128>}, {transform_indices = @transform_26, window_bounds = array<i64: 2, 400, 128>}, {transform_indices = @transform_27, window_bounds = array<i64: 2, 400, 128>}]} {
    %get3A = arith.constant 0 : index
    %get3A_0 = arith.constant 0 : index
    %get3A_1 = vector.load %arg2[%get3A, %get3A_0] : memref<400x16xf32, #tpu.memory_space<vmem>>, vector<400x1xf32>
    %get3A_2 = arith.constant 0 : index
    %get3A_3 = arith.constant 0 : index
    %get3A_4 = vector.load %arg3[%get3A_2, %get3A_3] : memref<400x16xf32, #tpu.memory_space<vmem>>, vector<400x1xf32>
    %add3A = arith.addf %get3A_1, %get3A_4 : vector<400x1xf32>
    %max3A = arith.constant 1.000000e+00 : f32
    %max3A_5 = vector.broadcast %max3A : f32 to vector<400x1xf32>
    %max3A_6 = arith.maximumf %add3A, %max3A_5 : vector<400x1xf32>
    %div3A = arith.constant 1.000000e+00 : f32
    %div3A_7 = vector.broadcast %div3A : f32 to vector<400x1xf32>
    %div3A_8 = arith.divf %div3A_7, %max3A_6 : vector<400x1xf32>
    %get3A_9 = arith.constant 0 : index
    %get3A_10 = arith.constant 0 : index
    %get3A_11 = arith.constant 0 : index
    %get3A_12 = vector.load %arg1[%get3A_9, %get3A_10, %get3A_11] : memref<2x400x128xf32, #tpu.memory_space<vmem>>, vector<1x400x128xf32>
    %get3A_13 = vector.shape_cast %get3A_12 : vector<1x400x128xf32> to vector<400x128xf32>
    %mul3A = vector.broadcast %div3A_8 : vector<400x1xf32> to vector<400x128xf32>
    %mul3A_14 = arith.mulf %get3A_13, %mul3A : vector<400x128xf32>
    %get3A_15 = arith.constant 1 : index
    %get3A_16 = arith.constant 0 : index
    %get3A_17 = arith.constant 0 : index
    %get3A_18 = vector.load %arg1[%get3A_15, %get3A_16, %get3A_17] : memref<2x400x128xf32, #tpu.memory_space<vmem>>, vector<1x400x128xf32>
    %get3A_19 = vector.shape_cast %get3A_18 : vector<1x400x128xf32> to vector<400x128xf32>
    %mul3A_20 = vector.broadcast %div3A_8 : vector<400x1xf32> to vector<400x128xf32>
    %mul3A_21 = arith.mulf %get3A_19, %mul3A_20 : vector<400x128xf32>
    %get3A_22 = arith.constant 0 : index
    %get3A_23 = arith.constant 0 : index
    %get3A_24 = vector.load %arg4[%get3A_22, %get3A_23] : memref<256x256xf32, #tpu.memory_space<vmem>>, vector<256x128xf32>
    %dot_general3A = arith.constant dense<0.000000e+00> : vector<400x256xf32>
    %dot_general3A_25 = tpu.matmul %mul3A_14, %get3A_24, %dot_general3A {dimension_numbers = #tpu.dot_dimension_numbers<[1], [1], [0], [0], [0, 0, 1, 0], [], []>, transpose_lhs_hint = false} : vector<400x128xf32>, vector<256x128xf32>, vector<400x256xf32> -> vector<400x256xf32>
    %get3A_26 = arith.constant 0 : index
    %get3A_27 = arith.constant 128 : index
    %get3A_28 = vector.load %arg4[%get3A_26, %get3A_27] : memref<256x256xf32, #tpu.memory_space<vmem>>, vector<256x128xf32>
    %dot_general3A_29 = arith.constant dense<0.000000e+00> : vector<400x256xf32>
    %dot_general3A_30 = tpu.matmul %mul3A_21, %get3A_28, %dot_general3A_29 {dimension_numbers = #tpu.dot_dimension_numbers<[1], [1], [0], [0], [0, 0, 1, 0], [], []>, transpose_lhs_hint = false} : vector<400x128xf32>, vector<256x128xf32>, vector<400x256xf32> -> vector<400x256xf32>
    %add3A_31 = arith.addf %dot_general3A_25, %dot_general3A_30 : vector<400x256xf32>
    %get3A_32 = arith.constant 0 : index
    %get3A_33 = arith.constant 0 : index
    %get3A_34 = vector.load %arg7[%get3A_32, %get3A_33] : memref<400x16xf32, #tpu.memory_space<vmem>>, vector<400x1xf32>
    %get3A_35 = arith.constant 0 : index
    %get3A_36 = arith.constant 0 : index
    %get3A_37 = vector.load %arg8[%get3A_35, %get3A_36] : memref<400x16xf32, #tpu.memory_space<vmem>>, vector<400x1xf32>
    %add3A_38 = arith.addf %get3A_34, %get3A_37 : vector<400x1xf32>
    %max3A_39 = arith.constant 1.000000e+00 : f32
    %max3A_40 = vector.broadcast %max3A_39 : f32 to vector<400x1xf32>
    %max3A_41 = arith.maximumf %add3A_38, %max3A_40 : vector<400x1xf32>
    %div3A_42 = arith.constant 1.000000e+00 : f32
    %div3A_43 = vector.broadcast %div3A_42 : f32 to vector<400x1xf32>
    %div3A_44 = arith.divf %div3A_43, %max3A_41 : vector<400x1xf32>
    %get3A_45 = arith.constant 0 : index
    %get3A_46 = arith.constant 0 : index
    %get3A_47 = arith.constant 0 : index
    %get3A_48 = vector.load %arg6[%get3A_45, %get3A_46, %get3A_47] : memref<2x400x128xf32, #tpu.memory_space<vmem>>, vector<1x400x128xf32>
    %get3A_49 = vector.shape_cast %get3A_48 : vector<1x400x128xf32> to vector<400x128xf32>
    %mul3A_50 = vector.broadcast %div3A_44 : vector<400x1xf32> to vector<400x128xf32>
    %mul3A_51 = arith.mulf %get3A_49, %mul3A_50 : vector<400x128xf32>
    %get3A_52 = arith.constant 1 : index
    %get3A_53 = arith.constant 0 : index
    %get3A_54 = arith.constant 0 : index
    %get3A_55 = vector.load %arg6[%get3A_52, %get3A_53, %get3A_54] : memref<2x400x128xf32, #tpu.memory_space<vmem>>, vector<1x400x128xf32>
    %get3A_56 = vector.shape_cast %get3A_55 : vector<1x400x128xf32> to vector<400x128xf32>
    %mul3A_57 = vector.broadcast %div3A_44 : vector<400x1xf32> to vector<400x128xf32>
    %mul3A_58 = arith.mulf %get3A_56, %mul3A_57 : vector<400x128xf32>
    %get3A_59 = arith.constant 0 : index
    %get3A_60 = arith.constant 0 : index
    %get3A_61 = vector.load %arg9[%get3A_59, %get3A_60] : memref<256x256xf32, #tpu.memory_space<vmem>>, vector<256x128xf32>
    %dot_general3A_62 = arith.constant dense<0.000000e+00> : vector<400x256xf32>
    %dot_general3A_63 = tpu.matmul %mul3A_51, %get3A_61, %dot_general3A_62 {dimension_numbers = #tpu.dot_dimension_numbers<[1], [1], [0], [0], [0, 0, 1, 0], [], []>, transpose_lhs_hint = false} : vector<400x128xf32>, vector<256x128xf32>, vector<400x256xf32> -> vector<400x256xf32>
    %get3A_64 = arith.constant 0 : index
    %get3A_65 = arith.constant 128 : index
    %get3A_66 = vector.load %arg9[%get3A_64, %get3A_65] : memref<256x256xf32, #tpu.memory_space<vmem>>, vector<256x128xf32>
    %dot_general3A_67 = arith.constant dense<0.000000e+00> : vector<400x256xf32>
    %dot_general3A_68 = tpu.matmul %mul3A_58, %get3A_66, %dot_general3A_67 {dimension_numbers = #tpu.dot_dimension_numbers<[1], [1], [0], [0], [0, 0, 1, 0], [], []>, transpose_lhs_hint = false} : vector<400x128xf32>, vector<256x128xf32>, vector<400x256xf32> -> vector<400x256xf32>
    %add3A_69 = arith.addf %dot_general3A_63, %dot_general3A_68 : vector<400x256xf32>
    %add3A_70 = arith.addf %add3A_31, %add3A_69 : vector<400x256xf32>
    %get3A_71 = arith.constant 0 : index
    %get3A_72 = arith.constant 0 : index
    %get3A_73 = vector.load %arg12[%get3A_71, %get3A_72] : memref<400x16xf32, #tpu.memory_space<vmem>>, vector<400x1xf32>
    %get3A_74 = arith.constant 0 : index
    %get3A_75 = arith.constant 0 : index
    %get3A_76 = vector.load %arg13[%get3A_74, %get3A_75] : memref<400x16xf32, #tpu.memory_space<vmem>>, vector<400x1xf32>
    %add3A_77 = arith.addf %get3A_73, %get3A_76 : vector<400x1xf32>
    %max3A_78 = arith.constant 1.000000e+00 : f32
    %max3A_79 = vector.broadcast %max3A_78 : f32 to vector<400x1xf32>
    %max3A_80 = arith.maximumf %add3A_77, %max3A_79 : vector<400x1xf32>
    %div3A_81 = arith.constant 1.000000e+00 : f32
    %div3A_82 = vector.broadcast %div3A_81 : f32 to vector<400x1xf32>
    %div3A_83 = arith.divf %div3A_82, %max3A_80 : vector<400x1xf32>
    %get3A_84 = arith.constant 0 : index
    %get3A_85 = arith.constant 0 : index
    %get3A_86 = arith.constant 0 : index
    %get3A_87 = vector.load %arg11[%get3A_84, %get3A_85, %get3A_86] : memref<2x400x128xf32, #tpu.memory_space<vmem>>, vector<1x400x128xf32>
    %get3A_88 = vector.shape_cast %get3A_87 : vector<1x400x128xf32> to vector<400x128xf32>
    %mul3A_89 = vector.broadcast %div3A_83 : vector<400x1xf32> to vector<400x128xf32>
    %mul3A_90 = arith.mulf %get3A_88, %mul3A_89 : vector<400x128xf32>
    %get3A_91 = arith.constant 1 : index
    %get3A_92 = arith.constant 0 : index
    %get3A_93 = arith.constant 0 : index
    %get3A_94 = vector.load %arg11[%get3A_91, %get3A_92, %get3A_93] : memref<2x400x128xf32, #tpu.memory_space<vmem>>, vector<1x400x128xf32>
    %get3A_95 = vector.shape_cast %get3A_94 : vector<1x400x128xf32> to vector<400x128xf32>
    %mul3A_96 = vector.broadcast %div3A_83 : vector<400x1xf32> to vector<400x128xf32>
    %mul3A_97 = arith.mulf %get3A_95, %mul3A_96 : vector<400x128xf32>
    %get3A_98 = arith.constant 0 : index
    %get3A_99 = arith.constant 0 : index
    %get3A_100 = vector.load %arg14[%get3A_98, %get3A_99] : memref<256x256xf32, #tpu.memory_space<vmem>>, vector<256x128xf32>
    %dot_general3A_101 = arith.constant dense<0.000000e+00> : vector<400x256xf32>
    %dot_general3A_102 = tpu.matmul %mul3A_90, %get3A_100, %dot_general3A_101 {dimension_numbers = #tpu.dot_dimension_numbers<[1], [1], [0], [0], [0, 0, 1, 0], [], []>, transpose_lhs_hint = false} : vector<400x128xf32>, vector<256x128xf32>, vector<400x256xf32> -> vector<400x256xf32>
    %get3A_103 = arith.constant 0 : index
    %get3A_104 = arith.constant 128 : index
    %get3A_105 = vector.load %arg14[%get3A_103, %get3A_104] : memref<256x256xf32, #tpu.memory_space<vmem>>, vector<256x128xf32>
    %dot_general3A_106 = arith.constant dense<0.000000e+00> : vector<400x256xf32>
    %dot_general3A_107 = tpu.matmul %mul3A_97, %get3A_105, %dot_general3A_106 {dimension_numbers = #tpu.dot_dimension_numbers<[1], [1], [0], [0], [0, 0, 1, 0], [], []>, transpose_lhs_hint = false} : vector<400x128xf32>, vector<256x128xf32>, vector<400x256xf32> -> vector<400x256xf32>
    %add3A_108 = arith.addf %dot_general3A_102, %dot_general3A_107 : vector<400x256xf32>
    %add3A_109 = arith.addf %add3A_70, %add3A_108 : vector<400x256xf32>
    %get3A_110 = arith.constant 0 : index
    %get3A_111 = arith.constant 0 : index
    %get3A_112 = vector.load %arg16[%get3A_110, %get3A_111] : memref<256x256xf32, #tpu.memory_space<vmem>>, vector<256x256xf32>
    %get3A_113 = arith.constant 0 : index
    %get3A_114 = arith.constant 0 : index
    %get3A_115 = vector.load %arg17[%get3A_113, %get3A_114] : memref<256x256xf32, #tpu.memory_space<vmem>>, vector<256x256xf32>
    %add3A_116 = arith.addf %get3A_112, %get3A_115 : vector<256x256xf32>
    %get3A_117 = arith.constant 0 : index
    %get3A_118 = arith.constant 0 : index
    %get3A_119 = vector.load %arg18[%get3A_117, %get3A_118] : memref<256x256xf32, #tpu.memory_space<vmem>>, vector<256x256xf32>
    %add3A_120 = arith.addf %add3A_116, %get3A_119 : vector<256x256xf32>
    %get3A_121 = arith.constant 0 : index
    %get3A_122 = arith.constant 0 : index
    %get3A_123 = arith.constant 0 : index
    %get3A_124 = vector.load %arg19[%get3A_121, %get3A_122, %get3A_123] : memref<2x400x128xf32, #tpu.memory_space<vmem>>, vector<1x400x128xf32>
    %get3A_125 = vector.shape_cast %get3A_124 : vector<1x400x128xf32> to vector<400x128xf32>
    %slice3A = vector.extract_strided_slice %add3A_120 {offsets = [0, 0], sizes = [256, 128], strides = [1, 1]} : vector<256x256xf32> to vector<256x128xf32>
    %dot_general3A_126 = arith.constant dense<0.000000e+00> : vector<400x256xf32>
    %dot_general3A_127 = tpu.matmul %get3A_125, %slice3A, %dot_general3A_126 {dimension_numbers = #tpu.dot_dimension_numbers<[1], [1], [0], [0], [0, 0, 1, 0], [], []>, transpose_lhs_hint = false} : vector<400x128xf32>, vector<256x128xf32>, vector<400x256xf32> -> vector<400x256xf32>
    %get3A_128 = arith.constant 1 : index
    %get3A_129 = arith.constant 0 : index
    %get3A_130 = arith.constant 0 : index
    %get3A_131 = vector.load %arg19[%get3A_128, %get3A_129, %get3A_130] : memref<2x400x128xf32, #tpu.memory_space<vmem>>, vector<1x400x128xf32>
    %get3A_132 = vector.shape_cast %get3A_131 : vector<1x400x128xf32> to vector<400x128xf32>
    %slice3A_133 = vector.extract_strided_slice %add3A_120 {offsets = [0, 128], sizes = [256, 128], strides = [1, 1]} : vector<256x256xf32> to vector<256x128xf32>
    %dot_general3A_134 = arith.constant dense<0.000000e+00> : vector<400x256xf32>
    %dot_general3A_135 = tpu.matmul %get3A_132, %slice3A_133, %dot_general3A_134 {dimension_numbers = #tpu.dot_dimension_numbers<[1], [1], [0], [0], [0, 0, 1, 0], [], []>, transpose_lhs_hint = false} : vector<400x128xf32>, vector<256x128xf32>, vector<400x256xf32> -> vector<400x256xf32>
    %add3A_136 = arith.addf %dot_general3A_127, %dot_general3A_135 : vector<400x256xf32>
    %add3A_137 = arith.addf %add3A_109, %add3A_136 : vector<400x256xf32>
    %get3A_138 = arith.constant 0 : index
    %get3A_139 = arith.constant 0 : index
    %get3A_140 = vector.load %arg5[%get3A_138, %get3A_139] : memref<1x256xf32, #tpu.memory_space<vmem>>, vector<1x256xf32>
    %get3A_141 = arith.constant 0 : index
    %get3A_142 = arith.constant 0 : index
    %get3A_143 = vector.load %arg10[%get3A_141, %get3A_142] : memref<1x256xf32, #tpu.memory_space<vmem>>, vector<1x256xf32>
    %add3A_144 = arith.addf %get3A_140, %get3A_143 : vector<1x256xf32>
    %get3A_145 = arith.constant 0 : index
    %get3A_146 = arith.constant 0 : index
    %get3A_147 = vector.load %arg15[%get3A_145, %get3A_146] : memref<1x256xf32, #tpu.memory_space<vmem>>, vector<1x256xf32>
    %add3A_148 = arith.addf %add3A_144, %get3A_147 : vector<1x256xf32>
    %add3A_149 = vector.broadcast %add3A_148 : vector<1x256xf32> to vector<400x256xf32>
    %add3A_150 = arith.addf %add3A_137, %add3A_149 : vector<400x256xf32>
    %get3A_151 = arith.constant 0 : index
    %get3A_152 = arith.constant 0 : index
    %get3A_153 = vector.load %arg21[%get3A_151, %get3A_152] : memref<400x16xf32, #tpu.memory_space<vmem>>, vector<400x1xf32>
    %get3A_154 = arith.constant 0 : index
    %get3A_155 = arith.constant 0 : index
    %get3A_156 = vector.load %arg22[%get3A_154, %get3A_155] : memref<400x16xf32, #tpu.memory_space<vmem>>, vector<400x1xf32>
    %add3A_157 = arith.addf %get3A_153, %get3A_156 : vector<400x1xf32>
    %max3A_158 = arith.constant 1.000000e+00 : f32
    %max3A_159 = vector.broadcast %max3A_158 : f32 to vector<400x1xf32>
    %max3A_160 = arith.maximumf %add3A_157, %max3A_159 : vector<400x1xf32>
    %div3A_161 = arith.constant 1.000000e+00 : f32
    %div3A_162 = vector.broadcast %div3A_161 : f32 to vector<400x1xf32>
    %div3A_163 = arith.divf %div3A_162, %max3A_160 : vector<400x1xf32>
    %get3A_164 = arith.constant 0 : index
    %get3A_165 = arith.constant 0 : index
    %get3A_166 = arith.constant 0 : index
    %get3A_167 = vector.load %arg20[%get3A_164, %get3A_165, %get3A_166] : memref<2x400x128xf32, #tpu.memory_space<vmem>>, vector<1x400x128xf32>
    %get3A_168 = vector.shape_cast %get3A_167 : vector<1x400x128xf32> to vector<400x128xf32>
    %mul3A_169 = vector.broadcast %div3A_163 : vector<400x1xf32> to vector<400x128xf32>
    %mul3A_170 = arith.mulf %get3A_168, %mul3A_169 : vector<400x128xf32>
    %get3A_171 = arith.constant 1 : index
    %get3A_172 = arith.constant 0 : index
    %get3A_173 = arith.constant 0 : index
    %get3A_174 = vector.load %arg20[%get3A_171, %get3A_172, %get3A_173] : memref<2x400x128xf32, #tpu.memory_space<vmem>>, vector<1x400x128xf32>
    %get3A_175 = vector.shape_cast %get3A_174 : vector<1x400x128xf32> to vector<400x128xf32>
    %mul3A_176 = vector.broadcast %div3A_163 : vector<400x1xf32> to vector<400x128xf32>
    %mul3A_177 = arith.mulf %get3A_175, %mul3A_176 : vector<400x128xf32>
    %get3A_178 = arith.constant 0 : index
    %get3A_179 = arith.constant 0 : index
    %get3A_180 = vector.load %arg23[%get3A_178, %get3A_179] : memref<256x256xf32, #tpu.memory_space<vmem>>, vector<256x128xf32>
    %dot_general3A_181 = arith.constant dense<0.000000e+00> : vector<400x256xf32>
    %dot_general3A_182 = tpu.matmul %mul3A_170, %get3A_180, %dot_general3A_181 {dimension_numbers = #tpu.dot_dimension_numbers<[1], [1], [0], [0], [0, 0, 1, 0], [], []>, transpose_lhs_hint = false} : vector<400x128xf32>, vector<256x128xf32>, vector<400x256xf32> -> vector<400x256xf32>
    %get3A_183 = arith.constant 0 : index
    %get3A_184 = arith.constant 128 : index
    %get3A_185 = vector.load %arg23[%get3A_183, %get3A_184] : memref<256x256xf32, #tpu.memory_space<vmem>>, vector<256x128xf32>
    %dot_general3A_186 = arith.constant dense<0.000000e+00> : vector<400x256xf32>
    %dot_general3A_187 = tpu.matmul %mul3A_177, %get3A_185, %dot_general3A_186 {dimension_numbers = #tpu.dot_dimension_numbers<[1], [1], [0], [0], [0, 0, 1, 0], [], []>, transpose_lhs_hint = false} : vector<400x128xf32>, vector<256x128xf32>, vector<400x256xf32> -> vector<400x256xf32>
    %add3A_188 = arith.addf %dot_general3A_182, %dot_general3A_187 : vector<400x256xf32>
    %get3A_189 = arith.constant 0 : index
    %get3A_190 = arith.constant 0 : index
    %get3A_191 = vector.load %arg25[%get3A_189, %get3A_190] : memref<256x256xf32, #tpu.memory_space<vmem>>, vector<256x256xf32>
    %get3A_192 = arith.constant 0 : index
    %get3A_193 = arith.constant 0 : index
    %get3A_194 = arith.constant 0 : index
    %get3A_195 = vector.load %arg26[%get3A_192, %get3A_193, %get3A_194] : memref<2x400x128xf32, #tpu.memory_space<vmem>>, vector<1x400x128xf32>
    %get3A_196 = vector.shape_cast %get3A_195 : vector<1x400x128xf32> to vector<400x128xf32>
    %slice3A_197 = vector.extract_strided_slice %get3A_191 {offsets = [0, 0], sizes = [256, 128], strides = [1, 1]} : vector<256x256xf32> to vector<256x128xf32>
    %dot_general3A_198 = arith.constant dense<0.000000e+00> : vector<400x256xf32>
    %dot_general3A_199 = tpu.matmul %get3A_196, %slice3A_197, %dot_general3A_198 {dimension_numbers = #tpu.dot_dimension_numbers<[1], [1], [0], [0], [0, 0, 1, 0], [], []>, transpose_lhs_hint = false} : vector<400x128xf32>, vector<256x128xf32>, vector<400x256xf32> -> vector<400x256xf32>
    %get3A_200 = arith.constant 1 : index
    %get3A_201 = arith.constant 0 : index
    %get3A_202 = arith.constant 0 : index
    %get3A_203 = vector.load %arg26[%get3A_200, %get3A_201, %get3A_202] : memref<2x400x128xf32, #tpu.memory_space<vmem>>, vector<1x400x128xf32>
    %get3A_204 = vector.shape_cast %get3A_203 : vector<1x400x128xf32> to vector<400x128xf32>
    %slice3A_205 = vector.extract_strided_slice %get3A_191 {offsets = [0, 128], sizes = [256, 128], strides = [1, 1]} : vector<256x256xf32> to vector<256x128xf32>
    %dot_general3A_206 = arith.constant dense<0.000000e+00> : vector<400x256xf32>
    %dot_general3A_207 = tpu.matmul %get3A_204, %slice3A_205, %dot_general3A_206 {dimension_numbers = #tpu.dot_dimension_numbers<[1], [1], [0], [0], [0, 0, 1, 0], [], []>, transpose_lhs_hint = false} : vector<400x128xf32>, vector<256x128xf32>, vector<400x256xf32> -> vector<400x256xf32>
    %add3A_208 = arith.addf %dot_general3A_199, %dot_general3A_207 : vector<400x256xf32>
    %add3A_209 = arith.addf %add3A_188, %add3A_208 : vector<400x256xf32>
    %get3A_210 = arith.constant 0 : index
    %get3A_211 = arith.constant 0 : index
    %get3A_212 = vector.load %arg24[%get3A_210, %get3A_211] : memref<1x256xf32, #tpu.memory_space<vmem>>, vector<1x256xf32>
    %add3A_213 = vector.broadcast %get3A_212 : vector<1x256xf32> to vector<400x256xf32>
    %add3A_214 = arith.addf %add3A_209, %add3A_213 : vector<400x256xf32>
    %max3A_215 = arith.constant 0.000000e+00 : f32
    %max3A_216 = vector.broadcast %max3A_215 : f32 to vector<400x256xf32>
    %max3A_217 = arith.maximumf %add3A_150, %max3A_216 : vector<400x256xf32>
    %max3A_218 = arith.constant 0.000000e+00 : f32
    %max3A_219 = vector.broadcast %max3A_218 : f32 to vector<400x256xf32>
    %max3A_220 = arith.maximumf %add3A_214, %max3A_219 : vector<400x256xf32>
    %slice3A_221 = vector.extract_strided_slice %max3A_220 {offsets = [0, 0], sizes = [400, 128], strides = [1, 1]} : vector<400x256xf32> to vector<400x128xf32>
    %swap3A = arith.constant 0 : index
    %swap3A_222 = arith.constant 0 : index
    %swap3A_223 = arith.constant 0 : index
    %swap3A_224 = vector.load %arg27[%swap3A, %swap3A_222, %swap3A_223] : memref<2x400x128xf32, #tpu.memory_space<vmem>>, vector<1x400x128xf32>
    %swap3A_225 = vector.shape_cast %swap3A_224 : vector<1x400x128xf32> to vector<400x128xf32>
    %swap3A_226 = vector.shape_cast %slice3A_221 : vector<400x128xf32> to vector<1x400x128xf32>
    tpu.vector_store %arg27[%swap3A, %swap3A_222, %swap3A_223], %swap3A_226 {strides = array<i32>} : memref<2x400x128xf32, #tpu.memory_space<vmem>>, vector<1x400x128xf32>,
    %slice3A_227 = vector.extract_strided_slice %max3A_220 {offsets = [0, 128], sizes = [400, 128], strides = [1, 1]} : vector<400x256xf32> to vector<400x128xf32>
    %swap3A_228 = arith.constant 1 : index
    %swap3A_229 = arith.constant 0 : index
    %swap3A_230 = arith.constant 0 : index
    %swap3A_231 = vector.load %arg27[%swap3A_228, %swap3A_229, %swap3A_230] : memref<2x400x128xf32, #tpu.memory_space<vmem>>, vector<1x400x128xf32>
    %swap3A_232 = vector.shape_cast %swap3A_231 : vector<1x400x128xf32> to vector<400x128xf32>
    %swap3A_233 = vector.shape_cast %slice3A_227 : vector<400x128xf32> to vector<1x400x128xf32>
    tpu.vector_store %arg27[%swap3A_228, %swap3A_229, %swap3A_230], %swap3A_233 {strides = array<i32>} : memref<2x400x128xf32, #tpu.memory_space<vmem>>, vector<1x400x128xf32>,
    %slice3A_234 = vector.extract_strided_slice %max3A_217 {offsets = [0, 0], sizes = [400, 128], strides = [1, 1]} : vector<400x256xf32> to vector<400x128xf32>
    %swap3A_235 = arith.constant 0 : index
    %swap3A_236 = arith.constant 0 : index
    %swap3A_237 = arith.constant 0 : index
    %swap3A_238 = vector.load %arg28[%swap3A_235, %swap3A_236, %swap3A_237] : memref<2x400x128xf32, #tpu.memory_space<vmem>>, vector<1x400x128xf32>
    %swap3A_239 = vector.shape_cast %swap3A_238 : vector<1x400x128xf32> to vector<400x128xf32>
    %swap3A_240 = vector.shape_cast %slice3A_234 : vector<400x128xf32> to vector<1x400x128xf32>
    tpu.vector_store %arg28[%swap3A_235, %swap3A_236, %swap3A_237], %swap3A_240 {strides = array<i32>} : memref<2x400x128xf32, #tpu.memory_space<vmem>>, vector<1x400x128xf32>,
    %slice3A_241 = vector.extract_strided_slice %max3A_217 {offsets = [0, 128], sizes = [400, 128], strides = [1, 1]} : vector<400x256xf32> to vector<400x128xf32>
    %swap3A_242 = arith.constant 1 : index
    %swap3A_243 = arith.constant 0 : index
    %swap3A_244 = arith.constant 0 : index
    %swap3A_245 = vector.load %arg28[%swap3A_242, %swap3A_243, %swap3A_244] : memref<2x400x128xf32, #tpu.memory_space<vmem>>, vector<1x400x128xf32>
    %swap3A_246 = vector.shape_cast %swap3A_245 : vector<1x400x128xf32> to vector<400x128xf32>
    %swap3A_247 = vector.shape_cast %slice3A_241 : vector<400x128xf32> to vector<1x400x128xf32>
    tpu.vector_store %arg28[%swap3A_242, %swap3A_243, %swap3A_244], %swap3A_247 {strides = array<i32>} : memref<2x400x128xf32, #tpu.memory_space<vmem>>, vector<1x400x128xf32>,
    return
  }
  func.func @transform_0(%arg0: i32) -> (i32, i32, i32) {
    %c0_i32 = arith.constant 0 : i32
    %c0_i32_0 = arith.constant 0 : i32
    %c0_i32_1 = arith.constant 0 : i32
    return %c0_i32, %arg0, %c0_i32_0 : i32, i32, i32
  }
  func.func @transform_1(%arg0: i32) -> (i32, i32) {
    %c0_i32 = arith.constant 0 : i32
    %c0_i32_0 = arith.constant 0 : i32
    return %arg0, %c0_i32 : i32, i32
  }
  func.func @transform_2(%arg0: i32) -> (i32, i32) {
    %c0_i32 = arith.constant 0 : i32
    %c0_i32_0 = arith.constant 0 : i32
    return %arg0, %c0_i32 : i32, i32
  }
  func.func @transform_3(%arg0: i32) -> (i32, i32) {
    %c0_i32 = arith.constant 0 : i32
    %c0_i32_0 = arith.constant 0 : i32
    %c0_i32_1 = arith.constant 0 : i32
    return %c0_i32, %c0_i32_0 : i32, i32
  }
  func.func @transform_4(%arg0: i32) -> (i32, i32) {
    %c0_i32 = arith.constant 0 : i32
    %c0_i32_0 = arith.constant 0 : i32
    %c0_i32_1 = arith.constant 0 : i32
    return %c0_i32, %c0_i32_0 : i32, i32
  }
  func.func @transform_5(%arg0: i32) -> (i32, i32, i32) {
    %c0_i32 = arith.constant 0 : i32
    %c0_i32_0 = arith.constant 0 : i32
    %c0_i32_1 = arith.constant 0 : i32
    return %c0_i32, %arg0, %c0_i32_0 : i32, i32, i32
  }
  func.func @transform_6(%arg0: i32) -> (i32, i32) {
    %c0_i32 = arith.constant 0 : i32
    %c0_i32_0 = arith.constant 0 : i32
    return %arg0, %c0_i32 : i32, i32
  }
  func.func @transform_7(%arg0: i32) -> (i32, i32) {
    %c0_i32 = arith.constant 0 : i32
    %c0_i32_0 = arith.constant 0 : i32
    return %arg0, %c0_i32 : i32, i32
  }
  func.func @transform_8(%arg0: i32) -> (i32, i32) {
    %c0_i32 = arith.constant 0 : i32
    %c0_i32_0 = arith.constant 0 : i32
    %c0_i32_1 = arith.constant 0 : i32
    return %c0_i32, %c0_i32_0 : i32, i32
  }
  func.func @transform_9(%arg0: i32) -> (i32, i32) {
    %c0_i32 = arith.constant 0 : i32
    %c0_i32_0 = arith.constant 0 : i32
    %c0_i32_1 = arith.constant 0 : i32
    return %c0_i32, %c0_i32_0 : i32, i32
  }
  func.func @transform_10(%arg0: i32) -> (i32, i32, i32) {
    %c0_i32 = arith.constant 0 : i32
    %c0_i32_0 = arith.constant 0 : i32
    %c0_i32_1 = arith.constant 0 : i32
    return %c0_i32, %arg0, %c0_i32_0 : i32, i32, i32
  }
  func.func @transform_11(%arg0: i32) -> (i32, i32) {
    %c0_i32 = arith.constant 0 : i32
    %c0_i32_0 = arith.constant 0 : i32
    return %arg0, %c0_i32 : i32, i32
  }
  func.func @transform_12(%arg0: i32) -> (i32, i32) {
    %c0_i32 = arith.constant 0 : i32
    %c0_i32_0 = arith.constant 0 : i32
    return %arg0, %c0_i32 : i32, i32
  }
  func.func @transform_13(%arg0: i32) -> (i32, i32) {
    %c0_i32 = arith.constant 0 : i32
    %c0_i32_0 = arith.constant 0 : i32
    %c0_i32_1 = arith.constant 0 : i32
    return %c0_i32, %c0_i32_0 : i32, i32
  }
  func.func @transform_14(%arg0: i32) -> (i32, i32) {
    %c0_i32 = arith.constant 0 : i32
    %c0_i32_0 = arith.constant 0 : i32
    %c0_i32_1 = arith.constant 0 : i32
    return %c0_i32, %c0_i32_0 : i32, i32
  }
  func.func @transform_15(%arg0: i32) -> (i32, i32) {
    %c0_i32 = arith.constant 0 : i32
    %c0_i32_0 = arith.constant 0 : i32
    %c0_i32_1 = arith.constant 0 : i32
    return %c0_i32, %c0_i32_0 : i32, i32
  }
  func.func @transform_16(%arg0: i32) -> (i32, i32) {
    %c0_i32 = arith.constant 0 : i32
    %c0_i32_0 = arith.constant 0 : i32
    %c0_i32_1 = arith.constant 0 : i32
    return %c0_i32, %c0_i32_0 : i32, i32
  }
  func.func @transform_17(%arg0: i32) -> (i32, i32) {
    %c0_i32 = arith.constant 0 : i32
    %c0_i32_0 = arith.constant 0 : i32
    %c0_i32_1 = arith.constant 0 : i32
    return %c0_i32, %c0_i32_0 : i32, i32
  }
  func.func @transform_18(%arg0: i32) -> (i32, i32, i32) {
    %c0_i32 = arith.constant 0 : i32
    %c0_i32_0 = arith.constant 0 : i32
    %c0_i32_1 = arith.constant 0 : i32
    return %c0_i32, %arg0, %c0_i32_0 : i32, i32, i32
  }
  func.func @transform_19(%arg0: i32) -> (i32, i32, i32) {
    %c0_i32 = arith.constant 0 : i32
    %c0_i32_0 = arith.constant 0 : i32
    %c0_i32_1 = arith.constant 0 : i32
    return %c0_i32, %arg0, %c0_i32_0 : i32, i32, i32
  }
  func.func @transform_20(%arg0: i32) -> (i32, i32) {
    %c0_i32 = arith.constant 0 : i32
    %c0_i32_0 = arith.constant 0 : i32
    return %arg0, %c0_i32 : i32, i32
  }
  func.func @transform_21(%arg0: i32) -> (i32, i32) {
    %c0_i32 = arith.constant 0 : i32
    %c0_i32_0 = arith.constant 0 : i32
    return %arg0, %c0_i32 : i32, i32
  }
  func.func @transform_22(%arg0: i32) -> (i32, i32) {
    %c0_i32 = arith.constant 0 : i32
    %c0_i32_0 = arith.constant 0 : i32
    %c0_i32_1 = arith.constant 0 : i32
    return %c0_i32, %c0_i32_0 : i32, i32
  }
  func.func @transform_23(%arg0: i32) -> (i32, i32) {
    %c0_i32 = arith.constant 0 : i32
    %c0_i32_0 = arith.constant 0 : i32
    %c0_i32_1 = arith.constant 0 : i32
    return %c0_i32, %c0_i32_0 : i32, i32
  }
  func.func @transform_24(%arg0: i32) -> (i32, i32) {
    %c0_i32 = arith.constant 0 : i32
    %c0_i32_0 = arith.constant 0 : i32
    %c0_i32_1 = arith.constant 0 : i32
    return %c0_i32, %c0_i32_0 : i32, i32
  }
  func.func @transform_25(%arg0: i32) -> (i32, i32, i32) {
    %c0_i32 = arith.constant 0 : i32
    %c0_i32_0 = arith.constant 0 : i32
    %c0_i32_1 = arith.constant 0 : i32
    return %c0_i32, %arg0, %c0_i32_0 : i32, i32, i32
  }
  func.func @transform_26(%arg0: i32) -> (i32, i32, i32) {
    %c0_i32 = arith.constant 0 : i32
    %c0_i32_0 = arith.constant 0 : i32
    %c0_i32_1 = arith.constant 0 : i32
    return %c0_i32, %arg0, %c0_i32_0 : i32, i32, i32
  }
  func.func @transform_27(%arg0: i32) -> (i32, i32, i32) {
    %c0_i32 = arith.constant 0 : i32
    %c0_i32_0 = arith.constant 0 : i32
    %c0_i32_1 = arith.constant 0 : i32
    return %c0_i32, %arg0, %c0_i32_0 : i32, i32, i32
  }
}

module attributes {stable_mosaic.version = 14 : i64} {
  func.func @_tc_layer_body(%arg0: i32, %arg1: memref<2x400x128xf32, #tpu.memory_space<vmem>>, %arg2: memref<400x16xf32, #tpu.memory_space<vmem>>, %arg3: memref<400x16xf32, #tpu.memory_space<vmem>>, %arg4: memref<256x256xf32, #tpu.memory_space<vmem>>, %arg5: memref<1x256xf32, #tpu.memory_space<vmem>>, %arg6: memref<2x400x128xf32, #tpu.memory_space<vmem>>, %arg7: memref<400x16xf32, #tpu.memory_space<vmem>>, %arg8: memref<400x16xf32, #tpu.memory_space<vmem>>, %arg9: memref<256x256xf32, #tpu.memory_space<vmem>>, %arg10: memref<1x256xf32, #tpu.memory_space<vmem>>, %arg11: memref<2x400x128xf32, #tpu.memory_space<vmem>>, %arg12: memref<400x16xf32, #tpu.memory_space<vmem>>, %arg13: memref<400x16xf32, #tpu.memory_space<vmem>>, %arg14: memref<256x256xf32, #tpu.memory_space<vmem>>, %arg15: memref<1x256xf32, #tpu.memory_space<vmem>>, %arg16: memref<256x256xf32, #tpu.memory_space<vmem>>, %arg17: memref<256x256xf32, #tpu.memory_space<vmem>>, %arg18: memref<256x256xf32, #tpu.memory_space<vmem>>, %arg19: memref<2x400x128xf32, #tpu.memory_space<vmem>>, %arg20: memref<2x400x128xf32, #tpu.memory_space<vmem>>, %arg21: memref<400x16xf32, #tpu.memory_space<vmem>>, %arg22: memref<400x16xf32, #tpu.memory_space<vmem>>, %arg23: memref<256x256xf32, #tpu.memory_space<vmem>>, %arg24: memref<1x256xf32, #tpu.memory_space<vmem>>, %arg25: memref<256x256xf32, #tpu.memory_space<vmem>>, %arg26: memref<2x400x128xf32, #tpu.memory_space<vmem>>, %arg27: memref<400x256xf32, #tpu.memory_space<vmem>>, %arg28: memref<400x256xf32, #tpu.memory_space<vmem>>) attributes {dimension_semantics = [#tpu.dimension_semantics<arbitrary>], iteration_bounds = array<i64: 25>, scalar_prefetch = 0 : i64, scratch_operands = 0 : i64, tpu.core_type = #tpu.core_type<tc>, window_params = [{transform_indices = @transform_0, window_bounds = array<i64: 2, 400, 128>}, {transform_indices = @transform_1, window_bounds = array<i64: 400, 16>}, {transform_indices = @transform_2, window_bounds = array<i64: 400, 16>}, {pipeline_mode = #tpu.pipeline_mode<synchronous>, transform_indices = @transform_3, window_bounds = array<i64: 256, 256>}, {pipeline_mode = #tpu.pipeline_mode<synchronous>, transform_indices = @transform_4, window_bounds = array<i64: 1, 256>}, {transform_indices = @transform_5, window_bounds = array<i64: 2, 400, 128>}, {transform_indices = @transform_6, window_bounds = array<i64: 400, 16>}, {transform_indices = @transform_7, window_bounds = array<i64: 400, 16>}, {pipeline_mode = #tpu.pipeline_mode<synchronous>, transform_indices = @transform_8, window_bounds = array<i64: 256, 256>}, {pipeline_mode = #tpu.pipeline_mode<synchronous>, transform_indices = @transform_9, window_bounds = array<i64: 1, 256>}, {transform_indices = @transform_10, window_bounds = array<i64: 2, 400, 128>}, {transform_indices = @transform_11, window_bounds = array<i64: 400, 16>}, {transform_indices = @transform_12, window_bounds = array<i64: 400, 16>}, {pipeline_mode = #tpu.pipeline_mode<synchronous>, transform_indices = @transform_13, window_bounds = array<i64: 256, 256>}, {pipeline_mode = #tpu.pipeline_mode<synchronous>, transform_indices = @transform_14, window_bounds = array<i64: 1, 256>}, {pipeline_mode = #tpu.pipeline_mode<synchronous>, transform_indices = @transform_15, window_bounds = array<i64: 256, 256>}, {pipeline_mode = #tpu.pipeline_mode<synchronous>, transform_indices = @transform_16, window_bounds = array<i64: 256, 256>}, {pipeline_mode = #tpu.pipeline_mode<synchronous>, transform_indices = @transform_17, window_bounds = array<i64: 256, 256>}, {transform_indices = @transform_18, window_bounds = array<i64: 2, 400, 128>}, {transform_indices = @transform_19, window_bounds = array<i64: 2, 400, 128>}, {transform_indices = @transform_20, window_bounds = array<i64: 400, 16>}, {transform_indices = @transform_21, window_bounds = array<i64: 400, 16>}, {pipeline_mode = #tpu.pipeline_mode<synchronous>, transform_indices = @transform_22, window_bounds = array<i64: 256, 256>}, {pipeline_mode = #tpu.pipeline_mode<synchronous>, transform_indices = @transform_23, window_bounds = array<i64: 1, 256>}, {pipeline_mode = #tpu.pipeline_mode<synchronous>, transform_indices = @transform_24, window_bounds = array<i64: 256, 256>}, {transform_indices = @transform_25, window_bounds = array<i64: 2, 400, 128>}, {transform_indices = @transform_26, window_bounds = array<i64: 400, 256>}, {transform_indices = @transform_27, window_bounds = array<i64: 400, 256>}]} {
    %get3A = arith.constant 0 : index
    %get3A_0 = arith.constant 0 : index
    %get3A_1 = vector.load %arg2[%get3A, %get3A_0] : memref<400x16xf32, #tpu.memory_space<vmem>>, vector<400x1xf32>
    %get3A_2 = arith.constant 0 : index
    %get3A_3 = arith.constant 0 : index
    %get3A_4 = vector.load %arg3[%get3A_2, %get3A_3] : memref<400x16xf32, #tpu.memory_space<vmem>>, vector<400x1xf32>
    %add3A = arith.addf %get3A_1, %get3A_4 : vector<400x1xf32>
    %max3A = arith.constant 1.000000e+00 : f32
    %max3A_5 = vector.broadcast %max3A : f32 to vector<400x1xf32>
    %max3A_6 = arith.maximumf %add3A, %max3A_5 : vector<400x1xf32>
    %div3A = arith.constant 1.000000e+00 : f32
    %div3A_7 = vector.broadcast %div3A : f32 to vector<400x1xf32>
    %div3A_8 = arith.divf %div3A_7, %max3A_6 : vector<400x1xf32>
    %get3A_9 = arith.constant 0 : index
    %get3A_10 = arith.constant 0 : index
    %get3A_11 = arith.constant 0 : index
    %get3A_12 = vector.load %arg1[%get3A_9, %get3A_10, %get3A_11] : memref<2x400x128xf32, #tpu.memory_space<vmem>>, vector<1x400x128xf32>
    %get3A_13 = vector.shape_cast %get3A_12 : vector<1x400x128xf32> to vector<400x128xf32>
    %mul3A = vector.broadcast %div3A_8 : vector<400x1xf32> to vector<400x128xf32>
    %mul3A_14 = arith.mulf %get3A_13, %mul3A : vector<400x128xf32>
    %get3A_15 = arith.constant 1 : index
    %get3A_16 = arith.constant 0 : index
    %get3A_17 = arith.constant 0 : index
    %get3A_18 = vector.load %arg1[%get3A_15, %get3A_16, %get3A_17] : memref<2x400x128xf32, #tpu.memory_space<vmem>>, vector<1x400x128xf32>
    %get3A_19 = vector.shape_cast %get3A_18 : vector<1x400x128xf32> to vector<400x128xf32>
    %mul3A_20 = vector.broadcast %div3A_8 : vector<400x1xf32> to vector<400x128xf32>
    %mul3A_21 = arith.mulf %get3A_19, %mul3A_20 : vector<400x128xf32>
    %get3A_22 = arith.constant 0 : index
    %get3A_23 = arith.constant 0 : index
    %get3A_24 = vector.load %arg4[%get3A_22, %get3A_23] : memref<256x256xf32, #tpu.memory_space<vmem>>, vector<256x128xf32>
    %dot_general3A = arith.constant dense<0.000000e+00> : vector<400x256xf32>
    %dot_general3A_25 = tpu.matmul %mul3A_14, %get3A_24, %dot_general3A {dimension_numbers = #tpu.dot_dimension_numbers<[1], [1], [0], [0], [0, 0, 1, 0], [], []>, transpose_lhs_hint = false} : vector<400x128xf32>, vector<256x128xf32>, vector<400x256xf32> -> vector<400x256xf32>
    %get3A_26 = arith.constant 0 : index
    %get3A_27 = arith.constant 128 : index
    %get3A_28 = vector.load %arg4[%get3A_26, %get3A_27] : memref<256x256xf32, #tpu.memory_space<vmem>>, vector<256x128xf32>
    %dot_general3A_29 = arith.constant dense<0.000000e+00> : vector<400x256xf32>
    %dot_general3A_30 = tpu.matmul %mul3A_21, %get3A_28, %dot_general3A_29 {dimension_numbers = #tpu.dot_dimension_numbers<[1], [1], [0], [0], [0, 0, 1, 0], [], []>, transpose_lhs_hint = false} : vector<400x128xf32>, vector<256x128xf32>, vector<400x256xf32> -> vector<400x256xf32>
    %add3A_31 = arith.addf %dot_general3A_25, %dot_general3A_30 : vector<400x256xf32>
    %get3A_32 = arith.constant 0 : index
    %get3A_33 = arith.constant 0 : index
    %get3A_34 = vector.load %arg7[%get3A_32, %get3A_33] : memref<400x16xf32, #tpu.memory_space<vmem>>, vector<400x1xf32>
    %get3A_35 = arith.constant 0 : index
    %get3A_36 = arith.constant 0 : index
    %get3A_37 = vector.load %arg8[%get3A_35, %get3A_36] : memref<400x16xf32, #tpu.memory_space<vmem>>, vector<400x1xf32>
    %add3A_38 = arith.addf %get3A_34, %get3A_37 : vector<400x1xf32>
    %max3A_39 = arith.constant 1.000000e+00 : f32
    %max3A_40 = vector.broadcast %max3A_39 : f32 to vector<400x1xf32>
    %max3A_41 = arith.maximumf %add3A_38, %max3A_40 : vector<400x1xf32>
    %div3A_42 = arith.constant 1.000000e+00 : f32
    %div3A_43 = vector.broadcast %div3A_42 : f32 to vector<400x1xf32>
    %div3A_44 = arith.divf %div3A_43, %max3A_41 : vector<400x1xf32>
    %get3A_45 = arith.constant 0 : index
    %get3A_46 = arith.constant 0 : index
    %get3A_47 = arith.constant 0 : index
    %get3A_48 = vector.load %arg6[%get3A_45, %get3A_46, %get3A_47] : memref<2x400x128xf32, #tpu.memory_space<vmem>>, vector<1x400x128xf32>
    %get3A_49 = vector.shape_cast %get3A_48 : vector<1x400x128xf32> to vector<400x128xf32>
    %mul3A_50 = vector.broadcast %div3A_44 : vector<400x1xf32> to vector<400x128xf32>
    %mul3A_51 = arith.mulf %get3A_49, %mul3A_50 : vector<400x128xf32>
    %get3A_52 = arith.constant 1 : index
    %get3A_53 = arith.constant 0 : index
    %get3A_54 = arith.constant 0 : index
    %get3A_55 = vector.load %arg6[%get3A_52, %get3A_53, %get3A_54] : memref<2x400x128xf32, #tpu.memory_space<vmem>>, vector<1x400x128xf32>
    %get3A_56 = vector.shape_cast %get3A_55 : vector<1x400x128xf32> to vector<400x128xf32>
    %mul3A_57 = vector.broadcast %div3A_44 : vector<400x1xf32> to vector<400x128xf32>
    %mul3A_58 = arith.mulf %get3A_56, %mul3A_57 : vector<400x128xf32>
    %get3A_59 = arith.constant 0 : index
    %get3A_60 = arith.constant 0 : index
    %get3A_61 = vector.load %arg9[%get3A_59, %get3A_60] : memref<256x256xf32, #tpu.memory_space<vmem>>, vector<256x128xf32>
    %dot_general3A_62 = arith.constant dense<0.000000e+00> : vector<400x256xf32>
    %dot_general3A_63 = tpu.matmul %mul3A_51, %get3A_61, %dot_general3A_62 {dimension_numbers = #tpu.dot_dimension_numbers<[1], [1], [0], [0], [0, 0, 1, 0], [], []>, transpose_lhs_hint = false} : vector<400x128xf32>, vector<256x128xf32>, vector<400x256xf32> -> vector<400x256xf32>
    %get3A_64 = arith.constant 0 : index
    %get3A_65 = arith.constant 128 : index
    %get3A_66 = vector.load %arg9[%get3A_64, %get3A_65] : memref<256x256xf32, #tpu.memory_space<vmem>>, vector<256x128xf32>
    %dot_general3A_67 = arith.constant dense<0.000000e+00> : vector<400x256xf32>
    %dot_general3A_68 = tpu.matmul %mul3A_58, %get3A_66, %dot_general3A_67 {dimension_numbers = #tpu.dot_dimension_numbers<[1], [1], [0], [0], [0, 0, 1, 0], [], []>, transpose_lhs_hint = false} : vector<400x128xf32>, vector<256x128xf32>, vector<400x256xf32> -> vector<400x256xf32>
    %add3A_69 = arith.addf %dot_general3A_63, %dot_general3A_68 : vector<400x256xf32>
    %add3A_70 = arith.addf %add3A_31, %add3A_69 : vector<400x256xf32>
    %get3A_71 = arith.constant 0 : index
    %get3A_72 = arith.constant 0 : index
    %get3A_73 = vector.load %arg12[%get3A_71, %get3A_72] : memref<400x16xf32, #tpu.memory_space<vmem>>, vector<400x1xf32>
    %get3A_74 = arith.constant 0 : index
    %get3A_75 = arith.constant 0 : index
    %get3A_76 = vector.load %arg13[%get3A_74, %get3A_75] : memref<400x16xf32, #tpu.memory_space<vmem>>, vector<400x1xf32>
    %add3A_77 = arith.addf %get3A_73, %get3A_76 : vector<400x1xf32>
    %max3A_78 = arith.constant 1.000000e+00 : f32
    %max3A_79 = vector.broadcast %max3A_78 : f32 to vector<400x1xf32>
    %max3A_80 = arith.maximumf %add3A_77, %max3A_79 : vector<400x1xf32>
    %div3A_81 = arith.constant 1.000000e+00 : f32
    %div3A_82 = vector.broadcast %div3A_81 : f32 to vector<400x1xf32>
    %div3A_83 = arith.divf %div3A_82, %max3A_80 : vector<400x1xf32>
    %get3A_84 = arith.constant 0 : index
    %get3A_85 = arith.constant 0 : index
    %get3A_86 = arith.constant 0 : index
    %get3A_87 = vector.load %arg11[%get3A_84, %get3A_85, %get3A_86] : memref<2x400x128xf32, #tpu.memory_space<vmem>>, vector<1x400x128xf32>
    %get3A_88 = vector.shape_cast %get3A_87 : vector<1x400x128xf32> to vector<400x128xf32>
    %mul3A_89 = vector.broadcast %div3A_83 : vector<400x1xf32> to vector<400x128xf32>
    %mul3A_90 = arith.mulf %get3A_88, %mul3A_89 : vector<400x128xf32>
    %get3A_91 = arith.constant 1 : index
    %get3A_92 = arith.constant 0 : index
    %get3A_93 = arith.constant 0 : index
    %get3A_94 = vector.load %arg11[%get3A_91, %get3A_92, %get3A_93] : memref<2x400x128xf32, #tpu.memory_space<vmem>>, vector<1x400x128xf32>
    %get3A_95 = vector.shape_cast %get3A_94 : vector<1x400x128xf32> to vector<400x128xf32>
    %mul3A_96 = vector.broadcast %div3A_83 : vector<400x1xf32> to vector<400x128xf32>
    %mul3A_97 = arith.mulf %get3A_95, %mul3A_96 : vector<400x128xf32>
    %get3A_98 = arith.constant 0 : index
    %get3A_99 = arith.constant 0 : index
    %get3A_100 = vector.load %arg14[%get3A_98, %get3A_99] : memref<256x256xf32, #tpu.memory_space<vmem>>, vector<256x128xf32>
    %dot_general3A_101 = arith.constant dense<0.000000e+00> : vector<400x256xf32>
    %dot_general3A_102 = tpu.matmul %mul3A_90, %get3A_100, %dot_general3A_101 {dimension_numbers = #tpu.dot_dimension_numbers<[1], [1], [0], [0], [0, 0, 1, 0], [], []>, transpose_lhs_hint = false} : vector<400x128xf32>, vector<256x128xf32>, vector<400x256xf32> -> vector<400x256xf32>
    %get3A_103 = arith.constant 0 : index
    %get3A_104 = arith.constant 128 : index
    %get3A_105 = vector.load %arg14[%get3A_103, %get3A_104] : memref<256x256xf32, #tpu.memory_space<vmem>>, vector<256x128xf32>
    %dot_general3A_106 = arith.constant dense<0.000000e+00> : vector<400x256xf32>
    %dot_general3A_107 = tpu.matmul %mul3A_97, %get3A_105, %dot_general3A_106 {dimension_numbers = #tpu.dot_dimension_numbers<[1], [1], [0], [0], [0, 0, 1, 0], [], []>, transpose_lhs_hint = false} : vector<400x128xf32>, vector<256x128xf32>, vector<400x256xf32> -> vector<400x256xf32>
    %add3A_108 = arith.addf %dot_general3A_102, %dot_general3A_107 : vector<400x256xf32>
    %add3A_109 = arith.addf %add3A_70, %add3A_108 : vector<400x256xf32>
    %get3A_110 = arith.constant 0 : index
    %get3A_111 = arith.constant 0 : index
    %get3A_112 = vector.load %arg16[%get3A_110, %get3A_111] : memref<256x256xf32, #tpu.memory_space<vmem>>, vector<256x256xf32>
    %get3A_113 = arith.constant 0 : index
    %get3A_114 = arith.constant 0 : index
    %get3A_115 = vector.load %arg17[%get3A_113, %get3A_114] : memref<256x256xf32, #tpu.memory_space<vmem>>, vector<256x256xf32>
    %add3A_116 = arith.addf %get3A_112, %get3A_115 : vector<256x256xf32>
    %get3A_117 = arith.constant 0 : index
    %get3A_118 = arith.constant 0 : index
    %get3A_119 = vector.load %arg18[%get3A_117, %get3A_118] : memref<256x256xf32, #tpu.memory_space<vmem>>, vector<256x256xf32>
    %add3A_120 = arith.addf %add3A_116, %get3A_119 : vector<256x256xf32>
    %get3A_121 = arith.constant 0 : index
    %get3A_122 = arith.constant 0 : index
    %get3A_123 = arith.constant 0 : index
    %get3A_124 = vector.load %arg19[%get3A_121, %get3A_122, %get3A_123] : memref<2x400x128xf32, #tpu.memory_space<vmem>>, vector<1x400x128xf32>
    %get3A_125 = vector.shape_cast %get3A_124 : vector<1x400x128xf32> to vector<400x128xf32>
    %slice3A = vector.extract_strided_slice %add3A_120 {offsets = [0, 0], sizes = [256, 128], strides = [1, 1]} : vector<256x256xf32> to vector<256x128xf32>
    %dot_general3A_126 = arith.constant dense<0.000000e+00> : vector<400x256xf32>
    %dot_general3A_127 = tpu.matmul %get3A_125, %slice3A, %dot_general3A_126 {dimension_numbers = #tpu.dot_dimension_numbers<[1], [1], [0], [0], [0, 0, 1, 0], [], []>, transpose_lhs_hint = false} : vector<400x128xf32>, vector<256x128xf32>, vector<400x256xf32> -> vector<400x256xf32>
    %get3A_128 = arith.constant 1 : index
    %get3A_129 = arith.constant 0 : index
    %get3A_130 = arith.constant 0 : index
    %get3A_131 = vector.load %arg19[%get3A_128, %get3A_129, %get3A_130] : memref<2x400x128xf32, #tpu.memory_space<vmem>>, vector<1x400x128xf32>
    %get3A_132 = vector.shape_cast %get3A_131 : vector<1x400x128xf32> to vector<400x128xf32>
    %slice3A_133 = vector.extract_strided_slice %add3A_120 {offsets = [0, 128], sizes = [256, 128], strides = [1, 1]} : vector<256x256xf32> to vector<256x128xf32>
    %dot_general3A_134 = arith.constant dense<0.000000e+00> : vector<400x256xf32>
    %dot_general3A_135 = tpu.matmul %get3A_132, %slice3A_133, %dot_general3A_134 {dimension_numbers = #tpu.dot_dimension_numbers<[1], [1], [0], [0], [0, 0, 1, 0], [], []>, transpose_lhs_hint = false} : vector<400x128xf32>, vector<256x128xf32>, vector<400x256xf32> -> vector<400x256xf32>
    %add3A_136 = arith.addf %dot_general3A_127, %dot_general3A_135 : vector<400x256xf32>
    %add3A_137 = arith.addf %add3A_109, %add3A_136 : vector<400x256xf32>
    %get3A_138 = arith.constant 0 : index
    %get3A_139 = arith.constant 0 : index
    %get3A_140 = vector.load %arg5[%get3A_138, %get3A_139] : memref<1x256xf32, #tpu.memory_space<vmem>>, vector<1x256xf32>
    %get3A_141 = arith.constant 0 : index
    %get3A_142 = arith.constant 0 : index
    %get3A_143 = vector.load %arg10[%get3A_141, %get3A_142] : memref<1x256xf32, #tpu.memory_space<vmem>>, vector<1x256xf32>
    %add3A_144 = arith.addf %get3A_140, %get3A_143 : vector<1x256xf32>
    %get3A_145 = arith.constant 0 : index
    %get3A_146 = arith.constant 0 : index
    %get3A_147 = vector.load %arg15[%get3A_145, %get3A_146] : memref<1x256xf32, #tpu.memory_space<vmem>>, vector<1x256xf32>
    %add3A_148 = arith.addf %add3A_144, %get3A_147 : vector<1x256xf32>
    %add3A_149 = vector.broadcast %add3A_148 : vector<1x256xf32> to vector<400x256xf32>
    %add3A_150 = arith.addf %add3A_137, %add3A_149 : vector<400x256xf32>
    %get3A_151 = arith.constant 0 : index
    %get3A_152 = arith.constant 0 : index
    %get3A_153 = vector.load %arg21[%get3A_151, %get3A_152] : memref<400x16xf32, #tpu.memory_space<vmem>>, vector<400x1xf32>
    %get3A_154 = arith.constant 0 : index
    %get3A_155 = arith.constant 0 : index
    %get3A_156 = vector.load %arg22[%get3A_154, %get3A_155] : memref<400x16xf32, #tpu.memory_space<vmem>>, vector<400x1xf32>
    %add3A_157 = arith.addf %get3A_153, %get3A_156 : vector<400x1xf32>
    %max3A_158 = arith.constant 1.000000e+00 : f32
    %max3A_159 = vector.broadcast %max3A_158 : f32 to vector<400x1xf32>
    %max3A_160 = arith.maximumf %add3A_157, %max3A_159 : vector<400x1xf32>
    %div3A_161 = arith.constant 1.000000e+00 : f32
    %div3A_162 = vector.broadcast %div3A_161 : f32 to vector<400x1xf32>
    %div3A_163 = arith.divf %div3A_162, %max3A_160 : vector<400x1xf32>
    %get3A_164 = arith.constant 0 : index
    %get3A_165 = arith.constant 0 : index
    %get3A_166 = arith.constant 0 : index
    %get3A_167 = vector.load %arg20[%get3A_164, %get3A_165, %get3A_166] : memref<2x400x128xf32, #tpu.memory_space<vmem>>, vector<1x400x128xf32>
    %get3A_168 = vector.shape_cast %get3A_167 : vector<1x400x128xf32> to vector<400x128xf32>
    %mul3A_169 = vector.broadcast %div3A_163 : vector<400x1xf32> to vector<400x128xf32>
    %mul3A_170 = arith.mulf %get3A_168, %mul3A_169 : vector<400x128xf32>
    %get3A_171 = arith.constant 1 : index
    %get3A_172 = arith.constant 0 : index
    %get3A_173 = arith.constant 0 : index
    %get3A_174 = vector.load %arg20[%get3A_171, %get3A_172, %get3A_173] : memref<2x400x128xf32, #tpu.memory_space<vmem>>, vector<1x400x128xf32>
    %get3A_175 = vector.shape_cast %get3A_174 : vector<1x400x128xf32> to vector<400x128xf32>
    %mul3A_176 = vector.broadcast %div3A_163 : vector<400x1xf32> to vector<400x128xf32>
    %mul3A_177 = arith.mulf %get3A_175, %mul3A_176 : vector<400x128xf32>
    %get3A_178 = arith.constant 0 : index
    %get3A_179 = arith.constant 0 : index
    %get3A_180 = vector.load %arg23[%get3A_178, %get3A_179] : memref<256x256xf32, #tpu.memory_space<vmem>>, vector<256x128xf32>
    %dot_general3A_181 = arith.constant dense<0.000000e+00> : vector<400x256xf32>
    %dot_general3A_182 = tpu.matmul %mul3A_170, %get3A_180, %dot_general3A_181 {dimension_numbers = #tpu.dot_dimension_numbers<[1], [1], [0], [0], [0, 0, 1, 0], [], []>, transpose_lhs_hint = false} : vector<400x128xf32>, vector<256x128xf32>, vector<400x256xf32> -> vector<400x256xf32>
    %get3A_183 = arith.constant 0 : index
    %get3A_184 = arith.constant 128 : index
    %get3A_185 = vector.load %arg23[%get3A_183, %get3A_184] : memref<256x256xf32, #tpu.memory_space<vmem>>, vector<256x128xf32>
    %dot_general3A_186 = arith.constant dense<0.000000e+00> : vector<400x256xf32>
    %dot_general3A_187 = tpu.matmul %mul3A_177, %get3A_185, %dot_general3A_186 {dimension_numbers = #tpu.dot_dimension_numbers<[1], [1], [0], [0], [0, 0, 1, 0], [], []>, transpose_lhs_hint = false} : vector<400x128xf32>, vector<256x128xf32>, vector<400x256xf32> -> vector<400x256xf32>
    %add3A_188 = arith.addf %dot_general3A_182, %dot_general3A_187 : vector<400x256xf32>
    %get3A_189 = arith.constant 0 : index
    %get3A_190 = arith.constant 0 : index
    %get3A_191 = vector.load %arg25[%get3A_189, %get3A_190] : memref<256x256xf32, #tpu.memory_space<vmem>>, vector<256x256xf32>
    %get3A_192 = arith.constant 0 : index
    %get3A_193 = arith.constant 0 : index
    %get3A_194 = arith.constant 0 : index
    %get3A_195 = vector.load %arg26[%get3A_192, %get3A_193, %get3A_194] : memref<2x400x128xf32, #tpu.memory_space<vmem>>, vector<1x400x128xf32>
    %get3A_196 = vector.shape_cast %get3A_195 : vector<1x400x128xf32> to vector<400x128xf32>
    %slice3A_197 = vector.extract_strided_slice %get3A_191 {offsets = [0, 0], sizes = [256, 128], strides = [1, 1]} : vector<256x256xf32> to vector<256x128xf32>
    %dot_general3A_198 = arith.constant dense<0.000000e+00> : vector<400x256xf32>
    %dot_general3A_199 = tpu.matmul %get3A_196, %slice3A_197, %dot_general3A_198 {dimension_numbers = #tpu.dot_dimension_numbers<[1], [1], [0], [0], [0, 0, 1, 0], [], []>, transpose_lhs_hint = false} : vector<400x128xf32>, vector<256x128xf32>, vector<400x256xf32> -> vector<400x256xf32>
    %get3A_200 = arith.constant 1 : index
    %get3A_201 = arith.constant 0 : index
    %get3A_202 = arith.constant 0 : index
    %get3A_203 = vector.load %arg26[%get3A_200, %get3A_201, %get3A_202] : memref<2x400x128xf32, #tpu.memory_space<vmem>>, vector<1x400x128xf32>
    %get3A_204 = vector.shape_cast %get3A_203 : vector<1x400x128xf32> to vector<400x128xf32>
    %slice3A_205 = vector.extract_strided_slice %get3A_191 {offsets = [0, 128], sizes = [256, 128], strides = [1, 1]} : vector<256x256xf32> to vector<256x128xf32>
    %dot_general3A_206 = arith.constant dense<0.000000e+00> : vector<400x256xf32>
    %dot_general3A_207 = tpu.matmul %get3A_204, %slice3A_205, %dot_general3A_206 {dimension_numbers = #tpu.dot_dimension_numbers<[1], [1], [0], [0], [0, 0, 1, 0], [], []>, transpose_lhs_hint = false} : vector<400x128xf32>, vector<256x128xf32>, vector<400x256xf32> -> vector<400x256xf32>
    %add3A_208 = arith.addf %dot_general3A_199, %dot_general3A_207 : vector<400x256xf32>
    %add3A_209 = arith.addf %add3A_188, %add3A_208 : vector<400x256xf32>
    %get3A_210 = arith.constant 0 : index
    %get3A_211 = arith.constant 0 : index
    %get3A_212 = vector.load %arg24[%get3A_210, %get3A_211] : memref<1x256xf32, #tpu.memory_space<vmem>>, vector<1x256xf32>
    %add3A_213 = vector.broadcast %get3A_212 : vector<1x256xf32> to vector<400x256xf32>
    %add3A_214 = arith.addf %add3A_209, %add3A_213 : vector<400x256xf32>
    %swap3A = arith.constant 0 : index
    %swap3A_215 = arith.constant 0 : index
    %swap3A_216 = vector.load %arg27[%swap3A, %swap3A_215] : memref<400x256xf32, #tpu.memory_space<vmem>>, vector<400x256xf32>
    tpu.vector_store %arg27[%swap3A, %swap3A_215], %add3A_214 {strides = array<i32>} : memref<400x256xf32, #tpu.memory_space<vmem>>, vector<400x256xf32>,
    %swap3A_217 = arith.constant 0 : index
    %swap3A_218 = arith.constant 0 : index
    %swap3A_219 = vector.load %arg28[%swap3A_217, %swap3A_218] : memref<400x256xf32, #tpu.memory_space<vmem>>, vector<400x256xf32>
    tpu.vector_store %arg28[%swap3A_217, %swap3A_218], %add3A_150 {strides = array<i32>} : memref<400x256xf32, #tpu.memory_space<vmem>>, vector<400x256xf32>,
    return
  }
  func.func @transform_0(%arg0: i32) -> (i32, i32, i32) {
    %c0_i32 = arith.constant 0 : i32
    %c0_i32_0 = arith.constant 0 : i32
    %c0_i32_1 = arith.constant 0 : i32
    return %c0_i32, %arg0, %c0_i32_0 : i32, i32, i32
  }
  func.func @transform_1(%arg0: i32) -> (i32, i32) {
    %c0_i32 = arith.constant 0 : i32
    %c0_i32_0 = arith.constant 0 : i32
    return %arg0, %c0_i32 : i32, i32
  }
  func.func @transform_2(%arg0: i32) -> (i32, i32) {
    %c0_i32 = arith.constant 0 : i32
    %c0_i32_0 = arith.constant 0 : i32
    return %arg0, %c0_i32 : i32, i32
  }
  func.func @transform_3(%arg0: i32) -> (i32, i32) {
    %c0_i32 = arith.constant 0 : i32
    %c0_i32_0 = arith.constant 0 : i32
    %c0_i32_1 = arith.constant 0 : i32
    return %c0_i32, %c0_i32_0 : i32, i32
  }
  func.func @transform_4(%arg0: i32) -> (i32, i32) {
    %c0_i32 = arith.constant 0 : i32
    %c0_i32_0 = arith.constant 0 : i32
    %c0_i32_1 = arith.constant 0 : i32
    return %c0_i32, %c0_i32_0 : i32, i32
  }
  func.func @transform_5(%arg0: i32) -> (i32, i32, i32) {
    %c0_i32 = arith.constant 0 : i32
    %c0_i32_0 = arith.constant 0 : i32
    %c0_i32_1 = arith.constant 0 : i32
    return %c0_i32, %arg0, %c0_i32_0 : i32, i32, i32
  }
  func.func @transform_6(%arg0: i32) -> (i32, i32) {
    %c0_i32 = arith.constant 0 : i32
    %c0_i32_0 = arith.constant 0 : i32
    return %arg0, %c0_i32 : i32, i32
  }
  func.func @transform_7(%arg0: i32) -> (i32, i32) {
    %c0_i32 = arith.constant 0 : i32
    %c0_i32_0 = arith.constant 0 : i32
    return %arg0, %c0_i32 : i32, i32
  }
  func.func @transform_8(%arg0: i32) -> (i32, i32) {
    %c0_i32 = arith.constant 0 : i32
    %c0_i32_0 = arith.constant 0 : i32
    %c0_i32_1 = arith.constant 0 : i32
    return %c0_i32, %c0_i32_0 : i32, i32
  }
  func.func @transform_9(%arg0: i32) -> (i32, i32) {
    %c0_i32 = arith.constant 0 : i32
    %c0_i32_0 = arith.constant 0 : i32
    %c0_i32_1 = arith.constant 0 : i32
    return %c0_i32, %c0_i32_0 : i32, i32
  }
  func.func @transform_10(%arg0: i32) -> (i32, i32, i32) {
    %c0_i32 = arith.constant 0 : i32
    %c0_i32_0 = arith.constant 0 : i32
    %c0_i32_1 = arith.constant 0 : i32
    return %c0_i32, %arg0, %c0_i32_0 : i32, i32, i32
  }
  func.func @transform_11(%arg0: i32) -> (i32, i32) {
    %c0_i32 = arith.constant 0 : i32
    %c0_i32_0 = arith.constant 0 : i32
    return %arg0, %c0_i32 : i32, i32
  }
  func.func @transform_12(%arg0: i32) -> (i32, i32) {
    %c0_i32 = arith.constant 0 : i32
    %c0_i32_0 = arith.constant 0 : i32
    return %arg0, %c0_i32 : i32, i32
  }
  func.func @transform_13(%arg0: i32) -> (i32, i32) {
    %c0_i32 = arith.constant 0 : i32
    %c0_i32_0 = arith.constant 0 : i32
    %c0_i32_1 = arith.constant 0 : i32
    return %c0_i32, %c0_i32_0 : i32, i32
  }
  func.func @transform_14(%arg0: i32) -> (i32, i32) {
    %c0_i32 = arith.constant 0 : i32
    %c0_i32_0 = arith.constant 0 : i32
    %c0_i32_1 = arith.constant 0 : i32
    return %c0_i32, %c0_i32_0 : i32, i32
  }
  func.func @transform_15(%arg0: i32) -> (i32, i32) {
    %c0_i32 = arith.constant 0 : i32
    %c0_i32_0 = arith.constant 0 : i32
    %c0_i32_1 = arith.constant 0 : i32
    return %c0_i32, %c0_i32_0 : i32, i32
  }
  func.func @transform_16(%arg0: i32) -> (i32, i32) {
    %c0_i32 = arith.constant 0 : i32
    %c0_i32_0 = arith.constant 0 : i32
    %c0_i32_1 = arith.constant 0 : i32
    return %c0_i32, %c0_i32_0 : i32, i32
  }
  func.func @transform_17(%arg0: i32) -> (i32, i32) {
    %c0_i32 = arith.constant 0 : i32
    %c0_i32_0 = arith.constant 0 : i32
    %c0_i32_1 = arith.constant 0 : i32
    return %c0_i32, %c0_i32_0 : i32, i32
  }
  func.func @transform_18(%arg0: i32) -> (i32, i32, i32) {
    %c0_i32 = arith.constant 0 : i32
    %c0_i32_0 = arith.constant 0 : i32
    %c0_i32_1 = arith.constant 0 : i32
    return %c0_i32, %arg0, %c0_i32_0 : i32, i32, i32
  }
  func.func @transform_19(%arg0: i32) -> (i32, i32, i32) {
    %c0_i32 = arith.constant 0 : i32
    %c0_i32_0 = arith.constant 0 : i32
    %c0_i32_1 = arith.constant 0 : i32
    return %c0_i32, %arg0, %c0_i32_0 : i32, i32, i32
  }
  func.func @transform_20(%arg0: i32) -> (i32, i32) {
    %c0_i32 = arith.constant 0 : i32
    %c0_i32_0 = arith.constant 0 : i32
    return %arg0, %c0_i32 : i32, i32
  }
  func.func @transform_21(%arg0: i32) -> (i32, i32) {
    %c0_i32 = arith.constant 0 : i32
    %c0_i32_0 = arith.constant 0 : i32
    return %arg0, %c0_i32 : i32, i32
  }
  func.func @transform_22(%arg0: i32) -> (i32, i32) {
    %c0_i32 = arith.constant 0 : i32
    %c0_i32_0 = arith.constant 0 : i32
    %c0_i32_1 = arith.constant 0 : i32
    return %c0_i32, %c0_i32_0 : i32, i32
  }
  func.func @transform_23(%arg0: i32) -> (i32, i32) {
    %c0_i32 = arith.constant 0 : i32
    %c0_i32_0 = arith.constant 0 : i32
    %c0_i32_1 = arith.constant 0 : i32
    return %c0_i32, %c0_i32_0 : i32, i32
  }
  func.func @transform_24(%arg0: i32) -> (i32, i32) {
    %c0_i32 = arith.constant 0 : i32
    %c0_i32_0 = arith.constant 0 : i32
    %c0_i32_1 = arith.constant 0 : i32
    return %c0_i32, %c0_i32_0 : i32, i32
  }
  func.func @transform_25(%arg0: i32) -> (i32, i32, i32) {
    %c0_i32 = arith.constant 0 : i32
    %c0_i32_0 = arith.constant 0 : i32
    %c0_i32_1 = arith.constant 0 : i32
    return %c0_i32, %arg0, %c0_i32_0 : i32, i32, i32
  }
  func.func @transform_26(%arg0: i32) -> (i32, i32) {
    %c0_i32 = arith.constant 0 : i32
    %c0_i32_0 = arith.constant 0 : i32
    return %arg0, %c0_i32 : i32, i32
  }
  func.func @transform_27(%arg0: i32) -> (i32, i32) {
    %c0_i32 = arith.constant 0 : i32
    %c0_i32_0 = arith.constant 0 : i32
    return %arg0, %c0_i32 : i32, i32
  }
}

</mosaic_0001>

<sc_bundles>
// kernel: kernel.10.cloned.1.call-start
scs
__scs_entry_jumppad:
0x0: {  	(pc) =	sbr.rel $0x88, $3  }
0x1: {  	(tag) =	ssettag $0x0;
	lr =	simm.s32 $0x1  }
0x2: {  	[smem:$0x3F83] =	sst lr;
	_ =	strace $0xD0000000  }
0x3: {  	_ = 	snop  }
0x4: {  	_ = 	snop  }
0x5: {  	_ = 	snop  }
0x6: {  	_ = 	snop  }
0x7: {  	_ = 	snop  }
__scs_overlays_trampoline_lowered:
0x8: {  	[smem:$0x3F92] =	sst s0  }
0x9: {  	[smem:$0x3F93] =	sst s1  }
0xa: {  	[smem:$0x3F94] =	sst s2  }
0xb: {  	[smem:$0x3F95] =	sst s3  }
0xc: {  	[smem:$0x3F96] =	sst s4  }
0xd: {  	[smem:$0x3F97] =	sst s5  }
0xe: {  	[smem:$0x3F98] =	sst s6  }
0xf: {  	[smem:$0x3F99] =	sst s7  }
0x10: {  	[smem:$0x3F9A] =	sst s8  }
0x11: {  	[smem:$0x3F9B] =	sst s9;
	s0 =	simm.s32 @!p0 $0x0  }
0x12: {  	s1 =	sld [smem:$0x3F81];
	s0 =	simm.s32 @p0 $0x1  }
0x13: {  	[smem:$0x3F9C] =	sst s0;
	s0 =	simm.s32 @!p1 $0x0  }
0x14: {  	s2 =	sld [smem:$0x3F80];
	s0 =	simm.s32 @p1 $0x1  }
0x15: {  	[smem:$0x3F9D] =	sst s0;
	s0 =	simm.s32 @!p2 $0x0  }
0x16: {  	s3 =	sld [smem:$0x3FDB];
	s0 =	simm.s32 @p2 $0x1  }
0x17: {  	s4 =	simm.s32 $0x1BF5;
	[smem:$0x3F9F] =	sst s0  }
0x18: {  	s0 =	sld [smem:$0x3F82];
	_ =	swait.ge [sflag:s4], $0x0  }
0x19: {  	s7 =	sld [smem:$0x3F83]  }
0x1a: {  	s8 =	sadd.s32 $0xFFFFE003, lr  }
0x1b: {  	s9 =	sadd.s32 $0xFFFFFEF7, lr;
	s5 =	simm.s32 $0xFFFFFFFF;
	p2 =	slt.u32 s8, $0xFFFFF086  }
0x1c: {  	p1 =	slt.u32 s9, $0xF7A;
	s5 =	simm.s32 @!p2 $0x0  }
0x1d: {  	s5 =	simm.s32 @p1 $0x1;
	p0 =	seq.s32 s7, s2  }
0x1e: {  	s7 =	smul.u32 @!p0 $0xF7A, s2;
	p2 =	seq.s32 @!p0 s5, $0x0  }
0x1f: {  	s9 =	smul.u32 $0xF7A, s1;
	s8 =	simm.s32 @!p0 $0x1BF5;
	p2 =	por !p2, p0  }
0x20: {  	[sflag:s8] =	ssyncset.s32 @!p0 $0xFFFFF086;
	s6 =	sadd.s32 @!p0 s3, s7;
	s7 =	simm.s32 @!p0 $0x108  }
0x21: {  	s3 =	sadd.s32 s3, s9;
	s6 =	sadd.s32 @!p0 $0x88, s6;
	s7 =	simm.s32 @p2 $0x1082  }
0x22: {  	[simem:s7], [sflag:s8] =	dma.local @!p0 [hbm:s6], $0xF7A  }
0x23: {  	s9 =	sor.u32 $0xD0000000, s2;
	s6 =	simm.s32 $0x108;
	_ =	swait.ge @!p0 [sflag:s8], $0x0  }
0x24: {  	s3 =	sadd.s32 $0x88, s3;
	s6 =	simm.s32 @!p1 $0x1082;
	[sflag:s4] =	ssyncset.s32 $0xFFFFF086  }
0x25: {  	[simem:s6], [sflag:s4] =	dma.local [hbm:s3], $0xF7A  }
0x26: {  	[smem:$0x3F83] =	sst s1;
	(tag) =	ssettag s2;
	_ =	strace s9  }
0x27: {  	s1 =	sld [smem:$0x3F93]  }
0x28: {  	s2 =	sld [smem:$0x3F94]  }
0x29: {  	s4 =	sld [smem:$0x3F96]  }
0x2a: {  	p0 =	seq.s32 s5, $0x0;
	s5 =	sld [smem:$0x3F97]  }
0x2b: {  	s6 =	sld [smem:$0x3F98]  }
0x2c: {  	s7 =	sld [smem:$0x3F99]  }
0x2d: {  	s3 =	simm.s32 $0x108;
	s8 =	sld [smem:$0x3F9A]  }
0x2e: {  	s3 =	simm.s32 @!p0 $0x1082;
	s9 =	sld [smem:$0x3F9B]  }
0x2f: {  	lr =	sadd.s32 s0, s3;
	s0 =	sld [smem:$0x3F92]  }
0x30: {  	s3 =	sld [smem:$0x3F95]  }
0x31: {  	[smem:$0x3F9E] =	sst s10  }
0x32: {  	s10 =	sld [smem:$0x3F9C];
	_ =	sdelay $0x3  }
0x33: {  	p0 =	seq.s32 s10, $0x1;
	s10 =	sld [smem:$0x3F9E];
	_ =	sdelay $0x3  }
0x34: {  	[smem:$0x3F9E] =	sst s10  }
0x35: {  	s10 =	sld [smem:$0x3F9D];
	_ =	sdelay $0x3  }
0x36: {  	p1 =	seq.s32 s10, $0x1;
	s10 =	sld [smem:$0x3F9E];
	_ =	sdelay $0x3  }
0x37: {  	[smem:$0x3F9E] =	sst s10  }
0x38: {  	s10 =	sld [smem:$0x3F9F]  }
0x39: {  	_ = 	snop;
	(pc) =	sbr.ind lr, $3  }
0x3a: {  	_ = 	snop  }
0x3b: {  	_ = 	snop  }
0x3c: {  	p2 =	seq.s32 s10, $0x1;
	s10 =	sld [smem:$0x3F9E]  }
0x3d: {  	_ =	shalt  }
0x3e: {  	_ =	shalt  }
0x3f: {  	_ =	shalt  }
0x40: {  	_ =	shalt  }
0x41: {  	_ =	shalt  }
0x42: {  	_ =	shalt  }
0x43: {  	_ =	shalt  }
0x44: {  	_ =	shalt  }
0x45: {  	_ =	shalt  }
0x46: {  	_ =	shalt  }
0x47: {  	_ =	shalt  }
0x48: {  	_ =	shalt  }
0x49: {  	_ =	shalt  }
0x4a: {  	_ =	shalt  }
0x4b: {  	_ =	shalt  }
0x4c: {  	_ =	shalt  }
0x4d: {  	_ =	shalt  }
0x4e: {  	_ =	shalt  }
0x4f: {  	_ =	shalt  }
0x50: {  	_ =	shalt  }
0x51: {  	_ =	shalt  }
0x52: {  	_ =	shalt  }
0x53: {  	_ =	shalt  }
0x54: {  	_ =	shalt  }
0x55: {  	_ =	shalt  }
0x56: {  	_ =	shalt  }
0x57: {  	_ =	shalt  }
0x58: {  	_ =	shalt  }
0x59: {  	_ =	shalt  }
0x5a: {  	_ =	shalt  }
0x5b: {  	_ =	shalt  }
0x5c: {  	_ =	shalt  }
0x5d: {  	_ =	shalt  }
0x5e: {  	_ =	shalt  }
0x5f: {  	_ =	shalt  }
0x60: {  	_ =	shalt  }
0x61: {  	_ =	shalt  }
0x62: {  	_ =	shalt  }
0x63: {  	_ =	shalt  }
0x64: {  	_ =	shalt  }
0x65: {  	_ =	shalt  }
0x66: {  	_ =	shalt  }
0x67: {  	_ =	shalt  }
0x68: {  	_ =	shalt  }
0x69: {  	_ =	shalt  }
0x6a: {  	_ =	shalt  }
0x6b: {  	_ =	shalt  }
0x6c: {  	_ =	shalt  }
0x6d: {  	_ =	shalt  }
0x6e: {  	_ =	shalt  }
0x6f: {  	_ =	shalt  }
0x70: {  	_ =	shalt  }
0x71: {  	_ =	shalt  }
0x72: {  	_ =	shalt  }
0x73: {  	_ =	shalt  }
0x74: {  	_ =	shalt  }
0x75: {  	_ =	shalt  }
0x76: {  	_ =	shalt  }
0x77: {  	_ =	shalt  }
0x78: {  	_ =	shalt  }
0x79: {  	_ =	shalt  }
0x7a: {  	_ =	shalt  }
0x7b: {  	_ =	shalt  }
0x7c: {  	_ =	shalt  }
0x7d: {  	_ =	shalt  }
0x7e: {  	_ =	shalt  }
0x7f: {  	_ =	shalt  }
0x80: {  	_ =	shalt  }
0x81: {  	_ =	shalt  }
0x82: {  	_ =	shalt  }
0x83: {  	_ =	shalt  }
0x84: {  	_ =	shalt  }
0x85: {  	_ =	shalt  }
0x86: {  	_ =	shalt  }
0x87: {  	_ =	shalt  }
.Lfunc_end0:
.L_simem_size_0:
called_computation.1_lowered:
.L_overlay_start_0:
0x88: {  	s2 =	sld [smem:$0x3FD9]  }
0x89: {  	s3 =	sld [smem:$0x3FFE];
	_ =	sdelay $0x1  }
0x8a: {  	s1 =	srdreg.scid  }
0x8b: {  	s0 =	sand.u32 $0x1, s1  }
0x8c: {  	s15 =	sshll.u32 s0, $0xA;
	s2 =	sadd.s32 s3, s2  }
0x8d: {  	s2 =	sadd.s32 s2, s15  }
0x8e: {  	[smem:$0x3FAA] =	sst s2  }
0x8f: {  	_ = 	snop  }
0x90: {  	s2 =	sld [smem:$0x3FD0];
	_ =	sdelay $0x2  }
0x91: {  	s4 =	simm.s32 $0xB;
	s16 =	simm.s32 $0x10  }
0x92: {  	[smem:s16], [sflag:s4] =	dma.local [hbm:s2], $0x1  }
0x93: {  	_ =	swait.eq [sflag:s4], $0x1  }
0x94: {  	[sflag:s4] =	ssyncset.done $0x0  }
0x95: {  	s17 =	sld [smem:$0x10];
	[sflag:s4] =	ssyncadd.s32 $0xFFFFFFFF  }
0x96: {  	s18 =	sld [smem:$0x11];
	(tm) =	ssettm $0x1  }
0x97: {  	s19 =	sld [smem:$0x3FFB];
	_ =	sdelay $0x3  }
0x98: {  	_ =	strace s19  }
0x99: {  	s2 =	sld [smem:$0x3FFC];
	_ =	sdelay $0x3  }
0x9a: {  	_ =	strace s2  }
0x9b: {  	s2 =	sld [smem:$0x3FFD];
	_ =	sdelay $0x3  }
0x9c: {  	_ =	strace s2  }
0x9d: {  	_ =	strace $0x8FFFFFFF  }
0x9e: {  	s20 =	sld [smem:$0x3FDB];
	_ =	sdelay $0x1  }
0x9f: {  	s5 =	simm.s32 $_scs_section_size  }
0xa0: {  	s6 =	simm.s32 $_size__tile_overlayer_lowered;
	s7 =	simm.s32 $_tile_overlayer_lowered  }
0xa1: {  	s8 =	simm.s32 $0x1BFF;
	s21 =	sshll.u32 s7, $0x1;
	s5 =	sadd.s32 s5, s20  }
0xa2: {  	s22 =	simm.s32 $0x0;
	s6 =	sshll.u32 s6, $0x1;
	s7 =	sadd.s32 s21, s5  }
0xa3: {  	[timem:s22], [sflag:s8] =	dma.local [hbm:s7], s6  }
0xa4: {  	_ =	swait.ge [sflag:s8], s6  }
0xa5: {  	s6 =	ssub.s32 $0x0, s6;
	[sflag:s8] =	ssyncset.done $0x0  }
0xa6: {  	[sflag:s8] =	ssyncadd.s32 s6;
	_ =	sdelay $0x1  }
0xa7: {  	s23 =	simm.s32 $0x1B8B  }
0xa8: {  	_ =	swait.ge [sflag:s23], $0x1  }
0xa9: {  	[sflag:s23] =	ssyncset.done $0x0  }
0xaa: {  	[sflag:s23] =	ssyncadd.s32 $0xFFFFFFFF  }
0xab: {  	s6 =	sld [smem:$0x0]  }
0xac: {  	s7 =	sand.u32 $0xFFFFFFFE, s1  }
0xad: {  	p0 =	sne.s32 s1, s7  }
0xae: {  	s7 =	sshll.u32 @p0 s7, $0xE  }
0xaf: {  	s7 =	sadd.s32 @p0 $0x11B8D, s7;
	s8 =	sshll.u32 @p0 s6, $0x11  }
0xb0: {  	s7 =	sor.u32 @p0 s8, s7  }
0xb1: {  	[sflag:s7] =	ssyncadd.remote.s32 @p0 $0x1;
	_ =	sdelay $0x1  }
0xb2: {  	s7 =	simm.s32 @p0 $0x1B8D  }
0xb3: {  	_ =	swait.eq @p0 [sflag:s7], $0x1  }
0xb4: {  	[sflag:s7] =	ssyncadd.s32 @p0 $0xFFFFFFFF  }
0xb5: {  	s8 =	sshll.u32 @!p0 s1, $0xE  }
0xb6: {  	s8 =	sor.u32 @!p0 $0x4000, s8;
	s7 =	simm.s32 @!p0 $0x1B8D  }
0xb7: {  	s6 =	sshll.u32 @!p0 s6, $0x11;
	s8 =	sadd.s32 @!p0 $0x11B8D, s8;
	_ =	swait.eq @!p0 [sflag:s7], $0x1  }
0xb8: {  	s6 =	sor.u32 @!p0 s6, s8;
	[sflag:s7] =	ssyncadd.s32 @!p0 $0xFFFFFFFF  }
0xb9: {  	s25 =	simm.s32 $0x1B8E;
	s24 =	sld [smem:$0x3FFE];
	[sflag:s6] =	ssyncadd.remote.s32 @!p0 $0x1  }
0xba: {  	s26 =	simm.s32 $execute0_lowered;
	[smem:$0x3FD2] =	sst s25  }
0xbb: {  	s7 =	sshll.u32 s26, $0x1;
	_ =	strace $0x80000049;
	[dreg:$0x1] =	wrdreg $0xFFFFFFFF  }
0xbc: {  	s28 =	simm.s32 $_size_execute0_lowered;
	s5 =	sadd.s32 s5, s7;
	[dreg:$0x0] =	wrdreg $0x0  }
0xbd: {  	s7 =	sshll.u32 s28, $0x1;
	[dreg:$0x2] =	wrdreg s5  }
0xbe: {  	[dreg:$0x3] =	wrdreg s7  }
0xbf: {  	[dreg:$0x4] =	wrdreg $0xC0  }
0xc0: {  	_ =	task [dreg:s22], $0x5FFFF  }
0xc1: {  	[dreg:$0x1] =	wrdreg $0xFFFFFFFF  }
0xc2: {  	[dreg:$0x0] =	wrdreg $0x60  }
0xc3: {  	[dreg:$0x2] =	wrdreg s18  }
0xc4: {  	[dreg:$0x3] =	wrdreg s17  }
0xc5: {  	[dreg:$0x4] =	wrdreg s24  }
0xc6: {  	[dreg:$0x5] =	wrdreg $0x0  }
0xc7: {  	[dreg:$0x6] =	wrdreg $0xA  }
0xc8: {  	_ =	task.clear_ibuf [dreg:s22], $0x7FFFF;
	_ =	strace $0x90000049  }
0xc9: {  	s29 =	simm.s32 $0xA;
	_ =	strace $0x8000004B  }
0xca: {  	_ =	swait.ge [sflag:s29], $0x1  }
0xcb: {  	[sflag:s29] =	ssyncadd.s32 $0xFFFFFFFF  }
0xcc: {  	_ =	strace $0x9000004B  }
0xcd: {  	_ =	sfence  }
0xce: {  	s30 =	sld [smem:$0x0];
	_ =	sdelay $0x2  }
0xcf: {  	s31 =	sshll.u32 s1, $0xD;
	s1 =	sshrl.u32 s1, $0x2  }
0xd0: {  	s4 =	sand.u32 $0x4000, s31;
	s1 =	sadd.s32 s1, s30  }
0xd1: {  	s0 =	sor.u32 s4, s0;
	s1 =	sshll.u32 s1, $0x11  }
0xd2: {  	s0 =	sor.u32 s1, s0  }
0xd3: {  	s0 =	sadd.s32 $0x8F2B, s0  }
0xd4: {  	[sflag:s0] =	ssyncadd.remote.s32 $0x1  }
0xd5: {  	_ =	sfence.sel $0xFFFF  }
0xd6: {  	[dreg:$0x0] =	wrdreg $0xFFFFFFFF;
	(pc) =	sbr.abs _section_cstart, $3  }
0xd7: {  	[dreg:$0x1] =	wrdreg $0xFFFFFFFF  }
0xd8: {  	_ =	task.clear_ibuf [dreg:s22], $0x2FFFF;
	_ =	strace $0x9FFFFFFF  }
0xd9: {  	(tm) =	ssettm $0x7FFFFFFF  }
tec
execute0_lowered:
.L_overlay_start_1:
0x0: {  	(tag) =	ssettag $0x1  }
0x1: {  	s1 =	rddreg [dreg:$0x0]  }
0x2: {  	s2 =	rddreg [dreg:$0x1];
	s0 =	srdreg.scid  }
0x3: {  	s11 =	stileid.u32;
	s3 =	rddreg [dreg:$0x2]  }
0x4: {  	s4 =	rddreg [dreg:$0x3];
	s5 =	smul.u32 $0x1400, s11  }
0x5: {  	s7 =	simm.s32 $0x0;
	s0 =	sand.u32 $0x1, s0;
	s8 =	smul.u32 $0x13C00, s11  }
0x6: {  	[smem:$0x7FF] =	sst s7;
	s7 =	sshll.u32 s11, $0x6;
	s11 =	smul.u32 $0x4F000, s11  }
0x7: {  	s28 =	simm.s32 $0x16400;
	s29 =	simm.s32 $0x2;
	s6 =	smul.u32 $0x14000, s0  }
0x8: {  	s30 =	simm.s32 $0x18400;
	s18 =	smul.u32 $0x13C000, s0;
	s0 =	ssub.s32 $0x2, s0  }
0x9: {  	s31 =	simm.s32 $0x4;
	_ =	strace $0x8000004A;
	s23 =	sshrl.u32 s0, $0x1  }
0xa: {  	s25 =	sshrl.u32 s11, $0x2;
	s6 =	sadd.s32 s5, s6;
	s5 =	sshrl.u32 s5, $0x3  }
0xb: {  	s8 =	sadd.s32 s8, s18;
	s0 =	ssub.s32 s0, s23;
	s26 =	sadd.s32 s25, s4  }
0xc: {  	s23 =	simm.s32 $0x13C00;
	s25 =	simm.s32 $0x1;
	s6 =	sshrl.u32 s6, $0x3  }
0xd: {  	s5 =	sadd.s32 s5, s3;
	s10 =	sshrl.u32 s8, $0x3;
	s8 =	sor.u32 $0x1C01, s7  }
0xe: {  	s9 =	sadd.s32 s6, s3;
	s6 =	sadd.s32 $0xC400, s3;
	s20 =	sadd.s32 $0x14AC00, s5  }
0xf: {  	s3 =	sadd.s32 s10, s3;
	s12 =	sadd.s32 $0x14D400, s5;
	s16 =	sadd.s32 $0x152400, s5  }
0x10: {  	s10 =	simm.s32 $0x0;
	s19 =	sadd.s32 $0x154C00, s9;
	[dreg:$0x6] =	wrdreg s20  }
0x11: {  	s21 =	sadd.s32 $0x168C00, s3;
	s22 =	sadd.s32 $0x159C00, s9;
	[dreg:$0x9] =	wrdreg s12  }
0x12: {  	s24 =	sadd.s32 $0x1B7C00, s3;
	s15 =	sadd.s32 $0x15EC00, s9;
	[dreg:$0x5] =	wrdreg s19  }
0x13: {  	s17 =	sadd.s32 $0x206C00, s3;
	s18 =	sadd.s32 $0x163C00, s9;
	[dreg:$0x7] =	wrdreg s21  }
0x14: {  	s20 =	sadd.s32 $0x255C00, s3;
	s3 =	simm.s32 $0x3;
	[dreg:$0x8] =	wrdreg s22  }
0x15: {  	s9 =	simm.s32 $0x16380;
	[dreg:$0xa] =	wrdreg s24;
	s19 =	sadd.s32 $0x14FC00, s5  }
0x16: {  	s21 =	smax.u32 s0, $0x1;
	s22 =	sshrl.u32 s26, $0x3;
	s24 =	simm.s32 $0x15000  }
0x17: {  	s26 =	simm.s32 $0x40;
	s0 =	simm.s32 $0x14F80;
	s5 =	simm.s32 $0x16300  }
.LBB2_1:
0x18: {  	[spmem:s22], [sflag:s8] =	dma.local [hbm:s6], $0x2780  }
0x19: {  	s11 =	simm.s32 $0x0;
	s12 =	rddreg [dreg:$0x5]  }
0x1a: {  	[tilespmem:s23], [sflag:$0x1] =	stream.linear.gather [hbm4b:s12+s11], $0x1400, $0x38;
	[tilespmem:$0x1A400] =	vst v63  }
0x1b: {  	s13 =	rddreg [dreg:$0x6]  }
0x1c: {  	[tilespmem:s24], [sflag:$0x1] =	stream.linear.gather [hbm4b:s13+s11], $0x1400, $0x38;
	[tilespmem:$0x1A400] =	vst v63  }
0x1d: {  	_ =	swait.ge [sflag:s25], $0x2780  }
0x1e: {  	[sflag:s25] =	ssyncset.done $0x0  }
0x1f: {  	[sflag:s25] =	ssyncadd.s32 $0xFFFFD880  }
0x20: {  	_ =	swait.ge [sflag:s25], $0x1400  }
0x21: {  	[sflag:s25] =	ssyncset.done $0x0  }
0x22: {  	[sflag:s25] =	ssyncadd.s32 $0xFFFFEC00  }
0x23: {  	_ =	swait.ge [sflag:s25], $0x1400  }
0x24: {  	[sflag:s25] =	ssyncset.done $0x0  }
0x25: {  	[sflag:s25] =	ssyncadd.s32 $0xFFFFEC00  }
0x26: {  	[bflag:$0x0] =	sbarrier.arrive $0xFFFF  }
0x27: {  	[tilespmem:s28], [sflag:$0x2] =	stream.indirect.gather [hbm4b:s1+s26], $0x80, s23, s26, $0xb8;
	[tilespmem:$0x1A400] =	vst v63  }
0x28: {  	_ =	swait.ge [sflag:s29], $0x2000  }
0x29: {  	[sflag:s29] =	ssyncset.done $0x0  }
0x2a: {  	s14 =	simm.s32 $0x13C80;
	[sflag:s29] =	ssyncadd.s32 $0xFFFFE000  }
0x2b: {  	[tilespmem:s30], [sflag:$0x3] =	stream.indirect.gather [hbm4b:s1+s26], $0x80, s14, s26, $0xb8;
	[tilespmem:$0x1A400] =	vst v63  }
0x2c: {  	s12 =	simm.s32 $0x15000  }
0x2d: {  	[spmem:s4] =	stream.indirect.scatter.add.f32 [tilespmem:s28], [sflag:$0x4], $0x80, s12, s26, $0xb8;
	[tilespmem:$0x1A400] =	vst v63  }
0x2e: {  	_ =	swait.ge [sflag:s31], $0x2000  }
0x2f: {  	[sflag:s31] =	ssyncset.done $0x0  }
0x30: {  	[sflag:s31] =	ssyncadd.s32 $0xFFFFE000  }
0x31: {  	_ =	swait.ge [sflag:s3], $0x2000  }
0x32: {  	[sflag:s3] =	ssyncset.done $0x0  }
0x33: {  	s13 =	simm.s32 $0x13D00;
	[sflag:s3] =	ssyncadd.s32 $0xFFFFE000  }
0x34: {  	[tilespmem:s28], [sflag:$0x2] =	stream.indirect.gather [hbm4b:s1+s26], $0x80, s13, s26, $0xb8;
	[tilespmem:$0x1A400] =	vst v63  }
0x35: {  	s14 =	simm.s32 $0x15080  }
0x36: {  	[spmem:s4] =	stream.indirect.scatter.add.f32 [tilespmem:s30], [sflag:$0x4], $0x80, s14, s26, $0xb8;
	[tilespmem:$0x1A400] =	vst v63  }
0x37: {  	_ =	swait.ge [sflag:s31], $0x2000  }
0x38: {  	s11 =	simm.s32 $0x400;
	[sflag:s31] =	ssyncset.done $0x0  }
.LBB2_2:
0x39: {  	p0 =	sne.s32 s11, $0x4800  }
0x3a: {  	[sflag:s31] =	ssyncadd.s32 $0xFFFFE000;
	s12 =	smov.u32 s11;
	s11 =	sadd.s32 $0x400, s11  }
0x3b: {  	_ = 	snop  }
0x3c: {  	_ =	swait.ge [sflag:s29], $0x2000  }
0x3d: {  	s12 =	sshra.s32 s12, $0x2;
	[sflag:s29] =	ssyncset.done $0x0  }
0x3e: {  	s13 =	sadd.s32 $0x13C80, s12;
	[sflag:s29] =	ssyncadd.s32 $0xFFFFE000  }
0x3f: {  	[tilespmem:s30], [sflag:$0x3] =	stream.indirect.gather [hbm4b:s1+s26], $0x80, s13, s26, $0xb8;
	[tilespmem:$0x1A400] =	vst v63  }
0x40: {  	s13 =	sadd.s32 $0x15000, s12  }
0x41: {  	[spmem:s4] =	stream.indirect.scatter.add.f32 [tilespmem:s28], [sflag:$0x4], $0x80, s13, s26, $0xb8;
	[tilespmem:$0x1A400] =	vst v63  }
0x42: {  	_ =	swait.ge [sflag:s31], $0x2000  }
0x43: {  	[sflag:s31] =	ssyncset.done $0x0  }
0x44: {  	[sflag:s31] =	ssyncadd.s32 $0xFFFFE000  }
0x45: {  	_ =	swait.ge [sflag:s3], $0x2000  }
0x46: {  	[sflag:s3] =	ssyncset.done $0x0  }
0x47: {  	s13 =	sadd.s32 $0x13D00, s12;
	[sflag:s3] =	ssyncadd.s32 $0xFFFFE000  }
0x48: {  	[tilespmem:s28], [sflag:$0x2] =	stream.indirect.gather [hbm4b:s1+s26], $0x80, s13, s26, $0xb8;
	[tilespmem:$0x1A400] =	vst v63  }
.Ltmp0:
0x49: {  	_ = 	snop;
	(pc) =	sbr.rel @p0 .LBB2_2-.Ltmp0, $4  }
0x4a: {  	s12 =	sadd.s32 $0x15080, s12  }
0x4b: {  	[spmem:s4] =	stream.indirect.scatter.add.f32 [tilespmem:s30], [sflag:$0x4], $0x80, s12, s26, $0xb8;
	[tilespmem:$0x1A400] =	vst v63  }
0x4c: {  	_ =	swait.ge [sflag:s31], $0x2000  }
0x4d: {  	[sflag:s31] =	ssyncset.done $0x0  }
0x4e: {  	[sflag:s31] =	ssyncadd.s32 $0xFFFFE000  }
0x4f: {  	_ =	swait.ge [sflag:s29], $0x2000  }
0x50: {  	[sflag:s29] =	ssyncset.done $0x0  }
0x51: {  	[sflag:s29] =	ssyncadd.s32 $0xFFFFE000  }
0x52: {  	[tilespmem:s30], [sflag:$0x3] =	stream.indirect.gather [hbm4b:s1+s26], $0x80, s0, s26, $0xb8;
	[tilespmem:$0x1A400] =	vst v63  }
0x53: {  	_ = 	snop  }
0x54: {  	[spmem:s4] =	stream.indirect.scatter.add.f32 [tilespmem:s28], [sflag:$0x4], $0x80, s5, s26, $0xb8;
	[tilespmem:$0x1A400] =	vst v63  }
0x55: {  	_ =	swait.ge [sflag:s31], $0x2000  }
0x56: {  	[sflag:s31] =	ssyncset.done $0x0  }
0x57: {  	[sflag:s31] =	ssyncadd.s32 $0xFFFFE000  }
0x58: {  	_ =	swait.ge [sflag:s3], $0x2000  }
0x59: {  	[sflag:s3] =	ssyncset.done $0x0  }
0x5a: {  	[sflag:s3] =	ssyncadd.s32 $0xFFFFE000  }
0x5b: {  	[spmem:s4] =	stream.indirect.scatter.add.f32 [tilespmem:s30], [sflag:$0x4], $0x80, s9, s26, $0xb8;
	[tilespmem:$0x1A400] =	vst v63  }
0x5c: {  	_ =	swait.ge [sflag:s31], $0x2000  }
0x5d: {  	[sflag:s31] =	ssyncset.done $0x0  }
0x5e: {  	[sflag:s31] =	ssyncadd.s32 $0xFFFFE000  }
0x5f: {  	[bflag:$0x0] =	sbarrier.arrive $0xFFFF  }
0x60: {  	s11 =	sor.u32 $0x1C04, s7;
	s12 =	rddreg [dreg:$0x7]  }
0x61: {  	[hbm:s12], [sflag:s11] =	dma.local [spmem:s22], $0x2780  }
0x62: {  	_ =	swait.ge [sflag:s31], $0x2780  }
0x63: {  	[sflag:s31] =	ssyncset.done $0x0  }
0x64: {  	[sflag:s31] =	ssyncadd.s32 $0xFFFFD880  }
0x65: {  	[spmem:s22], [sflag:s8] =	dma.local [hbm:s6], $0x2780  }
0x66: {  	s12 =	simm.s32 $0x0;
	s13 =	rddreg [dreg:$0x8]  }
0x67: {  	[tilespmem:s23], [sflag:$0x1] =	stream.linear.gather [hbm4b:s13+s12], $0x1400, $0x38;
	[tilespmem:$0x1A400] =	vst v63  }
0x68: {  	s14 =	rddreg [dreg:$0x9]  }
0x69: {  	[tilespmem:s24], [sflag:$0x1] =	stream.linear.gather [hbm4b:s14+s12], $0x1400, $0x38;
	[tilespmem:$0x1A400] =	vst v63  }
0x6a: {  	_ =	swait.ge [sflag:s25], $0x2780  }
0x6b: {  	[sflag:s25] =	ssyncset.done $0x0  }
0x6c: {  	[sflag:s25] =	ssyncadd.s32 $0xFFFFD880  }
0x6d: {  	_ =	swait.ge [sflag:s25], $0x1400  }
0x6e: {  	[sflag:s25] =	ssyncset.done $0x0  }
0x6f: {  	[sflag:s25] =	ssyncadd.s32 $0xFFFFEC00  }
0x70: {  	_ =	swait.ge [sflag:s25], $0x1400  }
0x71: {  	[sflag:s25] =	ssyncset.done $0x0  }
0x72: {  	[sflag:s25] =	ssyncadd.s32 $0xFFFFEC00  }
0x73: {  	[bflag:$0x0] =	sbarrier.arrive $0xFFFF  }
0x74: {  	[tilespmem:s28], [sflag:$0x2] =	stream.indirect.gather [hbm4b:s1+s26], $0x80, s23, s26, $0xb8;
	[tilespmem:$0x1A400] =	vst v63  }
0x75: {  	_ =	swait.ge [sflag:s29], $0x2000  }
0x76: {  	[sflag:s29] =	ssyncset.done $0x0  }
0x77: {  	s13 =	simm.s32 $0x13C80;
	[sflag:s29] =	ssyncadd.s32 $0xFFFFE000  }
0x78: {  	[tilespmem:s30], [sflag:$0x3] =	stream.indirect.gather [hbm4b:s1+s26], $0x80, s13, s26, $0xb8;
	[tilespmem:$0x1A400] =	vst v63  }
0x79: {  	s14 =	simm.s32 $0x15000  }
0x7a: {  	[spmem:s4] =	stream.indirect.scatter.add.f32 [tilespmem:s28], [sflag:$0x4], $0x80, s14, s26, $0xb8;
	[tilespmem:$0x1A400] =	vst v63  }
0x7b: {  	_ =	swait.ge [sflag:s31], $0x2000  }
0x7c: {  	[sflag:s31] =	ssyncset.done $0x0  }
0x7d: {  	[sflag:s31] =	ssyncadd.s32 $0xFFFFE000  }
0x7e: {  	_ =	swait.ge [sflag:s3], $0x2000  }
0x7f: {  	[sflag:s3] =	ssyncset.done $0x0  }
0x80: {  	s13 =	simm.s32 $0x13D00;
	[sflag:s3] =	ssyncadd.s32 $0xFFFFE000  }
0x81: {  	[tilespmem:s28], [sflag:$0x2] =	stream.indirect.gather [hbm4b:s1+s26], $0x80, s13, s26, $0xb8;
	[tilespmem:$0x1A400] =	vst v63  }
0x82: {  	s14 =	simm.s32 $0x15080  }
0x83: {  	[spmem:s4] =	stream.indirect.scatter.add.f32 [tilespmem:s30], [sflag:$0x4], $0x80, s14, s26, $0xb8;
	[tilespmem:$0x1A400] =	vst v63  }
0x84: {  	_ =	swait.ge [sflag:s31], $0x2000  }
0x85: {  	s12 =	simm.s32 $0x400;
	[sflag:s31] =	ssyncset.done $0x0  }
.LBB2_4:
0x86: {  	p0 =	sne.s32 s12, $0x4800  }
0x87: {  	[sflag:s31] =	ssyncadd.s32 $0xFFFFE000;
	s13 =	smov.u32 s12;
	s12 =	sadd.s32 $0x400, s12  }
0x88: {  	_ = 	snop  }
0x89: {  	_ =	swait.ge [sflag:s29], $0x2000  }
0x8a: {  	s13 =	sshra.s32 s13, $0x2;
	[sflag:s29] =	ssyncset.done $0x0  }
0x8b: {  	s14 =	sadd.s32 $0x13C80, s13;
	[sflag:s29] =	ssyncadd.s32 $0xFFFFE000  }
0x8c: {  	[tilespmem:s30], [sflag:$0x3] =	stream.indirect.gather [hbm4b:s1+s26], $0x80, s14, s26, $0xb8;
	[tilespmem:$0x1A400] =	vst v63  }
0x8d: {  	s14 =	sadd.s32 $0x15000, s13  }
0x8e: {  	[spmem:s4] =	stream.indirect.scatter.add.f32 [tilespmem:s28], [sflag:$0x4], $0x80, s14, s26, $0xb8;
	[tilespmem:$0x1A400] =	vst v63  }
0x8f: {  	_ =	swait.ge [sflag:s31], $0x2000  }
0x90: {  	[sflag:s31] =	ssyncset.done $0x0  }
0x91: {  	[sflag:s31] =	ssyncadd.s32 $0xFFFFE000  }
0x92: {  	_ =	swait.ge [sflag:s3], $0x2000  }
0x93: {  	[sflag:s3] =	ssyncset.done $0x0  }
0x94: {  	s14 =	sadd.s32 $0x13D00, s13;
	[sflag:s3] =	ssyncadd.s32 $0xFFFFE000  }
0x95: {  	[tilespmem:s28], [sflag:$0x2] =	stream.indirect.gather [hbm4b:s1+s26], $0x80, s14, s26, $0xb8;
	[tilespmem:$0x1A400] =	vst v63  }
.Ltmp1:
0x96: {  	_ = 	snop;
	(pc) =	sbr.rel @p0 .LBB2_4-.Ltmp1, $4  }
0x97: {  	s13 =	sadd.s32 $0x15080, s13  }
0x98: {  	[spmem:s4] =	stream.indirect.scatter.add.f32 [tilespmem:s30], [sflag:$0x4], $0x80, s13, s26, $0xb8;
	[tilespmem:$0x1A400] =	vst v63  }
0x99: {  	_ =	swait.ge [sflag:s31], $0x2000  }
0x9a: {  	[sflag:s31] =	ssyncset.done $0x0  }
0x9b: {  	[sflag:s31] =	ssyncadd.s32 $0xFFFFE000  }
0x9c: {  	_ =	swait.ge [sflag:s29], $0x2000  }
0x9d: {  	[sflag:s29] =	ssyncset.done $0x0  }
0x9e: {  	[sflag:s29] =	ssyncadd.s32 $0xFFFFE000  }
0x9f: {  	[tilespmem:s30], [sflag:$0x3] =	stream.indirect.gather [hbm4b:s1+s26], $0x80, s0, s26, $0xb8;
	[tilespmem:$0x1A400] =	vst v63  }
0xa0: {  	_ = 	snop  }
0xa1: {  	[spmem:s4] =	stream.indirect.scatter.add.f32 [tilespmem:s28], [sflag:$0x4], $0x80, s5, s26, $0xb8;
	[tilespmem:$0x1A400] =	vst v63  }
0xa2: {  	_ =	swait.ge [sflag:s31], $0x2000  }
0xa3: {  	[sflag:s31] =	ssyncset.done $0x0  }
0xa4: {  	[sflag:s31] =	ssyncadd.s32 $0xFFFFE000  }
0xa5: {  	_ =	swait.ge [sflag:s3], $0x2000  }
0xa6: {  	[sflag:s3] =	ssyncset.done $0x0  }
0xa7: {  	[sflag:s3] =	ssyncadd.s32 $0xFFFFE000  }
0xa8: {  	[spmem:s4] =	stream.indirect.scatter.add.f32 [tilespmem:s30], [sflag:$0x4], $0x80, s9, s26, $0xb8;
	[tilespmem:$0x1A400] =	vst v63  }
0xa9: {  	_ =	swait.ge [sflag:s31], $0x2000  }
0xaa: {  	[sflag:s31] =	ssyncset.done $0x0  }
0xab: {  	[sflag:s31] =	ssyncadd.s32 $0xFFFFE000  }
0xac: {  	[bflag:$0x0] =	sbarrier.arrive $0xFFFF  }
0xad: {  	s12 =	rddreg [dreg:$0xa]  }
0xae: {  	[hbm:s12], [sflag:s11] =	dma.local [spmem:s22], $0x2780  }
0xaf: {  	_ =	swait.ge [sflag:s31], $0x2780  }
0xb0: {  	[sflag:s31] =	ssyncset.done $0x0  }
0xb1: {  	s14 =	simm.s32 $0x0;
	[sflag:s31] =	ssyncadd.s32 $0xFFFFD880  }
0xb2: {  	[spmem:s22], [sflag:s8] =	dma.local [hbm:s6], $0x2780  }
0xb3: {  	[tilespmem:s23], [sflag:$0x1] =	stream.linear.gather [hbm4b:s15+s14], $0x1400, $0x38;
	[tilespmem:$0x1A400] =	vst v63  }
0xb4: {  	_ = 	snop  }
0xb5: {  	[tilespmem:s24], [sflag:$0x1] =	stream.linear.gather [hbm4b:s16+s14], $0x1400, $0x38;
	[tilespmem:$0x1A400] =	vst v63  }
0xb6: {  	_ =	swait.ge [sflag:s25], $0x2780  }
0xb7: {  	[sflag:s25] =	ssyncset.done $0x0  }
0xb8: {  	[sflag:s25] =	ssyncadd.s32 $0xFFFFD880  }
0xb9: {  	_ =	swait.ge [sflag:s25], $0x1400  }
0xba: {  	[sflag:s25] =	ssyncset.done $0x0  }
0xbb: {  	[sflag:s25] =	ssyncadd.s32 $0xFFFFEC00  }
0xbc: {  	_ =	swait.ge [sflag:s25], $0x1400  }
0xbd: {  	[sflag:s25] =	ssyncset.done $0x0  }
0xbe: {  	[sflag:s25] =	ssyncadd.s32 $0xFFFFEC00  }
0xbf: {  	[bflag:$0x0] =	sbarrier.arrive $0xFFFF  }
0xc0: {  	[tilespmem:s28], [sflag:$0x2] =	stream.indirect.gather [hbm4b:s2+s26], $0x80, s23, s26, $0xb8;
	[tilespmem:$0x1A400] =	vst v63  }
0xc1: {  	_ =	swait.ge [sflag:s29], $0x2000  }
0xc2: {  	[sflag:s29] =	ssyncset.done $0x0  }
0xc3: {  	s13 =	simm.s32 $0x13C80;
	[sflag:s29] =	ssyncadd.s32 $0xFFFFE000  }
0xc4: {  	[tilespmem:s30], [sflag:$0x3] =	stream.indirect.gather [hbm4b:s2+s26], $0x80, s13, s26, $0xb8;
	[tilespmem:$0x1A400] =	vst v63  }
0xc5: {  	s14 =	simm.s32 $0x15000  }
0xc6: {  	[spmem:s4] =	stream.indirect.scatter.add.f32 [tilespmem:s28], [sflag:$0x4], $0x80, s14, s26, $0xb8;
	[tilespmem:$0x1A400] =	vst v63  }
0xc7: {  	_ =	swait.ge [sflag:s31], $0x2000  }
0xc8: {  	[sflag:s31] =	ssyncset.done $0x0  }
0xc9: {  	[sflag:s31] =	ssyncadd.s32 $0xFFFFE000  }
0xca: {  	_ =	swait.ge [sflag:s3], $0x2000  }
0xcb: {  	[sflag:s3] =	ssyncset.done $0x0  }
0xcc: {  	s13 =	simm.s32 $0x13D00;
	[sflag:s3] =	ssyncadd.s32 $0xFFFFE000  }
0xcd: {  	[tilespmem:s28], [sflag:$0x2] =	stream.indirect.gather [hbm4b:s2+s26], $0x80, s13, s26, $0xb8;
	[tilespmem:$0x1A400] =	vst v63  }
0xce: {  	s14 =	simm.s32 $0x15080  }
0xcf: {  	[spmem:s4] =	stream.indirect.scatter.add.f32 [tilespmem:s30], [sflag:$0x4], $0x80, s14, s26, $0xb8;
	[tilespmem:$0x1A400] =	vst v63  }
0xd0: {  	_ =	swait.ge [sflag:s31], $0x2000  }
0xd1: {  	s12 =	simm.s32 $0x400;
	[sflag:s31] =	ssyncset.done $0x0  }
.LBB2_6:
0xd2: {  	p0 =	sne.s32 s12, $0x4800  }
0xd3: {  	[sflag:s31] =	ssyncadd.s32 $0xFFFFE000;
	s13 =	smov.u32 s12;
	s12 =	sadd.s32 $0x400, s12  }
0xd4: {  	_ = 	snop  }
0xd5: {  	_ =	swait.ge [sflag:s29], $0x2000  }
0xd6: {  	s13 =	sshra.s32 s13, $0x2;
	[sflag:s29] =	ssyncset.done $0x0  }
0xd7: {  	s14 =	sadd.s32 $0x13C80, s13;
	[sflag:s29] =	ssyncadd.s32 $0xFFFFE000  }
0xd8: {  	[tilespmem:s30], [sflag:$0x3] =	stream.indirect.gather [hbm4b:s2+s26], $0x80, s14, s26, $0xb8;
	[tilespmem:$0x1A400] =	vst v63  }
0xd9: {  	s14 =	sadd.s32 $0x15000, s13  }
0xda: {  	[spmem:s4] =	stream.indirect.scatter.add.f32 [tilespmem:s28], [sflag:$0x4], $0x80, s14, s26, $0xb8;
	[tilespmem:$0x1A400] =	vst v63  }
0xdb: {  	_ =	swait.ge [sflag:s31], $0x2000  }
0xdc: {  	[sflag:s31] =	ssyncset.done $0x0  }
0xdd: {  	[sflag:s31] =	ssyncadd.s32 $0xFFFFE000  }
0xde: {  	_ =	swait.ge [sflag:s3], $0x2000  }
0xdf: {  	[sflag:s3] =	ssyncset.done $0x0  }
0xe0: {  	s14 =	sadd.s32 $0x13D00, s13;
	[sflag:s3] =	ssyncadd.s32 $0xFFFFE000  }
0xe1: {  	[tilespmem:s28], [sflag:$0x2] =	stream.indirect.gather [hbm4b:s2+s26], $0x80, s14, s26, $0xb8;
	[tilespmem:$0x1A400] =	vst v63  }
.Ltmp2:
0xe2: {  	_ = 	snop;
	(pc) =	sbr.rel @p0 .LBB2_6-.Ltmp2, $4  }
0xe3: {  	s13 =	sadd.s32 $0x15080, s13  }
0xe4: {  	[spmem:s4] =	stream.indirect.scatter.add.f32 [tilespmem:s30], [sflag:$0x4], $0x80, s13, s26, $0xb8;
	[tilespmem:$0x1A400] =	vst v63  }
0xe5: {  	_ =	swait.ge [sflag:s31], $0x2000  }
0xe6: {  	[sflag:s31] =	ssyncset.done $0x0  }
0xe7: {  	[sflag:s31] =	ssyncadd.s32 $0xFFFFE000  }
0xe8: {  	_ =	swait.ge [sflag:s29], $0x2000  }
0xe9: {  	[sflag:s29] =	ssyncset.done $0x0  }
0xea: {  	[sflag:s29] =	ssyncadd.s32 $0xFFFFE000  }
0xeb: {  	[tilespmem:s30], [sflag:$0x3] =	stream.indirect.gather [hbm4b:s2+s26], $0x80, s0, s26, $0xb8;
	[tilespmem:$0x1A400] =	vst v63  }
0xec: {  	_ = 	snop  }
0xed: {  	[spmem:s4] =	stream.indirect.scatter.add.f32 [tilespmem:s28], [sflag:$0x4], $0x80, s5, s26, $0xb8;
	[tilespmem:$0x1A400] =	vst v63  }
0xee: {  	_ =	swait.ge [sflag:s31], $0x2000  }
0xef: {  	[sflag:s31] =	ssyncset.done $0x0  }
0xf0: {  	[sflag:s31] =	ssyncadd.s32 $0xFFFFE000  }
0xf1: {  	_ =	swait.ge [sflag:s3], $0x2000  }
0xf2: {  	[sflag:s3] =	ssyncset.done $0x0  }
0xf3: {  	[sflag:s3] =	ssyncadd.s32 $0xFFFFE000  }
0xf4: {  	[spmem:s4] =	stream.indirect.scatter.add.f32 [tilespmem:s30], [sflag:$0x4], $0x80, s9, s26, $0xb8;
	[tilespmem:$0x1A400] =	vst v63  }
0xf5: {  	_ =	swait.ge [sflag:s31], $0x2000  }
0xf6: {  	[sflag:s31] =	ssyncset.done $0x0  }
0xf7: {  	[sflag:s31] =	ssyncadd.s32 $0xFFFFE000  }
0xf8: {  	[bflag:$0x0] =	sbarrier.arrive $0xFFFF  }
0xf9: {  	[hbm:s17], [sflag:s11] =	dma.local [spmem:s22], $0x2780  }
0xfa: {  	_ =	swait.ge [sflag:s31], $0x2780  }
0xfb: {  	[sflag:s31] =	ssyncset.done $0x0  }
0xfc: {  	s12 =	simm.s32 $0x0;
	[sflag:s31] =	ssyncadd.s32 $0xFFFFD880  }
0xfd: {  	[spmem:s22], [sflag:s8] =	dma.local [hbm:s6], $0x2780  }
0xfe: {  	[tilespmem:s23], [sflag:$0x1] =	stream.linear.gather [hbm4b:s18+s12], $0x1400, $0x38;
	[tilespmem:$0x1A400] =	vst v63  }
0xff: {  	_ = 	snop  }
0x100: {  	[tilespmem:s24], [sflag:$0x1] =	stream.linear.gather [hbm4b:s19+s12], $0x1400, $0x38;
	[tilespmem:$0x1A400] =	vst v63  }
0x101: {  	_ =	swait.ge [sflag:s25], $0x2780  }
0x102: {  	[sflag:s25] =	ssyncset.done $0x0  }
0x103: {  	[sflag:s25] =	ssyncadd.s32 $0xFFFFD880  }
0x104: {  	_ =	swait.ge [sflag:s25], $0x1400  }
0x105: {  	[sflag:s25] =	ssyncset.done $0x0  }
0x106: {  	[sflag:s25] =	ssyncadd.s32 $0xFFFFEC00  }
0x107: {  	_ =	swait.ge [sflag:s25], $0x1400  }
0x108: {  	[sflag:s25] =	ssyncset.done $0x0  }
0x109: {  	[sflag:s25] =	ssyncadd.s32 $0xFFFFEC00  }
0x10a: {  	[bflag:$0x0] =	sbarrier.arrive $0xFFFF  }
0x10b: {  	[tilespmem:s28], [sflag:$0x2] =	stream.indirect.gather [hbm4b:s2+s26], $0x80, s23, s26, $0xb8;
	[tilespmem:$0x1A400] =	vst v63  }
0x10c: {  	_ =	swait.ge [sflag:s29], $0x2000  }
0x10d: {  	[sflag:s29] =	ssyncset.done $0x0  }
0x10e: {  	s13 =	simm.s32 $0x13C80;
	[sflag:s29] =	ssyncadd.s32 $0xFFFFE000  }
0x10f: {  	[tilespmem:s30], [sflag:$0x3] =	stream.indirect.gather [hbm4b:s2+s26], $0x80, s13, s26, $0xb8;
	[tilespmem:$0x1A400] =	vst v63  }
0x110: {  	s14 =	simm.s32 $0x15000  }
0x111: {  	[spmem:s4] =	stream.indirect.scatter.add.f32 [tilespmem:s28], [sflag:$0x4], $0x80, s14, s26, $0xb8;
	[tilespmem:$0x1A400] =	vst v63  }
0x112: {  	_ =	swait.ge [sflag:s31], $0x2000  }
0x113: {  	[sflag:s31] =	ssyncset.done $0x0  }
0x114: {  	[sflag:s31] =	ssyncadd.s32 $0xFFFFE000  }
0x115: {  	_ =	swait.ge [sflag:s3], $0x2000  }
0x116: {  	[sflag:s3] =	ssyncset.done $0x0  }
0x117: {  	s13 =	simm.s32 $0x13D00;
	[sflag:s3] =	ssyncadd.s32 $0xFFFFE000  }
0x118: {  	[tilespmem:s28], [sflag:$0x2] =	stream.indirect.gather [hbm4b:s2+s26], $0x80, s13, s26, $0xb8;
	[tilespmem:$0x1A400] =	vst v63  }
0x119: {  	s14 =	simm.s32 $0x15080  }
0x11a: {  	[spmem:s4] =	stream.indirect.scatter.add.f32 [tilespmem:s30], [sflag:$0x4], $0x80, s14, s26, $0xb8;
	[tilespmem:$0x1A400] =	vst v63  }
0x11b: {  	_ =	swait.ge [sflag:s31], $0x2000  }
0x11c: {  	s12 =	simm.s32 $0x400;
	[sflag:s31] =	ssyncset.done $0x0  }
.LBB2_8:
0x11d: {  	p0 =	sne.s32 s12, $0x4800  }
0x11e: {  	[sflag:s31] =	ssyncadd.s32 $0xFFFFE000;
	s13 =	smov.u32 s12;
	s12 =	sadd.s32 $0x400, s12  }
0x11f: {  	_ = 	snop  }
0x120: {  	_ =	swait.ge [sflag:s29], $0x2000  }
0x121: {  	s13 =	sshra.s32 s13, $0x2;
	[sflag:s29] =	ssyncset.done $0x0  }
0x122: {  	s14 =	sadd.s32 $0x13C80, s13;
	[sflag:s29] =	ssyncadd.s32 $0xFFFFE000  }
0x123: {  	[tilespmem:s30], [sflag:$0x3] =	stream.indirect.gather [hbm4b:s2+s26], $0x80, s14, s26, $0xb8;
	[tilespmem:$0x1A400] =	vst v63  }
0x124: {  	s14 =	sadd.s32 $0x15000, s13  }
0x125: {  	[spmem:s4] =	stream.indirect.scatter.add.f32 [tilespmem:s28], [sflag:$0x4], $0x80, s14, s26, $0xb8;
	[tilespmem:$0x1A400] =	vst v63  }
0x126: {  	_ =	swait.ge [sflag:s31], $0x2000  }
0x127: {  	[sflag:s31] =	ssyncset.done $0x0  }
0x128: {  	[sflag:s31] =	ssyncadd.s32 $0xFFFFE000  }
0x129: {  	_ =	swait.ge [sflag:s3], $0x2000  }
0x12a: {  	[sflag:s3] =	ssyncset.done $0x0  }
0x12b: {  	s14 =	sadd.s32 $0x13D00, s13;
	[sflag:s3] =	ssyncadd.s32 $0xFFFFE000  }
0x12c: {  	[tilespmem:s28], [sflag:$0x2] =	stream.indirect.gather [hbm4b:s2+s26], $0x80, s14, s26, $0xb8;
	[tilespmem:$0x1A400] =	vst v63  }
.Ltmp3:
0x12d: {  	_ = 	snop;
	(pc) =	sbr.rel @p0 .LBB2_8-.Ltmp3, $4  }
0x12e: {  	s13 =	sadd.s32 $0x15080, s13  }
0x12f: {  	[spmem:s4] =	stream.indirect.scatter.add.f32 [tilespmem:s30], [sflag:$0x4], $0x80, s13, s26, $0xb8;
	[tilespmem:$0x1A400] =	vst v63  }
0x130: {  	_ =	swait.ge [sflag:s31], $0x2000  }
0x131: {  	[sflag:s31] =	ssyncset.done $0x0  }
0x132: {  	[sflag:s31] =	ssyncadd.s32 $0xFFFFE000  }
0x133: {  	_ =	swait.ge [sflag:s29], $0x2000  }
0x134: {  	[sflag:s29] =	ssyncset.done $0x0  }
0x135: {  	[sflag:s29] =	ssyncadd.s32 $0xFFFFE000  }
0x136: {  	[tilespmem:s30], [sflag:$0x3] =	stream.indirect.gather [hbm4b:s2+s26], $0x80, s0, s26, $0xb8;
	[tilespmem:$0x1A400] =	vst v63  }
0x137: {  	_ = 	snop  }
0x138: {  	[spmem:s4] =	stream.indirect.scatter.add.f32 [tilespmem:s28], [sflag:$0x4], $0x80, s5, s26, $0xb8;
	[tilespmem:$0x1A400] =	vst v63  }
0x139: {  	_ =	swait.ge [sflag:s31], $0x2000  }
0x13a: {  	[sflag:s31] =	ssyncset.done $0x0  }
0x13b: {  	[sflag:s31] =	ssyncadd.s32 $0xFFFFE000  }
0x13c: {  	_ =	swait.ge [sflag:s3], $0x2000  }
0x13d: {  	[sflag:s3] =	ssyncset.done $0x0  }
0x13e: {  	[sflag:s3] =	ssyncadd.s32 $0xFFFFE000  }
0x13f: {  	[spmem:s4] =	stream.indirect.scatter.add.f32 [tilespmem:s30], [sflag:$0x4], $0x80, s9, s26, $0xb8;
	[tilespmem:$0x1A400] =	vst v63  }
0x140: {  	_ =	swait.ge [sflag:s31], $0x2000  }
0x141: {  	s10 =	sadd.s32 $0x1, s10;
	[sflag:s31] =	ssyncset.done $0x0  }
0x142: {  	p0 =	sne.s32 s10, s21;
	[sflag:s31] =	ssyncadd.s32 $0xFFFFE000  }
.Ltmp4:
0x143: {  	[bflag:$0x0] =	sbarrier.arrive $0xFFFF;
	(pc) =	sbr.rel @p0 .LBB2_1-.Ltmp4, $4  }
0x144: {  	[hbm:s20], [sflag:s11] =	dma.local [spmem:s22], $0x2780  }
0x145: {  	_ =	swait.ge [sflag:s31], $0x2780  }
0x146: {  	[sflag:s31] =	ssyncset.done $0x0  }
0x147: {  	[sflag:s31] =	ssyncadd.s32 $0xFFFFD880  }
0x148: {  	_ =	sfence.sel $0x180000  }
0x149: {  	[bflag:$0x0] =	sbarrier.arrive $0xFFFF  }
0x14a: {  	_ =	strace $0x9000004A  }
0x14b: {  	s0 =	stileid.u32;
	[bflag:$0x2] =	sbarrier.arrive $0xFFFF  }
0x14c: {  	p0 =	sne.s32 s0, $0x0;
	s0 =	rddreg [dreg:$0x4]  }
0x14d: {  	s0 =	sadd.s32 @!p0 $0x100000, s0  }
0x14e: {  	[sflag:s0] =	ssyncadd.tile.s32 @!p0 $0x1;
	_ =	shalt  }
.Lfunc_end2:
_tile_overlayer_lowered:
.L_overlay_start_2:
0x14f: {  	(tag) =	ssettag $0x2  }
0x150: {  	s0 =	rddreg [dreg:$0x0];
	s2 =	stileid.u32  }
0x151: {  	s1 =	rddreg [dreg:$0x1];
	p0 =	sne.s32 s2, $0x0  }
0x152: {  	s3 =	rddreg [dreg:$0x2];
	[bflag:$0x3] =	sbarrier.arrive $0xFFFF;
	s2 =	simm.s32 @!p0 $0x1C04  }
0x153: {  	[timem:s3], [sflag:s2] =	dma.local @!p0 [hbm:s0], s1  }
0x154: {  	s0 =	simm.s32 @!p0 $0x4  }
0x155: {  	_ =	swait.ge @!p0 [sflag:s0], s1  }
0x156: {  	s1 =	ssub.s32 @!p0 $0x0, s1;
	[sflag:s0] =	ssyncset.done @!p0 $0x0  }
0x157: {  	[sflag:s0] =	ssyncadd.s32 @!p0 s1  }
0x158: {  	[bflag:$0x3] =	sbarrier.arrive $0xFFFF  }
0x159: {  	_ =	shalt  }

// kernel: kernel.13.cloned.1.call-start
scs
__scs_entry_jumppad:
0x0: {  	(pc) =	sbr.rel $0x88, $3  }
0x1: {  	(tag) =	ssettag $0x0;
	lr =	simm.s32 $0x1  }
0x2: {  	[smem:$0x3F83] =	sst lr;
	_ =	strace $0xD0000000  }
0x3: {  	_ = 	snop  }
0x4: {  	_ = 	snop  }
0x5: {  	_ = 	snop  }
0x6: {  	_ = 	snop  }
0x7: {  	_ = 	snop  }
__scs_overlays_trampoline_lowered:
0x8: {  	[smem:$0x3F92] =	sst s0  }
0x9: {  	[smem:$0x3F93] =	sst s1  }
0xa: {  	[smem:$0x3F94] =	sst s2  }
0xb: {  	[smem:$0x3F95] =	sst s3  }
0xc: {  	[smem:$0x3F96] =	sst s4  }
0xd: {  	[smem:$0x3F97] =	sst s5  }
0xe: {  	[smem:$0x3F98] =	sst s6  }
0xf: {  	[smem:$0x3F99] =	sst s7  }
0x10: {  	[smem:$0x3F9A] =	sst s8  }
0x11: {  	[smem:$0x3F9B] =	sst s9;
	s0 =	simm.s32 @!p0 $0x0  }
0x12: {  	s1 =	sld [smem:$0x3F81];
	s0 =	simm.s32 @p0 $0x1  }
0x13: {  	[smem:$0x3F9C] =	sst s0;
	s0 =	simm.s32 @!p1 $0x0  }
0x14: {  	s2 =	sld [smem:$0x3F80];
	s0 =	simm.s32 @p1 $0x1  }
0x15: {  	[smem:$0x3F9D] =	sst s0;
	s0 =	simm.s32 @!p2 $0x0  }
0x16: {  	s3 =	sld [smem:$0x3FDB];
	s0 =	simm.s32 @p2 $0x1  }
0x17: {  	s4 =	simm.s32 $0x1BF5;
	[smem:$0x3F9F] =	sst s0  }
0x18: {  	s0 =	sld [smem:$0x3F82];
	_ =	swait.ge [sflag:s4], $0x0  }
0x19: {  	s7 =	sld [smem:$0x3F83]  }
0x1a: {  	s8 =	sadd.s32 $0xFFFFE003, lr  }
0x1b: {  	s9 =	sadd.s32 $0xFFFFFEF7, lr;
	s5 =	simm.s32 $0xFFFFFFFF;
	p2 =	slt.u32 s8, $0xFFFFF086  }
0x1c: {  	p1 =	slt.u32 s9, $0xF7A;
	s5 =	simm.s32 @!p2 $0x0  }
0x1d: {  	s5 =	simm.s32 @p1 $0x1;
	p0 =	seq.s32 s7, s2  }
0x1e: {  	s7 =	smul.u32 @!p0 $0xF7A, s2;
	p2 =	seq.s32 @!p0 s5, $0x0  }
0x1f: {  	s9 =	smul.u32 $0xF7A, s1;
	s8 =	simm.s32 @!p0 $0x1BF5;
	p2 =	por !p2, p0  }
0x20: {  	[sflag:s8] =	ssyncset.s32 @!p0 $0xFFFFF086;
	s6 =	sadd.s32 @!p0 s3, s7;
	s7 =	simm.s32 @!p0 $0x108  }
0x21: {  	s3 =	sadd.s32 s3, s9;
	s6 =	sadd.s32 @!p0 $0x88, s6;
	s7 =	simm.s32 @p2 $0x1082  }
0x22: {  	[simem:s7], [sflag:s8] =	dma.local @!p0 [hbm:s6], $0xF7A  }
0x23: {  	s9 =	sor.u32 $0xD0000000, s2;
	s6 =	simm.s32 $0x108;
	_ =	swait.ge @!p0 [sflag:s8], $0x0  }
0x24: {  	s3 =	sadd.s32 $0x88, s3;
	s6 =	simm.s32 @!p1 $0x1082;
	[sflag:s4] =	ssyncset.s32 $0xFFFFF086  }
0x25: {  	[simem:s6], [sflag:s4] =	dma.local [hbm:s3], $0xF7A  }
0x26: {  	[smem:$0x3F83] =	sst s1;
	(tag) =	ssettag s2;
	_ =	strace s9  }
0x27: {  	s1 =	sld [smem:$0x3F93]  }
0x28: {  	s2 =	sld [smem:$0x3F94]  }
0x29: {  	s4 =	sld [smem:$0x3F96]  }
0x2a: {  	p0 =	seq.s32 s5, $0x0;
	s5 =	sld [smem:$0x3F97]  }
0x2b: {  	s6 =	sld [smem:$0x3F98]  }
0x2c: {  	s7 =	sld [smem:$0x3F99]  }
0x2d: {  	s3 =	simm.s32 $0x108;
	s8 =	sld [smem:$0x3F9A]  }
0x2e: {  	s3 =	simm.s32 @!p0 $0x1082;
	s9 =	sld [smem:$0x3F9B]  }
0x2f: {  	lr =	sadd.s32 s0, s3;
	s0 =	sld [smem:$0x3F92]  }
0x30: {  	s3 =	sld [smem:$0x3F95]  }
0x31: {  	[smem:$0x3F9E] =	sst s10  }
0x32: {  	s10 =	sld [smem:$0x3F9C];
	_ =	sdelay $0x3  }
0x33: {  	p0 =	seq.s32 s10, $0x1;
	s10 =	sld [smem:$0x3F9E];
	_ =	sdelay $0x3  }
0x34: {  	[smem:$0x3F9E] =	sst s10  }
0x35: {  	s10 =	sld [smem:$0x3F9D];
	_ =	sdelay $0x3  }
0x36: {  	p1 =	seq.s32 s10, $0x1;
	s10 =	sld [smem:$0x3F9E];
	_ =	sdelay $0x3  }
0x37: {  	[smem:$0x3F9E] =	sst s10  }
0x38: {  	s10 =	sld [smem:$0x3F9F]  }
0x39: {  	_ = 	snop;
	(pc) =	sbr.ind lr, $3  }
0x3a: {  	_ = 	snop  }
0x3b: {  	_ = 	snop  }
0x3c: {  	p2 =	seq.s32 s10, $0x1;
	s10 =	sld [smem:$0x3F9E]  }
0x3d: {  	_ =	shalt  }
0x3e: {  	_ =	shalt  }
0x3f: {  	_ =	shalt  }
0x40: {  	_ =	shalt  }
0x41: {  	_ =	shalt  }
0x42: {  	_ =	shalt  }
0x43: {  	_ =	shalt  }
0x44: {  	_ =	shalt  }
0x45: {  	_ =	shalt  }
0x46: {  	_ =	shalt  }
0x47: {  	_ =	shalt  }
0x48: {  	_ =	shalt  }
0x49: {  	_ =	shalt  }
0x4a: {  	_ =	shalt  }
0x4b: {  	_ =	shalt  }
0x4c: {  	_ =	shalt  }
0x4d: {  	_ =	shalt  }
0x4e: {  	_ =	shalt  }
0x4f: {  	_ =	shalt  }
0x50: {  	_ =	shalt  }
0x51: {  	_ =	shalt  }
0x52: {  	_ =	shalt  }
0x53: {  	_ =	shalt  }
0x54: {  	_ =	shalt  }
0x55: {  	_ =	shalt  }
0x56: {  	_ =	shalt  }
0x57: {  	_ =	shalt  }
0x58: {  	_ =	shalt  }
0x59: {  	_ =	shalt  }
0x5a: {  	_ =	shalt  }
0x5b: {  	_ =	shalt  }
0x5c: {  	_ =	shalt  }
0x5d: {  	_ =	shalt  }
0x5e: {  	_ =	shalt  }
0x5f: {  	_ =	shalt  }
0x60: {  	_ =	shalt  }
0x61: {  	_ =	shalt  }
0x62: {  	_ =	shalt  }
0x63: {  	_ =	shalt  }
0x64: {  	_ =	shalt  }
0x65: {  	_ =	shalt  }
0x66: {  	_ =	shalt  }
0x67: {  	_ =	shalt  }
0x68: {  	_ =	shalt  }
0x69: {  	_ =	shalt  }
0x6a: {  	_ =	shalt  }
0x6b: {  	_ =	shalt  }
0x6c: {  	_ =	shalt  }
0x6d: {  	_ =	shalt  }
0x6e: {  	_ =	shalt  }
0x6f: {  	_ =	shalt  }
0x70: {  	_ =	shalt  }
0x71: {  	_ =	shalt  }
0x72: {  	_ =	shalt  }
0x73: {  	_ =	shalt  }
0x74: {  	_ =	shalt  }
0x75: {  	_ =	shalt  }
0x76: {  	_ =	shalt  }
0x77: {  	_ =	shalt  }
0x78: {  	_ =	shalt  }
0x79: {  	_ =	shalt  }
0x7a: {  	_ =	shalt  }
0x7b: {  	_ =	shalt  }
0x7c: {  	_ =	shalt  }
0x7d: {  	_ =	shalt  }
0x7e: {  	_ =	shalt  }
0x7f: {  	_ =	shalt  }
0x80: {  	_ =	shalt  }
0x81: {  	_ =	shalt  }
0x82: {  	_ =	shalt  }
0x83: {  	_ =	shalt  }
0x84: {  	_ =	shalt  }
0x85: {  	_ =	shalt  }
0x86: {  	_ =	shalt  }
0x87: {  	_ =	shalt  }
.Lfunc_end0:
.L_simem_size_0:
called_computation.2_lowered:
.L_overlay_start_0:
0x88: {  	s2 =	sld [smem:$0x3FD9]  }
0x89: {  	s3 =	sld [smem:$0x3FFE];
	_ =	sdelay $0x1  }
0x8a: {  	s1 =	srdreg.scid  }
0x8b: {  	s0 =	sand.u32 $0x1, s1  }
0x8c: {  	s16 =	sshll.u32 s0, $0xA;
	s2 =	sadd.s32 s3, s2  }
0x8d: {  	s2 =	sadd.s32 s2, s16  }
0x8e: {  	[smem:$0x3FAA] =	sst s2  }
0x8f: {  	_ = 	snop  }
0x90: {  	(tm) =	ssettm $0x1  }
0x91: {  	s17 =	sld [smem:$0x3FFB];
	_ =	sdelay $0x3  }
0x92: {  	_ =	strace s17  }
0x93: {  	s2 =	sld [smem:$0x3FFC];
	_ =	sdelay $0x3  }
0x94: {  	_ =	strace s2  }
0x95: {  	s2 =	sld [smem:$0x3FFD];
	_ =	sdelay $0x3  }
0x96: {  	_ =	strace s2  }
0x97: {  	_ =	strace $0x8FFFFFFF  }
0x98: {  	s18 =	sld [smem:$0x3FDB];
	_ =	sdelay $0x1  }
0x99: {  	s19 =	simm.s32 $_scs_section_size  }
0x9a: {  	s4 =	simm.s32 $_size__tile_overlayer_lowered;
	s5 =	simm.s32 $_tile_overlayer_lowered  }
0x9b: {  	s22 =	simm.s32 $0x1BFF;
	s21 =	sshll.u32 s5, $0x1;
	s2 =	sadd.s32 s19, s18  }
0x9c: {  	s6 =	simm.s32 $0x0;
	s20 =	sshll.u32 s4, $0x1;
	s4 =	sadd.s32 s21, s2  }
0x9d: {  	[timem:s6], [sflag:s22] =	dma.local [hbm:s4], s20  }
0x9e: {  	_ =	swait.ge [sflag:s22], s20  }
0x9f: {  	s3 =	ssub.s32 $0x0, s20;
	[sflag:s22] =	ssyncset.done $0x0  }
0xa0: {  	[sflag:s22] =	ssyncadd.s32 s3;
	_ =	sdelay $0x1  }
0xa1: {  	s23 =	simm.s32 $0x1B8B  }
0xa2: {  	_ =	swait.ge [sflag:s23], $0x1  }
0xa3: {  	[sflag:s23] =	ssyncset.done $0x0  }
0xa4: {  	s25 =	simm.s32 $0x1B8E;
	s24 =	sld [smem:$0x3FFE];
	[sflag:s23] =	ssyncadd.s32 $0xFFFFFFFF  }
0xa5: {  	s26 =	simm.s32 $execute0_lowered;
	[smem:$0x3FD2] =	sst s25  }
0xa6: {  	s4 =	sshll.u32 s26, $0x1;
	_ =	strace $0x8000004C;
	[dreg:$0x1] =	wrdreg $0xFFFFFFFF  }
0xa7: {  	s28 =	simm.s32 $_size_execute0_lowered;
	s2 =	sadd.s32 s2, s4;
	[dreg:$0x0] =	wrdreg $0x0  }
0xa8: {  	s4 =	sshll.u32 s28, $0x1;
	[dreg:$0x2] =	wrdreg s2  }
0xa9: {  	[dreg:$0x3] =	wrdreg s4  }
0xaa: {  	[dreg:$0x4] =	wrdreg $0xC0  }
0xab: {  	_ =	task [dreg:s6], $0x5FFFF  }
0xac: {  	[dreg:$0x1] =	wrdreg $0xFFFFFFFF  }
0xad: {  	[dreg:$0x0] =	wrdreg $0x60  }
0xae: {  	[dreg:$0x2] =	wrdreg s24  }
0xaf: {  	[dreg:$0x3] =	wrdreg $0x0  }
0xb0: {  	[dreg:$0x4] =	wrdreg $0x9  }
0xb1: {  	_ =	task.clear_ibuf [dreg:s6], $0x5FFFF;
	_ =	strace $0x9000004C  }
0xb2: {  	s29 =	simm.s32 $0x9;
	_ =	strace $0x8000004E  }
0xb3: {  	_ =	swait.ge [sflag:s29], $0x1  }
0xb4: {  	[sflag:s29] =	ssyncadd.s32 $0xFFFFFFFF  }
0xb5: {  	_ =	strace $0x9000004E  }
0xb6: {  	_ =	sfence  }
0xb7: {  	s30 =	sld [smem:$0x0];
	_ =	sdelay $0x2  }
0xb8: {  	s31 =	sshll.u32 s1, $0xD;
	s1 =	sshrl.u32 s1, $0x2  }
0xb9: {  	s3 =	sand.u32 $0x4000, s31;
	s1 =	sadd.s32 s1, s30  }
0xba: {  	s0 =	sor.u32 s3, s0;
	s1 =	sshll.u32 s1, $0x11  }
0xbb: {  	s0 =	sor.u32 s1, s0  }
0xbc: {  	s0 =	sadd.s32 $0x8F2B, s0  }
0xbd: {  	[sflag:s0] =	ssyncadd.remote.s32 $0x1  }
0xbe: {  	_ =	sfence.sel $0xFFFF  }
0xbf: {  	[dreg:$0x0] =	wrdreg $0xFFFFFFFF;
	(pc) =	sbr.abs _section_cstart, $3  }
0xc0: {  	[dreg:$0x1] =	wrdreg $0xFFFFFFFF  }
0xc1: {  	_ =	task.clear_ibuf [dreg:s6], $0x2FFFF;
	_ =	strace $0x9FFFFFFF  }
0xc2: {  	(tm) =	ssettm $0x7FFFFFFF  }
0xc3: {  	_ =	shalt  }
tec
execute0_lowered:
.L_overlay_start_1:
0x0: {  	(tag) =	ssettag $0x1  }
0x1: {  	s0 =	rddreg [dreg:$0x0]  }
0x2: {  	s2 =	rddreg [dreg:$0x1]  }
0x3: {  	s1 =	srdreg.scid;
	s11 =	stileid.u32  }
0x4: {  	s4 =	simm.s32 $0x0;
	s28 =	simm.s32 $0x16400;
	s3 =	smul.u32 $0x1400, s11  }
0x5: {  	s29 =	simm.s32 $0x2;
	s1 =	sand.u32 $0x1, s1;
	s8 =	smul.u32 $0x13C00, s11  }
0x6: {  	s30 =	simm.s32 $0x18400;
	s31 =	simm.s32 $0x4;
	s5 =	smul.u32 $0x14000, s1  }
0x7: {  	[smem:$0x7FF] =	sst s4;
	s7 =	smul.u32 $0x13C000, s1;
	s1 =	ssub.s32 $0x2, s1  }
0x8: {  	s4 =	sadd.s32 $0xACC00, s0;
	_ =	strace $0x8000004D;
	s23 =	sshrl.u32 s1, $0x1  }
0x9: {  	s5 =	sadd.s32 s3, s5;
	s3 =	sshrl.u32 s3, $0x3;
	s8 =	sadd.s32 s8, s7  }
0xa: {  	s7 =	sshll.u32 s11, $0x6;
	s11 =	smul.u32 $0x4F000, s11;
	s1 =	ssub.s32 s1, s23  }
0xb: {  	s23 =	simm.s32 $0x13C00;
	s6 =	sshrl.u32 s5, $0x3;
	s5 =	sadd.s32 $0xFAE00, s0  }
0xc: {  	s3 =	sadd.s32 s3, s0;
	s10 =	sshrl.u32 s8, $0x3;
	s8 =	sor.u32 $0x1C01, s7  }
0xd: {  	s9 =	sadd.s32 s6, s0;
	s6 =	sadd.s32 $0xC400, s0;
	s20 =	sadd.s32 $0x14AC00, s3  }
0xe: {  	s0 =	sadd.s32 s10, s0;
	s12 =	sadd.s32 $0x14D400, s3;
	s16 =	sadd.s32 $0x152400, s3  }
0xf: {  	s25 =	sshrl.u32 s11, $0x2;
	s10 =	simm.s32 $0x0;
	s19 =	sadd.s32 $0x154C00, s9  }
0x10: {  	[dreg:$0x4] =	wrdreg s20;
	s21 =	sadd.s32 $0x168C00, s0;
	s22 =	sadd.s32 $0x159C00, s9  }
0x11: {  	[dreg:$0x7] =	wrdreg s12;
	s24 =	sadd.s32 $0x1B7C00, s0;
	s15 =	sadd.s32 $0x15EC00, s9  }
0x12: {  	s17 =	sadd.s32 $0x206C00, s0;
	s18 =	sadd.s32 $0x163C00, s9;
	[dreg:$0x3] =	wrdreg s19  }
0x13: {  	s26 =	sadd.s32 s25, s2;
	s20 =	sadd.s32 $0x255C00, s0;
	[dreg:$0x5] =	wrdreg s21  }
0x14: {  	s25 =	simm.s32 $0x1;
	s0 =	simm.s32 $0x3;
	[dreg:$0x6] =	wrdreg s22  }
0x15: {  	s9 =	simm.s32 $0x16380;
	[dreg:$0x8] =	wrdreg s24;
	s19 =	sadd.s32 $0x14FC00, s3  }
0x16: {  	s21 =	smax.u32 s1, $0x1;
	s22 =	sshrl.u32 s26, $0x3;
	s24 =	simm.s32 $0x15000  }
0x17: {  	s26 =	simm.s32 $0x40;
	s1 =	simm.s32 $0x14F80;
	s3 =	simm.s32 $0x16300  }
.LBB2_1:
0x18: {  	[spmem:s22], [sflag:s8] =	dma.local [hbm:s6], $0x2780  }
0x19: {  	s11 =	simm.s32 $0x0;
	s12 =	rddreg [dreg:$0x3]  }
0x1a: {  	[tilespmem:s23], [sflag:$0x1] =	stream.linear.gather [hbm4b:s12+s11], $0x1400, $0x38;
	[tilespmem:$0x1A400] =	vst v63  }
0x1b: {  	s13 =	rddreg [dreg:$0x4]  }
0x1c: {  	[tilespmem:s24], [sflag:$0x1] =	stream.linear.gather [hbm4b:s13+s11], $0x1400, $0x38;
	[tilespmem:$0x1A400] =	vst v63  }
0x1d: {  	_ =	swait.ge [sflag:s25], $0x2780  }
0x1e: {  	[sflag:s25] =	ssyncset.done $0x0  }
0x1f: {  	[sflag:s25] =	ssyncadd.s32 $0xFFFFD880  }
0x20: {  	_ =	swait.ge [sflag:s25], $0x1400  }
0x21: {  	[sflag:s25] =	ssyncset.done $0x0  }
0x22: {  	[sflag:s25] =	ssyncadd.s32 $0xFFFFEC00  }
0x23: {  	_ =	swait.ge [sflag:s25], $0x1400  }
0x24: {  	[sflag:s25] =	ssyncset.done $0x0  }
0x25: {  	[sflag:s25] =	ssyncadd.s32 $0xFFFFEC00  }
0x26: {  	[bflag:$0x0] =	sbarrier.arrive $0xFFFF  }
0x27: {  	[tilespmem:s28], [sflag:$0x2] =	stream.indirect.gather [hbm4b:s4+s26], $0x80, s23, s26, $0xb8;
	[tilespmem:$0x1A400] =	vst v63  }
0x28: {  	_ =	swait.ge [sflag:s29], $0x2000  }
0x29: {  	[sflag:s29] =	ssyncset.done $0x0  }
0x2a: {  	s14 =	simm.s32 $0x13C80;
	[sflag:s29] =	ssyncadd.s32 $0xFFFFE000  }
0x2b: {  	[tilespmem:s30], [sflag:$0x3] =	stream.indirect.gather [hbm4b:s4+s26], $0x80, s14, s26, $0xb8;
	[tilespmem:$0x1A400] =	vst v63  }
0x2c: {  	s12 =	simm.s32 $0x15000  }
0x2d: {  	[spmem:s2] =	stream.indirect.scatter.add.f32 [tilespmem:s28], [sflag:$0x4], $0x80, s12, s26, $0xb8;
	[tilespmem:$0x1A400] =	vst v63  }
0x2e: {  	_ =	swait.ge [sflag:s31], $0x2000  }
0x2f: {  	[sflag:s31] =	ssyncset.done $0x0  }
0x30: {  	[sflag:s31] =	ssyncadd.s32 $0xFFFFE000  }
0x31: {  	_ =	swait.ge [sflag:s0], $0x2000  }
0x32: {  	[sflag:s0] =	ssyncset.done $0x0  }
0x33: {  	s13 =	simm.s32 $0x13D00;
	[sflag:s0] =	ssyncadd.s32 $0xFFFFE000  }
0x34: {  	[tilespmem:s28], [sflag:$0x2] =	stream.indirect.gather [hbm4b:s4+s26], $0x80, s13, s26, $0xb8;
	[tilespmem:$0x1A400] =	vst v63  }
0x35: {  	s14 =	simm.s32 $0x15080  }
0x36: {  	[spmem:s2] =	stream.indirect.scatter.add.f32 [tilespmem:s30], [sflag:$0x4], $0x80, s14, s26, $0xb8;
	[tilespmem:$0x1A400] =	vst v63  }
0x37: {  	_ =	swait.ge [sflag:s31], $0x2000  }
0x38: {  	s11 =	simm.s32 $0x400;
	[sflag:s31] =	ssyncset.done $0x0  }
.LBB2_2:
0x39: {  	p0 =	sne.s32 s11, $0x4800  }
0x3a: {  	[sflag:s31] =	ssyncadd.s32 $0xFFFFE000;
	s12 =	smov.u32 s11;
	s11 =	sadd.s32 $0x400, s11  }
0x3b: {  	_ = 	snop  }
0x3c: {  	_ =	swait.ge [sflag:s29], $0x2000  }
0x3d: {  	s12 =	sshra.s32 s12, $0x2;
	[sflag:s29] =	ssyncset.done $0x0  }
0x3e: {  	s13 =	sadd.s32 $0x13C80, s12;
	[sflag:s29] =	ssyncadd.s32 $0xFFFFE000  }
0x3f: {  	[tilespmem:s30], [sflag:$0x3] =	stream.indirect.gather [hbm4b:s4+s26], $0x80, s13, s26, $0xb8;
	[tilespmem:$0x1A400] =	vst v63  }
0x40: {  	s13 =	sadd.s32 $0x15000, s12  }
0x41: {  	[spmem:s2] =	stream.indirect.scatter.add.f32 [tilespmem:s28], [sflag:$0x4], $0x80, s13, s26, $0xb8;
	[tilespmem:$0x1A400] =	vst v63  }
0x42: {  	_ =	swait.ge [sflag:s31], $0x2000  }
0x43: {  	[sflag:s31] =	ssyncset.done $0x0  }
0x44: {  	[sflag:s31] =	ssyncadd.s32 $0xFFFFE000  }
0x45: {  	_ =	swait.ge [sflag:s0], $0x2000  }
0x46: {  	[sflag:s0] =	ssyncset.done $0x0  }
0x47: {  	s13 =	sadd.s32 $0x13D00, s12;
	[sflag:s0] =	ssyncadd.s32 $0xFFFFE000  }
0x48: {  	[tilespmem:s28], [sflag:$0x2] =	stream.indirect.gather [hbm4b:s4+s26], $0x80, s13, s26, $0xb8;
	[tilespmem:$0x1A400] =	vst v63  }
.Ltmp0:
0x49: {  	_ = 	snop;
	(pc) =	sbr.rel @p0 .LBB2_2-.Ltmp0, $4  }
0x4a: {  	s12 =	sadd.s32 $0x15080, s12  }
0x4b: {  	[spmem:s2] =	stream.indirect.scatter.add.f32 [tilespmem:s30], [sflag:$0x4], $0x80, s12, s26, $0xb8;
	[tilespmem:$0x1A400] =	vst v63  }
0x4c: {  	_ =	swait.ge [sflag:s31], $0x2000  }
0x4d: {  	[sflag:s31] =	ssyncset.done $0x0  }
0x4e: {  	[sflag:s31] =	ssyncadd.s32 $0xFFFFE000  }
0x4f: {  	_ =	swait.ge [sflag:s29], $0x2000  }
0x50: {  	[sflag:s29] =	ssyncset.done $0x0  }
0x51: {  	[sflag:s29] =	ssyncadd.s32 $0xFFFFE000  }
0x52: {  	[tilespmem:s30], [sflag:$0x3] =	stream.indirect.gather [hbm4b:s4+s26], $0x80, s1, s26, $0xb8;
	[tilespmem:$0x1A400] =	vst v63  }
0x53: {  	_ = 	snop  }
0x54: {  	[spmem:s2] =	stream.indirect.scatter.add.f32 [tilespmem:s28], [sflag:$0x4], $0x80, s3, s26, $0xb8;
	[tilespmem:$0x1A400] =	vst v63  }
0x55: {  	_ =	swait.ge [sflag:s31], $0x2000  }
0x56: {  	[sflag:s31] =	ssyncset.done $0x0  }
0x57: {  	[sflag:s31] =	ssyncadd.s32 $0xFFFFE000  }
0x58: {  	_ =	swait.ge [sflag:s0], $0x2000  }
0x59: {  	[sflag:s0] =	ssyncset.done $0x0  }
0x5a: {  	[sflag:s0] =	ssyncadd.s32 $0xFFFFE000  }
0x5b: {  	[spmem:s2] =	stream.indirect.scatter.add.f32 [tilespmem:s30], [sflag:$0x4], $0x80, s9, s26, $0xb8;
	[tilespmem:$0x1A400] =	vst v63  }
0x5c: {  	_ =	swait.ge [sflag:s31], $0x2000  }
0x5d: {  	[sflag:s31] =	ssyncset.done $0x0  }
0x5e: {  	[sflag:s31] =	ssyncadd.s32 $0xFFFFE000  }
0x5f: {  	[bflag:$0x0] =	sbarrier.arrive $0xFFFF  }
0x60: {  	s11 =	sor.u32 $0x1C04, s7;
	s12 =	rddreg [dreg:$0x5]  }
0x61: {  	[hbm:s12], [sflag:s11] =	dma.local [spmem:s22], $0x2780  }
0x62: {  	_ =	swait.ge [sflag:s31], $0x2780  }
0x63: {  	[sflag:s31] =	ssyncset.done $0x0  }
0x64: {  	[sflag:s31] =	ssyncadd.s32 $0xFFFFD880  }
0x65: {  	[spmem:s22], [sflag:s8] =	dma.local [hbm:s6], $0x2780  }
0x66: {  	s12 =	simm.s32 $0x0;
	s13 =	rddreg [dreg:$0x6]  }
0x67: {  	[tilespmem:s23], [sflag:$0x1] =	stream.linear.gather [hbm4b:s13+s12], $0x1400, $0x38;
	[tilespmem:$0x1A400] =	vst v63  }
0x68: {  	s14 =	rddreg [dreg:$0x7]  }
0x69: {  	[tilespmem:s24], [sflag:$0x1] =	stream.linear.gather [hbm4b:s14+s12], $0x1400, $0x38;
	[tilespmem:$0x1A400] =	vst v63  }
0x6a: {  	_ =	swait.ge [sflag:s25], $0x2780  }
0x6b: {  	[sflag:s25] =	ssyncset.done $0x0  }
0x6c: {  	[sflag:s25] =	ssyncadd.s32 $0xFFFFD880  }
0x6d: {  	_ =	swait.ge [sflag:s25], $0x1400  }
0x6e: {  	[sflag:s25] =	ssyncset.done $0x0  }
0x6f: {  	[sflag:s25] =	ssyncadd.s32 $0xFFFFEC00  }
0x70: {  	_ =	swait.ge [sflag:s25], $0x1400  }
0x71: {  	[sflag:s25] =	ssyncset.done $0x0  }
0x72: {  	[sflag:s25] =	ssyncadd.s32 $0xFFFFEC00  }
0x73: {  	[bflag:$0x0] =	sbarrier.arrive $0xFFFF  }
0x74: {  	[tilespmem:s28], [sflag:$0x2] =	stream.indirect.gather [hbm4b:s4+s26], $0x80, s23, s26, $0xb8;
	[tilespmem:$0x1A400] =	vst v63  }
0x75: {  	_ =	swait.ge [sflag:s29], $0x2000  }
0x76: {  	[sflag:s29] =	ssyncset.done $0x0  }
0x77: {  	s13 =	simm.s32 $0x13C80;
	[sflag:s29] =	ssyncadd.s32 $0xFFFFE000  }
0x78: {  	[tilespmem:s30], [sflag:$0x3] =	stream.indirect.gather [hbm4b:s4+s26], $0x80, s13, s26, $0xb8;
	[tilespmem:$0x1A400] =	vst v63  }
0x79: {  	s14 =	simm.s32 $0x15000  }
0x7a: {  	[spmem:s2] =	stream.indirect.scatter.add.f32 [tilespmem:s28], [sflag:$0x4], $0x80, s14, s26, $0xb8;
	[tilespmem:$0x1A400] =	vst v63  }
0x7b: {  	_ =	swait.ge [sflag:s31], $0x2000  }
0x7c: {  	[sflag:s31] =	ssyncset.done $0x0  }
0x7d: {  	[sflag:s31] =	ssyncadd.s32 $0xFFFFE000  }
0x7e: {  	_ =	swait.ge [sflag:s0], $0x2000  }
0x7f: {  	[sflag:s0] =	ssyncset.done $0x0  }
0x80: {  	s13 =	simm.s32 $0x13D00;
	[sflag:s0] =	ssyncadd.s32 $0xFFFFE000  }
0x81: {  	[tilespmem:s28], [sflag:$0x2] =	stream.indirect.gather [hbm4b:s4+s26], $0x80, s13, s26, $0xb8;
	[tilespmem:$0x1A400] =	vst v63  }
0x82: {  	s14 =	simm.s32 $0x15080  }
0x83: {  	[spmem:s2] =	stream.indirect.scatter.add.f32 [tilespmem:s30], [sflag:$0x4], $0x80, s14, s26, $0xb8;
	[tilespmem:$0x1A400] =	vst v63  }
0x84: {  	_ =	swait.ge [sflag:s31], $0x2000  }
0x85: {  	s12 =	simm.s32 $0x400;
	[sflag:s31] =	ssyncset.done $0x0  }
.LBB2_4:
0x86: {  	p0 =	sne.s32 s12, $0x4800  }
0x87: {  	[sflag:s31] =	ssyncadd.s32 $0xFFFFE000;
	s13 =	smov.u32 s12;
	s12 =	sadd.s32 $0x400, s12  }
0x88: {  	_ = 	snop  }
0x89: {  	_ =	swait.ge [sflag:s29], $0x2000  }
0x8a: {  	s13 =	sshra.s32 s13, $0x2;
	[sflag:s29] =	ssyncset.done $0x0  }
0x8b: {  	s14 =	sadd.s32 $0x13C80, s13;
	[sflag:s29] =	ssyncadd.s32 $0xFFFFE000  }
0x8c: {  	[tilespmem:s30], [sflag:$0x3] =	stream.indirect.gather [hbm4b:s4+s26], $0x80, s14, s26, $0xb8;
	[tilespmem:$0x1A400] =	vst v63  }
0x8d: {  	s14 =	sadd.s32 $0x15000, s13  }
0x8e: {  	[spmem:s2] =	stream.indirect.scatter.add.f32 [tilespmem:s28], [sflag:$0x4], $0x80, s14, s26, $0xb8;
	[tilespmem:$0x1A400] =	vst v63  }
0x8f: {  	_ =	swait.ge [sflag:s31], $0x2000  }
0x90: {  	[sflag:s31] =	ssyncset.done $0x0  }
0x91: {  	[sflag:s31] =	ssyncadd.s32 $0xFFFFE000  }
0x92: {  	_ =	swait.ge [sflag:s0], $0x2000  }
0x93: {  	[sflag:s0] =	ssyncset.done $0x0  }
0x94: {  	s14 =	sadd.s32 $0x13D00, s13;
	[sflag:s0] =	ssyncadd.s32 $0xFFFFE000  }
0x95: {  	[tilespmem:s28], [sflag:$0x2] =	stream.indirect.gather [hbm4b:s4+s26], $0x80, s14, s26, $0xb8;
	[tilespmem:$0x1A400] =	vst v63  }
.Ltmp1:
0x96: {  	_ = 	snop;
	(pc) =	sbr.rel @p0 .LBB2_4-.Ltmp1, $4  }
0x97: {  	s13 =	sadd.s32 $0x15080, s13  }
0x98: {  	[spmem:s2] =	stream.indirect.scatter.add.f32 [tilespmem:s30], [sflag:$0x4], $0x80, s13, s26, $0xb8;
	[tilespmem:$0x1A400] =	vst v63  }
0x99: {  	_ =	swait.ge [sflag:s31], $0x2000  }
0x9a: {  	[sflag:s31] =	ssyncset.done $0x0  }
0x9b: {  	[sflag:s31] =	ssyncadd.s32 $0xFFFFE000  }
0x9c: {  	_ =	swait.ge [sflag:s29], $0x2000  }
0x9d: {  	[sflag:s29] =	ssyncset.done $0x0  }
0x9e: {  	[sflag:s29] =	ssyncadd.s32 $0xFFFFE000  }
0x9f: {  	[tilespmem:s30], [sflag:$0x3] =	stream.indirect.gather [hbm4b:s4+s26], $0x80, s1, s26, $0xb8;
	[tilespmem:$0x1A400] =	vst v63  }
0xa0: {  	_ = 	snop  }
0xa1: {  	[spmem:s2] =	stream.indirect.scatter.add.f32 [tilespmem:s28], [sflag:$0x4], $0x80, s3, s26, $0xb8;
	[tilespmem:$0x1A400] =	vst v63  }
0xa2: {  	_ =	swait.ge [sflag:s31], $0x2000  }
0xa3: {  	[sflag:s31] =	ssyncset.done $0x0  }
0xa4: {  	[sflag:s31] =	ssyncadd.s32 $0xFFFFE000  }
0xa5: {  	_ =	swait.ge [sflag:s0], $0x2000  }
0xa6: {  	[sflag:s0] =	ssyncset.done $0x0  }
0xa7: {  	[sflag:s0] =	ssyncadd.s32 $0xFFFFE000  }
0xa8: {  	[spmem:s2] =	stream.indirect.scatter.add.f32 [tilespmem:s30], [sflag:$0x4], $0x80, s9, s26, $0xb8;
	[tilespmem:$0x1A400] =	vst v63  }
0xa9: {  	_ =	swait.ge [sflag:s31], $0x2000  }
0xaa: {  	[sflag:s31] =	ssyncset.done $0x0  }
0xab: {  	[sflag:s31] =	ssyncadd.s32 $0xFFFFE000  }
0xac: {  	[bflag:$0x0] =	sbarrier.arrive $0xFFFF  }
0xad: {  	s12 =	rddreg [dreg:$0x8]  }
0xae: {  	[hbm:s12], [sflag:s11] =	dma.local [spmem:s22], $0x2780  }
0xaf: {  	_ =	swait.ge [sflag:s31], $0x2780  }
0xb0: {  	[sflag:s31] =	ssyncset.done $0x0  }
0xb1: {  	s14 =	simm.s32 $0x0;
	[sflag:s31] =	ssyncadd.s32 $0xFFFFD880  }
0xb2: {  	[spmem:s22], [sflag:s8] =	dma.local [hbm:s6], $0x2780  }
0xb3: {  	[tilespmem:s23], [sflag:$0x1] =	stream.linear.gather [hbm4b:s15+s14], $0x1400, $0x38;
	[tilespmem:$0x1A400] =	vst v63  }
0xb4: {  	_ = 	snop  }
0xb5: {  	[tilespmem:s24], [sflag:$0x1] =	stream.linear.gather [hbm4b:s16+s14], $0x1400, $0x38;
	[tilespmem:$0x1A400] =	vst v63  }
0xb6: {  	_ =	swait.ge [sflag:s25], $0x2780  }
0xb7: {  	[sflag:s25] =	ssyncset.done $0x0  }
0xb8: {  	[sflag:s25] =	ssyncadd.s32 $0xFFFFD880  }
0xb9: {  	_ =	swait.ge [sflag:s25], $0x1400  }
0xba: {  	[sflag:s25] =	ssyncset.done $0x0  }
0xbb: {  	[sflag:s25] =	ssyncadd.s32 $0xFFFFEC00  }
0xbc: {  	_ =	swait.ge [sflag:s25], $0x1400  }
0xbd: {  	[sflag:s25] =	ssyncset.done $0x0  }
0xbe: {  	[sflag:s25] =	ssyncadd.s32 $0xFFFFEC00  }
0xbf: {  	[bflag:$0x0] =	sbarrier.arrive $0xFFFF  }
0xc0: {  	[tilespmem:s28], [sflag:$0x2] =	stream.indirect.gather [hbm4b:s5+s26], $0x80, s23, s26, $0xb8;
	[tilespmem:$0x1A400] =	vst v63  }
0xc1: {  	_ =	swait.ge [sflag:s29], $0x2000  }
0xc2: {  	[sflag:s29] =	ssyncset.done $0x0  }
0xc3: {  	s13 =	simm.s32 $0x13C80;
	[sflag:s29] =	ssyncadd.s32 $0xFFFFE000  }
0xc4: {  	[tilespmem:s30], [sflag:$0x3] =	stream.indirect.gather [hbm4b:s5+s26], $0x80, s13, s26, $0xb8;
	[tilespmem:$0x1A400] =	vst v63  }
0xc5: {  	s14 =	simm.s32 $0x15000  }
0xc6: {  	[spmem:s2] =	stream.indirect.scatter.add.f32 [tilespmem:s28], [sflag:$0x4], $0x80, s14, s26, $0xb8;
	[tilespmem:$0x1A400] =	vst v63  }
0xc7: {  	_ =	swait.ge [sflag:s31], $0x2000  }
0xc8: {  	[sflag:s31] =	ssyncset.done $0x0  }
0xc9: {  	[sflag:s31] =	ssyncadd.s32 $0xFFFFE000  }
0xca: {  	_ =	swait.ge [sflag:s0], $0x2000  }
0xcb: {  	[sflag:s0] =	ssyncset.done $0x0  }
0xcc: {  	s13 =	simm.s32 $0x13D00;
	[sflag:s0] =	ssyncadd.s32 $0xFFFFE000  }
0xcd: {  	[tilespmem:s28], [sflag:$0x2] =	stream.indirect.gather [hbm4b:s5+s26], $0x80, s13, s26, $0xb8;
	[tilespmem:$0x1A400] =	vst v63  }
0xce: {  	s14 =	simm.s32 $0x15080  }
0xcf: {  	[spmem:s2] =	stream.indirect.scatter.add.f32 [tilespmem:s30], [sflag:$0x4], $0x80, s14, s26, $0xb8;
	[tilespmem:$0x1A400] =	vst v63  }
0xd0: {  	_ =	swait.ge [sflag:s31], $0x2000  }
0xd1: {  	s12 =	simm.s32 $0x400;
	[sflag:s31] =	ssyncset.done $0x0  }
.LBB2_6:
0xd2: {  	p0 =	sne.s32 s12, $0x4800  }
0xd3: {  	[sflag:s31] =	ssyncadd.s32 $0xFFFFE000;
	s13 =	smov.u32 s12;
	s12 =	sadd.s32 $0x400, s12  }
0xd4: {  	_ = 	snop  }
0xd5: {  	_ =	swait.ge [sflag:s29], $0x2000  }
0xd6: {  	s13 =	sshra.s32 s13, $0x2;
	[sflag:s29] =	ssyncset.done $0x0  }
0xd7: {  	s14 =	sadd.s32 $0x13C80, s13;
	[sflag:s29] =	ssyncadd.s32 $0xFFFFE000  }
0xd8: {  	[tilespmem:s30], [sflag:$0x3] =	stream.indirect.gather [hbm4b:s5+s26], $0x80, s14, s26, $0xb8;
	[tilespmem:$0x1A400] =	vst v63  }
0xd9: {  	s14 =	sadd.s32 $0x15000, s13  }
0xda: {  	[spmem:s2] =	stream.indirect.scatter.add.f32 [tilespmem:s28], [sflag:$0x4], $0x80, s14, s26, $0xb8;
	[tilespmem:$0x1A400] =	vst v63  }
0xdb: {  	_ =	swait.ge [sflag:s31], $0x2000  }
0xdc: {  	[sflag:s31] =	ssyncset.done $0x0  }
0xdd: {  	[sflag:s31] =	ssyncadd.s32 $0xFFFFE000  }
0xde: {  	_ =	swait.ge [sflag:s0], $0x2000  }
0xdf: {  	[sflag:s0] =	ssyncset.done $0x0  }
0xe0: {  	s14 =	sadd.s32 $0x13D00, s13;
	[sflag:s0] =	ssyncadd.s32 $0xFFFFE000  }
0xe1: {  	[tilespmem:s28], [sflag:$0x2] =	stream.indirect.gather [hbm4b:s5+s26], $0x80, s14, s26, $0xb8;
	[tilespmem:$0x1A400] =	vst v63  }
.Ltmp2:
0xe2: {  	_ = 	snop;
	(pc) =	sbr.rel @p0 .LBB2_6-.Ltmp2, $4  }
0xe3: {  	s13 =	sadd.s32 $0x15080, s13  }
0xe4: {  	[spmem:s2] =	stream.indirect.scatter.add.f32 [tilespmem:s30], [sflag:$0x4], $0x80, s13, s26, $0xb8;
	[tilespmem:$0x1A400] =	vst v63  }
0xe5: {  	_ =	swait.ge [sflag:s31], $0x2000  }
0xe6: {  	[sflag:s31] =	ssyncset.done $0x0  }
0xe7: {  	[sflag:s31] =	ssyncadd.s32 $0xFFFFE000  }
0xe8: {  	_ =	swait.ge [sflag:s29], $0x2000  }
0xe9: {  	[sflag:s29] =	ssyncset.done $0x0  }
0xea: {  	[sflag:s29] =	ssyncadd.s32 $0xFFFFE000  }
0xeb: {  	[tilespmem:s30], [sflag:$0x3] =	stream.indirect.gather [hbm4b:s5+s26], $0x80, s1, s26, $0xb8;
	[tilespmem:$0x1A400] =	vst v63  }
0xec: {  	_ = 	snop  }
0xed: {  	[spmem:s2] =	stream.indirect.scatter.add.f32 [tilespmem:s28], [sflag:$0x4], $0x80, s3, s26, $0xb8;
	[tilespmem:$0x1A400] =	vst v63  }
0xee: {  	_ =	swait.ge [sflag:s31], $0x2000  }
0xef: {  	[sflag:s31] =	ssyncset.done $0x0  }
0xf0: {  	[sflag:s31] =	ssyncadd.s32 $0xFFFFE000  }
0xf1: {  	_ =	swait.ge [sflag:s0], $0x2000  }
0xf2: {  	[sflag:s0] =	ssyncset.done $0x0  }
0xf3: {  	[sflag:s0] =	ssyncadd.s32 $0xFFFFE000  }
0xf4: {  	[spmem:s2] =	stream.indirect.scatter.add.f32 [tilespmem:s30], [sflag:$0x4], $0x80, s9, s26, $0xb8;
	[tilespmem:$0x1A400] =	vst v63  }
0xf5: {  	_ =	swait.ge [sflag:s31], $0x2000  }
0xf6: {  	[sflag:s31] =	ssyncset.done $0x0  }
0xf7: {  	[sflag:s31] =	ssyncadd.s32 $0xFFFFE000  }
0xf8: {  	[bflag:$0x0] =	sbarrier.arrive $0xFFFF  }
0xf9: {  	[hbm:s17], [sflag:s11] =	dma.local [spmem:s22], $0x2780  }
0xfa: {  	_ =	swait.ge [sflag:s31], $0x2780  }
0xfb: {  	[sflag:s31] =	ssyncset.done $0x0  }
0xfc: {  	s12 =	simm.s32 $0x0;
	[sflag:s31] =	ssyncadd.s32 $0xFFFFD880  }
0xfd: {  	[spmem:s22], [sflag:s8] =	dma.local [hbm:s6], $0x2780  }
0xfe: {  	[tilespmem:s23], [sflag:$0x1] =	stream.linear.gather [hbm4b:s18+s12], $0x1400, $0x38;
	[tilespmem:$0x1A400] =	vst v63  }
0xff: {  	_ = 	snop  }
0x100: {  	[tilespmem:s24], [sflag:$0x1] =	stream.linear.gather [hbm4b:s19+s12], $0x1400, $0x38;
	[tilespmem:$0x1A400] =	vst v63  }
0x101: {  	_ =	swait.ge [sflag:s25], $0x2780  }
0x102: {  	[sflag:s25] =	ssyncset.done $0x0  }
0x103: {  	[sflag:s25] =	ssyncadd.s32 $0xFFFFD880  }
0x104: {  	_ =	swait.ge [sflag:s25], $0x1400  }
0x105: {  	[sflag:s25] =	ssyncset.done $0x0  }
0x106: {  	[sflag:s25] =	ssyncadd.s32 $0xFFFFEC00  }
0x107: {  	_ =	swait.ge [sflag:s25], $0x1400  }
0x108: {  	[sflag:s25] =	ssyncset.done $0x0  }
0x109: {  	[sflag:s25] =	ssyncadd.s32 $0xFFFFEC00  }
0x10a: {  	[bflag:$0x0] =	sbarrier.arrive $0xFFFF  }
0x10b: {  	[tilespmem:s28], [sflag:$0x2] =	stream.indirect.gather [hbm4b:s5+s26], $0x80, s23, s26, $0xb8;
	[tilespmem:$0x1A400] =	vst v63  }
0x10c: {  	_ =	swait.ge [sflag:s29], $0x2000  }
0x10d: {  	[sflag:s29] =	ssyncset.done $0x0  }
0x10e: {  	s13 =	simm.s32 $0x13C80;
	[sflag:s29] =	ssyncadd.s32 $0xFFFFE000  }
0x10f: {  	[tilespmem:s30], [sflag:$0x3] =	stream.indirect.gather [hbm4b:s5+s26], $0x80, s13, s26, $0xb8;
	[tilespmem:$0x1A400] =	vst v63  }
0x110: {  	s14 =	simm.s32 $0x15000  }
0x111: {  	[spmem:s2] =	stream.indirect.scatter.add.f32 [tilespmem:s28], [sflag:$0x4], $0x80, s14, s26, $0xb8;
	[tilespmem:$0x1A400] =	vst v63  }
0x112: {  	_ =	swait.ge [sflag:s31], $0x2000  }
0x113: {  	[sflag:s31] =	ssyncset.done $0x0  }
0x114: {  	[sflag:s31] =	ssyncadd.s32 $0xFFFFE000  }
0x115: {  	_ =	swait.ge [sflag:s0], $0x2000  }
0x116: {  	[sflag:s0] =	ssyncset.done $0x0  }
0x117: {  	s13 =	simm.s32 $0x13D00;
	[sflag:s0] =	ssyncadd.s32 $0xFFFFE000  }
0x118: {  	[tilespmem:s28], [sflag:$0x2] =	stream.indirect.gather [hbm4b:s5+s26], $0x80, s13, s26, $0xb8;
	[tilespmem:$0x1A400] =	vst v63  }
0x119: {  	s14 =	simm.s32 $0x15080  }
0x11a: {  	[spmem:s2] =	stream.indirect.scatter.add.f32 [tilespmem:s30], [sflag:$0x4], $0x80, s14, s26, $0xb8;
	[tilespmem:$0x1A400] =	vst v63  }
0x11b: {  	_ =	swait.ge [sflag:s31], $0x2000  }
0x11c: {  	s12 =	simm.s32 $0x400;
	[sflag:s31] =	ssyncset.done $0x0  }
.LBB2_8:
0x11d: {  	p0 =	sne.s32 s12, $0x4800  }
0x11e: {  	[sflag:s31] =	ssyncadd.s32 $0xFFFFE000;
	s13 =	smov.u32 s12;
	s12 =	sadd.s32 $0x400, s12  }
0x11f: {  	_ = 	snop  }
0x120: {  	_ =	swait.ge [sflag:s29], $0x2000  }
0x121: {  	s13 =	sshra.s32 s13, $0x2;
	[sflag:s29] =	ssyncset.done $0x0  }
0x122: {  	s14 =	sadd.s32 $0x13C80, s13;
	[sflag:s29] =	ssyncadd.s32 $0xFFFFE000  }
0x123: {  	[tilespmem:s30], [sflag:$0x3] =	stream.indirect.gather [hbm4b:s5+s26], $0x80, s14, s26, $0xb8;
	[tilespmem:$0x1A400] =	vst v63  }
0x124: {  	s14 =	sadd.s32 $0x15000, s13  }
0x125: {  	[spmem:s2] =	stream.indirect.scatter.add.f32 [tilespmem:s28], [sflag:$0x4], $0x80, s14, s26, $0xb8;
	[tilespmem:$0x1A400] =	vst v63  }
0x126: {  	_ =	swait.ge [sflag:s31], $0x2000  }
0x127: {  	[sflag:s31] =	ssyncset.done $0x0  }
0x128: {  	[sflag:s31] =	ssyncadd.s32 $0xFFFFE000  }
0x129: {  	_ =	swait.ge [sflag:s0], $0x2000  }
0x12a: {  	[sflag:s0] =	ssyncset.done $0x0  }
0x12b: {  	s14 =	sadd.s32 $0x13D00, s13;
	[sflag:s0] =	ssyncadd.s32 $0xFFFFE000  }
0x12c: {  	[tilespmem:s28], [sflag:$0x2] =	stream.indirect.gather [hbm4b:s5+s26], $0x80, s14, s26, $0xb8;
	[tilespmem:$0x1A400] =	vst v63  }
.Ltmp3:
0x12d: {  	_ = 	snop;
	(pc) =	sbr.rel @p0 .LBB2_8-.Ltmp3, $4  }
0x12e: {  	s13 =	sadd.s32 $0x15080, s13  }
0x12f: {  	[spmem:s2] =	stream.indirect.scatter.add.f32 [tilespmem:s30], [sflag:$0x4], $0x80, s13, s26, $0xb8;
	[tilespmem:$0x1A400] =	vst v63  }
0x130: {  	_ =	swait.ge [sflag:s31], $0x2000  }
0x131: {  	[sflag:s31] =	ssyncset.done $0x0  }
0x132: {  	[sflag:s31] =	ssyncadd.s32 $0xFFFFE000  }
0x133: {  	_ =	swait.ge [sflag:s29], $0x2000  }
0x134: {  	[sflag:s29] =	ssyncset.done $0x0  }
0x135: {  	[sflag:s29] =	ssyncadd.s32 $0xFFFFE000  }
0x136: {  	[tilespmem:s30], [sflag:$0x3] =	stream.indirect.gather [hbm4b:s5+s26], $0x80, s1, s26, $0xb8;
	[tilespmem:$0x1A400] =	vst v63  }
0x137: {  	_ = 	snop  }
0x138: {  	[spmem:s2] =	stream.indirect.scatter.add.f32 [tilespmem:s28], [sflag:$0x4], $0x80, s3, s26, $0xb8;
	[tilespmem:$0x1A400] =	vst v63  }
0x139: {  	_ =	swait.ge [sflag:s31], $0x2000  }
0x13a: {  	[sflag:s31] =	ssyncset.done $0x0  }
0x13b: {  	[sflag:s31] =	ssyncadd.s32 $0xFFFFE000  }
0x13c: {  	_ =	swait.ge [sflag:s0], $0x2000  }
0x13d: {  	[sflag:s0] =	ssyncset.done $0x0  }
0x13e: {  	[sflag:s0] =	ssyncadd.s32 $0xFFFFE000  }
0x13f: {  	[spmem:s2] =	stream.indirect.scatter.add.f32 [tilespmem:s30], [sflag:$0x4], $0x80, s9, s26, $0xb8;
	[tilespmem:$0x1A400] =	vst v63  }
0x140: {  	_ =	swait.ge [sflag:s31], $0x2000  }
0x141: {  	s10 =	sadd.s32 $0x1, s10;
	[sflag:s31] =	ssyncset.done $0x0  }
0x142: {  	p0 =	sne.s32 s10, s21;
	[sflag:s31] =	ssyncadd.s32 $0xFFFFE000  }
.Ltmp4:
0x143: {  	[bflag:$0x0] =	sbarrier.arrive $0xFFFF;
	(pc) =	sbr.rel @p0 .LBB2_1-.Ltmp4, $4  }
0x144: {  	[hbm:s20], [sflag:s11] =	dma.local [spmem:s22], $0x2780  }
0x145: {  	_ =	swait.ge [sflag:s31], $0x2780  }
0x146: {  	[sflag:s31] =	ssyncset.done $0x0  }
0x147: {  	[sflag:s31] =	ssyncadd.s32 $0xFFFFD880  }
0x148: {  	_ =	sfence.sel $0x180000  }
0x149: {  	[bflag:$0x0] =	sbarrier.arrive $0xFFFF  }
0x14a: {  	_ =	strace $0x9000004D  }
0x14b: {  	s0 =	stileid.u32;
	[bflag:$0x2] =	sbarrier.arrive $0xFFFF  }
0x14c: {  	p0 =	sne.s32 s0, $0x0;
	s0 =	rddreg [dreg:$0x2]  }
0x14d: {  	s0 =	sadd.s32 @!p0 $0x100000, s0  }
0x14e: {  	[sflag:s0] =	ssyncadd.tile.s32 @!p0 $0x1;
	_ =	shalt  }
.Lfunc_end2:
_tile_overlayer_lowered:
.L_overlay_start_2:
0x14f: {  	(tag) =	ssettag $0x2  }
0x150: {  	s0 =	rddreg [dreg:$0x0];
	s2 =	stileid.u32  }
0x151: {  	s1 =	rddreg [dreg:$0x1];
	p0 =	sne.s32 s2, $0x0  }
0x152: {  	s3 =	rddreg [dreg:$0x2];
	[bflag:$0x3] =	sbarrier.arrive $0xFFFF;
	s2 =	simm.s32 @!p0 $0x1C04  }
0x153: {  	[timem:s3], [sflag:s2] =	dma.local @!p0 [hbm:s0], s1  }
0x154: {  	s0 =	simm.s32 @!p0 $0x4  }
0x155: {  	_ =	swait.ge @!p0 [sflag:s0], s1  }
0x156: {  	s1 =	ssub.s32 @!p0 $0x0, s1;
	[sflag:s0] =	ssyncset.done @!p0 $0x0  }
0x157: {  	[sflag:s0] =	ssyncadd.s32 @!p0 s1  }
0x158: {  	[bflag:$0x3] =	sbarrier.arrive $0xFFFF  }
0x159: {  	_ =	shalt  }

// kernel: kernel.7.cloned.1.call-start
scs
__scs_entry_jumppad:
0x0: {  	(pc) =	sbr.rel $0x88, $3  }
0x1: {  	(tag) =	ssettag $0x0;
	lr =	simm.s32 $0x1  }
0x2: {  	[smem:$0x3F83] =	sst lr;
	_ =	strace $0xD0000000  }
0x3: {  	_ = 	snop  }
0x4: {  	_ = 	snop  }
0x5: {  	_ = 	snop  }
0x6: {  	_ = 	snop  }
0x7: {  	_ = 	snop  }
__scs_overlays_trampoline_lowered:
0x8: {  	[smem:$0x3F92] =	sst s0  }
0x9: {  	[smem:$0x3F93] =	sst s1  }
0xa: {  	[smem:$0x3F94] =	sst s2  }
0xb: {  	[smem:$0x3F95] =	sst s3  }
0xc: {  	[smem:$0x3F96] =	sst s4  }
0xd: {  	[smem:$0x3F97] =	sst s5  }
0xe: {  	[smem:$0x3F98] =	sst s6  }
0xf: {  	[smem:$0x3F99] =	sst s7  }
0x10: {  	[smem:$0x3F9A] =	sst s8  }
0x11: {  	[smem:$0x3F9B] =	sst s9;
	s0 =	simm.s32 @!p0 $0x0  }
0x12: {  	s1 =	sld [smem:$0x3F81];
	s0 =	simm.s32 @p0 $0x1  }
0x13: {  	[smem:$0x3F9C] =	sst s0;
	s0 =	simm.s32 @!p1 $0x0  }
0x14: {  	s2 =	sld [smem:$0x3F80];
	s0 =	simm.s32 @p1 $0x1  }
0x15: {  	[smem:$0x3F9D] =	sst s0;
	s0 =	simm.s32 @!p2 $0x0  }
0x16: {  	s3 =	sld [smem:$0x3FDB];
	s0 =	simm.s32 @p2 $0x1  }
0x17: {  	s4 =	simm.s32 $0x1BF5;
	[smem:$0x3F9F] =	sst s0  }
0x18: {  	s0 =	sld [smem:$0x3F82];
	_ =	swait.ge [sflag:s4], $0x0  }
0x19: {  	s7 =	sld [smem:$0x3F83]  }
0x1a: {  	s8 =	sadd.s32 $0xFFFFE003, lr  }
0x1b: {  	s9 =	sadd.s32 $0xFFFFFEF7, lr;
	s5 =	simm.s32 $0xFFFFFFFF;
	p2 =	slt.u32 s8, $0xFFFFF086  }
0x1c: {  	p1 =	slt.u32 s9, $0xF7A;
	s5 =	simm.s32 @!p2 $0x0  }
0x1d: {  	s5 =	simm.s32 @p1 $0x1;
	p0 =	seq.s32 s7, s2  }
0x1e: {  	s7 =	smul.u32 @!p0 $0xF7A, s2;
	p2 =	seq.s32 @!p0 s5, $0x0  }
0x1f: {  	s9 =	smul.u32 $0xF7A, s1;
	s8 =	simm.s32 @!p0 $0x1BF5;
	p2 =	por !p2, p0  }
0x20: {  	[sflag:s8] =	ssyncset.s32 @!p0 $0xFFFFF086;
	s6 =	sadd.s32 @!p0 s3, s7;
	s7 =	simm.s32 @!p0 $0x108  }
0x21: {  	s3 =	sadd.s32 s3, s9;
	s6 =	sadd.s32 @!p0 $0x88, s6;
	s7 =	simm.s32 @p2 $0x1082  }
0x22: {  	[simem:s7], [sflag:s8] =	dma.local @!p0 [hbm:s6], $0xF7A  }
0x23: {  	s9 =	sor.u32 $0xD0000000, s2;
	s6 =	simm.s32 $0x108;
	_ =	swait.ge @!p0 [sflag:s8], $0x0  }
0x24: {  	s3 =	sadd.s32 $0x88, s3;
	s6 =	simm.s32 @!p1 $0x1082;
	[sflag:s4] =	ssyncset.s32 $0xFFFFF086  }
0x25: {  	[simem:s6], [sflag:s4] =	dma.local [hbm:s3], $0xF7A  }
0x26: {  	[smem:$0x3F83] =	sst s1;
	(tag) =	ssettag s2;
	_ =	strace s9  }
0x27: {  	s1 =	sld [smem:$0x3F93]  }
0x28: {  	s2 =	sld [smem:$0x3F94]  }
0x29: {  	s4 =	sld [smem:$0x3F96]  }
0x2a: {  	p0 =	seq.s32 s5, $0x0;
	s5 =	sld [smem:$0x3F97]  }
0x2b: {  	s6 =	sld [smem:$0x3F98]  }
0x2c: {  	s7 =	sld [smem:$0x3F99]  }
0x2d: {  	s3 =	simm.s32 $0x108;
	s8 =	sld [smem:$0x3F9A]  }
0x2e: {  	s3 =	simm.s32 @!p0 $0x1082;
	s9 =	sld [smem:$0x3F9B]  }
0x2f: {  	lr =	sadd.s32 s0, s3;
	s0 =	sld [smem:$0x3F92]  }
0x30: {  	s3 =	sld [smem:$0x3F95]  }
0x31: {  	[smem:$0x3F9E] =	sst s10  }
0x32: {  	s10 =	sld [smem:$0x3F9C];
	_ =	sdelay $0x3  }
0x33: {  	p0 =	seq.s32 s10, $0x1;
	s10 =	sld [smem:$0x3F9E];
	_ =	sdelay $0x3  }
0x34: {  	[smem:$0x3F9E] =	sst s10  }
0x35: {  	s10 =	sld [smem:$0x3F9D];
	_ =	sdelay $0x3  }
0x36: {  	p1 =	seq.s32 s10, $0x1;
	s10 =	sld [smem:$0x3F9E];
	_ =	sdelay $0x3  }
0x37: {  	[smem:$0x3F9E] =	sst s10  }
0x38: {  	s10 =	sld [smem:$0x3F9F]  }
0x39: {  	_ = 	snop;
	(pc) =	sbr.ind lr, $3  }
0x3a: {  	_ = 	snop  }
0x3b: {  	_ = 	snop  }
0x3c: {  	p2 =	seq.s32 s10, $0x1;
	s10 =	sld [smem:$0x3F9E]  }
0x3d: {  	_ =	shalt  }
0x3e: {  	_ =	shalt  }
0x3f: {  	_ =	shalt  }
0x40: {  	_ =	shalt  }
0x41: {  	_ =	shalt  }
0x42: {  	_ =	shalt  }
0x43: {  	_ =	shalt  }
0x44: {  	_ =	shalt  }
0x45: {  	_ =	shalt  }
0x46: {  	_ =	shalt  }
0x47: {  	_ =	shalt  }
0x48: {  	_ =	shalt  }
0x49: {  	_ =	shalt  }
0x4a: {  	_ =	shalt  }
0x4b: {  	_ =	shalt  }
0x4c: {  	_ =	shalt  }
0x4d: {  	_ =	shalt  }
0x4e: {  	_ =	shalt  }
0x4f: {  	_ =	shalt  }
0x50: {  	_ =	shalt  }
0x51: {  	_ =	shalt  }
0x52: {  	_ =	shalt  }
0x53: {  	_ =	shalt  }
0x54: {  	_ =	shalt  }
0x55: {  	_ =	shalt  }
0x56: {  	_ =	shalt  }
0x57: {  	_ =	shalt  }
0x58: {  	_ =	shalt  }
0x59: {  	_ =	shalt  }
0x5a: {  	_ =	shalt  }
0x5b: {  	_ =	shalt  }
0x5c: {  	_ =	shalt  }
0x5d: {  	_ =	shalt  }
0x5e: {  	_ =	shalt  }
0x5f: {  	_ =	shalt  }
0x60: {  	_ =	shalt  }
0x61: {  	_ =	shalt  }
0x62: {  	_ =	shalt  }
0x63: {  	_ =	shalt  }
0x64: {  	_ =	shalt  }
0x65: {  	_ =	shalt  }
0x66: {  	_ =	shalt  }
0x67: {  	_ =	shalt  }
0x68: {  	_ =	shalt  }
0x69: {  	_ =	shalt  }
0x6a: {  	_ =	shalt  }
0x6b: {  	_ =	shalt  }
0x6c: {  	_ =	shalt  }
0x6d: {  	_ =	shalt  }
0x6e: {  	_ =	shalt  }
0x6f: {  	_ =	shalt  }
0x70: {  	_ =	shalt  }
0x71: {  	_ =	shalt  }
0x72: {  	_ =	shalt  }
0x73: {  	_ =	shalt  }
0x74: {  	_ =	shalt  }
0x75: {  	_ =	shalt  }
0x76: {  	_ =	shalt  }
0x77: {  	_ =	shalt  }
0x78: {  	_ =	shalt  }
0x79: {  	_ =	shalt  }
0x7a: {  	_ =	shalt  }
0x7b: {  	_ =	shalt  }
0x7c: {  	_ =	shalt  }
0x7d: {  	_ =	shalt  }
0x7e: {  	_ =	shalt  }
0x7f: {  	_ =	shalt  }
0x80: {  	_ =	shalt  }
0x81: {  	_ =	shalt  }
0x82: {  	_ =	shalt  }
0x83: {  	_ =	shalt  }
0x84: {  	_ =	shalt  }
0x85: {  	_ =	shalt  }
0x86: {  	_ =	shalt  }
0x87: {  	_ =	shalt  }
.Lfunc_end0:
.L_simem_size_0:
called_computation_lowered:
.L_overlay_start_0:
0x88: {  	s2 =	sld [smem:$0x3FD9]  }
0x89: {  	s3 =	sld [smem:$0x3FFE];
	_ =	sdelay $0x1  }
0x8a: {  	s1 =	srdreg.scid  }
0x8b: {  	s0 =	sand.u32 $0x1, s1  }
0x8c: {  	s16 =	sshll.u32 s0, $0xA;
	s2 =	sadd.s32 s3, s2  }
0x8d: {  	s2 =	sadd.s32 s2, s16  }
0x8e: {  	[smem:$0x3FAA] =	sst s2  }
0x8f: {  	_ = 	snop  }
0x90: {  	(tm) =	ssettm $0x1  }
0x91: {  	s17 =	sld [smem:$0x3FFB];
	_ =	sdelay $0x3  }
0x92: {  	_ =	strace s17  }
0x93: {  	s2 =	sld [smem:$0x3FFC];
	_ =	sdelay $0x3  }
0x94: {  	_ =	strace s2  }
0x95: {  	s2 =	sld [smem:$0x3FFD];
	_ =	sdelay $0x3  }
0x96: {  	_ =	strace s2  }
0x97: {  	_ =	strace $0x8FFFFFFF  }
0x98: {  	s18 =	sld [smem:$0x3FDB];
	_ =	sdelay $0x1  }
0x99: {  	s19 =	simm.s32 $_scs_section_size  }
0x9a: {  	s4 =	simm.s32 $_size__tile_overlayer_lowered;
	s5 =	simm.s32 $_tile_overlayer_lowered  }
0x9b: {  	s22 =	simm.s32 $0x1BFF;
	s21 =	sshll.u32 s5, $0x1;
	s2 =	sadd.s32 s19, s18  }
0x9c: {  	s6 =	simm.s32 $0x0;
	s20 =	sshll.u32 s4, $0x1;
	s4 =	sadd.s32 s21, s2  }
0x9d: {  	[timem:s6], [sflag:s22] =	dma.local [hbm:s4], s20  }
0x9e: {  	_ =	swait.ge [sflag:s22], s20  }
0x9f: {  	s3 =	ssub.s32 $0x0, s20;
	[sflag:s22] =	ssyncset.done $0x0  }
0xa0: {  	[sflag:s22] =	ssyncadd.s32 s3;
	_ =	sdelay $0x1  }
0xa1: {  	s23 =	simm.s32 $0x1B8B  }
0xa2: {  	_ =	swait.ge [sflag:s23], $0x1  }
0xa3: {  	[sflag:s23] =	ssyncset.done $0x0  }
0xa4: {  	s25 =	simm.s32 $0x1B8E;
	s24 =	sld [smem:$0x3FFE];
	[sflag:s23] =	ssyncadd.s32 $0xFFFFFFFF  }
0xa5: {  	s26 =	simm.s32 $execute0_lowered;
	[smem:$0x3FD2] =	sst s25  }
0xa6: {  	s4 =	sshll.u32 s26, $0x1;
	_ =	strace $0x80000046;
	[dreg:$0x1] =	wrdreg $0xFFFFFFFF  }
0xa7: {  	s28 =	simm.s32 $_size_execute0_lowered;
	s2 =	sadd.s32 s2, s4;
	[dreg:$0x0] =	wrdreg $0x0  }
0xa8: {  	s4 =	sshll.u32 s28, $0x1;
	[dreg:$0x2] =	wrdreg s2  }
0xa9: {  	[dreg:$0x3] =	wrdreg s4  }
0xaa: {  	[dreg:$0x4] =	wrdreg $0xC0  }
0xab: {  	_ =	task [dreg:s6], $0x5FFFF  }
0xac: {  	[dreg:$0x1] =	wrdreg $0xFFFFFFFF  }
0xad: {  	[dreg:$0x0] =	wrdreg $0x60  }
0xae: {  	[dreg:$0x2] =	wrdreg s24  }
0xaf: {  	[dreg:$0x3] =	wrdreg $0x0  }
0xb0: {  	[dreg:$0x4] =	wrdreg $0x9  }
0xb1: {  	_ =	task.clear_ibuf [dreg:s6], $0x5FFFF;
	_ =	strace $0x90000046  }
0xb2: {  	s29 =	simm.s32 $0x9;
	_ =	strace $0x80000048  }
0xb3: {  	_ =	swait.ge [sflag:s29], $0x1  }
0xb4: {  	[sflag:s29] =	ssyncadd.s32 $0xFFFFFFFF  }
0xb5: {  	_ =	strace $0x90000048  }
0xb6: {  	_ =	sfence  }
0xb7: {  	s30 =	sld [smem:$0x0];
	_ =	sdelay $0x2  }
0xb8: {  	s31 =	sshll.u32 s1, $0xD;
	s1 =	sshrl.u32 s1, $0x2  }
0xb9: {  	s3 =	sand.u32 $0x4000, s31;
	s1 =	sadd.s32 s1, s30  }
0xba: {  	s0 =	sor.u32 s3, s0;
	s1 =	sshll.u32 s1, $0x11  }
0xbb: {  	s0 =	sor.u32 s1, s0  }
0xbc: {  	s0 =	sadd.s32 $0x8F2B, s0  }
0xbd: {  	[sflag:s0] =	ssyncadd.remote.s32 $0x1  }
0xbe: {  	_ =	sfence.sel $0xFFFF  }
0xbf: {  	[dreg:$0x0] =	wrdreg $0xFFFFFFFF;
	(pc) =	sbr.abs _section_cstart, $3  }
0xc0: {  	[dreg:$0x1] =	wrdreg $0xFFFFFFFF  }
0xc1: {  	_ =	task.clear_ibuf [dreg:s6], $0x2FFFF;
	_ =	strace $0x9FFFFFFF  }
0xc2: {  	(tm) =	ssettm $0x7FFFFFFF  }
0xc3: {  	_ =	shalt  }
tec
execute0_lowered:
.L_overlay_start_1:
0x0: {  	(tag) =	ssettag $0x1  }
0x1: {  	s22 =	rddreg [dreg:$0x0]  }
0x2: {  	s1 =	rddreg [dreg:$0x1]  }
0x3: {  	s0 =	rddreg [dreg:$0x2]  }
0x4: {  	s3 =	simm.s32 $0x0;
	s4 =	srdreg.scid;
	s2 =	stileid.u32  }
0x5: {  	s6 =	simm.s32 $0x14400;
	s5 =	simm.s32 $0x1;
	[smem:$0x7FF] =	sst s3  }
0x6: {  	s29 =	sand.u32 $0x1, s4;
	s11 =	sshll.u32 s2, $0x8;
	s4 =	sadd.s32 $0xBC00, s22  }
0x7: {  	s8 =	smul.u32 $0x4F000, s2;
	s7 =	sadd.s32 $0xC400, s22;
	_ =	strace $0x80000047  }
0x8: {  	[tilespmem:s6], [sflag:$0x1] =	stream.linear.gather [hbm4b:s4+s3], $0x4000, $0x38;
	[tilespmem:$0x18400] =	vst v63  }
0x9: {  	s31 =	sshll.u32 s2, $0x6;
	s8 =	sshrl.u32 s8, $0x2;
	_ =	swait.ge [sflag:s5], $0x4000  }
0xa: {  	s10 =	sshll.u32 s29, $0xC;
	s9 =	sadd.s32 s8, s1;
	[sflag:s5] =	ssyncset.done $0x0  }
0xb: {  	s8 =	sor.u32 $0x1C01, s31;
	s9 =	sshrl.u32 s9, $0x3;
	[sflag:s5] =	ssyncadd.s32 $0xFFFFC000  }
0xc: {  	[spmem:s9], [sflag:s8] =	dma.local [hbm:s7], $0x2780  }
0xd: {  	s10 =	sor.u32 s11, s10;
	_ =	swait.ge [sflag:s5], $0x2780  }
0xe: {  	s28 =	sadd.s32 s10, s22;
	[sflag:s5] =	ssyncset.done $0x0  }
0xf: {  	s11 =	simm.s32 $0x13C00;
	s10 =	sadd.s32 $0x3C00, s28;
	[sflag:s5] =	ssyncadd.s32 $0xFFFFD880  }
0x10: {  	[tilespmem:s11], [sflag:$0x1] =	stream.linear.gather [hbm4b:s10+s3], $0x500, $0x38;
	[tilespmem:$0x18400] =	vst v63  }
0x11: {  	_ =	swait.ge [sflag:s5], $0x500  }
0x12: {  	[sflag:s5] =	ssyncset.done $0x0  }
0x13: {  	[sflag:s5] =	ssyncadd.s32 $0xFFFFFB00  }
0x14: {  	s12 =	simm.s32 $0x80;
	[bflag:$0x0] =	sbarrier.arrive $0xFFFF  }
0x15: {  	[spmem:s1] =	stream.indirect.scatter.add.f32 [tilespmem:s6], [sflag:$0x1], $0x80, s11, s12, $0xb8;
	[tilespmem:$0x18400] =	vst v63  }
0x16: {  	_ =	swait.ge [sflag:s5], $0x4000  }
0x17: {  	[sflag:s5] =	ssyncset.done $0x0  }
0x18: {  	s13 =	simm.s32 $0x13C80;
	[sflag:s5] =	ssyncadd.s32 $0xFFFFC000  }
0x19: {  	[spmem:s1] =	stream.indirect.scatter.add.f32 [tilespmem:s6], [sflag:$0x1], $0x80, s13, s12, $0xb8;
	[tilespmem:$0x18400] =	vst v63  }
0x1a: {  	_ =	swait.ge [sflag:s5], $0x4000  }
0x1b: {  	[sflag:s5] =	ssyncset.done $0x0  }
0x1c: {  	s14 =	simm.s32 $0x13D00;
	[sflag:s5] =	ssyncadd.s32 $0xFFFFC000  }
0x1d: {  	[spmem:s1] =	stream.indirect.scatter.add.f32 [tilespmem:s6], [sflag:$0x1], $0x80, s14, s12, $0xb8;
	[tilespmem:$0x18400] =	vst v63  }
0x1e: {  	_ =	swait.ge [sflag:s5], $0x4000  }
0x1f: {  	[sflag:s5] =	ssyncset.done $0x0  }
0x20: {  	s15 =	simm.s32 $0x13D80;
	[sflag:s5] =	ssyncadd.s32 $0xFFFFC000  }
0x21: {  	[spmem:s1] =	stream.indirect.scatter.add.f32 [tilespmem:s6], [sflag:$0x1], $0x80, s15, s12, $0xb8;
	[tilespmem:$0x18400] =	vst v63  }
0x22: {  	_ =	swait.ge [sflag:s5], $0x4000  }
0x23: {  	[sflag:s5] =	ssyncset.done $0x0  }
0x24: {  	s16 =	simm.s32 $0x13E00;
	[sflag:s5] =	ssyncadd.s32 $0xFFFFC000  }
0x25: {  	[spmem:s1] =	stream.indirect.scatter.add.f32 [tilespmem:s6], [sflag:$0x1], $0x80, s16, s12, $0xb8;
	[tilespmem:$0x18400] =	vst v63  }
0x26: {  	_ =	swait.ge [sflag:s5], $0x4000  }
0x27: {  	[sflag:s5] =	ssyncset.done $0x0  }
0x28: {  	s17 =	simm.s32 $0x13E80;
	[sflag:s5] =	ssyncadd.s32 $0xFFFFC000  }
0x29: {  	[spmem:s1] =	stream.indirect.scatter.add.f32 [tilespmem:s6], [sflag:$0x1], $0x80, s17, s12, $0xb8;
	[tilespmem:$0x18400] =	vst v63  }
0x2a: {  	_ =	swait.ge [sflag:s5], $0x4000  }
0x2b: {  	[sflag:s5] =	ssyncset.done $0x0  }
0x2c: {  	s18 =	simm.s32 $0x13F00;
	[sflag:s5] =	ssyncadd.s32 $0xFFFFC000  }
0x2d: {  	[spmem:s1] =	stream.indirect.scatter.add.f32 [tilespmem:s6], [sflag:$0x1], $0x80, s18, s12, $0xb8;
	[tilespmem:$0x18400] =	vst v63  }
0x2e: {  	_ =	swait.ge [sflag:s5], $0x4000  }
0x2f: {  	[sflag:s5] =	ssyncset.done $0x0  }
0x30: {  	s19 =	simm.s32 $0x13F80;
	[sflag:s5] =	ssyncadd.s32 $0xFFFFC000  }
0x31: {  	[spmem:s1] =	stream.indirect.scatter.add.f32 [tilespmem:s6], [sflag:$0x1], $0x80, s19, s12, $0xb8;
	[tilespmem:$0x18400] =	vst v63  }
0x32: {  	_ =	swait.ge [sflag:s5], $0x4000  }
0x33: {  	[sflag:s5] =	ssyncset.done $0x0  }
0x34: {  	s20 =	simm.s32 $0x14000;
	[sflag:s5] =	ssyncadd.s32 $0xFFFFC000  }
0x35: {  	[spmem:s1] =	stream.indirect.scatter.add.f32 [tilespmem:s6], [sflag:$0x1], $0x80, s20, s12, $0xb8;
	[tilespmem:$0x18400] =	vst v63  }
0x36: {  	_ =	swait.ge [sflag:s5], $0x4000  }
0x37: {  	s24 =	smul.u32 $0x13C00, s2;
	[sflag:s5] =	ssyncset.done $0x0  }
0x38: {  	s21 =	simm.s32 $0x14080;
	s23 =	smul.u32 $0x13C000, s29;
	[sflag:s5] =	ssyncadd.s32 $0xFFFFC000  }
0x39: {  	[spmem:s1] =	stream.indirect.scatter.add.f32 [tilespmem:s6], [sflag:$0x1], $0x80, s21, s12, $0xb8;
	[tilespmem:$0x18400] =	vst v63  }
0x3a: {  	s23 =	sadd.s32 s24, s23;
	_ =	swait.ge [sflag:s5], $0x4000  }
0x3b: {  	s23 =	sshrl.u32 s23, $0x3;
	[sflag:s5] =	ssyncset.done $0x0  }
0x3c: {  	s30 =	sadd.s32 s23, s22;
	[sflag:s5] =	ssyncadd.s32 $0xFFFFC000  }
0x3d: {  	s22 =	sadd.s32 $0xEC00, s30;
	[bflag:$0x0] =	sbarrier.arrive $0xFFFF  }
0x3e: {  	[hbm:s22], [sflag:s8] =	dma.local [spmem:s9], $0x2780  }
0x3f: {  	_ =	swait.ge [sflag:s5], $0x2780  }
0x40: {  	[sflag:s5] =	ssyncset.done $0x0  }
0x41: {  	[sflag:s5] =	ssyncadd.s32 $0xFFFFD880  }
0x42: {  	[spmem:s9], [sflag:s8] =	dma.local [hbm:s7], $0x2780  }
0x43: {  	_ =	swait.ge [sflag:s5], $0x2780  }
0x44: {  	[sflag:s5] =	ssyncset.done $0x0  }
0x45: {  	s23 =	sadd.s32 $0x5C00, s28;
	[sflag:s5] =	ssyncadd.s32 $0xFFFFD880  }
0x46: {  	[tilespmem:s11], [sflag:$0x1] =	stream.linear.gather [hbm4b:s23+s3], $0x500, $0x38;
	[tilespmem:$0x18400] =	vst v63  }
0x47: {  	_ =	swait.ge [sflag:s5], $0x500  }
0x48: {  	[sflag:s5] =	ssyncset.done $0x0  }
0x49: {  	[sflag:s5] =	ssyncadd.s32 $0xFFFFFB00  }
0x4a: {  	[bflag:$0x0] =	sbarrier.arrive $0xFFFF  }
0x4b: {  	[spmem:s1] =	stream.indirect.scatter.add.f32 [tilespmem:s6], [sflag:$0x1], $0x80, s11, s12, $0xb8;
	[tilespmem:$0x18400] =	vst v63  }
0x4c: {  	_ =	swait.ge [sflag:s5], $0x4000  }
0x4d: {  	[sflag:s5] =	ssyncset.done $0x0  }
0x4e: {  	[sflag:s5] =	ssyncadd.s32 $0xFFFFC000  }
0x4f: {  	[spmem:s1] =	stream.indirect.scatter.add.f32 [tilespmem:s6], [sflag:$0x1], $0x80, s13, s12, $0xb8;
	[tilespmem:$0x18400] =	vst v63  }
0x50: {  	_ =	swait.ge [sflag:s5], $0x4000  }
0x51: {  	[sflag:s5] =	ssyncset.done $0x0  }
0x52: {  	[sflag:s5] =	ssyncadd.s32 $0xFFFFC000  }
0x53: {  	[spmem:s1] =	stream.indirect.scatter.add.f32 [tilespmem:s6], [sflag:$0x1], $0x80, s14, s12, $0xb8;
	[tilespmem:$0x18400] =	vst v63  }
0x54: {  	_ =	swait.ge [sflag:s5], $0x4000  }
0x55: {  	[sflag:s5] =	ssyncset.done $0x0  }
0x56: {  	[sflag:s5] =	ssyncadd.s32 $0xFFFFC000  }
0x57: {  	[spmem:s1] =	stream.indirect.scatter.add.f32 [tilespmem:s6], [sflag:$0x1], $0x80, s15, s12, $0xb8;
	[tilespmem:$0x18400] =	vst v63  }
0x58: {  	_ =	swait.ge [sflag:s5], $0x4000  }
0x59: {  	[sflag:s5] =	ssyncset.done $0x0  }
0x5a: {  	[sflag:s5] =	ssyncadd.s32 $0xFFFFC000  }
0x5b: {  	[spmem:s1] =	stream.indirect.scatter.add.f32 [tilespmem:s6], [sflag:$0x1], $0x80, s16, s12, $0xb8;
	[tilespmem:$0x18400] =	vst v63  }
0x5c: {  	_ =	swait.ge [sflag:s5], $0x4000  }
0x5d: {  	[sflag:s5] =	ssyncset.done $0x0  }
0x5e: {  	[sflag:s5] =	ssyncadd.s32 $0xFFFFC000  }
0x5f: {  	[spmem:s1] =	stream.indirect.scatter.add.f32 [tilespmem:s6], [sflag:$0x1], $0x80, s17, s12, $0xb8;
	[tilespmem:$0x18400] =	vst v63  }
0x60: {  	_ =	swait.ge [sflag:s5], $0x4000  }
0x61: {  	[sflag:s5] =	ssyncset.done $0x0  }
0x62: {  	[sflag:s5] =	ssyncadd.s32 $0xFFFFC000  }
0x63: {  	[spmem:s1] =	stream.indirect.scatter.add.f32 [tilespmem:s6], [sflag:$0x1], $0x80, s18, s12, $0xb8;
	[tilespmem:$0x18400] =	vst v63  }
0x64: {  	_ =	swait.ge [sflag:s5], $0x4000  }
0x65: {  	[sflag:s5] =	ssyncset.done $0x0  }
0x66: {  	[sflag:s5] =	ssyncadd.s32 $0xFFFFC000  }
0x67: {  	[spmem:s1] =	stream.indirect.scatter.add.f32 [tilespmem:s6], [sflag:$0x1], $0x80, s19, s12, $0xb8;
	[tilespmem:$0x18400] =	vst v63  }
0x68: {  	_ =	swait.ge [sflag:s5], $0x4000  }
0x69: {  	[sflag:s5] =	ssyncset.done $0x0  }
0x6a: {  	[sflag:s5] =	ssyncadd.s32 $0xFFFFC000  }
0x6b: {  	[spmem:s1] =	stream.indirect.scatter.add.f32 [tilespmem:s6], [sflag:$0x1], $0x80, s20, s12, $0xb8;
	[tilespmem:$0x18400] =	vst v63  }
0x6c: {  	_ =	swait.ge [sflag:s5], $0x4000  }
0x6d: {  	[sflag:s5] =	ssyncset.done $0x0  }
0x6e: {  	[sflag:s5] =	ssyncadd.s32 $0xFFFFC000  }
0x6f: {  	[spmem:s1] =	stream.indirect.scatter.add.f32 [tilespmem:s6], [sflag:$0x1], $0x80, s21, s12, $0xb8;
	[tilespmem:$0x18400] =	vst v63  }
0x70: {  	_ =	swait.ge [sflag:s5], $0x4000  }
0x71: {  	[sflag:s5] =	ssyncset.done $0x0  }
0x72: {  	[sflag:s5] =	ssyncadd.s32 $0xFFFFC000  }
0x73: {  	s24 =	sadd.s32 $0x5DC00, s30;
	[bflag:$0x0] =	sbarrier.arrive $0xFFFF  }
0x74: {  	[hbm:s24], [sflag:s8] =	dma.local [spmem:s9], $0x2780  }
0x75: {  	_ =	swait.ge [sflag:s5], $0x2780  }
0x76: {  	[sflag:s5] =	ssyncset.done $0x0  }
0x77: {  	[sflag:s5] =	ssyncadd.s32 $0xFFFFD880  }
0x78: {  	[spmem:s9], [sflag:s8] =	dma.local [hbm:s7], $0x2780  }
0x79: {  	_ =	swait.ge [sflag:s5], $0x2780  }
0x7a: {  	[sflag:s5] =	ssyncset.done $0x0  }
0x7b: {  	s25 =	sadd.s32 $0x9C00, s28;
	[sflag:s5] =	ssyncadd.s32 $0xFFFFD880  }
0x7c: {  	[tilespmem:s11], [sflag:$0x1] =	stream.linear.gather [hbm4b:s25+s3], $0x500, $0x38;
	[tilespmem:$0x18400] =	vst v63  }
0x7d: {  	_ =	swait.ge [sflag:s5], $0x500  }
0x7e: {  	[sflag:s5] =	ssyncset.done $0x0  }
0x7f: {  	[sflag:s5] =	ssyncadd.s32 $0xFFFFFB00  }
0x80: {  	[bflag:$0x0] =	sbarrier.arrive $0xFFFF  }
0x81: {  	[spmem:s1] =	stream.indirect.scatter.add.f32 [tilespmem:s6], [sflag:$0x1], $0x80, s11, s12, $0xb8;
	[tilespmem:$0x18400] =	vst v63  }
0x82: {  	_ =	swait.ge [sflag:s5], $0x4000  }
0x83: {  	[sflag:s5] =	ssyncset.done $0x0  }
0x84: {  	[sflag:s5] =	ssyncadd.s32 $0xFFFFC000  }
0x85: {  	[spmem:s1] =	stream.indirect.scatter.add.f32 [tilespmem:s6], [sflag:$0x1], $0x80, s13, s12, $0xb8;
	[tilespmem:$0x18400] =	vst v63  }
0x86: {  	_ =	swait.ge [sflag:s5], $0x4000  }
0x87: {  	[sflag:s5] =	ssyncset.done $0x0  }
0x88: {  	[sflag:s5] =	ssyncadd.s32 $0xFFFFC000  }
0x89: {  	[spmem:s1] =	stream.indirect.scatter.add.f32 [tilespmem:s6], [sflag:$0x1], $0x80, s14, s12, $0xb8;
	[tilespmem:$0x18400] =	vst v63  }
0x8a: {  	_ =	swait.ge [sflag:s5], $0x4000  }
0x8b: {  	[sflag:s5] =	ssyncset.done $0x0  }
0x8c: {  	[sflag:s5] =	ssyncadd.s32 $0xFFFFC000  }
0x8d: {  	[spmem:s1] =	stream.indirect.scatter.add.f32 [tilespmem:s6], [sflag:$0x1], $0x80, s15, s12, $0xb8;
	[tilespmem:$0x18400] =	vst v63  }
0x8e: {  	_ =	swait.ge [sflag:s5], $0x4000  }
0x8f: {  	[sflag:s5] =	ssyncset.done $0x0  }
0x90: {  	[sflag:s5] =	ssyncadd.s32 $0xFFFFC000  }
0x91: {  	[spmem:s1] =	stream.indirect.scatter.add.f32 [tilespmem:s6], [sflag:$0x1], $0x80, s16, s12, $0xb8;
	[tilespmem:$0x18400] =	vst v63  }
0x92: {  	_ =	swait.ge [sflag:s5], $0x4000  }
0x93: {  	[sflag:s5] =	ssyncset.done $0x0  }
0x94: {  	[sflag:s5] =	ssyncadd.s32 $0xFFFFC000  }
0x95: {  	[spmem:s1] =	stream.indirect.scatter.add.f32 [tilespmem:s6], [sflag:$0x1], $0x80, s17, s12, $0xb8;
	[tilespmem:$0x18400] =	vst v63  }
0x96: {  	_ =	swait.ge [sflag:s5], $0x4000  }
0x97: {  	[sflag:s5] =	ssyncset.done $0x0  }
0x98: {  	[sflag:s5] =	ssyncadd.s32 $0xFFFFC000  }
0x99: {  	[spmem:s1] =	stream.indirect.scatter.add.f32 [tilespmem:s6], [sflag:$0x1], $0x80, s18, s12, $0xb8;
	[tilespmem:$0x18400] =	vst v63  }
0x9a: {  	_ =	swait.ge [sflag:s5], $0x4000  }
0x9b: {  	[sflag:s5] =	ssyncset.done $0x0  }
0x9c: {  	[sflag:s5] =	ssyncadd.s32 $0xFFFFC000  }
0x9d: {  	[spmem:s1] =	stream.indirect.scatter.add.f32 [tilespmem:s6], [sflag:$0x1], $0x80, s19, s12, $0xb8;
	[tilespmem:$0x18400] =	vst v63  }
0x9e: {  	_ =	swait.ge [sflag:s5], $0x4000  }
0x9f: {  	[sflag:s5] =	ssyncset.done $0x0  }
0xa0: {  	[sflag:s5] =	ssyncadd.s32 $0xFFFFC000  }
0xa1: {  	[spmem:s1] =	stream.indirect.scatter.add.f32 [tilespmem:s6], [sflag:$0x1], $0x80, s20, s12, $0xb8;
	[tilespmem:$0x18400] =	vst v63  }
0xa2: {  	_ =	swait.ge [sflag:s5], $0x4000  }
0xa3: {  	[sflag:s5] =	ssyncset.done $0x0  }
0xa4: {  	[sflag:s5] =	ssyncadd.s32 $0xFFFFC000  }
0xa5: {  	[spmem:s1] =	stream.indirect.scatter.add.f32 [tilespmem:s6], [sflag:$0x1], $0x80, s21, s12, $0xb8;
	[tilespmem:$0x18400] =	vst v63  }
0xa6: {  	_ =	swait.ge [sflag:s5], $0x4000  }
0xa7: {  	[sflag:s5] =	ssyncset.done $0x0  }
0xa8: {  	[sflag:s5] =	ssyncadd.s32 $0xFFFFC000  }
0xa9: {  	s26 =	sadd.s32 $0xACC00, s30;
	[bflag:$0x0] =	sbarrier.arrive $0xFFFF  }
0xaa: {  	[hbm:s26], [sflag:s8] =	dma.local [spmem:s9], $0x2780  }
0xab: {  	_ =	swait.ge [sflag:s5], $0x2780  }
0xac: {  	[sflag:s5] =	ssyncset.done $0x0  }
0xad: {  	[sflag:s5] =	ssyncadd.s32 $0xFFFFD880  }
0xae: {  	[spmem:s9], [sflag:s8] =	dma.local [hbm:s7], $0x2780  }
0xaf: {  	_ =	swait.ge [sflag:s5], $0x2780  }
0xb0: {  	[sflag:s5] =	ssyncset.done $0x0  }
0xb1: {  	s28 =	sadd.s32 $0x7C00, s28;
	[sflag:s5] =	ssyncadd.s32 $0xFFFFD880  }
0xb2: {  	[tilespmem:s11], [sflag:$0x1] =	stream.linear.gather [hbm4b:s28+s3], $0x500, $0x38;
	[tilespmem:$0x18400] =	vst v63  }
0xb3: {  	_ =	swait.ge [sflag:s5], $0x500  }
0xb4: {  	[sflag:s5] =	ssyncset.done $0x0  }
0xb5: {  	[sflag:s5] =	ssyncadd.s32 $0xFFFFFB00  }
0xb6: {  	[bflag:$0x0] =	sbarrier.arrive $0xFFFF  }
0xb7: {  	[spmem:s1] =	stream.indirect.scatter.add.f32 [tilespmem:s6], [sflag:$0x1], $0x80, s11, s12, $0xb8;
	[tilespmem:$0x18400] =	vst v63  }
0xb8: {  	_ =	swait.ge [sflag:s5], $0x4000  }
0xb9: {  	[sflag:s5] =	ssyncset.done $0x0  }
0xba: {  	[sflag:s5] =	ssyncadd.s32 $0xFFFFC000  }
0xbb: {  	[spmem:s1] =	stream.indirect.scatter.add.f32 [tilespmem:s6], [sflag:$0x1], $0x80, s13, s12, $0xb8;
	[tilespmem:$0x18400] =	vst v63  }
0xbc: {  	_ =	swait.ge [sflag:s5], $0x4000  }
0xbd: {  	[sflag:s5] =	ssyncset.done $0x0  }
0xbe: {  	[sflag:s5] =	ssyncadd.s32 $0xFFFFC000  }
0xbf: {  	[spmem:s1] =	stream.indirect.scatter.add.f32 [tilespmem:s6], [sflag:$0x1], $0x80, s14, s12, $0xb8;
	[tilespmem:$0x18400] =	vst v63  }
0xc0: {  	_ =	swait.ge [sflag:s5], $0x4000  }
0xc1: {  	[sflag:s5] =	ssyncset.done $0x0  }
0xc2: {  	[sflag:s5] =	ssyncadd.s32 $0xFFFFC000  }
0xc3: {  	[spmem:s1] =	stream.indirect.scatter.add.f32 [tilespmem:s6], [sflag:$0x1], $0x80, s15, s12, $0xb8;
	[tilespmem:$0x18400] =	vst v63  }
0xc4: {  	_ =	swait.ge [sflag:s5], $0x4000  }
0xc5: {  	[sflag:s5] =	ssyncset.done $0x0  }
0xc6: {  	[sflag:s5] =	ssyncadd.s32 $0xFFFFC000  }
0xc7: {  	[spmem:s1] =	stream.indirect.scatter.add.f32 [tilespmem:s6], [sflag:$0x1], $0x80, s16, s12, $0xb8;
	[tilespmem:$0x18400] =	vst v63  }
0xc8: {  	_ =	swait.ge [sflag:s5], $0x4000  }
0xc9: {  	[sflag:s5] =	ssyncset.done $0x0  }
0xca: {  	[sflag:s5] =	ssyncadd.s32 $0xFFFFC000  }
0xcb: {  	[spmem:s1] =	stream.indirect.scatter.add.f32 [tilespmem:s6], [sflag:$0x1], $0x80, s17, s12, $0xb8;
	[tilespmem:$0x18400] =	vst v63  }
0xcc: {  	_ =	swait.ge [sflag:s5], $0x4000  }
0xcd: {  	[sflag:s5] =	ssyncset.done $0x0  }
0xce: {  	[sflag:s5] =	ssyncadd.s32 $0xFFFFC000  }
0xcf: {  	[spmem:s1] =	stream.indirect.scatter.add.f32 [tilespmem:s6], [sflag:$0x1], $0x80, s18, s12, $0xb8;
	[tilespmem:$0x18400] =	vst v63  }
0xd0: {  	_ =	swait.ge [sflag:s5], $0x4000  }
0xd1: {  	[sflag:s5] =	ssyncset.done $0x0  }
0xd2: {  	[sflag:s5] =	ssyncadd.s32 $0xFFFFC000  }
0xd3: {  	[spmem:s1] =	stream.indirect.scatter.add.f32 [tilespmem:s6], [sflag:$0x1], $0x80, s19, s12, $0xb8;
	[tilespmem:$0x18400] =	vst v63  }
0xd4: {  	_ =	swait.ge [sflag:s5], $0x4000  }
0xd5: {  	[sflag:s5] =	ssyncset.done $0x0  }
0xd6: {  	[sflag:s5] =	ssyncadd.s32 $0xFFFFC000  }
0xd7: {  	[spmem:s1] =	stream.indirect.scatter.add.f32 [tilespmem:s6], [sflag:$0x1], $0x80, s20, s12, $0xb8;
	[tilespmem:$0x18400] =	vst v63  }
0xd8: {  	s29 =	ssub.s32 $0x2, s29;
	_ =	swait.ge [sflag:s5], $0x4000  }
0xd9: {  	s31 =	sshrl.u32 s29, $0x1;
	[sflag:s5] =	ssyncset.done $0x0  }
0xda: {  	s31 =	ssub.s32 s29, s31;
	[sflag:s5] =	ssyncadd.s32 $0xFFFFC000  }
0xdb: {  	[spmem:s1] =	stream.indirect.scatter.add.f32 [tilespmem:s6], [sflag:$0x1], $0x80, s21, s12, $0xb8;
	[tilespmem:$0x18400] =	vst v63  }
0xdc: {  	s29 =	sadd.s32 $0xFBC00, s30;
	s30 =	smax.u32 s31, $0x1;
	_ =	swait.ge [sflag:s5], $0x4000  }
0xdd: {  	p0 =	sne.s32 s30, $0x1;
	[sflag:s5] =	ssyncset.done $0x0  }
.Ltmp0:
0xde: {  	[sflag:s5] =	ssyncadd.s32 $0xFFFFC000;
	(pc) =	sbr.rel @!p0 .LBB2_2-.Ltmp0, $4  }
0xdf: {  	[bflag:$0x0] =	sbarrier.arrive $0xFFFF  }
0xe0: {  	[hbm:s29], [sflag:s8] =	dma.local [spmem:s9], $0x2780  }
0xe1: {  	_ =	swait.ge [sflag:s5], $0x2780  }
0xe2: {  	s30 =	sadd.s32 $0xFFFFFFFF, s30;
	[sflag:s5] =	ssyncset.done $0x0  }
.LBB2_1:
0xe3: {  	p0 =	sne.s32 s30, $0x1;
	s30 =	sadd.s32 $0xFFFFFFFF, s30;
	[sflag:s5] =	ssyncadd.s32 $0xFFFFD880  }
0xe4: {  	[tilespmem:s6], [sflag:$0x1] =	stream.linear.gather [hbm4b:s4+s3], $0x4000, $0x38;
	[tilespmem:$0x18400] =	vst v63  }
0xe5: {  	_ =	swait.ge [sflag:s5], $0x4000  }
0xe6: {  	[sflag:s5] =	ssyncset.done $0x0  }
0xe7: {  	[sflag:s5] =	ssyncadd.s32 $0xFFFFC000  }
0xe8: {  	[spmem:s9], [sflag:s8] =	dma.local [hbm:s7], $0x2780  }
0xe9: {  	_ =	swait.ge [sflag:s5], $0x2780  }
0xea: {  	[sflag:s5] =	ssyncset.done $0x0  }
0xeb: {  	[sflag:s5] =	ssyncadd.s32 $0xFFFFD880  }
0xec: {  	[tilespmem:s11], [sflag:$0x1] =	stream.linear.gather [hbm4b:s10+s3], $0x500, $0x38;
	[tilespmem:$0x18400] =	vst v63  }
0xed: {  	_ =	swait.ge [sflag:s5], $0x500  }
0xee: {  	[sflag:s5] =	ssyncset.done $0x0  }
0xef: {  	[sflag:s5] =	ssyncadd.s32 $0xFFFFFB00  }
0xf0: {  	[bflag:$0x0] =	sbarrier.arrive $0xFFFF  }
0xf1: {  	[spmem:s1] =	stream.indirect.scatter.add.f32 [tilespmem:s6], [sflag:$0x1], $0x80, s11, s12, $0xb8;
	[tilespmem:$0x18400] =	vst v63  }
0xf2: {  	_ =	swait.ge [sflag:s5], $0x4000  }
0xf3: {  	[sflag:s5] =	ssyncset.done $0x0  }
0xf4: {  	[sflag:s5] =	ssyncadd.s32 $0xFFFFC000  }
0xf5: {  	[spmem:s1] =	stream.indirect.scatter.add.f32 [tilespmem:s6], [sflag:$0x1], $0x80, s13, s12, $0xb8;
	[tilespmem:$0x18400] =	vst v63  }
0xf6: {  	_ =	swait.ge [sflag:s5], $0x4000  }
0xf7: {  	[sflag:s5] =	ssyncset.done $0x0  }
0xf8: {  	[sflag:s5] =	ssyncadd.s32 $0xFFFFC000  }
0xf9: {  	[spmem:s1] =	stream.indirect.scatter.add.f32 [tilespmem:s6], [sflag:$0x1], $0x80, s14, s12, $0xb8;
	[tilespmem:$0x18400] =	vst v63  }
0xfa: {  	_ =	swait.ge [sflag:s5], $0x4000  }
0xfb: {  	[sflag:s5] =	ssyncset.done $0x0  }
0xfc: {  	[sflag:s5] =	ssyncadd.s32 $0xFFFFC000  }
0xfd: {  	[spmem:s1] =	stream.indirect.scatter.add.f32 [tilespmem:s6], [sflag:$0x1], $0x80, s15, s12, $0xb8;
	[tilespmem:$0x18400] =	vst v63  }
0xfe: {  	_ =	swait.ge [sflag:s5], $0x4000  }
0xff: {  	[sflag:s5] =	ssyncset.done $0x0  }
0x100: {  	[sflag:s5] =	ssyncadd.s32 $0xFFFFC000  }
0x101: {  	[spmem:s1] =	stream.indirect.scatter.add.f32 [tilespmem:s6], [sflag:$0x1], $0x80, s16, s12, $0xb8;
	[tilespmem:$0x18400] =	vst v63  }
0x102: {  	_ =	swait.ge [sflag:s5], $0x4000  }
0x103: {  	[sflag:s5] =	ssyncset.done $0x0  }
0x104: {  	[sflag:s5] =	ssyncadd.s32 $0xFFFFC000  }
0x105: {  	[spmem:s1] =	stream.indirect.scatter.add.f32 [tilespmem:s6], [sflag:$0x1], $0x80, s17, s12, $0xb8;
	[tilespmem:$0x18400] =	vst v63  }
0x106: {  	_ =	swait.ge [sflag:s5], $0x4000  }
0x107: {  	[sflag:s5] =	ssyncset.done $0x0  }
0x108: {  	[sflag:s5] =	ssyncadd.s32 $0xFFFFC000  }
0x109: {  	[spmem:s1] =	stream.indirect.scatter.add.f32 [tilespmem:s6], [sflag:$0x1], $0x80, s18, s12, $0xb8;
	[tilespmem:$0x18400] =	vst v63  }
0x10a: {  	_ =	swait.ge [sflag:s5], $0x4000  }
0x10b: {  	[sflag:s5] =	ssyncset.done $0x0  }
0x10c: {  	[sflag:s5] =	ssyncadd.s32 $0xFFFFC000  }
0x10d: {  	[spmem:s1] =	stream.indirect.scatter.add.f32 [tilespmem:s6], [sflag:$0x1], $0x80, s19, s12, $0xb8;
	[tilespmem:$0x18400] =	vst v63  }
0x10e: {  	_ =	swait.ge [sflag:s5], $0x4000  }
0x10f: {  	[sflag:s5] =	ssyncset.done $0x0  }
0x110: {  	[sflag:s5] =	ssyncadd.s32 $0xFFFFC000  }
0x111: {  	[spmem:s1] =	stream.indirect.scatter.add.f32 [tilespmem:s6], [sflag:$0x1], $0x80, s20, s12, $0xb8;
	[tilespmem:$0x18400] =	vst v63  }
0x112: {  	_ =	swait.ge [sflag:s5], $0x4000  }
0x113: {  	[sflag:s5] =	ssyncset.done $0x0  }
0x114: {  	[sflag:s5] =	ssyncadd.s32 $0xFFFFC000  }
0x115: {  	[spmem:s1] =	stream.indirect.scatter.add.f32 [tilespmem:s6], [sflag:$0x1], $0x80, s21, s12, $0xb8;
	[tilespmem:$0x18400] =	vst v63  }
0x116: {  	_ =	swait.ge [sflag:s5], $0x4000  }
0x117: {  	[sflag:s5] =	ssyncset.done $0x0  }
0x118: {  	[sflag:s5] =	ssyncadd.s32 $0xFFFFC000  }
0x119: {  	[bflag:$0x0] =	sbarrier.arrive $0xFFFF  }
0x11a: {  	[hbm:s22], [sflag:s8] =	dma.local [spmem:s9], $0x2780  }
0x11b: {  	_ =	swait.ge [sflag:s5], $0x2780  }
0x11c: {  	[sflag:s5] =	ssyncset.done $0x0  }
0x11d: {  	[sflag:s5] =	ssyncadd.s32 $0xFFFFD880  }
0x11e: {  	[spmem:s9], [sflag:s8] =	dma.local [hbm:s7], $0x2780  }
0x11f: {  	_ =	swait.ge [sflag:s5], $0x2780  }
0x120: {  	[sflag:s5] =	ssyncset.done $0x0  }
0x121: {  	[sflag:s5] =	ssyncadd.s32 $0xFFFFD880  }
0x122: {  	[tilespmem:s11], [sflag:$0x1] =	stream.linear.gather [hbm4b:s23+s3], $0x500, $0x38;
	[tilespmem:$0x18400] =	vst v63  }
0x123: {  	_ =	swait.ge [sflag:s5], $0x500  }
0x124: {  	[sflag:s5] =	ssyncset.done $0x0  }
0x125: {  	[sflag:s5] =	ssyncadd.s32 $0xFFFFFB00  }
0x126: {  	[bflag:$0x0] =	sbarrier.arrive $0xFFFF  }
0x127: {  	[spmem:s1] =	stream.indirect.scatter.add.f32 [tilespmem:s6], [sflag:$0x1], $0x80, s11, s12, $0xb8;
	[tilespmem:$0x18400] =	vst v63  }
0x128: {  	_ =	swait.ge [sflag:s5], $0x4000  }
0x129: {  	[sflag:s5] =	ssyncset.done $0x0  }
0x12a: {  	[sflag:s5] =	ssyncadd.s32 $0xFFFFC000  }
0x12b: {  	[spmem:s1] =	stream.indirect.scatter.add.f32 [tilespmem:s6], [sflag:$0x1], $0x80, s13, s12, $0xb8;
	[tilespmem:$0x18400] =	vst v63  }
0x12c: {  	_ =	swait.ge [sflag:s5], $0x4000  }
0x12d: {  	[sflag:s5] =	ssyncset.done $0x0  }
0x12e: {  	[sflag:s5] =	ssyncadd.s32 $0xFFFFC000  }
0x12f: {  	[spmem:s1] =	stream.indirect.scatter.add.f32 [tilespmem:s6], [sflag:$0x1], $0x80, s14, s12, $0xb8;
	[tilespmem:$0x18400] =	vst v63  }
0x130: {  	_ =	swait.ge [sflag:s5], $0x4000  }
0x131: {  	[sflag:s5] =	ssyncset.done $0x0  }
0x132: {  	[sflag:s5] =	ssyncadd.s32 $0xFFFFC000  }
0x133: {  	[spmem:s1] =	stream.indirect.scatter.add.f32 [tilespmem:s6], [sflag:$0x1], $0x80, s15, s12, $0xb8;
	[tilespmem:$0x18400] =	vst v63  }
0x134: {  	_ =	swait.ge [sflag:s5], $0x4000  }
0x135: {  	[sflag:s5] =	ssyncset.done $0x0  }
0x136: {  	[sflag:s5] =	ssyncadd.s32 $0xFFFFC000  }
0x137: {  	[spmem:s1] =	stream.indirect.scatter.add.f32 [tilespmem:s6], [sflag:$0x1], $0x80, s16, s12, $0xb8;
	[tilespmem:$0x18400] =	vst v63  }
0x138: {  	_ =	swait.ge [sflag:s5], $0x4000  }
0x139: {  	[sflag:s5] =	ssyncset.done $0x0  }
0x13a: {  	[sflag:s5] =	ssyncadd.s32 $0xFFFFC000  }
0x13b: {  	[spmem:s1] =	stream.indirect.scatter.add.f32 [tilespmem:s6], [sflag:$0x1], $0x80, s17, s12, $0xb8;
	[tilespmem:$0x18400] =	vst v63  }
0x13c: {  	_ =	swait.ge [sflag:s5], $0x4000  }
0x13d: {  	[sflag:s5] =	ssyncset.done $0x0  }
0x13e: {  	[sflag:s5] =	ssyncadd.s32 $0xFFFFC000  }
0x13f: {  	[spmem:s1] =	stream.indirect.scatter.add.f32 [tilespmem:s6], [sflag:$0x1], $0x80, s18, s12, $0xb8;
	[tilespmem:$0x18400] =	vst v63  }
0x140: {  	_ =	swait.ge [sflag:s5], $0x4000  }
0x141: {  	[sflag:s5] =	ssyncset.done $0x0  }
0x142: {  	[sflag:s5] =	ssyncadd.s32 $0xFFFFC000  }
0x143: {  	[spmem:s1] =	stream.indirect.scatter.add.f32 [tilespmem:s6], [sflag:$0x1], $0x80, s19, s12, $0xb8;
	[tilespmem:$0x18400] =	vst v63  }
0x144: {  	_ =	swait.ge [sflag:s5], $0x4000  }
0x145: {  	[sflag:s5] =	ssyncset.done $0x0  }
0x146: {  	[sflag:s5] =	ssyncadd.s32 $0xFFFFC000  }
0x147: {  	[spmem:s1] =	stream.indirect.scatter.add.f32 [tilespmem:s6], [sflag:$0x1], $0x80, s20, s12, $0xb8;
	[tilespmem:$0x18400] =	vst v63  }
0x148: {  	_ =	swait.ge [sflag:s5], $0x4000  }
0x149: {  	[sflag:s5] =	ssyncset.done $0x0  }
0x14a: {  	[sflag:s5] =	ssyncadd.s32 $0xFFFFC000  }
0x14b: {  	[spmem:s1] =	stream.indirect.scatter.add.f32 [tilespmem:s6], [sflag:$0x1], $0x80, s21, s12, $0xb8;
	[tilespmem:$0x18400] =	vst v63  }
0x14c: {  	_ =	swait.ge [sflag:s5], $0x4000  }
0x14d: {  	[sflag:s5] =	ssyncset.done $0x0  }
0x14e: {  	[sflag:s5] =	ssyncadd.s32 $0xFFFFC000  }
0x14f: {  	[bflag:$0x0] =	sbarrier.arrive $0xFFFF  }
0x150: {  	[hbm:s24], [sflag:s8] =	dma.local [spmem:s9], $0x2780  }
0x151: {  	_ =	swait.ge [sflag:s5], $0x2780  }
0x152: {  	[sflag:s5] =	ssyncset.done $0x0  }
0x153: {  	[sflag:s5] =	ssyncadd.s32 $0xFFFFD880  }
0x154: {  	[spmem:s9], [sflag:s8] =	dma.local [hbm:s7], $0x2780  }
0x155: {  	_ =	swait.ge [sflag:s5], $0x2780  }
0x156: {  	[sflag:s5] =	ssyncset.done $0x0  }
0x157: {  	[sflag:s5] =	ssyncadd.s32 $0xFFFFD880  }
0x158: {  	[tilespmem:s11], [sflag:$0x1] =	stream.linear.gather [hbm4b:s25+s3], $0x500, $0x38;
	[tilespmem:$0x18400] =	vst v63  }
0x159: {  	_ =	swait.ge [sflag:s5], $0x500  }
0x15a: {  	[sflag:s5] =	ssyncset.done $0x0  }
0x15b: {  	[sflag:s5] =	ssyncadd.s32 $0xFFFFFB00  }
0x15c: {  	[bflag:$0x0] =	sbarrier.arrive $0xFFFF  }
0x15d: {  	[spmem:s1] =	stream.indirect.scatter.add.f32 [tilespmem:s6], [sflag:$0x1], $0x80, s11, s12, $0xb8;
	[tilespmem:$0x18400] =	vst v63  }
0x15e: {  	_ =	swait.ge [sflag:s5], $0x4000  }
0x15f: {  	[sflag:s5] =	ssyncset.done $0x0  }
0x160: {  	[sflag:s5] =	ssyncadd.s32 $0xFFFFC000  }
0x161: {  	[spmem:s1] =	stream.indirect.scatter.add.f32 [tilespmem:s6], [sflag:$0x1], $0x80, s13, s12, $0xb8;
	[tilespmem:$0x18400] =	vst v63  }
0x162: {  	_ =	swait.ge [sflag:s5], $0x4000  }
0x163: {  	[sflag:s5] =	ssyncset.done $0x0  }
0x164: {  	[sflag:s5] =	ssyncadd.s32 $0xFFFFC000  }
0x165: {  	[spmem:s1] =	stream.indirect.scatter.add.f32 [tilespmem:s6], [sflag:$0x1], $0x80, s14, s12, $0xb8;
	[tilespmem:$0x18400] =	vst v63  }
0x166: {  	_ =	swait.ge [sflag:s5], $0x4000  }
0x167: {  	[sflag:s5] =	ssyncset.done $0x0  }
0x168: {  	[sflag:s5] =	ssyncadd.s32 $0xFFFFC000  }
0x169: {  	[spmem:s1] =	stream.indirect.scatter.add.f32 [tilespmem:s6], [sflag:$0x1], $0x80, s15, s12, $0xb8;
	[tilespmem:$0x18400] =	vst v63  }
0x16a: {  	_ =	swait.ge [sflag:s5], $0x4000  }
0x16b: {  	[sflag:s5] =	ssyncset.done $0x0  }
0x16c: {  	[sflag:s5] =	ssyncadd.s32 $0xFFFFC000  }
0x16d: {  	[spmem:s1] =	stream.indirect.scatter.add.f32 [tilespmem:s6], [sflag:$0x1], $0x80, s16, s12, $0xb8;
	[tilespmem:$0x18400] =	vst v63  }
0x16e: {  	_ =	swait.ge [sflag:s5], $0x4000  }
0x16f: {  	[sflag:s5] =	ssyncset.done $0x0  }
0x170: {  	[sflag:s5] =	ssyncadd.s32 $0xFFFFC000  }
0x171: {  	[spmem:s1] =	stream.indirect.scatter.add.f32 [tilespmem:s6], [sflag:$0x1], $0x80, s17, s12, $0xb8;
	[tilespmem:$0x18400] =	vst v63  }
0x172: {  	_ =	swait.ge [sflag:s5], $0x4000  }
0x173: {  	[sflag:s5] =	ssyncset.done $0x0  }
0x174: {  	[sflag:s5] =	ssyncadd.s32 $0xFFFFC000  }
0x175: {  	[spmem:s1] =	stream.indirect.scatter.add.f32 [tilespmem:s6], [sflag:$0x1], $0x80, s18, s12, $0xb8;
	[tilespmem:$0x18400] =	vst v63  }
0x176: {  	_ =	swait.ge [sflag:s5], $0x4000  }
0x177: {  	[sflag:s5] =	ssyncset.done $0x0  }
0x178: {  	[sflag:s5] =	ssyncadd.s32 $0xFFFFC000  }
0x179: {  	[spmem:s1] =	stream.indirect.scatter.add.f32 [tilespmem:s6], [sflag:$0x1], $0x80, s19, s12, $0xb8;
	[tilespmem:$0x18400] =	vst v63  }
0x17a: {  	_ =	swait.ge [sflag:s5], $0x4000  }
0x17b: {  	[sflag:s5] =	ssyncset.done $0x0  }
0x17c: {  	[sflag:s5] =	ssyncadd.s32 $0xFFFFC000  }
0x17d: {  	[spmem:s1] =	stream.indirect.scatter.add.f32 [tilespmem:s6], [sflag:$0x1], $0x80, s20, s12, $0xb8;
	[tilespmem:$0x18400] =	vst v63  }
0x17e: {  	_ =	swait.ge [sflag:s5], $0x4000  }
0x17f: {  	[sflag:s5] =	ssyncset.done $0x0  }
0x180: {  	[sflag:s5] =	ssyncadd.s32 $0xFFFFC000  }
0x181: {  	[spmem:s1] =	stream.indirect.scatter.add.f32 [tilespmem:s6], [sflag:$0x1], $0x80, s21, s12, $0xb8;
	[tilespmem:$0x18400] =	vst v63  }
0x182: {  	_ =	swait.ge [sflag:s5], $0x4000  }
0x183: {  	[sflag:s5] =	ssyncset.done $0x0  }
0x184: {  	[sflag:s5] =	ssyncadd.s32 $0xFFFFC000  }
0x185: {  	[bflag:$0x0] =	sbarrier.arrive $0xFFFF  }
0x186: {  	[hbm:s26], [sflag:s8] =	dma.local [spmem:s9], $0x2780  }
0x187: {  	_ =	swait.ge [sflag:s5], $0x2780  }
0x188: {  	[sflag:s5] =	ssyncset.done $0x0  }
0x189: {  	[sflag:s5] =	ssyncadd.s32 $0xFFFFD880  }
0x18a: {  	[spmem:s9], [sflag:s8] =	dma.local [hbm:s7], $0x2780  }
0x18b: {  	_ =	swait.ge [sflag:s5], $0x2780  }
0x18c: {  	[sflag:s5] =	ssyncset.done $0x0  }
0x18d: {  	[sflag:s5] =	ssyncadd.s32 $0xFFFFD880  }
0x18e: {  	[tilespmem:s11], [sflag:$0x1] =	stream.linear.gather [hbm4b:s28+s3], $0x500, $0x38;
	[tilespmem:$0x18400] =	vst v63  }
0x18f: {  	_ =	swait.ge [sflag:s5], $0x500  }
0x190: {  	[sflag:s5] =	ssyncset.done $0x0  }
0x191: {  	[sflag:s5] =	ssyncadd.s32 $0xFFFFFB00  }
0x192: {  	[bflag:$0x0] =	sbarrier.arrive $0xFFFF  }
0x193: {  	[spmem:s1] =	stream.indirect.scatter.add.f32 [tilespmem:s6], [sflag:$0x1], $0x80, s11, s12, $0xb8;
	[tilespmem:$0x18400] =	vst v63  }
0x194: {  	_ =	swait.ge [sflag:s5], $0x4000  }
0x195: {  	[sflag:s5] =	ssyncset.done $0x0  }
0x196: {  	[sflag:s5] =	ssyncadd.s32 $0xFFFFC000  }
0x197: {  	[spmem:s1] =	stream.indirect.scatter.add.f32 [tilespmem:s6], [sflag:$0x1], $0x80, s13, s12, $0xb8;
	[tilespmem:$0x18400] =	vst v63  }
0x198: {  	_ =	swait.ge [sflag:s5], $0x4000  }
0x199: {  	[sflag:s5] =	ssyncset.done $0x0  }
0x19a: {  	[sflag:s5] =	ssyncadd.s32 $0xFFFFC000  }
0x19b: {  	[spmem:s1] =	stream.indirect.scatter.add.f32 [tilespmem:s6], [sflag:$0x1], $0x80, s14, s12, $0xb8;
	[tilespmem:$0x18400] =	vst v63  }
0x19c: {  	_ =	swait.ge [sflag:s5], $0x4000  }
0x19d: {  	[sflag:s5] =	ssyncset.done $0x0  }
0x19e: {  	[sflag:s5] =	ssyncadd.s32 $0xFFFFC000  }
0x19f: {  	[spmem:s1] =	stream.indirect.scatter.add.f32 [tilespmem:s6], [sflag:$0x1], $0x80, s15, s12, $0xb8;
	[tilespmem:$0x18400] =	vst v63  }
0x1a0: {  	_ =	swait.ge [sflag:s5], $0x4000  }
0x1a1: {  	[sflag:s5] =	ssyncset.done $0x0  }
0x1a2: {  	[sflag:s5] =	ssyncadd.s32 $0xFFFFC000  }
0x1a3: {  	[spmem:s1] =	stream.indirect.scatter.add.f32 [tilespmem:s6], [sflag:$0x1], $0x80, s16, s12, $0xb8;
	[tilespmem:$0x18400] =	vst v63  }
0x1a4: {  	_ =	swait.ge [sflag:s5], $0x4000  }
0x1a5: {  	[sflag:s5] =	ssyncset.done $0x0  }
0x1a6: {  	[sflag:s5] =	ssyncadd.s32 $0xFFFFC000  }
0x1a7: {  	[spmem:s1] =	stream.indirect.scatter.add.f32 [tilespmem:s6], [sflag:$0x1], $0x80, s17, s12, $0xb8;
	[tilespmem:$0x18400] =	vst v63  }
0x1a8: {  	_ =	swait.ge [sflag:s5], $0x4000  }
0x1a9: {  	[sflag:s5] =	ssyncset.done $0x0  }
0x1aa: {  	[sflag:s5] =	ssyncadd.s32 $0xFFFFC000  }
0x1ab: {  	[spmem:s1] =	stream.indirect.scatter.add.f32 [tilespmem:s6], [sflag:$0x1], $0x80, s18, s12, $0xb8;
	[tilespmem:$0x18400] =	vst v63  }
0x1ac: {  	_ =	swait.ge [sflag:s5], $0x4000  }
0x1ad: {  	[sflag:s5] =	ssyncset.done $0x0  }
0x1ae: {  	[sflag:s5] =	ssyncadd.s32 $0xFFFFC000  }
0x1af: {  	[spmem:s1] =	stream.indirect.scatter.add.f32 [tilespmem:s6], [sflag:$0x1], $0x80, s19, s12, $0xb8;
	[tilespmem:$0x18400] =	vst v63  }
0x1b0: {  	_ =	swait.ge [sflag:s5], $0x4000  }
0x1b1: {  	[sflag:s5] =	ssyncset.done $0x0  }
0x1b2: {  	[sflag:s5] =	ssyncadd.s32 $0xFFFFC000  }
0x1b3: {  	[spmem:s1] =	stream.indirect.scatter.add.f32 [tilespmem:s6], [sflag:$0x1], $0x80, s20, s12, $0xb8;
	[tilespmem:$0x18400] =	vst v63  }
0x1b4: {  	_ =	swait.ge [sflag:s5], $0x4000  }
0x1b5: {  	[sflag:s5] =	ssyncset.done $0x0  }
0x1b6: {  	[sflag:s5] =	ssyncadd.s32 $0xFFFFC000  }
0x1b7: {  	[spmem:s1] =	stream.indirect.scatter.add.f32 [tilespmem:s6], [sflag:$0x1], $0x80, s21, s12, $0xb8;
	[tilespmem:$0x18400] =	vst v63  }
0x1b8: {  	_ =	swait.ge [sflag:s5], $0x4000  }
0x1b9: {  	[sflag:s5] =	ssyncset.done $0x0  }
.Ltmp1:
0x1ba: {  	[sflag:s5] =	ssyncadd.s32 $0xFFFFC000;
	(pc) =	sbr.rel @p0 .LBB2_1-.Ltmp1, $4  }
0x1bb: {  	[bflag:$0x0] =	sbarrier.arrive $0xFFFF  }
0x1bc: {  	[hbm:s29], [sflag:s8] =	dma.local [spmem:s9], $0x2780  }
0x1bd: {  	_ =	swait.ge [sflag:s5], $0x2780  }
0x1be: {  	[sflag:s5] =	ssyncset.done $0x0  }
.LBB2_2:
0x1bf: {  	[sflag:s5] =	ssyncadd.s32 $0xFFFFD880  }
0x1c0: {  	_ =	sfence.sel $0x180000  }
0x1c1: {  	[bflag:$0x0] =	sbarrier.arrive $0xFFFF  }
0x1c2: {  	p0 =	sne.s32 s2, $0x0;
	_ =	strace $0x90000047  }
0x1c3: {  	s0 =	sadd.s32 @!p0 $0x100000, s0;
	[bflag:$0x2] =	sbarrier.arrive $0xFFFF  }
0x1c4: {  	[sflag:s0] =	ssyncadd.tile.s32 @!p0 $0x1;
	_ =	shalt  }
.Lfunc_end2:
_tile_overlayer_lowered:
.L_overlay_start_2:
0x1c5: {  	(tag) =	ssettag $0x2  }
0x1c6: {  	s0 =	rddreg [dreg:$0x0];
	s2 =	stileid.u32  }
0x1c7: {  	s1 =	rddreg [dreg:$0x1];
	p0 =	sne.s32 s2, $0x0  }
0x1c8: {  	s3 =	rddreg [dreg:$0x2];
	[bflag:$0x3] =	sbarrier.arrive $0xFFFF;
	s2 =	simm.s32 @!p0 $0x1C01  }
0x1c9: {  	[timem:s3], [sflag:s2] =	dma.local @!p0 [hbm:s0], s1  }
0x1ca: {  	s0 =	simm.s32 @!p0 $0x1  }
0x1cb: {  	_ =	swait.ge @!p0 [sflag:s0], s1  }
0x1cc: {  	s1 =	ssub.s32 @!p0 $0x0, s1;
	[sflag:s0] =	ssyncset.done @!p0 $0x0  }
0x1cd: {  	[sflag:s0] =	ssyncadd.s32 @!p0 s1  }
0x1ce: {  	[bflag:$0x3] =	sbarrier.arrive $0xFFFF  }
0x1cf: {  	_ =	shalt  }

</sc_bundles>
